<compile_context>
chip_gen: v7x
topology: tpu7x:2x2x1
jax: 0.10.2.dev20260603
libtpu: 0.0.44.dev20260713+nightly
codegen_flags: <defaults>
</compile_context>

<pallas_src>
import functools

import jax
import jax.numpy as jnp
import numpy as np
from jax import lax
from jax.experimental import pallas as pl
from jax.experimental.pallas import tpu as pltpu
from jax.experimental.pallas import tpu_sc as plsc

N = 10000
D = 128
NPAD = 10240
NC = 2
NS = 16
NW = NC * NS
E = 320000
CH = 128
NCHT = E // CH
NCHK = 80
LASTC = NCHT - (NW - 1) * NCHK
ZPT = NPAD // NS
WPT = 632
BR = 2000
NBUF = 2

_sc_mesh = plsc.VectorSubcoreMesh(core_axis_name="c", subcore_axis_name="s")


@functools.partial(
    pl.kernel,
    out_type=[
        jax.ShapeDtypeStruct((NC, NPAD), jnp.float32),
        jax.ShapeDtypeStruct((E,), jnp.int32),
    ],
    mesh=_sc_mesh,
    scratch_types=[
        pltpu.VMEM((NCHK * CH,), jnp.int32),
        pltpu.VMEM((NCHK * CH,), jnp.int32),
        pltpu.VMEM((NCHK * CH,), jnp.int32),
        pltpu.VMEM((CH,), jnp.int32),
        pltpu.VMEM((CH,), jnp.float32),
        pltpu.VMEM((NPAD,), jnp.float32),
        pltpu.VMEM_SHARED((NPAD,), jnp.float32),
    ],
)
def _deg_kernel(ei_hbm, ones_hbm, zeros_hbm, cnt_hbm, pk_hbm, sst, dstt, pst,
                didx, ones_v, bounce_v, hist_s):
    c = lax.axis_index("c")
    s = lax.axis_index("s")
    wid = c * NS + s
    base = wid * NCHK * CH

    @pl.when(s == 0)
    def _():
        pltpu.sync_copy(zeros_hbm, bounce_v)
        pltpu.sync_copy(bounce_v, hist_s)

    @pl.when(wid < NW - 1)
    def _():
        pltpu.sync_copy(ei_hbm.at[0, pl.ds(base, NCHK * CH)], sst)
        pltpu.sync_copy(ei_hbm.at[1, pl.ds(base, NCHK * CH)], dstt)

    @pl.when(wid == NW - 1)
    def _():
        pltpu.sync_copy(ei_hbm.at[0, pl.ds(base, LASTC * CH)],
                        sst.at[pl.ds(0, LASTC * CH)])
        pltpu.sync_copy(ei_hbm.at[1, pl.ds(base, LASTC * CH)],
                        dstt.at[pl.ds(0, LASTC * CH)])

    pltpu.sync_copy(ones_hbm, ones_v)
    plsc.subcore_barrier()
    nmine = jnp.where(wid == NW - 1, LASTC, NCHK)

    def chunk(j, carry):
        for l in range(CH // 16):
            dv = dstt[pl.ds(j * CH + l * 16, 16)]
            didx[pl.ds(l * 16, 16)] = dv
            pst[pl.ds(j * CH + l * 16, 16)] = (
                sst[pl.ds(j * CH + l * 16, 16)] | (dv << 14))
        pltpu.sync_copy(ones_v, hist_s.at[didx], add=True)
        return carry

    lax.fori_loop(0, nmine, chunk, 0)

    @pl.when(wid < NW - 1)
    def _():
        pltpu.sync_copy(pst, pk_hbm.at[pl.ds(base, NCHK * CH)])

    @pl.when(wid == NW - 1)
    def _():
        pltpu.sync_copy(pst.at[pl.ds(0, LASTC * CH)],
                        pk_hbm.at[pl.ds(base, LASTC * CH)])

    plsc.subcore_barrier()

    @pl.when(s == 0)
    def _():
        pltpu.sync_copy(hist_s, bounce_v)
        pltpu.sync_copy(bounce_v, cnt_hbm.at[c])


@functools.partial(
    pl.kernel,
    out_type=jax.ShapeDtypeStruct((NC, N, D), jnp.float32),
    mesh=_sc_mesh,
    scratch_types=[
        pltpu.VMEM((NCHK * CH,), jnp.int32),
        pltpu.VMEM((CH,), jnp.int32),
        pltpu.VMEM((CH,), jnp.int32),
        pltpu.VMEM((CH,), jnp.int32),
        pltpu.VMEM((CH,), jnp.int32),
        pltpu.VMEM((CH, D), jnp.float32),
        pltpu.VMEM((CH, D), jnp.float32),
        pltpu.VMEM_SHARED((NPAD, D), jnp.float32),
        pltpu.SemaphoreType.DMA,
        pltpu.SemaphoreType.DMA,
    ],
)
def _agg_kernel(g_hbm, packed_hbm, zrows_hbm, out_hbm, pidx,
                s0, s1, d0, d1, r0, r1, acc, m0, m1):
    sidx = (s0, s1)
    didx = (d0, d1)
    rows = (r0, r1)
    sems = (m0, m1)
    c = lax.axis_index("c")
    s = lax.axis_index("s")
    wid = c * NS + s

    def unpack(j, k):
        for l in range(CH // 16):
            v = pidx[pl.ds(j * CH + l * 16, 16)]
            sidx[k][pl.ds(l * 16, 16)] = v & 0x3FFF
            didx[k][pl.ds(l * 16, 16)] = lax.shift_right_logical(v, 14)

    base = wid * NCHK * CH

    @pl.when(wid < NW - 1)
    def _():
        pltpu.sync_copy(packed_hbm.at[pl.ds(base, NCHK * CH)], pidx)

    @pl.when(wid == NW - 1)
    def _():
        pltpu.sync_copy(packed_hbm.at[pl.ds(base, LASTC * CH)],
                        pidx.at[pl.ds(0, LASTC * CH)])

    pltpu.sync_copy(zrows_hbm, rows[0])
    for k in range(ZPT // CH):
        pltpu.sync_copy(rows[0], acc.at[pl.ds(s * ZPT + k * CH, CH)])
    plsc.subcore_barrier()
    nmine = jnp.where(wid == NW - 1, LASTC, NCHK)

    for k in range(NBUF):
        unpack(k, k)
        pltpu.async_copy(g_hbm.at[sidx[k]], rows[k], sems[k])

    def pair(q, carry):
        j0 = q * NBUF
        for k in range(NBUF):
            j = j0 + k
            pltpu.make_async_copy(g_hbm.at[sidx[k]], rows[k], sems[k]).wait()
            pltpu.sync_copy(rows[k], acc.at[didx[k]], add=True)

            @pl.when(j + NBUF < nmine)
            def _():
                unpack(j + NBUF, k)
                pltpu.async_copy(g_hbm.at[sidx[k]], rows[k], sems[k])

        return carry

    lax.fori_loop(0, nmine // NBUF, pair, 0)
    plsc.subcore_barrier()

    rows_s = jnp.where(s == NS - 1, N - (NS - 1) * WPT, WPT)
    base = s * WPT
    for k in range(5):
        rb = pl.multiple_of(base + jnp.minimum(k * CH, rows_s - CH), 8)
        pltpu.sync_copy(acc.at[pl.ds(rb, CH)], rows[k % NBUF])
        pltpu.sync_copy(rows[k % NBUF], out_hbm.at[c, pl.ds(rb, CH), :])


def _mm_body(x_ref, w_ref, out_ref):
    out_ref[...] = jnp.dot(x_ref[...], w_ref[...],
                           preferred_element_type=jnp.float32)


def _tc_mm(x, W):
    return pl.pallas_call(
        _mm_body,
        grid=(N // BR,),
        in_specs=[
            pl.BlockSpec((BR, D), lambda i: (i, 0)),
            pl.BlockSpec((D, D), lambda i: (0, 0)),
        ],
        out_specs=pl.BlockSpec((BR, D), lambda i: (i, 0)),
        out_shape=jax.ShapeDtypeStruct((N, D), jnp.float32),
    )(x, W)


def _scale_body(cnt_ref, u_ref, g_ref, dis_ref):
    dis = lax.rsqrt(cnt_ref[0] + cnt_ref[1] + 1.0)
    g_ref[...] = u_ref[...] * dis
    dis_ref[...] = dis


def _tc_scale(cnt3, u1):
    return pl.pallas_call(
        _scale_body,
        grid=(N // BR,),
        in_specs=[
            pl.BlockSpec((NC, BR, 1), lambda i: (0, i, 0)),
            pl.BlockSpec((BR, D), lambda i: (i, 0)),
        ],
        out_specs=[
            pl.BlockSpec((BR, D), lambda i: (i, 0)),
            pl.BlockSpec((BR, 1), lambda i: (i, 0)),
        ],
        out_shape=[
            jax.ShapeDtypeStruct((N, D), jnp.float32),
            jax.ShapeDtypeStruct((N, 1), jnp.float32),
        ],
    )(cnt3, u1)


def _tc2_body(a_ref, g_ref, dis_ref, bias_ref, w_ref, out_ref):
    dis = dis_ref[...]
    h = jnp.maximum(dis * (a_ref[0] + a_ref[1] + g_ref[...]) + bias_ref[...], 0.0)
    out_ref[...] = jnp.dot(h, w_ref[...],
                           preferred_element_type=jnp.float32) * dis


def _tc2(acc, g1, dis_col, b1, W2):
    return pl.pallas_call(
        _tc2_body,
        grid=(N // BR,),
        in_specs=[
            pl.BlockSpec((NC, BR, D), lambda i: (0, i, 0)),
            pl.BlockSpec((BR, D), lambda i: (i, 0)),
            pl.BlockSpec((BR, 1), lambda i: (i, 0)),
            pl.BlockSpec((1, D), lambda i: (0, 0)),
            pl.BlockSpec((D, D), lambda i: (0, 0)),
        ],
        out_specs=pl.BlockSpec((BR, D), lambda i: (i, 0)),
        out_shape=jax.ShapeDtypeStruct((N, D), jnp.float32),
    )(acc, g1, dis_col, b1, W2)


def _tc3_body(a_ref, g_ref, dis_ref, bias_ref, out_ref):
    out_ref[...] = jnp.maximum(
        dis_ref[...] * (a_ref[0] + a_ref[1] + g_ref[...]) + bias_ref[...], 0.0)


def _tc3(acc, g2, dis_col, b2):
    return pl.pallas_call(
        _tc3_body,
        grid=(N // BR,),
        in_specs=[
            pl.BlockSpec((NC, BR, D), lambda i: (0, i, 0)),
            pl.BlockSpec((BR, D), lambda i: (i, 0)),
            pl.BlockSpec((BR, 1), lambda i: (i, 0)),
            pl.BlockSpec((1, D), lambda i: (0, 0)),
        ],
        out_specs=pl.BlockSpec((BR, D), lambda i: (i, 0)),
        out_shape=jax.ShapeDtypeStruct((N, D), jnp.float32),
    )(acc, g2, dis_col, b2)


@jax.jit
def kernel(x, edge_index, W1, b1, W2, b2):
    ones_ch = jnp.ones((CH,), jnp.float32)
    zeros_hist = jnp.zeros((NPAD,), jnp.float32)
    zeros_rows = jnp.zeros((CH, D), jnp.float32)

    u1 = _tc_mm(x, W1)
    cnt, packed = _deg_kernel(edge_index, ones_ch, zeros_hist)
    g1, dis_col = _tc_scale(cnt[:, :N].reshape(NC, N, 1), u1)
    acc1 = _agg_kernel(g1, packed, zeros_rows)
    g2 = _tc2(acc1, g1, dis_col, b1.reshape(1, D), W2)
    acc2 = _agg_kernel(g2, packed, zeros_rows)
    return _tc3(acc2, g2, dis_col, b2.reshape(1, D))

# --- scband reference (transcript-rebuilt; emitter-appended) ---
"""Pipeline reference for scband-link-prediction-model-730144441189 (READ-ONLY COPY).

The authoritative reference and input builder live on the scoring server;
editing this copy changes nothing except your own understanding.
"""

import jax, jax.numpy as jnp
import numpy as np

N_NODES = 10000
N_EDGES = 320000
D_IN = 128
D_HID = 128


def _gcn_layer(x, src, dst, norm, W, b, num_nodes):
    # GCNConv: h = D^{-1/2} (A + I) D^{-1/2} (x @ W) + b
    h = x @ W
    msg = h[src] * norm[:, None]
    out = jax.ops.segment_sum(msg, dst, num_segments=num_nodes)
    return out + b


def setup_inputs(seed: int = 0) -> dict:
    key = jax.random.key(seed)
    k1, k2, k3, k4, k5, k6 = jax.random.split(key, 6)
    x = jax.random.normal(k1, (N_NODES, D_IN), dtype=jnp.float32)
    edge_index = jax.random.randint(k2, (2, N_EDGES), 0, N_NODES, dtype=jnp.int32)
    # Learned parameters (glorot-style init)
    s1 = 1.0 / np.sqrt(D_IN)
    s2 = 1.0 / np.sqrt(D_HID)
    W1 = jax.random.uniform(k3, (D_IN, D_HID), dtype=jnp.float32, minval=-s1, maxval=s1)
    b1 = jnp.zeros((D_HID,), dtype=jnp.float32)
    W2 = jax.random.uniform(k4, (D_HID, D_HID), dtype=jnp.float32, minval=-s2, maxval=s2)
    b2 = jnp.zeros((D_HID,), dtype=jnp.float32)
    return {"x": x, "edge_index": edge_index, "W1": W1, "b1": b1, "W2": W2, "b2": b2}


def reference(x, edge_index, W1, b1, W2, b2):
    N = x.shape[0]
    # add self-loops (PyG GCNConv default)
    loops = jnp.arange(N, dtype=edge_index.dtype)
    src = jnp.concatenate([edge_index[0], loops])
    dst = jnp.concatenate([edge_index[1], loops])
    # symmetric normalization deg^{-1/2}[src] * deg^{-1/2}[dst]
    deg = jax.ops.segment_sum(jnp.ones_like(dst, dtype=x.dtype), dst, num_segments=N)
    deg_inv_sqrt = jnp.where(deg > 0, jax.lax.rsqrt(jnp.maximum(deg, 1e-12)), 0.0)
    norm = deg_inv_sqrt[src] * deg_inv_sqrt[dst]

    h = _gcn_layer(x, src, dst, norm, W1, b1, N)
    h = jax.nn.relu(h)
    h = _gcn_layer(h, src, dst, norm, W2, b2, N)
    h = jax.nn.relu(h)
    return h

if __name__ == "__main__":
    import jax
    _d = setup_inputs()
    print(jax.jit(kernel)(*tuple(_d.values())))

</pallas_src>

<mosaic_0001>
#map = affine_map<(d0, d1) -> (0, 0)>
#map1 = affine_map<(d0, d1) -> (0)>
#map2 = affine_map<(d0, d1) -> (0, 0, 0)>
module attributes {stable_mosaic.version = 14 : i64} {
  func.func @_agg_kernel(%arg0: i32, %arg1: i32, %arg2: memref<10000x128xf32, #tpu.memory_space<hbm>>, %arg3: memref<320000xi32, #tpu.memory_space<hbm>>, %arg4: memref<128x128xf32, #tpu.memory_space<hbm>>, %arg5: memref<2x10000x128xf32, #tpu.memory_space<hbm>>, %arg6: memref<10240xi32, #tpu.memory_space<vmem>>, %arg7: memref<128xi32, #tpu.memory_space<vmem>>, %arg8: memref<128xi32, #tpu.memory_space<vmem>>, %arg9: memref<128xi32, #tpu.memory_space<vmem>>, %arg10: memref<128xi32, #tpu.memory_space<vmem>>, %arg11: memref<128x128xf32, #tpu.memory_space<vmem>>, %arg12: memref<128x128xf32, #tpu.memory_space<vmem>>, %arg13: memref<10240x128xf32, #tpu.memory_space<vmem_shared>>, %arg14: memref<!tpu.dma_semaphore, #tpu.memory_space<semaphore_mem>>, %arg15: memref<!tpu.dma_semaphore, #tpu.memory_space<semaphore_mem>>) attributes {dimension_semantics = [#tpu.dimension_semantics<core_parallel>, #tpu.dimension_semantics<subcore_parallel>], iteration_bounds = array<i64: 2, 16>, scalar_prefetch = 0 : i64, scratch_operands = 10 : i64, tpu.core_type = #tpu.core_type<sc_vector_subcore>, window_params = [{transform_indices = #map}, {transform_indices = #map1}, {transform_indices = #map}, {transform_indices = #map2}]} {
    %mul3A = arith.constant 16 : i32
    %mul3A_0 = arith.muli %arg0, %mul3A : i32
    %add3A = arith.addi %mul3A_0, %arg1 : i32
    %mul3A_1 = arith.constant 80 : i32
    %mul3A_2 = arith.muli %add3A, %mul3A_1 : i32
    %mul3A_3 = arith.constant 128 : i32
    %mul3A_4 = arith.muli %mul3A_2, %mul3A_3 : i32
    %lt3A = arith.constant 31 : i32
    %lt3A_5 = arith.cmpi slt, %add3A, %lt3A : i32
    %convert_element_type3A = arith.extui %lt3A_5 : i1 to i32
    %cond3A = arith.constant 0 : i32
    %cond3A_6 = arith.cmpi ne, %convert_element_type3A, %cond3A : i32
    scf.if %cond3A_6 {
      "tpu.region"() ({
        %run_scoped3A = tpu.sem_alloc : memref<!tpu.dma_semaphore, #tpu.memory_space<semaphore_mem>>
        %dma_start3A_371 = tpu.memref_slice %arg3[%mul3A_4] : memref<320000xi32, #tpu.memory_space<hbm>> -> memref<10240xi32, #tpu.memory_space<hbm>>
        %dma_start3A_372 = tpu.memref_slice %arg3[%mul3A_4] : memref<320000xi32, #tpu.memory_space<hbm>> -> memref<10240xi32, #tpu.memory_space<hbm>>
        tpu.enqueue_dma source(%dma_start3A_372 : memref<10240xi32, #tpu.memory_space<hbm>>) target(%arg6 : memref<10240xi32, #tpu.memory_space<vmem>>) target_semaphore(%run_scoped3A : memref<!tpu.dma_semaphore, #tpu.memory_space<semaphore_mem>>)
        %dma_wait3A = tpu.memref_slice %arg3[%mul3A_4] : memref<320000xi32, #tpu.memory_space<hbm>> -> memref<10240xi32, #tpu.memory_space<hbm>>
        %dma_wait3A_373 = tpu.memref_slice %arg3[%mul3A_4] : memref<320000xi32, #tpu.memory_space<hbm>> -> memref<10240xi32, #tpu.memory_space<hbm>>
        tpu.wait_dma2 semaphore(%run_scoped3A : memref<!tpu.dma_semaphore, #tpu.memory_space<semaphore_mem>>) src(%dma_wait3A_373 : memref<10240xi32, #tpu.memory_space<hbm>>) dst(%arg6 : memref<10240xi32, #tpu.memory_space<vmem>>)
        tpu.yield
      }) : () -> ()
    } else {
    }
    %eq3A = arith.constant 31 : i32
    %eq3A_7 = arith.cmpi eq, %add3A, %eq3A : i32
    %convert_element_type3A_8 = arith.extui %eq3A_7 : i1 to i32
    %cond3A_9 = arith.constant 0 : i32
    %cond3A_10 = arith.cmpi ne, %convert_element_type3A_8, %cond3A_9 : i32
    scf.if %cond3A_10 {
      "tpu.region"() ({
        %run_scoped3A = tpu.sem_alloc : memref<!tpu.dma_semaphore, #tpu.memory_space<semaphore_mem>>
        %dma_start3A_371 = arith.constant 0 : i32
        %dma_start3A_372 = tpu.memref_slice %arg6[%dma_start3A_371] : memref<10240xi32, #tpu.memory_space<vmem>> -> memref<2560xi32, #tpu.memory_space<vmem>>
        %dma_start3A_373 = tpu.memref_slice %arg3[%mul3A_4] : memref<320000xi32, #tpu.memory_space<hbm>> -> memref<2560xi32, #tpu.memory_space<hbm>>
        %dma_start3A_374 = arith.constant 0 : i32
        %dma_start3A_375 = tpu.memref_slice %arg6[%dma_start3A_374] : memref<10240xi32, #tpu.memory_space<vmem>> -> memref<2560xi32, #tpu.memory_space<vmem>>
        %dma_start3A_376 = tpu.memref_slice %arg3[%mul3A_4] : memref<320000xi32, #tpu.memory_space<hbm>> -> memref<2560xi32, #tpu.memory_space<hbm>>
        tpu.enqueue_dma source(%dma_start3A_376 : memref<2560xi32, #tpu.memory_space<hbm>>) target(%dma_start3A_375 : memref<2560xi32, #tpu.memory_space<vmem>>) target_semaphore(%run_scoped3A : memref<!tpu.dma_semaphore, #tpu.memory_space<semaphore_mem>>)
        %dma_wait3A = arith.constant 0 : i32
        %dma_wait3A_377 = tpu.memref_slice %arg6[%dma_wait3A] : memref<10240xi32, #tpu.memory_space<vmem>> -> memref<2560xi32, #tpu.memory_space<vmem>>
        %dma_wait3A_378 = tpu.memref_slice %arg3[%mul3A_4] : memref<320000xi32, #tpu.memory_space<hbm>> -> memref<2560xi32, #tpu.memory_space<hbm>>
        %dma_wait3A_379 = arith.constant 0 : i32
        %dma_wait3A_380 = tpu.memref_slice %arg6[%dma_wait3A_379] : memref<10240xi32, #tpu.memory_space<vmem>> -> memref<2560xi32, #tpu.memory_space<vmem>>
        %dma_wait3A_381 = tpu.memref_slice %arg3[%mul3A_4] : memref<320000xi32, #tpu.memory_space<hbm>> -> memref<2560xi32, #tpu.memory_space<hbm>>
        tpu.wait_dma2 semaphore(%run_scoped3A : memref<!tpu.dma_semaphore, #tpu.memory_space<semaphore_mem>>) src(%dma_wait3A_381 : memref<2560xi32, #tpu.memory_space<hbm>>) dst(%dma_wait3A_380 : memref<2560xi32, #tpu.memory_space<vmem>>)
        tpu.yield
      }) : () -> ()
    } else {
    }
    "tpu.region"() ({
      %run_scoped3A = tpu.sem_alloc : memref<!tpu.dma_semaphore, #tpu.memory_space<semaphore_mem>>
      tpu.enqueue_dma source(%arg4 : memref<128x128xf32, #tpu.memory_space<hbm>>) target(%arg11 : memref<128x128xf32, #tpu.memory_space<vmem>>) target_semaphore(%run_scoped3A : memref<!tpu.dma_semaphore, #tpu.memory_space<semaphore_mem>>)
      tpu.wait_dma2 semaphore(%run_scoped3A : memref<!tpu.dma_semaphore, #tpu.memory_space<semaphore_mem>>) src(%arg4 : memref<128x128xf32, #tpu.memory_space<hbm>>) dst(%arg11 : memref<128x128xf32, #tpu.memory_space<vmem>>)
      tpu.yield
    }) : () -> ()
    %mul3A_11 = arith.constant 640 : i32
    %mul3A_12 = arith.muli %arg1, %mul3A_11 : i32
    %add3A_13 = arith.constant 0 : i32
    %add3A_14 = arith.addi %mul3A_12, %add3A_13 : i32
    "tpu.region"() ({
      %run_scoped3A = tpu.sem_alloc : memref<!tpu.dma_semaphore, #tpu.memory_space<semaphore_mem>>
      %dma_start3A_371 = arith.constant 0 : i32
      %dma_start3A_372 = tpu.memref_slice %arg13[%add3A_14, %dma_start3A_371] : memref<10240x128xf32, #tpu.memory_space<vmem_shared>> -> memref<128x128xf32, #tpu.memory_space<vmem_shared>>
      %dma_start3A_373 = arith.constant 0 : i32
      %dma_start3A_374 = tpu.memref_slice %arg13[%add3A_14, %dma_start3A_373] : memref<10240x128xf32, #tpu.memory_space<vmem_shared>> -> memref<128x128xf32, #tpu.memory_space<vmem_shared>>
      tpu.enqueue_dma source(%arg11 : memref<128x128xf32, #tpu.memory_space<vmem>>) target(%dma_start3A_374 : memref<128x128xf32, #tpu.memory_space<vmem_shared>>) target_semaphore(%run_scoped3A : memref<!tpu.dma_semaphore, #tpu.memory_space<semaphore_mem>>)
      %dma_wait3A = arith.constant 0 : i32
      %dma_wait3A_375 = tpu.memref_slice %arg13[%add3A_14, %dma_wait3A] : memref<10240x128xf32, #tpu.memory_space<vmem_shared>> -> memref<128x128xf32, #tpu.memory_space<vmem_shared>>
      %dma_wait3A_376 = arith.constant 0 : i32
      %dma_wait3A_377 = tpu.memref_slice %arg13[%add3A_14, %dma_wait3A_376] : memref<10240x128xf32, #tpu.memory_space<vmem_shared>> -> memref<128x128xf32, #tpu.memory_space<vmem_shared>>
      tpu.wait_dma2 semaphore(%run_scoped3A : memref<!tpu.dma_semaphore, #tpu.memory_space<semaphore_mem>>) src(%arg11 : memref<128x128xf32, #tpu.memory_space<vmem>>) dst(%dma_wait3A_377 : memref<128x128xf32, #tpu.memory_space<vmem_shared>>)
      tpu.yield
    }) : () -> ()
    %mul3A_15 = arith.constant 640 : i32
    %mul3A_16 = arith.muli %arg1, %mul3A_15 : i32
    %add3A_17 = arith.constant 128 : i32
    %add3A_18 = arith.addi %mul3A_16, %add3A_17 : i32
    "tpu.region"() ({
      %run_scoped3A = tpu.sem_alloc : memref<!tpu.dma_semaphore, #tpu.memory_space<semaphore_mem>>
      %dma_start3A_371 = arith.constant 0 : i32
      %dma_start3A_372 = tpu.memref_slice %arg13[%add3A_18, %dma_start3A_371] : memref<10240x128xf32, #tpu.memory_space<vmem_shared>> -> memref<128x128xf32, #tpu.memory_space<vmem_shared>>
      %dma_start3A_373 = arith.constant 0 : i32
      %dma_start3A_374 = tpu.memref_slice %arg13[%add3A_18, %dma_start3A_373] : memref<10240x128xf32, #tpu.memory_space<vmem_shared>> -> memref<128x128xf32, #tpu.memory_space<vmem_shared>>
      tpu.enqueue_dma source(%arg11 : memref<128x128xf32, #tpu.memory_space<vmem>>) target(%dma_start3A_374 : memref<128x128xf32, #tpu.memory_space<vmem_shared>>) target_semaphore(%run_scoped3A : memref<!tpu.dma_semaphore, #tpu.memory_space<semaphore_mem>>)
      %dma_wait3A = arith.constant 0 : i32
      %dma_wait3A_375 = tpu.memref_slice %arg13[%add3A_18, %dma_wait3A] : memref<10240x128xf32, #tpu.memory_space<vmem_shared>> -> memref<128x128xf32, #tpu.memory_space<vmem_shared>>
      %dma_wait3A_376 = arith.constant 0 : i32
      %dma_wait3A_377 = tpu.memref_slice %arg13[%add3A_18, %dma_wait3A_376] : memref<10240x128xf32, #tpu.memory_space<vmem_shared>> -> memref<128x128xf32, #tpu.memory_space<vmem_shared>>
      tpu.wait_dma2 semaphore(%run_scoped3A : memref<!tpu.dma_semaphore, #tpu.memory_space<semaphore_mem>>) src(%arg11 : memref<128x128xf32, #tpu.memory_space<vmem>>) dst(%dma_wait3A_377 : memref<128x128xf32, #tpu.memory_space<vmem_shared>>)
      tpu.yield
    }) : () -> ()
    %mul3A_19 = arith.constant 640 : i32
    %mul3A_20 = arith.muli %arg1, %mul3A_19 : i32
    %add3A_21 = arith.constant 256 : i32
    %add3A_22 = arith.addi %mul3A_20, %add3A_21 : i32
    "tpu.region"() ({
      %run_scoped3A = tpu.sem_alloc : memref<!tpu.dma_semaphore, #tpu.memory_space<semaphore_mem>>
      %dma_start3A_371 = arith.constant 0 : i32
      %dma_start3A_372 = tpu.memref_slice %arg13[%add3A_22, %dma_start3A_371] : memref<10240x128xf32, #tpu.memory_space<vmem_shared>> -> memref<128x128xf32, #tpu.memory_space<vmem_shared>>
      %dma_start3A_373 = arith.constant 0 : i32
      %dma_start3A_374 = tpu.memref_slice %arg13[%add3A_22, %dma_start3A_373] : memref<10240x128xf32, #tpu.memory_space<vmem_shared>> -> memref<128x128xf32, #tpu.memory_space<vmem_shared>>
      tpu.enqueue_dma source(%arg11 : memref<128x128xf32, #tpu.memory_space<vmem>>) target(%dma_start3A_374 : memref<128x128xf32, #tpu.memory_space<vmem_shared>>) target_semaphore(%run_scoped3A : memref<!tpu.dma_semaphore, #tpu.memory_space<semaphore_mem>>)
      %dma_wait3A = arith.constant 0 : i32
      %dma_wait3A_375 = tpu.memref_slice %arg13[%add3A_22, %dma_wait3A] : memref<10240x128xf32, #tpu.memory_space<vmem_shared>> -> memref<128x128xf32, #tpu.memory_space<vmem_shared>>
      %dma_wait3A_376 = arith.constant 0 : i32
      %dma_wait3A_377 = tpu.memref_slice %arg13[%add3A_22, %dma_wait3A_376] : memref<10240x128xf32, #tpu.memory_space<vmem_shared>> -> memref<128x128xf32, #tpu.memory_space<vmem_shared>>
      tpu.wait_dma2 semaphore(%run_scoped3A : memref<!tpu.dma_semaphore, #tpu.memory_space<semaphore_mem>>) src(%arg11 : memref<128x128xf32, #tpu.memory_space<vmem>>) dst(%dma_wait3A_377 : memref<128x128xf32, #tpu.memory_space<vmem_shared>>)
      tpu.yield
    }) : () -> ()
    %mul3A_23 = arith.constant 640 : i32
    %mul3A_24 = arith.muli %arg1, %mul3A_23 : i32
    %add3A_25 = arith.constant 384 : i32
    %add3A_26 = arith.addi %mul3A_24, %add3A_25 : i32
    "tpu.region"() ({
      %run_scoped3A = tpu.sem_alloc : memref<!tpu.dma_semaphore, #tpu.memory_space<semaphore_mem>>
      %dma_start3A_371 = arith.constant 0 : i32
      %dma_start3A_372 = tpu.memref_slice %arg13[%add3A_26, %dma_start3A_371] : memref<10240x128xf32, #tpu.memory_space<vmem_shared>> -> memref<128x128xf32, #tpu.memory_space<vmem_shared>>
      %dma_start3A_373 = arith.constant 0 : i32
      %dma_start3A_374 = tpu.memref_slice %arg13[%add3A_26, %dma_start3A_373] : memref<10240x128xf32, #tpu.memory_space<vmem_shared>> -> memref<128x128xf32, #tpu.memory_space<vmem_shared>>
      tpu.enqueue_dma source(%arg11 : memref<128x128xf32, #tpu.memory_space<vmem>>) target(%dma_start3A_374 : memref<128x128xf32, #tpu.memory_space<vmem_shared>>) target_semaphore(%run_scoped3A : memref<!tpu.dma_semaphore, #tpu.memory_space<semaphore_mem>>)
      %dma_wait3A = arith.constant 0 : i32
      %dma_wait3A_375 = tpu.memref_slice %arg13[%add3A_26, %dma_wait3A] : memref<10240x128xf32, #tpu.memory_space<vmem_shared>> -> memref<128x128xf32, #tpu.memory_space<vmem_shared>>
      %dma_wait3A_376 = arith.constant 0 : i32
      %dma_wait3A_377 = tpu.memref_slice %arg13[%add3A_26, %dma_wait3A_376] : memref<10240x128xf32, #tpu.memory_space<vmem_shared>> -> memref<128x128xf32, #tpu.memory_space<vmem_shared>>
      tpu.wait_dma2 semaphore(%run_scoped3A : memref<!tpu.dma_semaphore, #tpu.memory_space<semaphore_mem>>) src(%arg11 : memref<128x128xf32, #tpu.memory_space<vmem>>) dst(%dma_wait3A_377 : memref<128x128xf32, #tpu.memory_space<vmem_shared>>)
      tpu.yield
    }) : () -> ()
    %mul3A_27 = arith.constant 640 : i32
    %mul3A_28 = arith.muli %arg1, %mul3A_27 : i32
    %add3A_29 = arith.constant 512 : i32
    %add3A_30 = arith.addi %mul3A_28, %add3A_29 : i32
    "tpu.region"() ({
      %run_scoped3A = tpu.sem_alloc : memref<!tpu.dma_semaphore, #tpu.memory_space<semaphore_mem>>
      %dma_start3A_371 = arith.constant 0 : i32
      %dma_start3A_372 = tpu.memref_slice %arg13[%add3A_30, %dma_start3A_371] : memref<10240x128xf32, #tpu.memory_space<vmem_shared>> -> memref<128x128xf32, #tpu.memory_space<vmem_shared>>
      %dma_start3A_373 = arith.constant 0 : i32
      %dma_start3A_374 = tpu.memref_slice %arg13[%add3A_30, %dma_start3A_373] : memref<10240x128xf32, #tpu.memory_space<vmem_shared>> -> memref<128x128xf32, #tpu.memory_space<vmem_shared>>
      tpu.enqueue_dma source(%arg11 : memref<128x128xf32, #tpu.memory_space<vmem>>) target(%dma_start3A_374 : memref<128x128xf32, #tpu.memory_space<vmem_shared>>) target_semaphore(%run_scoped3A : memref<!tpu.dma_semaphore, #tpu.memory_space<semaphore_mem>>)
      %dma_wait3A = arith.constant 0 : i32
      %dma_wait3A_375 = tpu.memref_slice %arg13[%add3A_30, %dma_wait3A] : memref<10240x128xf32, #tpu.memory_space<vmem_shared>> -> memref<128x128xf32, #tpu.memory_space<vmem_shared>>
      %dma_wait3A_376 = arith.constant 0 : i32
      %dma_wait3A_377 = tpu.memref_slice %arg13[%add3A_30, %dma_wait3A_376] : memref<10240x128xf32, #tpu.memory_space<vmem_shared>> -> memref<128x128xf32, #tpu.memory_space<vmem_shared>>
      tpu.wait_dma2 semaphore(%run_scoped3A : memref<!tpu.dma_semaphore, #tpu.memory_space<semaphore_mem>>) src(%arg11 : memref<128x128xf32, #tpu.memory_space<vmem>>) dst(%dma_wait3A_377 : memref<128x128xf32, #tpu.memory_space<vmem_shared>>)
      tpu.yield
    }) : () -> ()
    %barrier3A = arith.constant 0 : index
    tpu.barrier barrier_id(%barrier3A)
    %eq3A_31 = arith.constant 31 : i32
    %eq3A_32 = arith.cmpi eq, %add3A, %eq3A_31 : i32
    %jit3A = arith.constant 20 : i32
    %jit3A_33 = arith.constant 80 : i32
    %select_n3A = arith.select %eq3A_32, %jit3A, %jit3A_33 : i32
    %get3A = arith.constant 0 : index
    %get3A_34 = tpu.vector_load %arg6[%get3A] {strides = array<i32>} : memref<10240xi32, #tpu.memory_space<vmem>>, vector<16xi32>,
    %get3A_35 = vector.shape_cast %get3A_34 : vector<16xi32> to vector<16xi32>
    %and3A = arith.constant 16383 : i32
    %and3A_36 = vector.broadcast %and3A : i32 to vector<16xi32>
    %and3A_37 = arith.andi %get3A_35, %and3A_36 : vector<16xi32>
    %swap3A = arith.constant 0 : index
    %swap3A_38 = tpu.vector_load %arg7[%swap3A] {strides = array<i32>} : memref<128xi32, #tpu.memory_space<vmem>>, vector<16xi32>,
    %swap3A_39 = vector.shape_cast %swap3A_38 : vector<16xi32> to vector<16xi32>
    %swap3A_40 = vector.shape_cast %and3A_37 : vector<16xi32> to vector<16xi32>
    tpu.vector_store %arg7[%swap3A], %swap3A_40 {strides = array<i32>} : memref<128xi32, #tpu.memory_space<vmem>>, vector<16xi32>,
    %shift_right_logical3A = arith.constant 14 : i32
    %shift_right_logical3A_41 = vector.broadcast %shift_right_logical3A : i32 to vector<16xi32>
    %shift_right_logical3A_42 = arith.shrui %get3A_35, %shift_right_logical3A_41 : vector<16xi32>
    %swap3A_43 = arith.constant 0 : index
    %swap3A_44 = tpu.vector_load %arg9[%swap3A_43] {strides = array<i32>} : memref<128xi32, #tpu.memory_space<vmem>>, vector<16xi32>,
    %swap3A_45 = vector.shape_cast %swap3A_44 : vector<16xi32> to vector<16xi32>
    %swap3A_46 = vector.shape_cast %shift_right_logical3A_42 : vector<16xi32> to vector<16xi32>
    tpu.vector_store %arg9[%swap3A_43], %swap3A_46 {strides = array<i32>} : memref<128xi32, #tpu.memory_space<vmem>>, vector<16xi32>,
    %get3A_47 = arith.constant 16 : index
    %get3A_48 = tpu.vector_load %arg6[%get3A_47] {strides = array<i32>} : memref<10240xi32, #tpu.memory_space<vmem>>, vector<16xi32>,
    %get3A_49 = vector.shape_cast %get3A_48 : vector<16xi32> to vector<16xi32>
    %and3A_50 = arith.constant 16383 : i32
    %and3A_51 = vector.broadcast %and3A_50 : i32 to vector<16xi32>
    %and3A_52 = arith.andi %get3A_49, %and3A_51 : vector<16xi32>
    %swap3A_53 = arith.constant 16 : index
    %swap3A_54 = tpu.vector_load %arg7[%swap3A_53] {strides = array<i32>} : memref<128xi32, #tpu.memory_space<vmem>>, vector<16xi32>,
    %swap3A_55 = vector.shape_cast %swap3A_54 : vector<16xi32> to vector<16xi32>
    %swap3A_56 = vector.shape_cast %and3A_52 : vector<16xi32> to vector<16xi32>
    tpu.vector_store %arg7[%swap3A_53], %swap3A_56 {strides = array<i32>} : memref<128xi32, #tpu.memory_space<vmem>>, vector<16xi32>,
    %shift_right_logical3A_57 = arith.constant 14 : i32
    %shift_right_logical3A_58 = vector.broadcast %shift_right_logical3A_57 : i32 to vector<16xi32>
    %shift_right_logical3A_59 = arith.shrui %get3A_49, %shift_right_logical3A_58 : vector<16xi32>
    %swap3A_60 = arith.constant 16 : index
    %swap3A_61 = tpu.vector_load %arg9[%swap3A_60] {strides = array<i32>} : memref<128xi32, #tpu.memory_space<vmem>>, vector<16xi32>,
    %swap3A_62 = vector.shape_cast %swap3A_61 : vector<16xi32> to vector<16xi32>
    %swap3A_63 = vector.shape_cast %shift_right_logical3A_59 : vector<16xi32> to vector<16xi32>
    tpu.vector_store %arg9[%swap3A_60], %swap3A_63 {strides = array<i32>} : memref<128xi32, #tpu.memory_space<vmem>>, vector<16xi32>,
    %get3A_64 = arith.constant 32 : index
    %get3A_65 = tpu.vector_load %arg6[%get3A_64] {strides = array<i32>} : memref<10240xi32, #tpu.memory_space<vmem>>, vector<16xi32>,
    %get3A_66 = vector.shape_cast %get3A_65 : vector<16xi32> to vector<16xi32>
    %and3A_67 = arith.constant 16383 : i32
    %and3A_68 = vector.broadcast %and3A_67 : i32 to vector<16xi32>
    %and3A_69 = arith.andi %get3A_66, %and3A_68 : vector<16xi32>
    %swap3A_70 = arith.constant 32 : index
    %swap3A_71 = tpu.vector_load %arg7[%swap3A_70] {strides = array<i32>} : memref<128xi32, #tpu.memory_space<vmem>>, vector<16xi32>,
    %swap3A_72 = vector.shape_cast %swap3A_71 : vector<16xi32> to vector<16xi32>
    %swap3A_73 = vector.shape_cast %and3A_69 : vector<16xi32> to vector<16xi32>
    tpu.vector_store %arg7[%swap3A_70], %swap3A_73 {strides = array<i32>} : memref<128xi32, #tpu.memory_space<vmem>>, vector<16xi32>,
    %shift_right_logical3A_74 = arith.constant 14 : i32
    %shift_right_logical3A_75 = vector.broadcast %shift_right_logical3A_74 : i32 to vector<16xi32>
    %shift_right_logical3A_76 = arith.shrui %get3A_66, %shift_right_logical3A_75 : vector<16xi32>
    %swap3A_77 = arith.constant 32 : index
    %swap3A_78 = tpu.vector_load %arg9[%swap3A_77] {strides = array<i32>} : memref<128xi32, #tpu.memory_space<vmem>>, vector<16xi32>,
    %swap3A_79 = vector.shape_cast %swap3A_78 : vector<16xi32> to vector<16xi32>
    %swap3A_80 = vector.shape_cast %shift_right_logical3A_76 : vector<16xi32> to vector<16xi32>
    tpu.vector_store %arg9[%swap3A_77], %swap3A_80 {strides = array<i32>} : memref<128xi32, #tpu.memory_space<vmem>>, vector<16xi32>,
    %get3A_81 = arith.constant 48 : index
    %get3A_82 = tpu.vector_load %arg6[%get3A_81] {strides = array<i32>} : memref<10240xi32, #tpu.memory_space<vmem>>, vector<16xi32>,
    %get3A_83 = vector.shape_cast %get3A_82 : vector<16xi32> to vector<16xi32>
    %and3A_84 = arith.constant 16383 : i32
    %and3A_85 = vector.broadcast %and3A_84 : i32 to vector<16xi32>
    %and3A_86 = arith.andi %get3A_83, %and3A_85 : vector<16xi32>
    %swap3A_87 = arith.constant 48 : index
    %swap3A_88 = tpu.vector_load %arg7[%swap3A_87] {strides = array<i32>} : memref<128xi32, #tpu.memory_space<vmem>>, vector<16xi32>,
    %swap3A_89 = vector.shape_cast %swap3A_88 : vector<16xi32> to vector<16xi32>
    %swap3A_90 = vector.shape_cast %and3A_86 : vector<16xi32> to vector<16xi32>
    tpu.vector_store %arg7[%swap3A_87], %swap3A_90 {strides = array<i32>} : memref<128xi32, #tpu.memory_space<vmem>>, vector<16xi32>,
    %shift_right_logical3A_91 = arith.constant 14 : i32
    %shift_right_logical3A_92 = vector.broadcast %shift_right_logical3A_91 : i32 to vector<16xi32>
    %shift_right_logical3A_93 = arith.shrui %get3A_83, %shift_right_logical3A_92 : vector<16xi32>
    %swap3A_94 = arith.constant 48 : index
    %swap3A_95 = tpu.vector_load %arg9[%swap3A_94] {strides = array<i32>} : memref<128xi32, #tpu.memory_space<vmem>>, vector<16xi32>,
    %swap3A_96 = vector.shape_cast %swap3A_95 : vector<16xi32> to vector<16xi32>
    %swap3A_97 = vector.shape_cast %shift_right_logical3A_93 : vector<16xi32> to vector<16xi32>
    tpu.vector_store %arg9[%swap3A_94], %swap3A_97 {strides = array<i32>} : memref<128xi32, #tpu.memory_space<vmem>>, vector<16xi32>,
    %get3A_98 = arith.constant 64 : index
    %get3A_99 = tpu.vector_load %arg6[%get3A_98] {strides = array<i32>} : memref<10240xi32, #tpu.memory_space<vmem>>, vector<16xi32>,
    %get3A_100 = vector.shape_cast %get3A_99 : vector<16xi32> to vector<16xi32>
    %and3A_101 = arith.constant 16383 : i32
    %and3A_102 = vector.broadcast %and3A_101 : i32 to vector<16xi32>
    %and3A_103 = arith.andi %get3A_100, %and3A_102 : vector<16xi32>
    %swap3A_104 = arith.constant 64 : index
    %swap3A_105 = tpu.vector_load %arg7[%swap3A_104] {strides = array<i32>} : memref<128xi32, #tpu.memory_space<vmem>>, vector<16xi32>,
    %swap3A_106 = vector.shape_cast %swap3A_105 : vector<16xi32> to vector<16xi32>
    %swap3A_107 = vector.shape_cast %and3A_103 : vector<16xi32> to vector<16xi32>
    tpu.vector_store %arg7[%swap3A_104], %swap3A_107 {strides = array<i32>} : memref<128xi32, #tpu.memory_space<vmem>>, vector<16xi32>,
    %shift_right_logical3A_108 = arith.constant 14 : i32
    %shift_right_logical3A_109 = vector.broadcast %shift_right_logical3A_108 : i32 to vector<16xi32>
    %shift_right_logical3A_110 = arith.shrui %get3A_100, %shift_right_logical3A_109 : vector<16xi32>
    %swap3A_111 = arith.constant 64 : index
    %swap3A_112 = tpu.vector_load %arg9[%swap3A_111] {strides = array<i32>} : memref<128xi32, #tpu.memory_space<vmem>>, vector<16xi32>,
    %swap3A_113 = vector.shape_cast %swap3A_112 : vector<16xi32> to vector<16xi32>
    %swap3A_114 = vector.shape_cast %shift_right_logical3A_110 : vector<16xi32> to vector<16xi32>
    tpu.vector_store %arg9[%swap3A_111], %swap3A_114 {strides = array<i32>} : memref<128xi32, #tpu.memory_space<vmem>>, vector<16xi32>,
    %get3A_115 = arith.constant 80 : index
    %get3A_116 = tpu.vector_load %arg6[%get3A_115] {strides = array<i32>} : memref<10240xi32, #tpu.memory_space<vmem>>, vector<16xi32>,
    %get3A_117 = vector.shape_cast %get3A_116 : vector<16xi32> to vector<16xi32>
    %and3A_118 = arith.constant 16383 : i32
    %and3A_119 = vector.broadcast %and3A_118 : i32 to vector<16xi32>
    %and3A_120 = arith.andi %get3A_117, %and3A_119 : vector<16xi32>
    %swap3A_121 = arith.constant 80 : index
    %swap3A_122 = tpu.vector_load %arg7[%swap3A_121] {strides = array<i32>} : memref<128xi32, #tpu.memory_space<vmem>>, vector<16xi32>,
    %swap3A_123 = vector.shape_cast %swap3A_122 : vector<16xi32> to vector<16xi32>
    %swap3A_124 = vector.shape_cast %and3A_120 : vector<16xi32> to vector<16xi32>
    tpu.vector_store %arg7[%swap3A_121], %swap3A_124 {strides = array<i32>} : memref<128xi32, #tpu.memory_space<vmem>>, vector<16xi32>,
    %shift_right_logical3A_125 = arith.constant 14 : i32
    %shift_right_logical3A_126 = vector.broadcast %shift_right_logical3A_125 : i32 to vector<16xi32>
    %shift_right_logical3A_127 = arith.shrui %get3A_117, %shift_right_logical3A_126 : vector<16xi32>
    %swap3A_128 = arith.constant 80 : index
    %swap3A_129 = tpu.vector_load %arg9[%swap3A_128] {strides = array<i32>} : memref<128xi32, #tpu.memory_space<vmem>>, vector<16xi32>,
    %swap3A_130 = vector.shape_cast %swap3A_129 : vector<16xi32> to vector<16xi32>
    %swap3A_131 = vector.shape_cast %shift_right_logical3A_127 : vector<16xi32> to vector<16xi32>
    tpu.vector_store %arg9[%swap3A_128], %swap3A_131 {strides = array<i32>} : memref<128xi32, #tpu.memory_space<vmem>>, vector<16xi32>,
    %get3A_132 = arith.constant 96 : index
    %get3A_133 = tpu.vector_load %arg6[%get3A_132] {strides = array<i32>} : memref<10240xi32, #tpu.memory_space<vmem>>, vector<16xi32>,
    %get3A_134 = vector.shape_cast %get3A_133 : vector<16xi32> to vector<16xi32>
    %and3A_135 = arith.constant 16383 : i32
    %and3A_136 = vector.broadcast %and3A_135 : i32 to vector<16xi32>
    %and3A_137 = arith.andi %get3A_134, %and3A_136 : vector<16xi32>
    %swap3A_138 = arith.constant 96 : index
    %swap3A_139 = tpu.vector_load %arg7[%swap3A_138] {strides = array<i32>} : memref<128xi32, #tpu.memory_space<vmem>>, vector<16xi32>,
    %swap3A_140 = vector.shape_cast %swap3A_139 : vector<16xi32> to vector<16xi32>
    %swap3A_141 = vector.shape_cast %and3A_137 : vector<16xi32> to vector<16xi32>
    tpu.vector_store %arg7[%swap3A_138], %swap3A_141 {strides = array<i32>} : memref<128xi32, #tpu.memory_space<vmem>>, vector<16xi32>,
    %shift_right_logical3A_142 = arith.constant 14 : i32
    %shift_right_logical3A_143 = vector.broadcast %shift_right_logical3A_142 : i32 to vector<16xi32>
    %shift_right_logical3A_144 = arith.shrui %get3A_134, %shift_right_logical3A_143 : vector<16xi32>
    %swap3A_145 = arith.constant 96 : index
    %swap3A_146 = tpu.vector_load %arg9[%swap3A_145] {strides = array<i32>} : memref<128xi32, #tpu.memory_space<vmem>>, vector<16xi32>,
    %swap3A_147 = vector.shape_cast %swap3A_146 : vector<16xi32> to vector<16xi32>
    %swap3A_148 = vector.shape_cast %shift_right_logical3A_144 : vector<16xi32> to vector<16xi32>
    tpu.vector_store %arg9[%swap3A_145], %swap3A_148 {strides = array<i32>} : memref<128xi32, #tpu.memory_space<vmem>>, vector<16xi32>,
    %get3A_149 = arith.constant 112 : index
    %get3A_150 = tpu.vector_load %arg6[%get3A_149] {strides = array<i32>} : memref<10240xi32, #tpu.memory_space<vmem>>, vector<16xi32>,
    %get3A_151 = vector.shape_cast %get3A_150 : vector<16xi32> to vector<16xi32>
    %and3A_152 = arith.constant 16383 : i32
    %and3A_153 = vector.broadcast %and3A_152 : i32 to vector<16xi32>
    %and3A_154 = arith.andi %get3A_151, %and3A_153 : vector<16xi32>
    %swap3A_155 = arith.constant 112 : index
    %swap3A_156 = tpu.vector_load %arg7[%swap3A_155] {strides = array<i32>} : memref<128xi32, #tpu.memory_space<vmem>>, vector<16xi32>,
    %swap3A_157 = vector.shape_cast %swap3A_156 : vector<16xi32> to vector<16xi32>
    %swap3A_158 = vector.shape_cast %and3A_154 : vector<16xi32> to vector<16xi32>
    tpu.vector_store %arg7[%swap3A_155], %swap3A_158 {strides = array<i32>} : memref<128xi32, #tpu.memory_space<vmem>>, vector<16xi32>,
    %shift_right_logical3A_159 = arith.constant 14 : i32
    %shift_right_logical3A_160 = vector.broadcast %shift_right_logical3A_159 : i32 to vector<16xi32>
    %shift_right_logical3A_161 = arith.shrui %get3A_151, %shift_right_logical3A_160 : vector<16xi32>
    %swap3A_162 = arith.constant 112 : index
    %swap3A_163 = tpu.vector_load %arg9[%swap3A_162] {strides = array<i32>} : memref<128xi32, #tpu.memory_space<vmem>>, vector<16xi32>,
    %swap3A_164 = vector.shape_cast %swap3A_163 : vector<16xi32> to vector<16xi32>
    %swap3A_165 = vector.shape_cast %shift_right_logical3A_161 : vector<16xi32> to vector<16xi32>
    tpu.vector_store %arg9[%swap3A_162], %swap3A_165 {strides = array<i32>} : memref<128xi32, #tpu.memory_space<vmem>>, vector<16xi32>,
    %dma_start3A = arith.constant 0 : i32
    %dma_start3A_166 = arith.constant 0 : i32
    %dma_start3A_167 = tpu.memref_slice %arg2[%dma_start3A, %dma_start3A_166] : memref<10000x128xf32, #tpu.memory_space<hbm>> -> memref<10000x128xf32, #tpu.memory_space<hbm>>
    tpu.enqueue_indirect_dma source(%dma_start3A_167 : memref<10000x128xf32, #tpu.memory_space<hbm>>) target(%arg11 : memref<128x128xf32, #tpu.memory_space<vmem>>) offsets(%arg7 : memref<128xi32, #tpu.memory_space<vmem>>) semaphore(%arg14 : memref<!tpu.dma_semaphore, #tpu.memory_space<semaphore_mem>>)
    %get3A_168 = arith.constant 128 : index
    %get3A_169 = tpu.vector_load %arg6[%get3A_168] {strides = array<i32>} : memref<10240xi32, #tpu.memory_space<vmem>>, vector<16xi32>,
    %get3A_170 = vector.shape_cast %get3A_169 : vector<16xi32> to vector<16xi32>
    %and3A_171 = arith.constant 16383 : i32
    %and3A_172 = vector.broadcast %and3A_171 : i32 to vector<16xi32>
    %and3A_173 = arith.andi %get3A_170, %and3A_172 : vector<16xi32>
    %swap3A_174 = arith.constant 0 : index
    %swap3A_175 = tpu.vector_load %arg8[%swap3A_174] {strides = array<i32>} : memref<128xi32, #tpu.memory_space<vmem>>, vector<16xi32>,
    %swap3A_176 = vector.shape_cast %swap3A_175 : vector<16xi32> to vector<16xi32>
    %swap3A_177 = vector.shape_cast %and3A_173 : vector<16xi32> to vector<16xi32>
    tpu.vector_store %arg8[%swap3A_174], %swap3A_177 {strides = array<i32>} : memref<128xi32, #tpu.memory_space<vmem>>, vector<16xi32>,
    %shift_right_logical3A_178 = arith.constant 14 : i32
    %shift_right_logical3A_179 = vector.broadcast %shift_right_logical3A_178 : i32 to vector<16xi32>
    %shift_right_logical3A_180 = arith.shrui %get3A_170, %shift_right_logical3A_179 : vector<16xi32>
    %swap3A_181 = arith.constant 0 : index
    %swap3A_182 = tpu.vector_load %arg10[%swap3A_181] {strides = array<i32>} : memref<128xi32, #tpu.memory_space<vmem>>, vector<16xi32>,
    %swap3A_183 = vector.shape_cast %swap3A_182 : vector<16xi32> to vector<16xi32>
    %swap3A_184 = vector.shape_cast %shift_right_logical3A_180 : vector<16xi32> to vector<16xi32>
    tpu.vector_store %arg10[%swap3A_181], %swap3A_184 {strides = array<i32>} : memref<128xi32, #tpu.memory_space<vmem>>, vector<16xi32>,
    %get3A_185 = arith.constant 144 : index
    %get3A_186 = tpu.vector_load %arg6[%get3A_185] {strides = array<i32>} : memref<10240xi32, #tpu.memory_space<vmem>>, vector<16xi32>,
    %get3A_187 = vector.shape_cast %get3A_186 : vector<16xi32> to vector<16xi32>
    %and3A_188 = arith.constant 16383 : i32
    %and3A_189 = vector.broadcast %and3A_188 : i32 to vector<16xi32>
    %and3A_190 = arith.andi %get3A_187, %and3A_189 : vector<16xi32>
    %swap3A_191 = arith.constant 16 : index
    %swap3A_192 = tpu.vector_load %arg8[%swap3A_191] {strides = array<i32>} : memref<128xi32, #tpu.memory_space<vmem>>, vector<16xi32>,
    %swap3A_193 = vector.shape_cast %swap3A_192 : vector<16xi32> to vector<16xi32>
    %swap3A_194 = vector.shape_cast %and3A_190 : vector<16xi32> to vector<16xi32>
    tpu.vector_store %arg8[%swap3A_191], %swap3A_194 {strides = array<i32>} : memref<128xi32, #tpu.memory_space<vmem>>, vector<16xi32>,
    %shift_right_logical3A_195 = arith.constant 14 : i32
    %shift_right_logical3A_196 = vector.broadcast %shift_right_logical3A_195 : i32 to vector<16xi32>
    %shift_right_logical3A_197 = arith.shrui %get3A_187, %shift_right_logical3A_196 : vector<16xi32>
    %swap3A_198 = arith.constant 16 : index
    %swap3A_199 = tpu.vector_load %arg10[%swap3A_198] {strides = array<i32>} : memref<128xi32, #tpu.memory_space<vmem>>, vector<16xi32>,
    %swap3A_200 = vector.shape_cast %swap3A_199 : vector<16xi32> to vector<16xi32>
    %swap3A_201 = vector.shape_cast %shift_right_logical3A_197 : vector<16xi32> to vector<16xi32>
    tpu.vector_store %arg10[%swap3A_198], %swap3A_201 {strides = array<i32>} : memref<128xi32, #tpu.memory_space<vmem>>, vector<16xi32>,
    %get3A_202 = arith.constant 160 : index
    %get3A_203 = tpu.vector_load %arg6[%get3A_202] {strides = array<i32>} : memref<10240xi32, #tpu.memory_space<vmem>>, vector<16xi32>,
    %get3A_204 = vector.shape_cast %get3A_203 : vector<16xi32> to vector<16xi32>
    %and3A_205 = arith.constant 16383 : i32
    %and3A_206 = vector.broadcast %and3A_205 : i32 to vector<16xi32>
    %and3A_207 = arith.andi %get3A_204, %and3A_206 : vector<16xi32>
    %swap3A_208 = arith.constant 32 : index
    %swap3A_209 = tpu.vector_load %arg8[%swap3A_208] {strides = array<i32>} : memref<128xi32, #tpu.memory_space<vmem>>, vector<16xi32>,
    %swap3A_210 = vector.shape_cast %swap3A_209 : vector<16xi32> to vector<16xi32>
    %swap3A_211 = vector.shape_cast %and3A_207 : vector<16xi32> to vector<16xi32>
    tpu.vector_store %arg8[%swap3A_208], %swap3A_211 {strides = array<i32>} : memref<128xi32, #tpu.memory_space<vmem>>, vector<16xi32>,
    %shift_right_logical3A_212 = arith.constant 14 : i32
    %shift_right_logical3A_213 = vector.broadcast %shift_right_logical3A_212 : i32 to vector<16xi32>
    %shift_right_logical3A_214 = arith.shrui %get3A_204, %shift_right_logical3A_213 : vector<16xi32>
    %swap3A_215 = arith.constant 32 : index
    %swap3A_216 = tpu.vector_load %arg10[%swap3A_215] {strides = array<i32>} : memref<128xi32, #tpu.memory_space<vmem>>, vector<16xi32>,
    %swap3A_217 = vector.shape_cast %swap3A_216 : vector<16xi32> to vector<16xi32>
    %swap3A_218 = vector.shape_cast %shift_right_logical3A_214 : vector<16xi32> to vector<16xi32>
    tpu.vector_store %arg10[%swap3A_215], %swap3A_218 {strides = array<i32>} : memref<128xi32, #tpu.memory_space<vmem>>, vector<16xi32>,
    %get3A_219 = arith.constant 176 : index
    %get3A_220 = tpu.vector_load %arg6[%get3A_219] {strides = array<i32>} : memref<10240xi32, #tpu.memory_space<vmem>>, vector<16xi32>,
    %get3A_221 = vector.shape_cast %get3A_220 : vector<16xi32> to vector<16xi32>
    %and3A_222 = arith.constant 16383 : i32
    %and3A_223 = vector.broadcast %and3A_222 : i32 to vector<16xi32>
    %and3A_224 = arith.andi %get3A_221, %and3A_223 : vector<16xi32>
    %swap3A_225 = arith.constant 48 : index
    %swap3A_226 = tpu.vector_load %arg8[%swap3A_225] {strides = array<i32>} : memref<128xi32, #tpu.memory_space<vmem>>, vector<16xi32>,
    %swap3A_227 = vector.shape_cast %swap3A_226 : vector<16xi32> to vector<16xi32>
    %swap3A_228 = vector.shape_cast %and3A_224 : vector<16xi32> to vector<16xi32>
    tpu.vector_store %arg8[%swap3A_225], %swap3A_228 {strides = array<i32>} : memref<128xi32, #tpu.memory_space<vmem>>, vector<16xi32>,
    %shift_right_logical3A_229 = arith.constant 14 : i32
    %shift_right_logical3A_230 = vector.broadcast %shift_right_logical3A_229 : i32 to vector<16xi32>
    %shift_right_logical3A_231 = arith.shrui %get3A_221, %shift_right_logical3A_230 : vector<16xi32>
    %swap3A_232 = arith.constant 48 : index
    %swap3A_233 = tpu.vector_load %arg10[%swap3A_232] {strides = array<i32>} : memref<128xi32, #tpu.memory_space<vmem>>, vector<16xi32>,
    %swap3A_234 = vector.shape_cast %swap3A_233 : vector<16xi32> to vector<16xi32>
    %swap3A_235 = vector.shape_cast %shift_right_logical3A_231 : vector<16xi32> to vector<16xi32>
    tpu.vector_store %arg10[%swap3A_232], %swap3A_235 {strides = array<i32>} : memref<128xi32, #tpu.memory_space<vmem>>, vector<16xi32>,
    %get3A_236 = arith.constant 192 : index
    %get3A_237 = tpu.vector_load %arg6[%get3A_236] {strides = array<i32>} : memref<10240xi32, #tpu.memory_space<vmem>>, vector<16xi32>,
    %get3A_238 = vector.shape_cast %get3A_237 : vector<16xi32> to vector<16xi32>
    %and3A_239 = arith.constant 16383 : i32
    %and3A_240 = vector.broadcast %and3A_239 : i32 to vector<16xi32>
    %and3A_241 = arith.andi %get3A_238, %and3A_240 : vector<16xi32>
    %swap3A_242 = arith.constant 64 : index
    %swap3A_243 = tpu.vector_load %arg8[%swap3A_242] {strides = array<i32>} : memref<128xi32, #tpu.memory_space<vmem>>, vector<16xi32>,
    %swap3A_244 = vector.shape_cast %swap3A_243 : vector<16xi32> to vector<16xi32>
    %swap3A_245 = vector.shape_cast %and3A_241 : vector<16xi32> to vector<16xi32>
    tpu.vector_store %arg8[%swap3A_242], %swap3A_245 {strides = array<i32>} : memref<128xi32, #tpu.memory_space<vmem>>, vector<16xi32>,
    %shift_right_logical3A_246 = arith.constant 14 : i32
    %shift_right_logical3A_247 = vector.broadcast %shift_right_logical3A_246 : i32 to vector<16xi32>
    %shift_right_logical3A_248 = arith.shrui %get3A_238, %shift_right_logical3A_247 : vector<16xi32>
    %swap3A_249 = arith.constant 64 : index
    %swap3A_250 = tpu.vector_load %arg10[%swap3A_249] {strides = array<i32>} : memref<128xi32, #tpu.memory_space<vmem>>, vector<16xi32>,
    %swap3A_251 = vector.shape_cast %swap3A_250 : vector<16xi32> to vector<16xi32>
    %swap3A_252 = vector.shape_cast %shift_right_logical3A_248 : vector<16xi32> to vector<16xi32>
    tpu.vector_store %arg10[%swap3A_249], %swap3A_252 {strides = array<i32>} : memref<128xi32, #tpu.memory_space<vmem>>, vector<16xi32>,
    %get3A_253 = arith.constant 208 : index
    %get3A_254 = tpu.vector_load %arg6[%get3A_253] {strides = array<i32>} : memref<10240xi32, #tpu.memory_space<vmem>>, vector<16xi32>,
    %get3A_255 = vector.shape_cast %get3A_254 : vector<16xi32> to vector<16xi32>
    %and3A_256 = arith.constant 16383 : i32
    %and3A_257 = vector.broadcast %and3A_256 : i32 to vector<16xi32>
    %and3A_258 = arith.andi %get3A_255, %and3A_257 : vector<16xi32>
    %swap3A_259 = arith.constant 80 : index
    %swap3A_260 = tpu.vector_load %arg8[%swap3A_259] {strides = array<i32>} : memref<128xi32, #tpu.memory_space<vmem>>, vector<16xi32>,
    %swap3A_261 = vector.shape_cast %swap3A_260 : vector<16xi32> to vector<16xi32>
    %swap3A_262 = vector.shape_cast %and3A_258 : vector<16xi32> to vector<16xi32>
    tpu.vector_store %arg8[%swap3A_259], %swap3A_262 {strides = array<i32>} : memref<128xi32, #tpu.memory_space<vmem>>, vector<16xi32>,
    %shift_right_logical3A_263 = arith.constant 14 : i32
    %shift_right_logical3A_264 = vector.broadcast %shift_right_logical3A_263 : i32 to vector<16xi32>
    %shift_right_logical3A_265 = arith.shrui %get3A_255, %shift_right_logical3A_264 : vector<16xi32>
    %swap3A_266 = arith.constant 80 : index
    %swap3A_267 = tpu.vector_load %arg10[%swap3A_266] {strides = array<i32>} : memref<128xi32, #tpu.memory_space<vmem>>, vector<16xi32>,
    %swap3A_268 = vector.shape_cast %swap3A_267 : vector<16xi32> to vector<16xi32>
    %swap3A_269 = vector.shape_cast %shift_right_logical3A_265 : vector<16xi32> to vector<16xi32>
    tpu.vector_store %arg10[%swap3A_266], %swap3A_269 {strides = array<i32>} : memref<128xi32, #tpu.memory_space<vmem>>, vector<16xi32>,
    %get3A_270 = arith.constant 224 : index
    %get3A_271 = tpu.vector_load %arg6[%get3A_270] {strides = array<i32>} : memref<10240xi32, #tpu.memory_space<vmem>>, vector<16xi32>,
    %get3A_272 = vector.shape_cast %get3A_271 : vector<16xi32> to vector<16xi32>
    %and3A_273 = arith.constant 16383 : i32
    %and3A_274 = vector.broadcast %and3A_273 : i32 to vector<16xi32>
    %and3A_275 = arith.andi %get3A_272, %and3A_274 : vector<16xi32>
    %swap3A_276 = arith.constant 96 : index
    %swap3A_277 = tpu.vector_load %arg8[%swap3A_276] {strides = array<i32>} : memref<128xi32, #tpu.memory_space<vmem>>, vector<16xi32>,
    %swap3A_278 = vector.shape_cast %swap3A_277 : vector<16xi32> to vector<16xi32>
    %swap3A_279 = vector.shape_cast %and3A_275 : vector<16xi32> to vector<16xi32>
    tpu.vector_store %arg8[%swap3A_276], %swap3A_279 {strides = array<i32>} : memref<128xi32, #tpu.memory_space<vmem>>, vector<16xi32>,
    %shift_right_logical3A_280 = arith.constant 14 : i32
    %shift_right_logical3A_281 = vector.broadcast %shift_right_logical3A_280 : i32 to vector<16xi32>
    %shift_right_logical3A_282 = arith.shrui %get3A_272, %shift_right_logical3A_281 : vector<16xi32>
    %swap3A_283 = arith.constant 96 : index
    %swap3A_284 = tpu.vector_load %arg10[%swap3A_283] {strides = array<i32>} : memref<128xi32, #tpu.memory_space<vmem>>, vector<16xi32>,
    %swap3A_285 = vector.shape_cast %swap3A_284 : vector<16xi32> to vector<16xi32>
    %swap3A_286 = vector.shape_cast %shift_right_logical3A_282 : vector<16xi32> to vector<16xi32>
    tpu.vector_store %arg10[%swap3A_283], %swap3A_286 {strides = array<i32>} : memref<128xi32, #tpu.memory_space<vmem>>, vector<16xi32>,
    %get3A_287 = arith.constant 240 : index
    %get3A_288 = tpu.vector_load %arg6[%get3A_287] {strides = array<i32>} : memref<10240xi32, #tpu.memory_space<vmem>>, vector<16xi32>,
    %get3A_289 = vector.shape_cast %get3A_288 : vector<16xi32> to vector<16xi32>
    %and3A_290 = arith.constant 16383 : i32
    %and3A_291 = vector.broadcast %and3A_290 : i32 to vector<16xi32>
    %and3A_292 = arith.andi %get3A_289, %and3A_291 : vector<16xi32>
    %swap3A_293 = arith.constant 112 : index
    %swap3A_294 = tpu.vector_load %arg8[%swap3A_293] {strides = array<i32>} : memref<128xi32, #tpu.memory_space<vmem>>, vector<16xi32>,
    %swap3A_295 = vector.shape_cast %swap3A_294 : vector<16xi32> to vector<16xi32>
    %swap3A_296 = vector.shape_cast %and3A_292 : vector<16xi32> to vector<16xi32>
    tpu.vector_store %arg8[%swap3A_293], %swap3A_296 {strides = array<i32>} : memref<128xi32, #tpu.memory_space<vmem>>, vector<16xi32>,
    %shift_right_logical3A_297 = arith.constant 14 : i32
    %shift_right_logical3A_298 = vector.broadcast %shift_right_logical3A_297 : i32 to vector<16xi32>
    %shift_right_logical3A_299 = arith.shrui %get3A_289, %shift_right_logical3A_298 : vector<16xi32>
    %swap3A_300 = arith.constant 112 : index
    %swap3A_301 = tpu.vector_load %arg10[%swap3A_300] {strides = array<i32>} : memref<128xi32, #tpu.memory_space<vmem>>, vector<16xi32>,
    %swap3A_302 = vector.shape_cast %swap3A_301 : vector<16xi32> to vector<16xi32>
    %swap3A_303 = vector.shape_cast %shift_right_logical3A_299 : vector<16xi32> to vector<16xi32>
    tpu.vector_store %arg10[%swap3A_300], %swap3A_303 {strides = array<i32>} : memref<128xi32, #tpu.memory_space<vmem>>, vector<16xi32>,
    %dma_start3A_304 = arith.constant 0 : i32
    %dma_start3A_305 = arith.constant 0 : i32
    %dma_start3A_306 = tpu.memref_slice %arg2[%dma_start3A_304, %dma_start3A_305] : memref<10000x128xf32, #tpu.memory_space<hbm>> -> memref<10000x128xf32, #tpu.memory_space<hbm>>
    tpu.enqueue_indirect_dma source(%dma_start3A_306 : memref<10000x128xf32, #tpu.memory_space<hbm>>) target(%arg12 : memref<128x128xf32, #tpu.memory_space<vmem>>) offsets(%arg8 : memref<128xi32, #tpu.memory_space<vmem>>) semaphore(%arg15 : memref<!tpu.dma_semaphore, #tpu.memory_space<semaphore_mem>>)
    %jit3A_307 = arith.constant 2 : i32
    %div3A = arith.divsi %select_n3A, %jit3A_307 : i32
    %sign3A = arith.constant 0 : i32
    %sign3A_308 = arith.cmpi sgt, %select_n3A, %sign3A : i32
    %sign3A_309 = arith.extui %sign3A_308 : i1 to i32
    %sign3A_310 = arith.constant 0 : i32
    %sign3A_311 = arith.cmpi slt, %select_n3A, %sign3A_310 : i32
    %sign3A_312 = arith.extui %sign3A_311 : i1 to i32
    %sign3A_313 = arith.subi %sign3A_309, %sign3A_312 : i32
    %sign3A_314 = arith.constant 0 : i32
    %sign3A_315 = arith.cmpi sgt, %jit3A_307, %sign3A_314 : i32
    %sign3A_316 = arith.extui %sign3A_315 : i1 to i32
    %sign3A_317 = arith.constant 0 : i32
    %sign3A_318 = arith.cmpi slt, %jit3A_307, %sign3A_317 : i32
    %sign3A_319 = arith.extui %sign3A_318 : i1 to i32
    %sign3A_320 = arith.subi %sign3A_316, %sign3A_319 : i32
    %ne3A = arith.cmpi ne, %sign3A_313, %sign3A_320 : i32
    %rem3A = arith.remsi %select_n3A, %jit3A_307 : i32
    %ne3A_321 = arith.constant 0 : i32
    %ne3A_322 = arith.cmpi ne, %rem3A, %ne3A_321 : i32
    %and3A_323 = arith.andi %ne3A, %ne3A_322 : i1
    %sub3A = arith.constant 1 : i32
    %sub3A_324 = arith.subi %div3A, %sub3A : i32
    %select_n3A_325 = arith.select %and3A_323, %sub3A_324, %div3A : i32
    %while3A = arith.constant 0 : i32
    %while3A_326 = arith.constant 0 : i32
    %while3A_327 = arith.subi %select_n3A_325, %while3A_326 : i32
    %while3A_328 = arith.addi %while3A_326, %while3A_327 : i32
    %while3A_329 = arith.constant 1 : i32
    %while3A_330 = arith.divsi %while3A_327, %while3A_329 : i32
    %while3A_331 = arith.muli %while3A_330, %while3A_329 : i32
    %while3A_332 = arith.addi %while3A_326, %while3A_331 : i32
    %while3A_333 = arith.constant 1 : i32
    scf.for %while3A_371 = %while3A_326 to %while3A_332 step %while3A_333  : i32 {
      %mul3A_372 = arith.constant 2 : i32
      %mul3A_373 = arith.muli %while3A_371, %mul3A_372 : i32
      %add3A_374 = arith.constant 0 : i32
      %add3A_375 = arith.addi %mul3A_373, %add3A_374 : i32
      %dma_wait3A = arith.constant 0 : i32
      %dma_wait3A_376 = arith.constant 0 : i32
      %dma_wait3A_377 = tpu.memref_slice %arg2[%dma_wait3A, %dma_wait3A_376] : memref<10000x128xf32, #tpu.memory_space<hbm>> -> memref<10000x128xf32, #tpu.memory_space<hbm>>
      tpu.wait_indirect_dma semaphore(%arg14 : memref<!tpu.dma_semaphore, #tpu.memory_space<semaphore_mem>>) src(%dma_wait3A_377 : memref<10000x128xf32, #tpu.memory_space<hbm>>) dst(%arg11 : memref<128x128xf32, #tpu.memory_space<vmem>>)
      "tpu.region"() ({
        %run_scoped3A = tpu.sem_alloc : memref<!tpu.dma_semaphore, #tpu.memory_space<semaphore_mem>>
        %dma_start3A_395 = arith.constant 0 : i32
        %dma_start3A_396 = arith.constant 0 : i32
        %dma_start3A_397 = tpu.memref_slice %arg13[%dma_start3A_395, %dma_start3A_396] : memref<10240x128xf32, #tpu.memory_space<vmem_shared>> -> memref<10240x128xf32, #tpu.memory_space<vmem_shared>>
        tpu.enqueue_indirect_dma source(%arg11 : memref<128x128xf32, #tpu.memory_space<vmem>>) target(%dma_start3A_397 : memref<10240x128xf32, #tpu.memory_space<vmem_shared>>) offsets(%arg9 : memref<128xi32, #tpu.memory_space<vmem>>) semaphore(%run_scoped3A : memref<!tpu.dma_semaphore, #tpu.memory_space<semaphore_mem>>) {add = true}
        %dma_wait3A_398 = arith.constant 0 : i32
        %dma_wait3A_399 = arith.constant 0 : i32
        %dma_wait3A_400 = tpu.memref_slice %arg13[%dma_wait3A_398, %dma_wait3A_399] : memref<10240x128xf32, #tpu.memory_space<vmem_shared>> -> memref<10240x128xf32, #tpu.memory_space<vmem_shared>>
        tpu.wait_indirect_dma semaphore(%run_scoped3A : memref<!tpu.dma_semaphore, #tpu.memory_space<semaphore_mem>>) src(%arg11 : memref<128x128xf32, #tpu.memory_space<vmem>>) dst(%dma_wait3A_400 : memref<10240x128xf32, #tpu.memory_space<vmem_shared>>)
        tpu.yield
      }) : () -> ()
      %add3A_378 = arith.constant 2 : i32
      %add3A_379 = arith.addi %add3A_375, %add3A_378 : i32
      %lt3A_380 = arith.cmpi slt, %add3A_379, %select_n3A : i32
      %convert_element_type3A_381 = arith.extui %lt3A_380 : i1 to i32
      %cond3A_382 = arith.constant 0 : i32
      %cond3A_383 = arith.cmpi ne, %convert_element_type3A_381, %cond3A_382 : i32
      scf.if %cond3A_383 {
        %add3A_395 = arith.constant 2 : i32
        %add3A_396 = arith.addi %add3A_375, %add3A_395 : i32
        %mul3A_397 = arith.constant 128 : i32
        %mul3A_398 = arith.muli %add3A_396, %mul3A_397 : i32
        %add3A_399 = arith.constant 0 : i32
        %add3A_400 = arith.addi %mul3A_398, %add3A_399 : i32
        %get3A_401 = arith.index_cast %add3A_400 : i32 to index
        %get3A_402 = tpu.vector_load %arg6[%get3A_401] {strides = array<i32>} : memref<10240xi32, #tpu.memory_space<vmem>>, vector<16xi32>,
        %get3A_403 = vector.shape_cast %get3A_402 : vector<16xi32> to vector<16xi32>
        %and3A_404 = arith.constant 16383 : i32
        %and3A_405 = vector.broadcast %and3A_404 : i32 to vector<16xi32>
        %and3A_406 = arith.andi %get3A_403, %and3A_405 : vector<16xi32>
        %swap3A_407 = arith.constant 0 : index
        %swap3A_408 = tpu.vector_load %arg7[%swap3A_407] {strides = array<i32>} : memref<128xi32, #tpu.memory_space<vmem>>, vector<16xi32>,
        %swap3A_409 = vector.shape_cast %swap3A_408 : vector<16xi32> to vector<16xi32>
        %swap3A_410 = vector.shape_cast %and3A_406 : vector<16xi32> to vector<16xi32>
        tpu.vector_store %arg7[%swap3A_407], %swap3A_410 {strides = array<i32>} : memref<128xi32, #tpu.memory_space<vmem>>, vector<16xi32>,
        %shift_right_logical3A_411 = arith.constant 14 : i32
        %shift_right_logical3A_412 = vector.broadcast %shift_right_logical3A_411 : i32 to vector<16xi32>
        %shift_right_logical3A_413 = arith.shrui %get3A_403, %shift_right_logical3A_412 : vector<16xi32>
        %swap3A_414 = arith.constant 0 : index
        %swap3A_415 = tpu.vector_load %arg9[%swap3A_414] {strides = array<i32>} : memref<128xi32, #tpu.memory_space<vmem>>, vector<16xi32>,
        %swap3A_416 = vector.shape_cast %swap3A_415 : vector<16xi32> to vector<16xi32>
        %swap3A_417 = vector.shape_cast %shift_right_logical3A_413 : vector<16xi32> to vector<16xi32>
        tpu.vector_store %arg9[%swap3A_414], %swap3A_417 {strides = array<i32>} : memref<128xi32, #tpu.memory_space<vmem>>, vector<16xi32>,
        %mul3A_418 = arith.constant 128 : i32
        %mul3A_419 = arith.muli %add3A_396, %mul3A_418 : i32
        %add3A_420 = arith.constant 16 : i32
        %add3A_421 = arith.addi %mul3A_419, %add3A_420 : i32
        %get3A_422 = arith.index_cast %add3A_421 : i32 to index
        %get3A_423 = tpu.vector_load %arg6[%get3A_422] {strides = array<i32>} : memref<10240xi32, #tpu.memory_space<vmem>>, vector<16xi32>,
        %get3A_424 = vector.shape_cast %get3A_423 : vector<16xi32> to vector<16xi32>
        %and3A_425 = arith.constant 16383 : i32
        %and3A_426 = vector.broadcast %and3A_425 : i32 to vector<16xi32>
        %and3A_427 = arith.andi %get3A_424, %and3A_426 : vector<16xi32>
        %swap3A_428 = arith.constant 16 : index
        %swap3A_429 = tpu.vector_load %arg7[%swap3A_428] {strides = array<i32>} : memref<128xi32, #tpu.memory_space<vmem>>, vector<16xi32>,
        %swap3A_430 = vector.shape_cast %swap3A_429 : vector<16xi32> to vector<16xi32>
        %swap3A_431 = vector.shape_cast %and3A_427 : vector<16xi32> to vector<16xi32>
        tpu.vector_store %arg7[%swap3A_428], %swap3A_431 {strides = array<i32>} : memref<128xi32, #tpu.memory_space<vmem>>, vector<16xi32>,
        %shift_right_logical3A_432 = arith.constant 14 : i32
        %shift_right_logical3A_433 = vector.broadcast %shift_right_logical3A_432 : i32 to vector<16xi32>
        %shift_right_logical3A_434 = arith.shrui %get3A_424, %shift_right_logical3A_433 : vector<16xi32>
        %swap3A_435 = arith.constant 16 : index
        %swap3A_436 = tpu.vector_load %arg9[%swap3A_435] {strides = array<i32>} : memref<128xi32, #tpu.memory_space<vmem>>, vector<16xi32>,
        %swap3A_437 = vector.shape_cast %swap3A_436 : vector<16xi32> to vector<16xi32>
        %swap3A_438 = vector.shape_cast %shift_right_logical3A_434 : vector<16xi32> to vector<16xi32>
        tpu.vector_store %arg9[%swap3A_435], %swap3A_438 {strides = array<i32>} : memref<128xi32, #tpu.memory_space<vmem>>, vector<16xi32>,
        %mul3A_439 = arith.constant 128 : i32
        %mul3A_440 = arith.muli %add3A_396, %mul3A_439 : i32
        %add3A_441 = arith.constant 32 : i32
        %add3A_442 = arith.addi %mul3A_440, %add3A_441 : i32
        %get3A_443 = arith.index_cast %add3A_442 : i32 to index
        %get3A_444 = tpu.vector_load %arg6[%get3A_443] {strides = array<i32>} : memref<10240xi32, #tpu.memory_space<vmem>>, vector<16xi32>,
        %get3A_445 = vector.shape_cast %get3A_444 : vector<16xi32> to vector<16xi32>
        %and3A_446 = arith.constant 16383 : i32
        %and3A_447 = vector.broadcast %and3A_446 : i32 to vector<16xi32>
        %and3A_448 = arith.andi %get3A_445, %and3A_447 : vector<16xi32>
        %swap3A_449 = arith.constant 32 : index
        %swap3A_450 = tpu.vector_load %arg7[%swap3A_449] {strides = array<i32>} : memref<128xi32, #tpu.memory_space<vmem>>, vector<16xi32>,
        %swap3A_451 = vector.shape_cast %swap3A_450 : vector<16xi32> to vector<16xi32>
        %swap3A_452 = vector.shape_cast %and3A_448 : vector<16xi32> to vector<16xi32>
        tpu.vector_store %arg7[%swap3A_449], %swap3A_452 {strides = array<i32>} : memref<128xi32, #tpu.memory_space<vmem>>, vector<16xi32>,
        %shift_right_logical3A_453 = arith.constant 14 : i32
        %shift_right_logical3A_454 = vector.broadcast %shift_right_logical3A_453 : i32 to vector<16xi32>
        %shift_right_logical3A_455 = arith.shrui %get3A_445, %shift_right_logical3A_454 : vector<16xi32>
        %swap3A_456 = arith.constant 32 : index
        %swap3A_457 = tpu.vector_load %arg9[%swap3A_456] {strides = array<i32>} : memref<128xi32, #tpu.memory_space<vmem>>, vector<16xi32>,
        %swap3A_458 = vector.shape_cast %swap3A_457 : vector<16xi32> to vector<16xi32>
        %swap3A_459 = vector.shape_cast %shift_right_logical3A_455 : vector<16xi32> to vector<16xi32>
        tpu.vector_store %arg9[%swap3A_456], %swap3A_459 {strides = array<i32>} : memref<128xi32, #tpu.memory_space<vmem>>, vector<16xi32>,
        %mul3A_460 = arith.constant 128 : i32
        %mul3A_461 = arith.muli %add3A_396, %mul3A_460 : i32
        %add3A_462 = arith.constant 48 : i32
        %add3A_463 = arith.addi %mul3A_461, %add3A_462 : i32
        %get3A_464 = arith.index_cast %add3A_463 : i32 to index
        %get3A_465 = tpu.vector_load %arg6[%get3A_464] {strides = array<i32>} : memref<10240xi32, #tpu.memory_space<vmem>>, vector<16xi32>,
        %get3A_466 = vector.shape_cast %get3A_465 : vector<16xi32> to vector<16xi32>
        %and3A_467 = arith.constant 16383 : i32
        %and3A_468 = vector.broadcast %and3A_467 : i32 to vector<16xi32>
        %and3A_469 = arith.andi %get3A_466, %and3A_468 : vector<16xi32>
        %swap3A_470 = arith.constant 48 : index
        %swap3A_471 = tpu.vector_load %arg7[%swap3A_470] {strides = array<i32>} : memref<128xi32, #tpu.memory_space<vmem>>, vector<16xi32>,
        %swap3A_472 = vector.shape_cast %swap3A_471 : vector<16xi32> to vector<16xi32>
        %swap3A_473 = vector.shape_cast %and3A_469 : vector<16xi32> to vector<16xi32>
        tpu.vector_store %arg7[%swap3A_470], %swap3A_473 {strides = array<i32>} : memref<128xi32, #tpu.memory_space<vmem>>, vector<16xi32>,
        %shift_right_logical3A_474 = arith.constant 14 : i32
        %shift_right_logical3A_475 = vector.broadcast %shift_right_logical3A_474 : i32 to vector<16xi32>
        %shift_right_logical3A_476 = arith.shrui %get3A_466, %shift_right_logical3A_475 : vector<16xi32>
        %swap3A_477 = arith.constant 48 : index
        %swap3A_478 = tpu.vector_load %arg9[%swap3A_477] {strides = array<i32>} : memref<128xi32, #tpu.memory_space<vmem>>, vector<16xi32>,
        %swap3A_479 = vector.shape_cast %swap3A_478 : vector<16xi32> to vector<16xi32>
        %swap3A_480 = vector.shape_cast %shift_right_logical3A_476 : vector<16xi32> to vector<16xi32>
        tpu.vector_store %arg9[%swap3A_477], %swap3A_480 {strides = array<i32>} : memref<128xi32, #tpu.memory_space<vmem>>, vector<16xi32>,
        %mul3A_481 = arith.constant 128 : i32
        %mul3A_482 = arith.muli %add3A_396, %mul3A_481 : i32
        %add3A_483 = arith.constant 64 : i32
        %add3A_484 = arith.addi %mul3A_482, %add3A_483 : i32
        %get3A_485 = arith.index_cast %add3A_484 : i32 to index
        %get3A_486 = tpu.vector_load %arg6[%get3A_485] {strides = array<i32>} : memref<10240xi32, #tpu.memory_space<vmem>>, vector<16xi32>,
        %get3A_487 = vector.shape_cast %get3A_486 : vector<16xi32> to vector<16xi32>
        %and3A_488 = arith.constant 16383 : i32
        %and3A_489 = vector.broadcast %and3A_488 : i32 to vector<16xi32>
        %and3A_490 = arith.andi %get3A_487, %and3A_489 : vector<16xi32>
        %swap3A_491 = arith.constant 64 : index
        %swap3A_492 = tpu.vector_load %arg7[%swap3A_491] {strides = array<i32>} : memref<128xi32, #tpu.memory_space<vmem>>, vector<16xi32>,
        %swap3A_493 = vector.shape_cast %swap3A_492 : vector<16xi32> to vector<16xi32>
        %swap3A_494 = vector.shape_cast %and3A_490 : vector<16xi32> to vector<16xi32>
        tpu.vector_store %arg7[%swap3A_491], %swap3A_494 {strides = array<i32>} : memref<128xi32, #tpu.memory_space<vmem>>, vector<16xi32>,
        %shift_right_logical3A_495 = arith.constant 14 : i32
        %shift_right_logical3A_496 = vector.broadcast %shift_right_logical3A_495 : i32 to vector<16xi32>
        %shift_right_logical3A_497 = arith.shrui %get3A_487, %shift_right_logical3A_496 : vector<16xi32>
        %swap3A_498 = arith.constant 64 : index
        %swap3A_499 = tpu.vector_load %arg9[%swap3A_498] {strides = array<i32>} : memref<128xi32, #tpu.memory_space<vmem>>, vector<16xi32>,
        %swap3A_500 = vector.shape_cast %swap3A_499 : vector<16xi32> to vector<16xi32>
        %swap3A_501 = vector.shape_cast %shift_right_logical3A_497 : vector<16xi32> to vector<16xi32>
        tpu.vector_store %arg9[%swap3A_498], %swap3A_501 {strides = array<i32>} : memref<128xi32, #tpu.memory_space<vmem>>, vector<16xi32>,
        %mul3A_502 = arith.constant 128 : i32
        %mul3A_503 = arith.muli %add3A_396, %mul3A_502 : i32
        %add3A_504 = arith.constant 80 : i32
        %add3A_505 = arith.addi %mul3A_503, %add3A_504 : i32
        %get3A_506 = arith.index_cast %add3A_505 : i32 to index
        %get3A_507 = tpu.vector_load %arg6[%get3A_506] {strides = array<i32>} : memref<10240xi32, #tpu.memory_space<vmem>>, vector<16xi32>,
        %get3A_508 = vector.shape_cast %get3A_507 : vector<16xi32> to vector<16xi32>
        %and3A_509 = arith.constant 16383 : i32
        %and3A_510 = vector.broadcast %and3A_509 : i32 to vector<16xi32>
        %and3A_511 = arith.andi %get3A_508, %and3A_510 : vector<16xi32>
        %swap3A_512 = arith.constant 80 : index
        %swap3A_513 = tpu.vector_load %arg7[%swap3A_512] {strides = array<i32>} : memref<128xi32, #tpu.memory_space<vmem>>, vector<16xi32>,
        %swap3A_514 = vector.shape_cast %swap3A_513 : vector<16xi32> to vector<16xi32>
        %swap3A_515 = vector.shape_cast %and3A_511 : vector<16xi32> to vector<16xi32>
        tpu.vector_store %arg7[%swap3A_512], %swap3A_515 {strides = array<i32>} : memref<128xi32, #tpu.memory_space<vmem>>, vector<16xi32>,
        %shift_right_logical3A_516 = arith.constant 14 : i32
        %shift_right_logical3A_517 = vector.broadcast %shift_right_logical3A_516 : i32 to vector<16xi32>
        %shift_right_logical3A_518 = arith.shrui %get3A_508, %shift_right_logical3A_517 : vector<16xi32>
        %swap3A_519 = arith.constant 80 : index
        %swap3A_520 = tpu.vector_load %arg9[%swap3A_519] {strides = array<i32>} : memref<128xi32, #tpu.memory_space<vmem>>, vector<16xi32>,
        %swap3A_521 = vector.shape_cast %swap3A_520 : vector<16xi32> to vector<16xi32>
        %swap3A_522 = vector.shape_cast %shift_right_logical3A_518 : vector<16xi32> to vector<16xi32>
        tpu.vector_store %arg9[%swap3A_519], %swap3A_522 {strides = array<i32>} : memref<128xi32, #tpu.memory_space<vmem>>, vector<16xi32>,
        %mul3A_523 = arith.constant 128 : i32
        %mul3A_524 = arith.muli %add3A_396, %mul3A_523 : i32
        %add3A_525 = arith.constant 96 : i32
        %add3A_526 = arith.addi %mul3A_524, %add3A_525 : i32
        %get3A_527 = arith.index_cast %add3A_526 : i32 to index
        %get3A_528 = tpu.vector_load %arg6[%get3A_527] {strides = array<i32>} : memref<10240xi32, #tpu.memory_space<vmem>>, vector<16xi32>,
        %get3A_529 = vector.shape_cast %get3A_528 : vector<16xi32> to vector<16xi32>
        %and3A_530 = arith.constant 16383 : i32
        %and3A_531 = vector.broadcast %and3A_530 : i32 to vector<16xi32>
        %and3A_532 = arith.andi %get3A_529, %and3A_531 : vector<16xi32>
        %swap3A_533 = arith.constant 96 : index
        %swap3A_534 = tpu.vector_load %arg7[%swap3A_533] {strides = array<i32>} : memref<128xi32, #tpu.memory_space<vmem>>, vector<16xi32>,
        %swap3A_535 = vector.shape_cast %swap3A_534 : vector<16xi32> to vector<16xi32>
        %swap3A_536 = vector.shape_cast %and3A_532 : vector<16xi32> to vector<16xi32>
        tpu.vector_store %arg7[%swap3A_533], %swap3A_536 {strides = array<i32>} : memref<128xi32, #tpu.memory_space<vmem>>, vector<16xi32>,
        %shift_right_logical3A_537 = arith.constant 14 : i32
        %shift_right_logical3A_538 = vector.broadcast %shift_right_logical3A_537 : i32 to vector<16xi32>
        %shift_right_logical3A_539 = arith.shrui %get3A_529, %shift_right_logical3A_538 : vector<16xi32>
        %swap3A_540 = arith.constant 96 : index
        %swap3A_541 = tpu.vector_load %arg9[%swap3A_540] {strides = array<i32>} : memref<128xi32, #tpu.memory_space<vmem>>, vector<16xi32>,
        %swap3A_542 = vector.shape_cast %swap3A_541 : vector<16xi32> to vector<16xi32>
        %swap3A_543 = vector.shape_cast %shift_right_logical3A_539 : vector<16xi32> to vector<16xi32>
        tpu.vector_store %arg9[%swap3A_540], %swap3A_543 {strides = array<i32>} : memref<128xi32, #tpu.memory_space<vmem>>, vector<16xi32>,
        %mul3A_544 = arith.constant 128 : i32
        %mul3A_545 = arith.muli %add3A_396, %mul3A_544 : i32
        %add3A_546 = arith.constant 112 : i32
        %add3A_547 = arith.addi %mul3A_545, %add3A_546 : i32
        %get3A_548 = arith.index_cast %add3A_547 : i32 to index
        %get3A_549 = tpu.vector_load %arg6[%get3A_548] {strides = array<i32>} : memref<10240xi32, #tpu.memory_space<vmem>>, vector<16xi32>,
        %get3A_550 = vector.shape_cast %get3A_549 : vector<16xi32> to vector<16xi32>
        %and3A_551 = arith.constant 16383 : i32
        %and3A_552 = vector.broadcast %and3A_551 : i32 to vector<16xi32>
        %and3A_553 = arith.andi %get3A_550, %and3A_552 : vector<16xi32>
        %swap3A_554 = arith.constant 112 : index
        %swap3A_555 = tpu.vector_load %arg7[%swap3A_554] {strides = array<i32>} : memref<128xi32, #tpu.memory_space<vmem>>, vector<16xi32>,
        %swap3A_556 = vector.shape_cast %swap3A_555 : vector<16xi32> to vector<16xi32>
        %swap3A_557 = vector.shape_cast %and3A_553 : vector<16xi32> to vector<16xi32>
        tpu.vector_store %arg7[%swap3A_554], %swap3A_557 {strides = array<i32>} : memref<128xi32, #tpu.memory_space<vmem>>, vector<16xi32>,
        %shift_right_logical3A_558 = arith.constant 14 : i32
        %shift_right_logical3A_559 = vector.broadcast %shift_right_logical3A_558 : i32 to vector<16xi32>
        %shift_right_logical3A_560 = arith.shrui %get3A_550, %shift_right_logical3A_559 : vector<16xi32>
        %swap3A_561 = arith.constant 112 : index
        %swap3A_562 = tpu.vector_load %arg9[%swap3A_561] {strides = array<i32>} : memref<128xi32, #tpu.memory_space<vmem>>, vector<16xi32>,
        %swap3A_563 = vector.shape_cast %swap3A_562 : vector<16xi32> to vector<16xi32>
        %swap3A_564 = vector.shape_cast %shift_right_logical3A_560 : vector<16xi32> to vector<16xi32>
        tpu.vector_store %arg9[%swap3A_561], %swap3A_564 {strides = array<i32>} : memref<128xi32, #tpu.memory_space<vmem>>, vector<16xi32>,
        %dma_start3A_565 = arith.constant 0 : i32
        %dma_start3A_566 = arith.constant 0 : i32
        %dma_start3A_567 = tpu.memref_slice %arg2[%dma_start3A_565, %dma_start3A_566] : memref<10000x128xf32, #tpu.memory_space<hbm>> -> memref<10000x128xf32, #tpu.memory_space<hbm>>
        tpu.enqueue_indirect_dma source(%dma_start3A_567 : memref<10000x128xf32, #tpu.memory_space<hbm>>) target(%arg11 : memref<128x128xf32, #tpu.memory_space<vmem>>) offsets(%arg7 : memref<128xi32, #tpu.memory_space<vmem>>) semaphore(%arg14 : memref<!tpu.dma_semaphore, #tpu.memory_space<semaphore_mem>>)
      } else {
      }
      %add3A_384 = arith.constant 1 : i32
      %add3A_385 = arith.addi %mul3A_373, %add3A_384 : i32
      %dma_wait3A_386 = arith.constant 0 : i32
      %dma_wait3A_387 = arith.constant 0 : i32
      %dma_wait3A_388 = tpu.memref_slice %arg2[%dma_wait3A_386, %dma_wait3A_387] : memref<10000x128xf32, #tpu.memory_space<hbm>> -> memref<10000x128xf32, #tpu.memory_space<hbm>>
      tpu.wait_indirect_dma semaphore(%arg15 : memref<!tpu.dma_semaphore, #tpu.memory_space<semaphore_mem>>) src(%dma_wait3A_388 : memref<10000x128xf32, #tpu.memory_space<hbm>>) dst(%arg12 : memref<128x128xf32, #tpu.memory_space<vmem>>)
      "tpu.region"() ({
        %run_scoped3A = tpu.sem_alloc : memref<!tpu.dma_semaphore, #tpu.memory_space<semaphore_mem>>
        %dma_start3A_395 = arith.constant 0 : i32
        %dma_start3A_396 = arith.constant 0 : i32
        %dma_start3A_397 = tpu.memref_slice %arg13[%dma_start3A_395, %dma_start3A_396] : memref<10240x128xf32, #tpu.memory_space<vmem_shared>> -> memref<10240x128xf32, #tpu.memory_space<vmem_shared>>
        tpu.enqueue_indirect_dma source(%arg12 : memref<128x128xf32, #tpu.memory_space<vmem>>) target(%dma_start3A_397 : memref<10240x128xf32, #tpu.memory_space<vmem_shared>>) offsets(%arg10 : memref<128xi32, #tpu.memory_space<vmem>>) semaphore(%run_scoped3A : memref<!tpu.dma_semaphore, #tpu.memory_space<semaphore_mem>>) {add = true}
        %dma_wait3A_398 = arith.constant 0 : i32
        %dma_wait3A_399 = arith.constant 0 : i32
        %dma_wait3A_400 = tpu.memref_slice %arg13[%dma_wait3A_398, %dma_wait3A_399] : memref<10240x128xf32, #tpu.memory_space<vmem_shared>> -> memref<10240x128xf32, #tpu.memory_space<vmem_shared>>
        tpu.wait_indirect_dma semaphore(%run_scoped3A : memref<!tpu.dma_semaphore, #tpu.memory_space<semaphore_mem>>) src(%arg12 : memref<128x128xf32, #tpu.memory_space<vmem>>) dst(%dma_wait3A_400 : memref<10240x128xf32, #tpu.memory_space<vmem_shared>>)
        tpu.yield
      }) : () -> ()
      %add3A_389 = arith.constant 2 : i32
      %add3A_390 = arith.addi %add3A_385, %add3A_389 : i32
      %lt3A_391 = arith.cmpi slt, %add3A_390, %select_n3A : i32
      %convert_element_type3A_392 = arith.extui %lt3A_391 : i1 to i32
      %cond3A_393 = arith.constant 0 : i32
      %cond3A_394 = arith.cmpi ne, %convert_element_type3A_392, %cond3A_393 : i32
      scf.if %cond3A_394 {
        %add3A_395 = arith.constant 2 : i32
        %add3A_396 = arith.addi %add3A_385, %add3A_395 : i32
        %mul3A_397 = arith.constant 128 : i32
        %mul3A_398 = arith.muli %add3A_396, %mul3A_397 : i32
        %add3A_399 = arith.constant 0 : i32
        %add3A_400 = arith.addi %mul3A_398, %add3A_399 : i32
        %get3A_401 = arith.index_cast %add3A_400 : i32 to index
        %get3A_402 = tpu.vector_load %arg6[%get3A_401] {strides = array<i32>} : memref<10240xi32, #tpu.memory_space<vmem>>, vector<16xi32>,
        %get3A_403 = vector.shape_cast %get3A_402 : vector<16xi32> to vector<16xi32>
        %and3A_404 = arith.constant 16383 : i32
        %and3A_405 = vector.broadcast %and3A_404 : i32 to vector<16xi32>
        %and3A_406 = arith.andi %get3A_403, %and3A_405 : vector<16xi32>
        %swap3A_407 = arith.constant 0 : index
        %swap3A_408 = tpu.vector_load %arg8[%swap3A_407] {strides = array<i32>} : memref<128xi32, #tpu.memory_space<vmem>>, vector<16xi32>,
        %swap3A_409 = vector.shape_cast %swap3A_408 : vector<16xi32> to vector<16xi32>
        %swap3A_410 = vector.shape_cast %and3A_406 : vector<16xi32> to vector<16xi32>
        tpu.vector_store %arg8[%swap3A_407], %swap3A_410 {strides = array<i32>} : memref<128xi32, #tpu.memory_space<vmem>>, vector<16xi32>,
        %shift_right_logical3A_411 = arith.constant 14 : i32
        %shift_right_logical3A_412 = vector.broadcast %shift_right_logical3A_411 : i32 to vector<16xi32>
        %shift_right_logical3A_413 = arith.shrui %get3A_403, %shift_right_logical3A_412 : vector<16xi32>
        %swap3A_414 = arith.constant 0 : index
        %swap3A_415 = tpu.vector_load %arg10[%swap3A_414] {strides = array<i32>} : memref<128xi32, #tpu.memory_space<vmem>>, vector<16xi32>,
        %swap3A_416 = vector.shape_cast %swap3A_415 : vector<16xi32> to vector<16xi32>
        %swap3A_417 = vector.shape_cast %shift_right_logical3A_413 : vector<16xi32> to vector<16xi32>
        tpu.vector_store %arg10[%swap3A_414], %swap3A_417 {strides = array<i32>} : memref<128xi32, #tpu.memory_space<vmem>>, vector<16xi32>,
        %mul3A_418 = arith.constant 128 : i32
        %mul3A_419 = arith.muli %add3A_396, %mul3A_418 : i32
        %add3A_420 = arith.constant 16 : i32
        %add3A_421 = arith.addi %mul3A_419, %add3A_420 : i32
        %get3A_422 = arith.index_cast %add3A_421 : i32 to index
        %get3A_423 = tpu.vector_load %arg6[%get3A_422] {strides = array<i32>} : memref<10240xi32, #tpu.memory_space<vmem>>, vector<16xi32>,
        %get3A_424 = vector.shape_cast %get3A_423 : vector<16xi32> to vector<16xi32>
        %and3A_425 = arith.constant 16383 : i32
        %and3A_426 = vector.broadcast %and3A_425 : i32 to vector<16xi32>
        %and3A_427 = arith.andi %get3A_424, %and3A_426 : vector<16xi32>
        %swap3A_428 = arith.constant 16 : index
        %swap3A_429 = tpu.vector_load %arg8[%swap3A_428] {strides = array<i32>} : memref<128xi32, #tpu.memory_space<vmem>>, vector<16xi32>,
        %swap3A_430 = vector.shape_cast %swap3A_429 : vector<16xi32> to vector<16xi32>
        %swap3A_431 = vector.shape_cast %and3A_427 : vector<16xi32> to vector<16xi32>
        tpu.vector_store %arg8[%swap3A_428], %swap3A_431 {strides = array<i32>} : memref<128xi32, #tpu.memory_space<vmem>>, vector<16xi32>,
        %shift_right_logical3A_432 = arith.constant 14 : i32
        %shift_right_logical3A_433 = vector.broadcast %shift_right_logical3A_432 : i32 to vector<16xi32>
        %shift_right_logical3A_434 = arith.shrui %get3A_424, %shift_right_logical3A_433 : vector<16xi32>
        %swap3A_435 = arith.constant 16 : index
        %swap3A_436 = tpu.vector_load %arg10[%swap3A_435] {strides = array<i32>} : memref<128xi32, #tpu.memory_space<vmem>>, vector<16xi32>,
        %swap3A_437 = vector.shape_cast %swap3A_436 : vector<16xi32> to vector<16xi32>
        %swap3A_438 = vector.shape_cast %shift_right_logical3A_434 : vector<16xi32> to vector<16xi32>
        tpu.vector_store %arg10[%swap3A_435], %swap3A_438 {strides = array<i32>} : memref<128xi32, #tpu.memory_space<vmem>>, vector<16xi32>,
        %mul3A_439 = arith.constant 128 : i32
        %mul3A_440 = arith.muli %add3A_396, %mul3A_439 : i32
        %add3A_441 = arith.constant 32 : i32
        %add3A_442 = arith.addi %mul3A_440, %add3A_441 : i32
        %get3A_443 = arith.index_cast %add3A_442 : i32 to index
        %get3A_444 = tpu.vector_load %arg6[%get3A_443] {strides = array<i32>} : memref<10240xi32, #tpu.memory_space<vmem>>, vector<16xi32>,
        %get3A_445 = vector.shape_cast %get3A_444 : vector<16xi32> to vector<16xi32>
        %and3A_446 = arith.constant 16383 : i32
        %and3A_447 = vector.broadcast %and3A_446 : i32 to vector<16xi32>
        %and3A_448 = arith.andi %get3A_445, %and3A_447 : vector<16xi32>
        %swap3A_449 = arith.constant 32 : index
        %swap3A_450 = tpu.vector_load %arg8[%swap3A_449] {strides = array<i32>} : memref<128xi32, #tpu.memory_space<vmem>>, vector<16xi32>,
        %swap3A_451 = vector.shape_cast %swap3A_450 : vector<16xi32> to vector<16xi32>
        %swap3A_452 = vector.shape_cast %and3A_448 : vector<16xi32> to vector<16xi32>
        tpu.vector_store %arg8[%swap3A_449], %swap3A_452 {strides = array<i32>} : memref<128xi32, #tpu.memory_space<vmem>>, vector<16xi32>,
        %shift_right_logical3A_453 = arith.constant 14 : i32
        %shift_right_logical3A_454 = vector.broadcast %shift_right_logical3A_453 : i32 to vector<16xi32>
        %shift_right_logical3A_455 = arith.shrui %get3A_445, %shift_right_logical3A_454 : vector<16xi32>
        %swap3A_456 = arith.constant 32 : index
        %swap3A_457 = tpu.vector_load %arg10[%swap3A_456] {strides = array<i32>} : memref<128xi32, #tpu.memory_space<vmem>>, vector<16xi32>,
        %swap3A_458 = vector.shape_cast %swap3A_457 : vector<16xi32> to vector<16xi32>
        %swap3A_459 = vector.shape_cast %shift_right_logical3A_455 : vector<16xi32> to vector<16xi32>
        tpu.vector_store %arg10[%swap3A_456], %swap3A_459 {strides = array<i32>} : memref<128xi32, #tpu.memory_space<vmem>>, vector<16xi32>,
        %mul3A_460 = arith.constant 128 : i32
        %mul3A_461 = arith.muli %add3A_396, %mul3A_460 : i32
        %add3A_462 = arith.constant 48 : i32
        %add3A_463 = arith.addi %mul3A_461, %add3A_462 : i32
        %get3A_464 = arith.index_cast %add3A_463 : i32 to index
        %get3A_465 = tpu.vector_load %arg6[%get3A_464] {strides = array<i32>} : memref<10240xi32, #tpu.memory_space<vmem>>, vector<16xi32>,
        %get3A_466 = vector.shape_cast %get3A_465 : vector<16xi32> to vector<16xi32>
        %and3A_467 = arith.constant 16383 : i32
        %and3A_468 = vector.broadcast %and3A_467 : i32 to vector<16xi32>
        %and3A_469 = arith.andi %get3A_466, %and3A_468 : vector<16xi32>
        %swap3A_470 = arith.constant 48 : index
        %swap3A_471 = tpu.vector_load %arg8[%swap3A_470] {strides = array<i32>} : memref<128xi32, #tpu.memory_space<vmem>>, vector<16xi32>,
        %swap3A_472 = vector.shape_cast %swap3A_471 : vector<16xi32> to vector<16xi32>
        %swap3A_473 = vector.shape_cast %and3A_469 : vector<16xi32> to vector<16xi32>
        tpu.vector_store %arg8[%swap3A_470], %swap3A_473 {strides = array<i32>} : memref<128xi32, #tpu.memory_space<vmem>>, vector<16xi32>,
        %shift_right_logical3A_474 = arith.constant 14 : i32
        %shift_right_logical3A_475 = vector.broadcast %shift_right_logical3A_474 : i32 to vector<16xi32>
        %shift_right_logical3A_476 = arith.shrui %get3A_466, %shift_right_logical3A_475 : vector<16xi32>
        %swap3A_477 = arith.constant 48 : index
        %swap3A_478 = tpu.vector_load %arg10[%swap3A_477] {strides = array<i32>} : memref<128xi32, #tpu.memory_space<vmem>>, vector<16xi32>,
        %swap3A_479 = vector.shape_cast %swap3A_478 : vector<16xi32> to vector<16xi32>
        %swap3A_480 = vector.shape_cast %shift_right_logical3A_476 : vector<16xi32> to vector<16xi32>
        tpu.vector_store %arg10[%swap3A_477], %swap3A_480 {strides = array<i32>} : memref<128xi32, #tpu.memory_space<vmem>>, vector<16xi32>,
        %mul3A_481 = arith.constant 128 : i32
        %mul3A_482 = arith.muli %add3A_396, %mul3A_481 : i32
        %add3A_483 = arith.constant 64 : i32
        %add3A_484 = arith.addi %mul3A_482, %add3A_483 : i32
        %get3A_485 = arith.index_cast %add3A_484 : i32 to index
        %get3A_486 = tpu.vector_load %arg6[%get3A_485] {strides = array<i32>} : memref<10240xi32, #tpu.memory_space<vmem>>, vector<16xi32>,
        %get3A_487 = vector.shape_cast %get3A_486 : vector<16xi32> to vector<16xi32>
        %and3A_488 = arith.constant 16383 : i32
        %and3A_489 = vector.broadcast %and3A_488 : i32 to vector<16xi32>
        %and3A_490 = arith.andi %get3A_487, %and3A_489 : vector<16xi32>
        %swap3A_491 = arith.constant 64 : index
        %swap3A_492 = tpu.vector_load %arg8[%swap3A_491] {strides = array<i32>} : memref<128xi32, #tpu.memory_space<vmem>>, vector<16xi32>,
        %swap3A_493 = vector.shape_cast %swap3A_492 : vector<16xi32> to vector<16xi32>
        %swap3A_494 = vector.shape_cast %and3A_490 : vector<16xi32> to vector<16xi32>
        tpu.vector_store %arg8[%swap3A_491], %swap3A_494 {strides = array<i32>} : memref<128xi32, #tpu.memory_space<vmem>>, vector<16xi32>,
        %shift_right_logical3A_495 = arith.constant 14 : i32
        %shift_right_logical3A_496 = vector.broadcast %shift_right_logical3A_495 : i32 to vector<16xi32>
        %shift_right_logical3A_497 = arith.shrui %get3A_487, %shift_right_logical3A_496 : vector<16xi32>
        %swap3A_498 = arith.constant 64 : index
        %swap3A_499 = tpu.vector_load %arg10[%swap3A_498] {strides = array<i32>} : memref<128xi32, #tpu.memory_space<vmem>>, vector<16xi32>,
        %swap3A_500 = vector.shape_cast %swap3A_499 : vector<16xi32> to vector<16xi32>
        %swap3A_501 = vector.shape_cast %shift_right_logical3A_497 : vector<16xi32> to vector<16xi32>
        tpu.vector_store %arg10[%swap3A_498], %swap3A_501 {strides = array<i32>} : memref<128xi32, #tpu.memory_space<vmem>>, vector<16xi32>,
        %mul3A_502 = arith.constant 128 : i32
        %mul3A_503 = arith.muli %add3A_396, %mul3A_502 : i32
        %add3A_504 = arith.constant 80 : i32
        %add3A_505 = arith.addi %mul3A_503, %add3A_504 : i32
        %get3A_506 = arith.index_cast %add3A_505 : i32 to index
        %get3A_507 = tpu.vector_load %arg6[%get3A_506] {strides = array<i32>} : memref<10240xi32, #tpu.memory_space<vmem>>, vector<16xi32>,
        %get3A_508 = vector.shape_cast %get3A_507 : vector<16xi32> to vector<16xi32>
        %and3A_509 = arith.constant 16383 : i32
        %and3A_510 = vector.broadcast %and3A_509 : i32 to vector<16xi32>
        %and3A_511 = arith.andi %get3A_508, %and3A_510 : vector<16xi32>
        %swap3A_512 = arith.constant 80 : index
        %swap3A_513 = tpu.vector_load %arg8[%swap3A_512] {strides = array<i32>} : memref<128xi32, #tpu.memory_space<vmem>>, vector<16xi32>,
        %swap3A_514 = vector.shape_cast %swap3A_513 : vector<16xi32> to vector<16xi32>
        %swap3A_515 = vector.shape_cast %and3A_511 : vector<16xi32> to vector<16xi32>
        tpu.vector_store %arg8[%swap3A_512], %swap3A_515 {strides = array<i32>} : memref<128xi32, #tpu.memory_space<vmem>>, vector<16xi32>,
        %shift_right_logical3A_516 = arith.constant 14 : i32
        %shift_right_logical3A_517 = vector.broadcast %shift_right_logical3A_516 : i32 to vector<16xi32>
        %shift_right_logical3A_518 = arith.shrui %get3A_508, %shift_right_logical3A_517 : vector<16xi32>
        %swap3A_519 = arith.constant 80 : index
        %swap3A_520 = tpu.vector_load %arg10[%swap3A_519] {strides = array<i32>} : memref<128xi32, #tpu.memory_space<vmem>>, vector<16xi32>,
        %swap3A_521 = vector.shape_cast %swap3A_520 : vector<16xi32> to vector<16xi32>
        %swap3A_522 = vector.shape_cast %shift_right_logical3A_518 : vector<16xi32> to vector<16xi32>
        tpu.vector_store %arg10[%swap3A_519], %swap3A_522 {strides = array<i32>} : memref<128xi32, #tpu.memory_space<vmem>>, vector<16xi32>,
        %mul3A_523 = arith.constant 128 : i32
        %mul3A_524 = arith.muli %add3A_396, %mul3A_523 : i32
        %add3A_525 = arith.constant 96 : i32
        %add3A_526 = arith.addi %mul3A_524, %add3A_525 : i32
        %get3A_527 = arith.index_cast %add3A_526 : i32 to index
        %get3A_528 = tpu.vector_load %arg6[%get3A_527] {strides = array<i32>} : memref<10240xi32, #tpu.memory_space<vmem>>, vector<16xi32>,
        %get3A_529 = vector.shape_cast %get3A_528 : vector<16xi32> to vector<16xi32>
        %and3A_530 = arith.constant 16383 : i32
        %and3A_531 = vector.broadcast %and3A_530 : i32 to vector<16xi32>
        %and3A_532 = arith.andi %get3A_529, %and3A_531 : vector<16xi32>
        %swap3A_533 = arith.constant 96 : index
        %swap3A_534 = tpu.vector_load %arg8[%swap3A_533] {strides = array<i32>} : memref<128xi32, #tpu.memory_space<vmem>>, vector<16xi32>,
        %swap3A_535 = vector.shape_cast %swap3A_534 : vector<16xi32> to vector<16xi32>
        %swap3A_536 = vector.shape_cast %and3A_532 : vector<16xi32> to vector<16xi32>
        tpu.vector_store %arg8[%swap3A_533], %swap3A_536 {strides = array<i32>} : memref<128xi32, #tpu.memory_space<vmem>>, vector<16xi32>,
        %shift_right_logical3A_537 = arith.constant 14 : i32
        %shift_right_logical3A_538 = vector.broadcast %shift_right_logical3A_537 : i32 to vector<16xi32>
        %shift_right_logical3A_539 = arith.shrui %get3A_529, %shift_right_logical3A_538 : vector<16xi32>
        %swap3A_540 = arith.constant 96 : index
        %swap3A_541 = tpu.vector_load %arg10[%swap3A_540] {strides = array<i32>} : memref<128xi32, #tpu.memory_space<vmem>>, vector<16xi32>,
        %swap3A_542 = vector.shape_cast %swap3A_541 : vector<16xi32> to vector<16xi32>
        %swap3A_543 = vector.shape_cast %shift_right_logical3A_539 : vector<16xi32> to vector<16xi32>
        tpu.vector_store %arg10[%swap3A_540], %swap3A_543 {strides = array<i32>} : memref<128xi32, #tpu.memory_space<vmem>>, vector<16xi32>,
        %mul3A_544 = arith.constant 128 : i32
        %mul3A_545 = arith.muli %add3A_396, %mul3A_544 : i32
        %add3A_546 = arith.constant 112 : i32
        %add3A_547 = arith.addi %mul3A_545, %add3A_546 : i32
        %get3A_548 = arith.index_cast %add3A_547 : i32 to index
        %get3A_549 = tpu.vector_load %arg6[%get3A_548] {strides = array<i32>} : memref<10240xi32, #tpu.memory_space<vmem>>, vector<16xi32>,
        %get3A_550 = vector.shape_cast %get3A_549 : vector<16xi32> to vector<16xi32>
        %and3A_551 = arith.constant 16383 : i32
        %and3A_552 = vector.broadcast %and3A_551 : i32 to vector<16xi32>
        %and3A_553 = arith.andi %get3A_550, %and3A_552 : vector<16xi32>
        %swap3A_554 = arith.constant 112 : index
        %swap3A_555 = tpu.vector_load %arg8[%swap3A_554] {strides = array<i32>} : memref<128xi32, #tpu.memory_space<vmem>>, vector<16xi32>,
        %swap3A_556 = vector.shape_cast %swap3A_555 : vector<16xi32> to vector<16xi32>
        %swap3A_557 = vector.shape_cast %and3A_553 : vector<16xi32> to vector<16xi32>
        tpu.vector_store %arg8[%swap3A_554], %swap3A_557 {strides = array<i32>} : memref<128xi32, #tpu.memory_space<vmem>>, vector<16xi32>,
        %shift_right_logical3A_558 = arith.constant 14 : i32
        %shift_right_logical3A_559 = vector.broadcast %shift_right_logical3A_558 : i32 to vector<16xi32>
        %shift_right_logical3A_560 = arith.shrui %get3A_550, %shift_right_logical3A_559 : vector<16xi32>
        %swap3A_561 = arith.constant 112 : index
        %swap3A_562 = tpu.vector_load %arg10[%swap3A_561] {strides = array<i32>} : memref<128xi32, #tpu.memory_space<vmem>>, vector<16xi32>,
        %swap3A_563 = vector.shape_cast %swap3A_562 : vector<16xi32> to vector<16xi32>
        %swap3A_564 = vector.shape_cast %shift_right_logical3A_560 : vector<16xi32> to vector<16xi32>
        tpu.vector_store %arg10[%swap3A_561], %swap3A_564 {strides = array<i32>} : memref<128xi32, #tpu.memory_space<vmem>>, vector<16xi32>,
        %dma_start3A_565 = arith.constant 0 : i32
        %dma_start3A_566 = arith.constant 0 : i32
        %dma_start3A_567 = tpu.memref_slice %arg2[%dma_start3A_565, %dma_start3A_566] : memref<10000x128xf32, #tpu.memory_space<hbm>> -> memref<10000x128xf32, #tpu.memory_space<hbm>>
        tpu.enqueue_indirect_dma source(%dma_start3A_567 : memref<10000x128xf32, #tpu.memory_space<hbm>>) target(%arg12 : memref<128x128xf32, #tpu.memory_space<vmem>>) offsets(%arg8 : memref<128xi32, #tpu.memory_space<vmem>>) semaphore(%arg15 : memref<!tpu.dma_semaphore, #tpu.memory_space<semaphore_mem>>)
      } else {
      }
    }
    %while3A_334 = arith.constant 1 : i32
    scf.for %while3A_371 = %while3A_332 to %while3A_328 step %while3A_334  : i32 {
      %mul3A_372 = arith.constant 2 : i32
      %mul3A_373 = arith.muli %while3A_371, %mul3A_372 : i32
      %add3A_374 = arith.constant 0 : i32
      %add3A_375 = arith.addi %mul3A_373, %add3A_374 : i32
      %dma_wait3A = arith.constant 0 : i32
      %dma_wait3A_376 = arith.constant 0 : i32
      %dma_wait3A_377 = tpu.memref_slice %arg2[%dma_wait3A, %dma_wait3A_376] : memref<10000x128xf32, #tpu.memory_space<hbm>> -> memref<10000x128xf32, #tpu.memory_space<hbm>>
      tpu.wait_indirect_dma semaphore(%arg14 : memref<!tpu.dma_semaphore, #tpu.memory_space<semaphore_mem>>) src(%dma_wait3A_377 : memref<10000x128xf32, #tpu.memory_space<hbm>>) dst(%arg11 : memref<128x128xf32, #tpu.memory_space<vmem>>)
      "tpu.region"() ({
        %run_scoped3A = tpu.sem_alloc : memref<!tpu.dma_semaphore, #tpu.memory_space<semaphore_mem>>
        %dma_start3A_395 = arith.constant 0 : i32
        %dma_start3A_396 = arith.constant 0 : i32
        %dma_start3A_397 = tpu.memref_slice %arg13[%dma_start3A_395, %dma_start3A_396] : memref<10240x128xf32, #tpu.memory_space<vmem_shared>> -> memref<10240x128xf32, #tpu.memory_space<vmem_shared>>
        tpu.enqueue_indirect_dma source(%arg11 : memref<128x128xf32, #tpu.memory_space<vmem>>) target(%dma_start3A_397 : memref<10240x128xf32, #tpu.memory_space<vmem_shared>>) offsets(%arg9 : memref<128xi32, #tpu.memory_space<vmem>>) semaphore(%run_scoped3A : memref<!tpu.dma_semaphore, #tpu.memory_space<semaphore_mem>>) {add = true}
        %dma_wait3A_398 = arith.constant 0 : i32
        %dma_wait3A_399 = arith.constant 0 : i32
        %dma_wait3A_400 = tpu.memref_slice %arg13[%dma_wait3A_398, %dma_wait3A_399] : memref<10240x128xf32, #tpu.memory_space<vmem_shared>> -> memref<10240x128xf32, #tpu.memory_space<vmem_shared>>
        tpu.wait_indirect_dma semaphore(%run_scoped3A : memref<!tpu.dma_semaphore, #tpu.memory_space<semaphore_mem>>) src(%arg11 : memref<128x128xf32, #tpu.memory_space<vmem>>) dst(%dma_wait3A_400 : memref<10240x128xf32, #tpu.memory_space<vmem_shared>>)
        tpu.yield
      }) : () -> ()
      %add3A_378 = arith.constant 2 : i32
      %add3A_379 = arith.addi %add3A_375, %add3A_378 : i32
      %lt3A_380 = arith.cmpi slt, %add3A_379, %select_n3A : i32
      %convert_element_type3A_381 = arith.extui %lt3A_380 : i1 to i32
      %cond3A_382 = arith.constant 0 : i32
      %cond3A_383 = arith.cmpi ne, %convert_element_type3A_381, %cond3A_382 : i32
      scf.if %cond3A_383 {
        %add3A_395 = arith.constant 2 : i32
        %add3A_396 = arith.addi %add3A_375, %add3A_395 : i32
        %mul3A_397 = arith.constant 128 : i32
        %mul3A_398 = arith.muli %add3A_396, %mul3A_397 : i32
        %add3A_399 = arith.constant 0 : i32
        %add3A_400 = arith.addi %mul3A_398, %add3A_399 : i32
        %get3A_401 = arith.index_cast %add3A_400 : i32 to index
        %get3A_402 = tpu.vector_load %arg6[%get3A_401] {strides = array<i32>} : memref<10240xi32, #tpu.memory_space<vmem>>, vector<16xi32>,
        %get3A_403 = vector.shape_cast %get3A_402 : vector<16xi32> to vector<16xi32>
        %and3A_404 = arith.constant 16383 : i32
        %and3A_405 = vector.broadcast %and3A_404 : i32 to vector<16xi32>
        %and3A_406 = arith.andi %get3A_403, %and3A_405 : vector<16xi32>
        %swap3A_407 = arith.constant 0 : index
        %swap3A_408 = tpu.vector_load %arg7[%swap3A_407] {strides = array<i32>} : memref<128xi32, #tpu.memory_space<vmem>>, vector<16xi32>,
        %swap3A_409 = vector.shape_cast %swap3A_408 : vector<16xi32> to vector<16xi32>
        %swap3A_410 = vector.shape_cast %and3A_406 : vector<16xi32> to vector<16xi32>
        tpu.vector_store %arg7[%swap3A_407], %swap3A_410 {strides = array<i32>} : memref<128xi32, #tpu.memory_space<vmem>>, vector<16xi32>,
        %shift_right_logical3A_411 = arith.constant 14 : i32
        %shift_right_logical3A_412 = vector.broadcast %shift_right_logical3A_411 : i32 to vector<16xi32>
        %shift_right_logical3A_413 = arith.shrui %get3A_403, %shift_right_logical3A_412 : vector<16xi32>
        %swap3A_414 = arith.constant 0 : index
        %swap3A_415 = tpu.vector_load %arg9[%swap3A_414] {strides = array<i32>} : memref<128xi32, #tpu.memory_space<vmem>>, vector<16xi32>,
        %swap3A_416 = vector.shape_cast %swap3A_415 : vector<16xi32> to vector<16xi32>
        %swap3A_417 = vector.shape_cast %shift_right_logical3A_413 : vector<16xi32> to vector<16xi32>
        tpu.vector_store %arg9[%swap3A_414], %swap3A_417 {strides = array<i32>} : memref<128xi32, #tpu.memory_space<vmem>>, vector<16xi32>,
        %mul3A_418 = arith.constant 128 : i32
        %mul3A_419 = arith.muli %add3A_396, %mul3A_418 : i32
        %add3A_420 = arith.constant 16 : i32
        %add3A_421 = arith.addi %mul3A_419, %add3A_420 : i32
        %get3A_422 = arith.index_cast %add3A_421 : i32 to index
        %get3A_423 = tpu.vector_load %arg6[%get3A_422] {strides = array<i32>} : memref<10240xi32, #tpu.memory_space<vmem>>, vector<16xi32>,
        %get3A_424 = vector.shape_cast %get3A_423 : vector<16xi32> to vector<16xi32>
        %and3A_425 = arith.constant 16383 : i32
        %and3A_426 = vector.broadcast %and3A_425 : i32 to vector<16xi32>
        %and3A_427 = arith.andi %get3A_424, %and3A_426 : vector<16xi32>
        %swap3A_428 = arith.constant 16 : index
        %swap3A_429 = tpu.vector_load %arg7[%swap3A_428] {strides = array<i32>} : memref<128xi32, #tpu.memory_space<vmem>>, vector<16xi32>,
        %swap3A_430 = vector.shape_cast %swap3A_429 : vector<16xi32> to vector<16xi32>
        %swap3A_431 = vector.shape_cast %and3A_427 : vector<16xi32> to vector<16xi32>
        tpu.vector_store %arg7[%swap3A_428], %swap3A_431 {strides = array<i32>} : memref<128xi32, #tpu.memory_space<vmem>>, vector<16xi32>,
        %shift_right_logical3A_432 = arith.constant 14 : i32
        %shift_right_logical3A_433 = vector.broadcast %shift_right_logical3A_432 : i32 to vector<16xi32>
        %shift_right_logical3A_434 = arith.shrui %get3A_424, %shift_right_logical3A_433 : vector<16xi32>
        %swap3A_435 = arith.constant 16 : index
        %swap3A_436 = tpu.vector_load %arg9[%swap3A_435] {strides = array<i32>} : memref<128xi32, #tpu.memory_space<vmem>>, vector<16xi32>,
        %swap3A_437 = vector.shape_cast %swap3A_436 : vector<16xi32> to vector<16xi32>
        %swap3A_438 = vector.shape_cast %shift_right_logical3A_434 : vector<16xi32> to vector<16xi32>
        tpu.vector_store %arg9[%swap3A_435], %swap3A_438 {strides = array<i32>} : memref<128xi32, #tpu.memory_space<vmem>>, vector<16xi32>,
        %mul3A_439 = arith.constant 128 : i32
        %mul3A_440 = arith.muli %add3A_396, %mul3A_439 : i32
        %add3A_441 = arith.constant 32 : i32
        %add3A_442 = arith.addi %mul3A_440, %add3A_441 : i32
        %get3A_443 = arith.index_cast %add3A_442 : i32 to index
        %get3A_444 = tpu.vector_load %arg6[%get3A_443] {strides = array<i32>} : memref<10240xi32, #tpu.memory_space<vmem>>, vector<16xi32>,
        %get3A_445 = vector.shape_cast %get3A_444 : vector<16xi32> to vector<16xi32>
        %and3A_446 = arith.constant 16383 : i32
        %and3A_447 = vector.broadcast %and3A_446 : i32 to vector<16xi32>
        %and3A_448 = arith.andi %get3A_445, %and3A_447 : vector<16xi32>
        %swap3A_449 = arith.constant 32 : index
        %swap3A_450 = tpu.vector_load %arg7[%swap3A_449] {strides = array<i32>} : memref<128xi32, #tpu.memory_space<vmem>>, vector<16xi32>,
        %swap3A_451 = vector.shape_cast %swap3A_450 : vector<16xi32> to vector<16xi32>
        %swap3A_452 = vector.shape_cast %and3A_448 : vector<16xi32> to vector<16xi32>
        tpu.vector_store %arg7[%swap3A_449], %swap3A_452 {strides = array<i32>} : memref<128xi32, #tpu.memory_space<vmem>>, vector<16xi32>,
        %shift_right_logical3A_453 = arith.constant 14 : i32
        %shift_right_logical3A_454 = vector.broadcast %shift_right_logical3A_453 : i32 to vector<16xi32>
        %shift_right_logical3A_455 = arith.shrui %get3A_445, %shift_right_logical3A_454 : vector<16xi32>
        %swap3A_456 = arith.constant 32 : index
        %swap3A_457 = tpu.vector_load %arg9[%swap3A_456] {strides = array<i32>} : memref<128xi32, #tpu.memory_space<vmem>>, vector<16xi32>,
        %swap3A_458 = vector.shape_cast %swap3A_457 : vector<16xi32> to vector<16xi32>
        %swap3A_459 = vector.shape_cast %shift_right_logical3A_455 : vector<16xi32> to vector<16xi32>
        tpu.vector_store %arg9[%swap3A_456], %swap3A_459 {strides = array<i32>} : memref<128xi32, #tpu.memory_space<vmem>>, vector<16xi32>,
        %mul3A_460 = arith.constant 128 : i32
        %mul3A_461 = arith.muli %add3A_396, %mul3A_460 : i32
        %add3A_462 = arith.constant 48 : i32
        %add3A_463 = arith.addi %mul3A_461, %add3A_462 : i32
        %get3A_464 = arith.index_cast %add3A_463 : i32 to index
        %get3A_465 = tpu.vector_load %arg6[%get3A_464] {strides = array<i32>} : memref<10240xi32, #tpu.memory_space<vmem>>, vector<16xi32>,
        %get3A_466 = vector.shape_cast %get3A_465 : vector<16xi32> to vector<16xi32>
        %and3A_467 = arith.constant 16383 : i32
        %and3A_468 = vector.broadcast %and3A_467 : i32 to vector<16xi32>
        %and3A_469 = arith.andi %get3A_466, %and3A_468 : vector<16xi32>
        %swap3A_470 = arith.constant 48 : index
        %swap3A_471 = tpu.vector_load %arg7[%swap3A_470] {strides = array<i32>} : memref<128xi32, #tpu.memory_space<vmem>>, vector<16xi32>,
        %swap3A_472 = vector.shape_cast %swap3A_471 : vector<16xi32> to vector<16xi32>
        %swap3A_473 = vector.shape_cast %and3A_469 : vector<16xi32> to vector<16xi32>
        tpu.vector_store %arg7[%swap3A_470], %swap3A_473 {strides = array<i32>} : memref<128xi32, #tpu.memory_space<vmem>>, vector<16xi32>,
        %shift_right_logical3A_474 = arith.constant 14 : i32
        %shift_right_logical3A_475 = vector.broadcast %shift_right_logical3A_474 : i32 to vector<16xi32>
        %shift_right_logical3A_476 = arith.shrui %get3A_466, %shift_right_logical3A_475 : vector<16xi32>
        %swap3A_477 = arith.constant 48 : index
        %swap3A_478 = tpu.vector_load %arg9[%swap3A_477] {strides = array<i32>} : memref<128xi32, #tpu.memory_space<vmem>>, vector<16xi32>,
        %swap3A_479 = vector.shape_cast %swap3A_478 : vector<16xi32> to vector<16xi32>
        %swap3A_480 = vector.shape_cast %shift_right_logical3A_476 : vector<16xi32> to vector<16xi32>
        tpu.vector_store %arg9[%swap3A_477], %swap3A_480 {strides = array<i32>} : memref<128xi32, #tpu.memory_space<vmem>>, vector<16xi32>,
        %mul3A_481 = arith.constant 128 : i32
        %mul3A_482 = arith.muli %add3A_396, %mul3A_481 : i32
        %add3A_483 = arith.constant 64 : i32
        %add3A_484 = arith.addi %mul3A_482, %add3A_483 : i32
        %get3A_485 = arith.index_cast %add3A_484 : i32 to index
        %get3A_486 = tpu.vector_load %arg6[%get3A_485] {strides = array<i32>} : memref<10240xi32, #tpu.memory_space<vmem>>, vector<16xi32>,
        %get3A_487 = vector.shape_cast %get3A_486 : vector<16xi32> to vector<16xi32>
        %and3A_488 = arith.constant 16383 : i32
        %and3A_489 = vector.broadcast %and3A_488 : i32 to vector<16xi32>
        %and3A_490 = arith.andi %get3A_487, %and3A_489 : vector<16xi32>
        %swap3A_491 = arith.constant 64 : index
        %swap3A_492 = tpu.vector_load %arg7[%swap3A_491] {strides = array<i32>} : memref<128xi32, #tpu.memory_space<vmem>>, vector<16xi32>,
        %swap3A_493 = vector.shape_cast %swap3A_492 : vector<16xi32> to vector<16xi32>
        %swap3A_494 = vector.shape_cast %and3A_490 : vector<16xi32> to vector<16xi32>
        tpu.vector_store %arg7[%swap3A_491], %swap3A_494 {strides = array<i32>} : memref<128xi32, #tpu.memory_space<vmem>>, vector<16xi32>,
        %shift_right_logical3A_495 = arith.constant 14 : i32
        %shift_right_logical3A_496 = vector.broadcast %shift_right_logical3A_495 : i32 to vector<16xi32>
        %shift_right_logical3A_497 = arith.shrui %get3A_487, %shift_right_logical3A_496 : vector<16xi32>
        %swap3A_498 = arith.constant 64 : index
        %swap3A_499 = tpu.vector_load %arg9[%swap3A_498] {strides = array<i32>} : memref<128xi32, #tpu.memory_space<vmem>>, vector<16xi32>,
        %swap3A_500 = vector.shape_cast %swap3A_499 : vector<16xi32> to vector<16xi32>
        %swap3A_501 = vector.shape_cast %shift_right_logical3A_497 : vector<16xi32> to vector<16xi32>
        tpu.vector_store %arg9[%swap3A_498], %swap3A_501 {strides = array<i32>} : memref<128xi32, #tpu.memory_space<vmem>>, vector<16xi32>,
        %mul3A_502 = arith.constant 128 : i32
        %mul3A_503 = arith.muli %add3A_396, %mul3A_502 : i32
        %add3A_504 = arith.constant 80 : i32
        %add3A_505 = arith.addi %mul3A_503, %add3A_504 : i32
        %get3A_506 = arith.index_cast %add3A_505 : i32 to index
        %get3A_507 = tpu.vector_load %arg6[%get3A_506] {strides = array<i32>} : memref<10240xi32, #tpu.memory_space<vmem>>, vector<16xi32>,
        %get3A_508 = vector.shape_cast %get3A_507 : vector<16xi32> to vector<16xi32>
        %and3A_509 = arith.constant 16383 : i32
        %and3A_510 = vector.broadcast %and3A_509 : i32 to vector<16xi32>
        %and3A_511 = arith.andi %get3A_508, %and3A_510 : vector<16xi32>
        %swap3A_512 = arith.constant 80 : index
        %swap3A_513 = tpu.vector_load %arg7[%swap3A_512] {strides = array<i32>} : memref<128xi32, #tpu.memory_space<vmem>>, vector<16xi32>,
        %swap3A_514 = vector.shape_cast %swap3A_513 : vector<16xi32> to vector<16xi32>
        %swap3A_515 = vector.shape_cast %and3A_511 : vector<16xi32> to vector<16xi32>
        tpu.vector_store %arg7[%swap3A_512], %swap3A_515 {strides = array<i32>} : memref<128xi32, #tpu.memory_space<vmem>>, vector<16xi32>,
        %shift_right_logical3A_516 = arith.constant 14 : i32
        %shift_right_logical3A_517 = vector.broadcast %shift_right_logical3A_516 : i32 to vector<16xi32>
        %shift_right_logical3A_518 = arith.shrui %get3A_508, %shift_right_logical3A_517 : vector<16xi32>
        %swap3A_519 = arith.constant 80 : index
        %swap3A_520 = tpu.vector_load %arg9[%swap3A_519] {strides = array<i32>} : memref<128xi32, #tpu.memory_space<vmem>>, vector<16xi32>,
        %swap3A_521 = vector.shape_cast %swap3A_520 : vector<16xi32> to vector<16xi32>
        %swap3A_522 = vector.shape_cast %shift_right_logical3A_518 : vector<16xi32> to vector<16xi32>
        tpu.vector_store %arg9[%swap3A_519], %swap3A_522 {strides = array<i32>} : memref<128xi32, #tpu.memory_space<vmem>>, vector<16xi32>,
        %mul3A_523 = arith.constant 128 : i32
        %mul3A_524 = arith.muli %add3A_396, %mul3A_523 : i32
        %add3A_525 = arith.constant 96 : i32
        %add3A_526 = arith.addi %mul3A_524, %add3A_525 : i32
        %get3A_527 = arith.index_cast %add3A_526 : i32 to index
        %get3A_528 = tpu.vector_load %arg6[%get3A_527] {strides = array<i32>} : memref<10240xi32, #tpu.memory_space<vmem>>, vector<16xi32>,
        %get3A_529 = vector.shape_cast %get3A_528 : vector<16xi32> to vector<16xi32>
        %and3A_530 = arith.constant 16383 : i32
        %and3A_531 = vector.broadcast %and3A_530 : i32 to vector<16xi32>
        %and3A_532 = arith.andi %get3A_529, %and3A_531 : vector<16xi32>
        %swap3A_533 = arith.constant 96 : index
        %swap3A_534 = tpu.vector_load %arg7[%swap3A_533] {strides = array<i32>} : memref<128xi32, #tpu.memory_space<vmem>>, vector<16xi32>,
        %swap3A_535 = vector.shape_cast %swap3A_534 : vector<16xi32> to vector<16xi32>
        %swap3A_536 = vector.shape_cast %and3A_532 : vector<16xi32> to vector<16xi32>
        tpu.vector_store %arg7[%swap3A_533], %swap3A_536 {strides = array<i32>} : memref<128xi32, #tpu.memory_space<vmem>>, vector<16xi32>,
        %shift_right_logical3A_537 = arith.constant 14 : i32
        %shift_right_logical3A_538 = vector.broadcast %shift_right_logical3A_537 : i32 to vector<16xi32>
        %shift_right_logical3A_539 = arith.shrui %get3A_529, %shift_right_logical3A_538 : vector<16xi32>
        %swap3A_540 = arith.constant 96 : index
        %swap3A_541 = tpu.vector_load %arg9[%swap3A_540] {strides = array<i32>} : memref<128xi32, #tpu.memory_space<vmem>>, vector<16xi32>,
        %swap3A_542 = vector.shape_cast %swap3A_541 : vector<16xi32> to vector<16xi32>
        %swap3A_543 = vector.shape_cast %shift_right_logical3A_539 : vector<16xi32> to vector<16xi32>
        tpu.vector_store %arg9[%swap3A_540], %swap3A_543 {strides = array<i32>} : memref<128xi32, #tpu.memory_space<vmem>>, vector<16xi32>,
        %mul3A_544 = arith.constant 128 : i32
        %mul3A_545 = arith.muli %add3A_396, %mul3A_544 : i32
        %add3A_546 = arith.constant 112 : i32
        %add3A_547 = arith.addi %mul3A_545, %add3A_546 : i32
        %get3A_548 = arith.index_cast %add3A_547 : i32 to index
        %get3A_549 = tpu.vector_load %arg6[%get3A_548] {strides = array<i32>} : memref<10240xi32, #tpu.memory_space<vmem>>, vector<16xi32>,
        %get3A_550 = vector.shape_cast %get3A_549 : vector<16xi32> to vector<16xi32>
        %and3A_551 = arith.constant 16383 : i32
        %and3A_552 = vector.broadcast %and3A_551 : i32 to vector<16xi32>
        %and3A_553 = arith.andi %get3A_550, %and3A_552 : vector<16xi32>
        %swap3A_554 = arith.constant 112 : index
        %swap3A_555 = tpu.vector_load %arg7[%swap3A_554] {strides = array<i32>} : memref<128xi32, #tpu.memory_space<vmem>>, vector<16xi32>,
        %swap3A_556 = vector.shape_cast %swap3A_555 : vector<16xi32> to vector<16xi32>
        %swap3A_557 = vector.shape_cast %and3A_553 : vector<16xi32> to vector<16xi32>
        tpu.vector_store %arg7[%swap3A_554], %swap3A_557 {strides = array<i32>} : memref<128xi32, #tpu.memory_space<vmem>>, vector<16xi32>,
        %shift_right_logical3A_558 = arith.constant 14 : i32
        %shift_right_logical3A_559 = vector.broadcast %shift_right_logical3A_558 : i32 to vector<16xi32>
        %shift_right_logical3A_560 = arith.shrui %get3A_550, %shift_right_logical3A_559 : vector<16xi32>
        %swap3A_561 = arith.constant 112 : index
        %swap3A_562 = tpu.vector_load %arg9[%swap3A_561] {strides = array<i32>} : memref<128xi32, #tpu.memory_space<vmem>>, vector<16xi32>,
        %swap3A_563 = vector.shape_cast %swap3A_562 : vector<16xi32> to vector<16xi32>
        %swap3A_564 = vector.shape_cast %shift_right_logical3A_560 : vector<16xi32> to vector<16xi32>
        tpu.vector_store %arg9[%swap3A_561], %swap3A_564 {strides = array<i32>} : memref<128xi32, #tpu.memory_space<vmem>>, vector<16xi32>,
        %dma_start3A_565 = arith.constant 0 : i32
        %dma_start3A_566 = arith.constant 0 : i32
        %dma_start3A_567 = tpu.memref_slice %arg2[%dma_start3A_565, %dma_start3A_566] : memref<10000x128xf32, #tpu.memory_space<hbm>> -> memref<10000x128xf32, #tpu.memory_space<hbm>>
        tpu.enqueue_indirect_dma source(%dma_start3A_567 : memref<10000x128xf32, #tpu.memory_space<hbm>>) target(%arg11 : memref<128x128xf32, #tpu.memory_space<vmem>>) offsets(%arg7 : memref<128xi32, #tpu.memory_space<vmem>>) semaphore(%arg14 : memref<!tpu.dma_semaphore, #tpu.memory_space<semaphore_mem>>)
      } else {
      }
      %add3A_384 = arith.constant 1 : i32
      %add3A_385 = arith.addi %mul3A_373, %add3A_384 : i32
      %dma_wait3A_386 = arith.constant 0 : i32
      %dma_wait3A_387 = arith.constant 0 : i32
      %dma_wait3A_388 = tpu.memref_slice %arg2[%dma_wait3A_386, %dma_wait3A_387] : memref<10000x128xf32, #tpu.memory_space<hbm>> -> memref<10000x128xf32, #tpu.memory_space<hbm>>
      tpu.wait_indirect_dma semaphore(%arg15 : memref<!tpu.dma_semaphore, #tpu.memory_space<semaphore_mem>>) src(%dma_wait3A_388 : memref<10000x128xf32, #tpu.memory_space<hbm>>) dst(%arg12 : memref<128x128xf32, #tpu.memory_space<vmem>>)
      "tpu.region"() ({
        %run_scoped3A = tpu.sem_alloc : memref<!tpu.dma_semaphore, #tpu.memory_space<semaphore_mem>>
        %dma_start3A_395 = arith.constant 0 : i32
        %dma_start3A_396 = arith.constant 0 : i32
        %dma_start3A_397 = tpu.memref_slice %arg13[%dma_start3A_395, %dma_start3A_396] : memref<10240x128xf32, #tpu.memory_space<vmem_shared>> -> memref<10240x128xf32, #tpu.memory_space<vmem_shared>>
        tpu.enqueue_indirect_dma source(%arg12 : memref<128x128xf32, #tpu.memory_space<vmem>>) target(%dma_start3A_397 : memref<10240x128xf32, #tpu.memory_space<vmem_shared>>) offsets(%arg10 : memref<128xi32, #tpu.memory_space<vmem>>) semaphore(%run_scoped3A : memref<!tpu.dma_semaphore, #tpu.memory_space<semaphore_mem>>) {add = true}
        %dma_wait3A_398 = arith.constant 0 : i32
        %dma_wait3A_399 = arith.constant 0 : i32
        %dma_wait3A_400 = tpu.memref_slice %arg13[%dma_wait3A_398, %dma_wait3A_399] : memref<10240x128xf32, #tpu.memory_space<vmem_shared>> -> memref<10240x128xf32, #tpu.memory_space<vmem_shared>>
        tpu.wait_indirect_dma semaphore(%run_scoped3A : memref<!tpu.dma_semaphore, #tpu.memory_space<semaphore_mem>>) src(%arg12 : memref<128x128xf32, #tpu.memory_space<vmem>>) dst(%dma_wait3A_400 : memref<10240x128xf32, #tpu.memory_space<vmem_shared>>)
        tpu.yield
      }) : () -> ()
      %add3A_389 = arith.constant 2 : i32
      %add3A_390 = arith.addi %add3A_385, %add3A_389 : i32
      %lt3A_391 = arith.cmpi slt, %add3A_390, %select_n3A : i32
      %convert_element_type3A_392 = arith.extui %lt3A_391 : i1 to i32
      %cond3A_393 = arith.constant 0 : i32
      %cond3A_394 = arith.cmpi ne, %convert_element_type3A_392, %cond3A_393 : i32
      scf.if %cond3A_394 {
        %add3A_395 = arith.constant 2 : i32
        %add3A_396 = arith.addi %add3A_385, %add3A_395 : i32
        %mul3A_397 = arith.constant 128 : i32
        %mul3A_398 = arith.muli %add3A_396, %mul3A_397 : i32
        %add3A_399 = arith.constant 0 : i32
        %add3A_400 = arith.addi %mul3A_398, %add3A_399 : i32
        %get3A_401 = arith.index_cast %add3A_400 : i32 to index
        %get3A_402 = tpu.vector_load %arg6[%get3A_401] {strides = array<i32>} : memref<10240xi32, #tpu.memory_space<vmem>>, vector<16xi32>,
        %get3A_403 = vector.shape_cast %get3A_402 : vector<16xi32> to vector<16xi32>
        %and3A_404 = arith.constant 16383 : i32
        %and3A_405 = vector.broadcast %and3A_404 : i32 to vector<16xi32>
        %and3A_406 = arith.andi %get3A_403, %and3A_405 : vector<16xi32>
        %swap3A_407 = arith.constant 0 : index
        %swap3A_408 = tpu.vector_load %arg8[%swap3A_407] {strides = array<i32>} : memref<128xi32, #tpu.memory_space<vmem>>, vector<16xi32>,
        %swap3A_409 = vector.shape_cast %swap3A_408 : vector<16xi32> to vector<16xi32>
        %swap3A_410 = vector.shape_cast %and3A_406 : vector<16xi32> to vector<16xi32>
        tpu.vector_store %arg8[%swap3A_407], %swap3A_410 {strides = array<i32>} : memref<128xi32, #tpu.memory_space<vmem>>, vector<16xi32>,
        %shift_right_logical3A_411 = arith.constant 14 : i32
        %shift_right_logical3A_412 = vector.broadcast %shift_right_logical3A_411 : i32 to vector<16xi32>
        %shift_right_logical3A_413 = arith.shrui %get3A_403, %shift_right_logical3A_412 : vector<16xi32>
        %swap3A_414 = arith.constant 0 : index
        %swap3A_415 = tpu.vector_load %arg10[%swap3A_414] {strides = array<i32>} : memref<128xi32, #tpu.memory_space<vmem>>, vector<16xi32>,
        %swap3A_416 = vector.shape_cast %swap3A_415 : vector<16xi32> to vector<16xi32>
        %swap3A_417 = vector.shape_cast %shift_right_logical3A_413 : vector<16xi32> to vector<16xi32>
        tpu.vector_store %arg10[%swap3A_414], %swap3A_417 {strides = array<i32>} : memref<128xi32, #tpu.memory_space<vmem>>, vector<16xi32>,
        %mul3A_418 = arith.constant 128 : i32
        %mul3A_419 = arith.muli %add3A_396, %mul3A_418 : i32
        %add3A_420 = arith.constant 16 : i32
        %add3A_421 = arith.addi %mul3A_419, %add3A_420 : i32
        %get3A_422 = arith.index_cast %add3A_421 : i32 to index
        %get3A_423 = tpu.vector_load %arg6[%get3A_422] {strides = array<i32>} : memref<10240xi32, #tpu.memory_space<vmem>>, vector<16xi32>,
        %get3A_424 = vector.shape_cast %get3A_423 : vector<16xi32> to vector<16xi32>
        %and3A_425 = arith.constant 16383 : i32
        %and3A_426 = vector.broadcast %and3A_425 : i32 to vector<16xi32>
        %and3A_427 = arith.andi %get3A_424, %and3A_426 : vector<16xi32>
        %swap3A_428 = arith.constant 16 : index
        %swap3A_429 = tpu.vector_load %arg8[%swap3A_428] {strides = array<i32>} : memref<128xi32, #tpu.memory_space<vmem>>, vector<16xi32>,
        %swap3A_430 = vector.shape_cast %swap3A_429 : vector<16xi32> to vector<16xi32>
        %swap3A_431 = vector.shape_cast %and3A_427 : vector<16xi32> to vector<16xi32>
        tpu.vector_store %arg8[%swap3A_428], %swap3A_431 {strides = array<i32>} : memref<128xi32, #tpu.memory_space<vmem>>, vector<16xi32>,
        %shift_right_logical3A_432 = arith.constant 14 : i32
        %shift_right_logical3A_433 = vector.broadcast %shift_right_logical3A_432 : i32 to vector<16xi32>
        %shift_right_logical3A_434 = arith.shrui %get3A_424, %shift_right_logical3A_433 : vector<16xi32>
        %swap3A_435 = arith.constant 16 : index
        %swap3A_436 = tpu.vector_load %arg10[%swap3A_435] {strides = array<i32>} : memref<128xi32, #tpu.memory_space<vmem>>, vector<16xi32>,
        %swap3A_437 = vector.shape_cast %swap3A_436 : vector<16xi32> to vector<16xi32>
        %swap3A_438 = vector.shape_cast %shift_right_logical3A_434 : vector<16xi32> to vector<16xi32>
        tpu.vector_store %arg10[%swap3A_435], %swap3A_438 {strides = array<i32>} : memref<128xi32, #tpu.memory_space<vmem>>, vector<16xi32>,
        %mul3A_439 = arith.constant 128 : i32
        %mul3A_440 = arith.muli %add3A_396, %mul3A_439 : i32
        %add3A_441 = arith.constant 32 : i32
        %add3A_442 = arith.addi %mul3A_440, %add3A_441 : i32
        %get3A_443 = arith.index_cast %add3A_442 : i32 to index
        %get3A_444 = tpu.vector_load %arg6[%get3A_443] {strides = array<i32>} : memref<10240xi32, #tpu.memory_space<vmem>>, vector<16xi32>,
        %get3A_445 = vector.shape_cast %get3A_444 : vector<16xi32> to vector<16xi32>
        %and3A_446 = arith.constant 16383 : i32
        %and3A_447 = vector.broadcast %and3A_446 : i32 to vector<16xi32>
        %and3A_448 = arith.andi %get3A_445, %and3A_447 : vector<16xi32>
        %swap3A_449 = arith.constant 32 : index
        %swap3A_450 = tpu.vector_load %arg8[%swap3A_449] {strides = array<i32>} : memref<128xi32, #tpu.memory_space<vmem>>, vector<16xi32>,
        %swap3A_451 = vector.shape_cast %swap3A_450 : vector<16xi32> to vector<16xi32>
        %swap3A_452 = vector.shape_cast %and3A_448 : vector<16xi32> to vector<16xi32>
        tpu.vector_store %arg8[%swap3A_449], %swap3A_452 {strides = array<i32>} : memref<128xi32, #tpu.memory_space<vmem>>, vector<16xi32>,
        %shift_right_logical3A_453 = arith.constant 14 : i32
        %shift_right_logical3A_454 = vector.broadcast %shift_right_logical3A_453 : i32 to vector<16xi32>
        %shift_right_logical3A_455 = arith.shrui %get3A_445, %shift_right_logical3A_454 : vector<16xi32>
        %swap3A_456 = arith.constant 32 : index
        %swap3A_457 = tpu.vector_load %arg10[%swap3A_456] {strides = array<i32>} : memref<128xi32, #tpu.memory_space<vmem>>, vector<16xi32>,
        %swap3A_458 = vector.shape_cast %swap3A_457 : vector<16xi32> to vector<16xi32>
        %swap3A_459 = vector.shape_cast %shift_right_logical3A_455 : vector<16xi32> to vector<16xi32>
        tpu.vector_store %arg10[%swap3A_456], %swap3A_459 {strides = array<i32>} : memref<128xi32, #tpu.memory_space<vmem>>, vector<16xi32>,
        %mul3A_460 = arith.constant 128 : i32
        %mul3A_461 = arith.muli %add3A_396, %mul3A_460 : i32
        %add3A_462 = arith.constant 48 : i32
        %add3A_463 = arith.addi %mul3A_461, %add3A_462 : i32
        %get3A_464 = arith.index_cast %add3A_463 : i32 to index
        %get3A_465 = tpu.vector_load %arg6[%get3A_464] {strides = array<i32>} : memref<10240xi32, #tpu.memory_space<vmem>>, vector<16xi32>,
        %get3A_466 = vector.shape_cast %get3A_465 : vector<16xi32> to vector<16xi32>
        %and3A_467 = arith.constant 16383 : i32
        %and3A_468 = vector.broadcast %and3A_467 : i32 to vector<16xi32>
        %and3A_469 = arith.andi %get3A_466, %and3A_468 : vector<16xi32>
        %swap3A_470 = arith.constant 48 : index
        %swap3A_471 = tpu.vector_load %arg8[%swap3A_470] {strides = array<i32>} : memref<128xi32, #tpu.memory_space<vmem>>, vector<16xi32>,
        %swap3A_472 = vector.shape_cast %swap3A_471 : vector<16xi32> to vector<16xi32>
        %swap3A_473 = vector.shape_cast %and3A_469 : vector<16xi32> to vector<16xi32>
        tpu.vector_store %arg8[%swap3A_470], %swap3A_473 {strides = array<i32>} : memref<128xi32, #tpu.memory_space<vmem>>, vector<16xi32>,
        %shift_right_logical3A_474 = arith.constant 14 : i32
        %shift_right_logical3A_475 = vector.broadcast %shift_right_logical3A_474 : i32 to vector<16xi32>
        %shift_right_logical3A_476 = arith.shrui %get3A_466, %shift_right_logical3A_475 : vector<16xi32>
        %swap3A_477 = arith.constant 48 : index
        %swap3A_478 = tpu.vector_load %arg10[%swap3A_477] {strides = array<i32>} : memref<128xi32, #tpu.memory_space<vmem>>, vector<16xi32>,
        %swap3A_479 = vector.shape_cast %swap3A_478 : vector<16xi32> to vector<16xi32>
        %swap3A_480 = vector.shape_cast %shift_right_logical3A_476 : vector<16xi32> to vector<16xi32>
        tpu.vector_store %arg10[%swap3A_477], %swap3A_480 {strides = array<i32>} : memref<128xi32, #tpu.memory_space<vmem>>, vector<16xi32>,
        %mul3A_481 = arith.constant 128 : i32
        %mul3A_482 = arith.muli %add3A_396, %mul3A_481 : i32
        %add3A_483 = arith.constant 64 : i32
        %add3A_484 = arith.addi %mul3A_482, %add3A_483 : i32
        %get3A_485 = arith.index_cast %add3A_484 : i32 to index
        %get3A_486 = tpu.vector_load %arg6[%get3A_485] {strides = array<i32>} : memref<10240xi32, #tpu.memory_space<vmem>>, vector<16xi32>,
        %get3A_487 = vector.shape_cast %get3A_486 : vector<16xi32> to vector<16xi32>
        %and3A_488 = arith.constant 16383 : i32
        %and3A_489 = vector.broadcast %and3A_488 : i32 to vector<16xi32>
        %and3A_490 = arith.andi %get3A_487, %and3A_489 : vector<16xi32>
        %swap3A_491 = arith.constant 64 : index
        %swap3A_492 = tpu.vector_load %arg8[%swap3A_491] {strides = array<i32>} : memref<128xi32, #tpu.memory_space<vmem>>, vector<16xi32>,
        %swap3A_493 = vector.shape_cast %swap3A_492 : vector<16xi32> to vector<16xi32>
        %swap3A_494 = vector.shape_cast %and3A_490 : vector<16xi32> to vector<16xi32>
        tpu.vector_store %arg8[%swap3A_491], %swap3A_494 {strides = array<i32>} : memref<128xi32, #tpu.memory_space<vmem>>, vector<16xi32>,
        %shift_right_logical3A_495 = arith.constant 14 : i32
        %shift_right_logical3A_496 = vector.broadcast %shift_right_logical3A_495 : i32 to vector<16xi32>
        %shift_right_logical3A_497 = arith.shrui %get3A_487, %shift_right_logical3A_496 : vector<16xi32>
        %swap3A_498 = arith.constant 64 : index
        %swap3A_499 = tpu.vector_load %arg10[%swap3A_498] {strides = array<i32>} : memref<128xi32, #tpu.memory_space<vmem>>, vector<16xi32>,
        %swap3A_500 = vector.shape_cast %swap3A_499 : vector<16xi32> to vector<16xi32>
        %swap3A_501 = vector.shape_cast %shift_right_logical3A_497 : vector<16xi32> to vector<16xi32>
        tpu.vector_store %arg10[%swap3A_498], %swap3A_501 {strides = array<i32>} : memref<128xi32, #tpu.memory_space<vmem>>, vector<16xi32>,
        %mul3A_502 = arith.constant 128 : i32
        %mul3A_503 = arith.muli %add3A_396, %mul3A_502 : i32
        %add3A_504 = arith.constant 80 : i32
        %add3A_505 = arith.addi %mul3A_503, %add3A_504 : i32
        %get3A_506 = arith.index_cast %add3A_505 : i32 to index
        %get3A_507 = tpu.vector_load %arg6[%get3A_506] {strides = array<i32>} : memref<10240xi32, #tpu.memory_space<vmem>>, vector<16xi32>,
        %get3A_508 = vector.shape_cast %get3A_507 : vector<16xi32> to vector<16xi32>
        %and3A_509 = arith.constant 16383 : i32
        %and3A_510 = vector.broadcast %and3A_509 : i32 to vector<16xi32>
        %and3A_511 = arith.andi %get3A_508, %and3A_510 : vector<16xi32>
        %swap3A_512 = arith.constant 80 : index
        %swap3A_513 = tpu.vector_load %arg8[%swap3A_512] {strides = array<i32>} : memref<128xi32, #tpu.memory_space<vmem>>, vector<16xi32>,
        %swap3A_514 = vector.shape_cast %swap3A_513 : vector<16xi32> to vector<16xi32>
        %swap3A_515 = vector.shape_cast %and3A_511 : vector<16xi32> to vector<16xi32>
        tpu.vector_store %arg8[%swap3A_512], %swap3A_515 {strides = array<i32>} : memref<128xi32, #tpu.memory_space<vmem>>, vector<16xi32>,
        %shift_right_logical3A_516 = arith.constant 14 : i32
        %shift_right_logical3A_517 = vector.broadcast %shift_right_logical3A_516 : i32 to vector<16xi32>
        %shift_right_logical3A_518 = arith.shrui %get3A_508, %shift_right_logical3A_517 : vector<16xi32>
        %swap3A_519 = arith.constant 80 : index
        %swap3A_520 = tpu.vector_load %arg10[%swap3A_519] {strides = array<i32>} : memref<128xi32, #tpu.memory_space<vmem>>, vector<16xi32>,
        %swap3A_521 = vector.shape_cast %swap3A_520 : vector<16xi32> to vector<16xi32>
        %swap3A_522 = vector.shape_cast %shift_right_logical3A_518 : vector<16xi32> to vector<16xi32>
        tpu.vector_store %arg10[%swap3A_519], %swap3A_522 {strides = array<i32>} : memref<128xi32, #tpu.memory_space<vmem>>, vector<16xi32>,
        %mul3A_523 = arith.constant 128 : i32
        %mul3A_524 = arith.muli %add3A_396, %mul3A_523 : i32
        %add3A_525 = arith.constant 96 : i32
        %add3A_526 = arith.addi %mul3A_524, %add3A_525 : i32
        %get3A_527 = arith.index_cast %add3A_526 : i32 to index
        %get3A_528 = tpu.vector_load %arg6[%get3A_527] {strides = array<i32>} : memref<10240xi32, #tpu.memory_space<vmem>>, vector<16xi32>,
        %get3A_529 = vector.shape_cast %get3A_528 : vector<16xi32> to vector<16xi32>
        %and3A_530 = arith.constant 16383 : i32
        %and3A_531 = vector.broadcast %and3A_530 : i32 to vector<16xi32>
        %and3A_532 = arith.andi %get3A_529, %and3A_531 : vector<16xi32>
        %swap3A_533 = arith.constant 96 : index
        %swap3A_534 = tpu.vector_load %arg8[%swap3A_533] {strides = array<i32>} : memref<128xi32, #tpu.memory_space<vmem>>, vector<16xi32>,
        %swap3A_535 = vector.shape_cast %swap3A_534 : vector<16xi32> to vector<16xi32>
        %swap3A_536 = vector.shape_cast %and3A_532 : vector<16xi32> to vector<16xi32>
        tpu.vector_store %arg8[%swap3A_533], %swap3A_536 {strides = array<i32>} : memref<128xi32, #tpu.memory_space<vmem>>, vector<16xi32>,
        %shift_right_logical3A_537 = arith.constant 14 : i32
        %shift_right_logical3A_538 = vector.broadcast %shift_right_logical3A_537 : i32 to vector<16xi32>
        %shift_right_logical3A_539 = arith.shrui %get3A_529, %shift_right_logical3A_538 : vector<16xi32>
        %swap3A_540 = arith.constant 96 : index
        %swap3A_541 = tpu.vector_load %arg10[%swap3A_540] {strides = array<i32>} : memref<128xi32, #tpu.memory_space<vmem>>, vector<16xi32>,
        %swap3A_542 = vector.shape_cast %swap3A_541 : vector<16xi32> to vector<16xi32>
        %swap3A_543 = vector.shape_cast %shift_right_logical3A_539 : vector<16xi32> to vector<16xi32>
        tpu.vector_store %arg10[%swap3A_540], %swap3A_543 {strides = array<i32>} : memref<128xi32, #tpu.memory_space<vmem>>, vector<16xi32>,
        %mul3A_544 = arith.constant 128 : i32
        %mul3A_545 = arith.muli %add3A_396, %mul3A_544 : i32
        %add3A_546 = arith.constant 112 : i32
        %add3A_547 = arith.addi %mul3A_545, %add3A_546 : i32
        %get3A_548 = arith.index_cast %add3A_547 : i32 to index
        %get3A_549 = tpu.vector_load %arg6[%get3A_548] {strides = array<i32>} : memref<10240xi32, #tpu.memory_space<vmem>>, vector<16xi32>,
        %get3A_550 = vector.shape_cast %get3A_549 : vector<16xi32> to vector<16xi32>
        %and3A_551 = arith.constant 16383 : i32
        %and3A_552 = vector.broadcast %and3A_551 : i32 to vector<16xi32>
        %and3A_553 = arith.andi %get3A_550, %and3A_552 : vector<16xi32>
        %swap3A_554 = arith.constant 112 : index
        %swap3A_555 = tpu.vector_load %arg8[%swap3A_554] {strides = array<i32>} : memref<128xi32, #tpu.memory_space<vmem>>, vector<16xi32>,
        %swap3A_556 = vector.shape_cast %swap3A_555 : vector<16xi32> to vector<16xi32>
        %swap3A_557 = vector.shape_cast %and3A_553 : vector<16xi32> to vector<16xi32>
        tpu.vector_store %arg8[%swap3A_554], %swap3A_557 {strides = array<i32>} : memref<128xi32, #tpu.memory_space<vmem>>, vector<16xi32>,
        %shift_right_logical3A_558 = arith.constant 14 : i32
        %shift_right_logical3A_559 = vector.broadcast %shift_right_logical3A_558 : i32 to vector<16xi32>
        %shift_right_logical3A_560 = arith.shrui %get3A_550, %shift_right_logical3A_559 : vector<16xi32>
        %swap3A_561 = arith.constant 112 : index
        %swap3A_562 = tpu.vector_load %arg10[%swap3A_561] {strides = array<i32>} : memref<128xi32, #tpu.memory_space<vmem>>, vector<16xi32>,
        %swap3A_563 = vector.shape_cast %swap3A_562 : vector<16xi32> to vector<16xi32>
        %swap3A_564 = vector.shape_cast %shift_right_logical3A_560 : vector<16xi32> to vector<16xi32>
        tpu.vector_store %arg10[%swap3A_561], %swap3A_564 {strides = array<i32>} : memref<128xi32, #tpu.memory_space<vmem>>, vector<16xi32>,
        %dma_start3A_565 = arith.constant 0 : i32
        %dma_start3A_566 = arith.constant 0 : i32
        %dma_start3A_567 = tpu.memref_slice %arg2[%dma_start3A_565, %dma_start3A_566] : memref<10000x128xf32, #tpu.memory_space<hbm>> -> memref<10000x128xf32, #tpu.memory_space<hbm>>
        tpu.enqueue_indirect_dma source(%dma_start3A_567 : memref<10000x128xf32, #tpu.memory_space<hbm>>) target(%arg12 : memref<128x128xf32, #tpu.memory_space<vmem>>) offsets(%arg8 : memref<128xi32, #tpu.memory_space<vmem>>) semaphore(%arg15 : memref<!tpu.dma_semaphore, #tpu.memory_space<semaphore_mem>>)
      } else {
      }
    }
    %barrier3A_335 = arith.constant 0 : index
    tpu.barrier barrier_id(%barrier3A_335)
    %eq3A_336 = arith.constant 15 : i32
    %eq3A_337 = arith.cmpi eq, %arg1, %eq3A_336 : i32
    %jit3A_338 = arith.constant 520 : i32
    %jit3A_339 = arith.constant 632 : i32
    %select_n3A_340 = arith.select %eq3A_337, %jit3A_338, %jit3A_339 : i32
    %mul3A_341 = arith.constant 632 : i32
    %mul3A_342 = arith.muli %arg1, %mul3A_341 : i32
    %sub3A_343 = arith.constant 128 : i32
    %sub3A_344 = arith.subi %select_n3A_340, %sub3A_343 : i32
    %min3A = arith.constant 0 : i32
    %min3A_345 = arith.minsi %min3A, %sub3A_344 : i32
    %add3A_346 = arith.addi %mul3A_342, %min3A_345 : i32
    %multiple_of3A = tpu.assume_multiple %add3A_346, 8 : i32
    "tpu.region"() ({
      %run_scoped3A = tpu.sem_alloc : memref<!tpu.dma_semaphore, #tpu.memory_space<semaphore_mem>>
      %dma_start3A_371 = arith.constant 0 : i32
      %dma_start3A_372 = tpu.memref_slice %arg13[%multiple_of3A, %dma_start3A_371] : memref<10240x128xf32, #tpu.memory_space<vmem_shared>> -> memref<128x128xf32, #tpu.memory_space<vmem_shared>>
      %dma_start3A_373 = arith.constant 0 : i32
      %dma_start3A_374 = tpu.memref_slice %arg13[%multiple_of3A, %dma_start3A_373] : memref<10240x128xf32, #tpu.memory_space<vmem_shared>> -> memref<128x128xf32, #tpu.memory_space<vmem_shared>>
      tpu.enqueue_dma source(%dma_start3A_374 : memref<128x128xf32, #tpu.memory_space<vmem_shared>>) target(%arg11 : memref<128x128xf32, #tpu.memory_space<vmem>>) target_semaphore(%run_scoped3A : memref<!tpu.dma_semaphore, #tpu.memory_space<semaphore_mem>>)
      %dma_wait3A = arith.constant 0 : i32
      %dma_wait3A_375 = tpu.memref_slice %arg13[%multiple_of3A, %dma_wait3A] : memref<10240x128xf32, #tpu.memory_space<vmem_shared>> -> memref<128x128xf32, #tpu.memory_space<vmem_shared>>
      %dma_wait3A_376 = arith.constant 0 : i32
      %dma_wait3A_377 = tpu.memref_slice %arg13[%multiple_of3A, %dma_wait3A_376] : memref<10240x128xf32, #tpu.memory_space<vmem_shared>> -> memref<128x128xf32, #tpu.memory_space<vmem_shared>>
      tpu.wait_dma2 semaphore(%run_scoped3A : memref<!tpu.dma_semaphore, #tpu.memory_space<semaphore_mem>>) src(%dma_wait3A_377 : memref<128x128xf32, #tpu.memory_space<vmem_shared>>) dst(%arg11 : memref<128x128xf32, #tpu.memory_space<vmem>>)
      tpu.yield
    }) : () -> ()
    "tpu.region"() ({
      %run_scoped3A = tpu.sem_alloc : memref<!tpu.dma_semaphore, #tpu.memory_space<semaphore_mem>>
      %dma_start3A_371 = arith.constant 0 : i32
      %dma_start3A_372 = tpu.memref_slice %arg5[%arg0, %multiple_of3A, %dma_start3A_371] : memref<2x10000x128xf32, #tpu.memory_space<hbm>> -> memref<1x128x128xf32, #tpu.memory_space<hbm>>
      %dma_start3A_373 = tpu.memref_squeeze %dma_start3A_372 : memref<1x128x128xf32, #tpu.memory_space<hbm>> -> memref<128x128xf32, #tpu.memory_space<hbm>>
      %dma_start3A_374 = arith.constant 0 : i32
      %dma_start3A_375 = tpu.memref_slice %arg5[%arg0, %multiple_of3A, %dma_start3A_374] : memref<2x10000x128xf32, #tpu.memory_space<hbm>> -> memref<1x128x128xf32, #tpu.memory_space<hbm>>
      %dma_start3A_376 = tpu.memref_squeeze %dma_start3A_375 : memref<1x128x128xf32, #tpu.memory_space<hbm>> -> memref<128x128xf32, #tpu.memory_space<hbm>>
      tpu.enqueue_dma source(%arg11 : memref<128x128xf32, #tpu.memory_space<vmem>>) target(%dma_start3A_376 : memref<128x128xf32, #tpu.memory_space<hbm>>) target_semaphore(%run_scoped3A : memref<!tpu.dma_semaphore, #tpu.memory_space<semaphore_mem>>)
      %dma_wait3A = arith.constant 0 : i32
      %dma_wait3A_377 = tpu.memref_slice %arg5[%arg0, %multiple_of3A, %dma_wait3A] : memref<2x10000x128xf32, #tpu.memory_space<hbm>> -> memref<1x128x128xf32, #tpu.memory_space<hbm>>
      %dma_wait3A_378 = tpu.memref_squeeze %dma_wait3A_377 : memref<1x128x128xf32, #tpu.memory_space<hbm>> -> memref<128x128xf32, #tpu.memory_space<hbm>>
      %dma_wait3A_379 = arith.constant 0 : i32
      %dma_wait3A_380 = tpu.memref_slice %arg5[%arg0, %multiple_of3A, %dma_wait3A_379] : memref<2x10000x128xf32, #tpu.memory_space<hbm>> -> memref<1x128x128xf32, #tpu.memory_space<hbm>>
      %dma_wait3A_381 = tpu.memref_squeeze %dma_wait3A_380 : memref<1x128x128xf32, #tpu.memory_space<hbm>> -> memref<128x128xf32, #tpu.memory_space<hbm>>
      tpu.wait_dma2 semaphore(%run_scoped3A : memref<!tpu.dma_semaphore, #tpu.memory_space<semaphore_mem>>) src(%arg11 : memref<128x128xf32, #tpu.memory_space<vmem>>) dst(%dma_wait3A_381 : memref<128x128xf32, #tpu.memory_space<hbm>>)
      tpu.yield
    }) : () -> ()
    %sub3A_347 = arith.constant 128 : i32
    %sub3A_348 = arith.subi %select_n3A_340, %sub3A_347 : i32
    %min3A_349 = arith.constant 128 : i32
    %min3A_350 = arith.minsi %min3A_349, %sub3A_348 : i32
    %add3A_351 = arith.addi %mul3A_342, %min3A_350 : i32
    %multiple_of3A_352 = tpu.assume_multiple %add3A_351, 8 : i32
    "tpu.region"() ({
      %run_scoped3A = tpu.sem_alloc : memref<!tpu.dma_semaphore, #tpu.memory_space<semaphore_mem>>
      %dma_start3A_371 = arith.constant 0 : i32
      %dma_start3A_372 = tpu.memref_slice %arg13[%multiple_of3A_352, %dma_start3A_371] : memref<10240x128xf32, #tpu.memory_space<vmem_shared>> -> memref<128x128xf32, #tpu.memory_space<vmem_shared>>
      %dma_start3A_373 = arith.constant 0 : i32
      %dma_start3A_374 = tpu.memref_slice %arg13[%multiple_of3A_352, %dma_start3A_373] : memref<10240x128xf32, #tpu.memory_space<vmem_shared>> -> memref<128x128xf32, #tpu.memory_space<vmem_shared>>
      tpu.enqueue_dma source(%dma_start3A_374 : memref<128x128xf32, #tpu.memory_space<vmem_shared>>) target(%arg12 : memref<128x128xf32, #tpu.memory_space<vmem>>) target_semaphore(%run_scoped3A : memref<!tpu.dma_semaphore, #tpu.memory_space<semaphore_mem>>)
      %dma_wait3A = arith.constant 0 : i32
      %dma_wait3A_375 = tpu.memref_slice %arg13[%multiple_of3A_352, %dma_wait3A] : memref<10240x128xf32, #tpu.memory_space<vmem_shared>> -> memref<128x128xf32, #tpu.memory_space<vmem_shared>>
      %dma_wait3A_376 = arith.constant 0 : i32
      %dma_wait3A_377 = tpu.memref_slice %arg13[%multiple_of3A_352, %dma_wait3A_376] : memref<10240x128xf32, #tpu.memory_space<vmem_shared>> -> memref<128x128xf32, #tpu.memory_space<vmem_shared>>
      tpu.wait_dma2 semaphore(%run_scoped3A : memref<!tpu.dma_semaphore, #tpu.memory_space<semaphore_mem>>) src(%dma_wait3A_377 : memref<128x128xf32, #tpu.memory_space<vmem_shared>>) dst(%arg12 : memref<128x128xf32, #tpu.memory_space<vmem>>)
      tpu.yield
    }) : () -> ()
    "tpu.region"() ({
      %run_scoped3A = tpu.sem_alloc : memref<!tpu.dma_semaphore, #tpu.memory_space<semaphore_mem>>
      %dma_start3A_371 = arith.constant 0 : i32
      %dma_start3A_372 = tpu.memref_slice %arg5[%arg0, %multiple_of3A_352, %dma_start3A_371] : memref<2x10000x128xf32, #tpu.memory_space<hbm>> -> memref<1x128x128xf32, #tpu.memory_space<hbm>>
      %dma_start3A_373 = tpu.memref_squeeze %dma_start3A_372 : memref<1x128x128xf32, #tpu.memory_space<hbm>> -> memref<128x128xf32, #tpu.memory_space<hbm>>
      %dma_start3A_374 = arith.constant 0 : i32
      %dma_start3A_375 = tpu.memref_slice %arg5[%arg0, %multiple_of3A_352, %dma_start3A_374] : memref<2x10000x128xf32, #tpu.memory_space<hbm>> -> memref<1x128x128xf32, #tpu.memory_space<hbm>>
      %dma_start3A_376 = tpu.memref_squeeze %dma_start3A_375 : memref<1x128x128xf32, #tpu.memory_space<hbm>> -> memref<128x128xf32, #tpu.memory_space<hbm>>
      tpu.enqueue_dma source(%arg12 : memref<128x128xf32, #tpu.memory_space<vmem>>) target(%dma_start3A_376 : memref<128x128xf32, #tpu.memory_space<hbm>>) target_semaphore(%run_scoped3A : memref<!tpu.dma_semaphore, #tpu.memory_space<semaphore_mem>>)
      %dma_wait3A = arith.constant 0 : i32
      %dma_wait3A_377 = tpu.memref_slice %arg5[%arg0, %multiple_of3A_352, %dma_wait3A] : memref<2x10000x128xf32, #tpu.memory_space<hbm>> -> memref<1x128x128xf32, #tpu.memory_space<hbm>>
      %dma_wait3A_378 = tpu.memref_squeeze %dma_wait3A_377 : memref<1x128x128xf32, #tpu.memory_space<hbm>> -> memref<128x128xf32, #tpu.memory_space<hbm>>
      %dma_wait3A_379 = arith.constant 0 : i32
      %dma_wait3A_380 = tpu.memref_slice %arg5[%arg0, %multiple_of3A_352, %dma_wait3A_379] : memref<2x10000x128xf32, #tpu.memory_space<hbm>> -> memref<1x128x128xf32, #tpu.memory_space<hbm>>
      %dma_wait3A_381 = tpu.memref_squeeze %dma_wait3A_380 : memref<1x128x128xf32, #tpu.memory_space<hbm>> -> memref<128x128xf32, #tpu.memory_space<hbm>>
      tpu.wait_dma2 semaphore(%run_scoped3A : memref<!tpu.dma_semaphore, #tpu.memory_space<semaphore_mem>>) src(%arg12 : memref<128x128xf32, #tpu.memory_space<vmem>>) dst(%dma_wait3A_381 : memref<128x128xf32, #tpu.memory_space<hbm>>)
      tpu.yield
    }) : () -> ()
    %sub3A_353 = arith.constant 128 : i32
    %sub3A_354 = arith.subi %select_n3A_340, %sub3A_353 : i32
    %min3A_355 = arith.constant 256 : i32
    %min3A_356 = arith.minsi %min3A_355, %sub3A_354 : i32
    %add3A_357 = arith.addi %mul3A_342, %min3A_356 : i32
    %multiple_of3A_358 = tpu.assume_multiple %add3A_357, 8 : i32
    "tpu.region"() ({
      %run_scoped3A = tpu.sem_alloc : memref<!tpu.dma_semaphore, #tpu.memory_space<semaphore_mem>>
      %dma_start3A_371 = arith.constant 0 : i32
      %dma_start3A_372 = tpu.memref_slice %arg13[%multiple_of3A_358, %dma_start3A_371] : memref<10240x128xf32, #tpu.memory_space<vmem_shared>> -> memref<128x128xf32, #tpu.memory_space<vmem_shared>>
      %dma_start3A_373 = arith.constant 0 : i32
      %dma_start3A_374 = tpu.memref_slice %arg13[%multiple_of3A_358, %dma_start3A_373] : memref<10240x128xf32, #tpu.memory_space<vmem_shared>> -> memref<128x128xf32, #tpu.memory_space<vmem_shared>>
      tpu.enqueue_dma source(%dma_start3A_374 : memref<128x128xf32, #tpu.memory_space<vmem_shared>>) target(%arg11 : memref<128x128xf32, #tpu.memory_space<vmem>>) target_semaphore(%run_scoped3A : memref<!tpu.dma_semaphore, #tpu.memory_space<semaphore_mem>>)
      %dma_wait3A = arith.constant 0 : i32
      %dma_wait3A_375 = tpu.memref_slice %arg13[%multiple_of3A_358, %dma_wait3A] : memref<10240x128xf32, #tpu.memory_space<vmem_shared>> -> memref<128x128xf32, #tpu.memory_space<vmem_shared>>
      %dma_wait3A_376 = arith.constant 0 : i32
      %dma_wait3A_377 = tpu.memref_slice %arg13[%multiple_of3A_358, %dma_wait3A_376] : memref<10240x128xf32, #tpu.memory_space<vmem_shared>> -> memref<128x128xf32, #tpu.memory_space<vmem_shared>>
      tpu.wait_dma2 semaphore(%run_scoped3A : memref<!tpu.dma_semaphore, #tpu.memory_space<semaphore_mem>>) src(%dma_wait3A_377 : memref<128x128xf32, #tpu.memory_space<vmem_shared>>) dst(%arg11 : memref<128x128xf32, #tpu.memory_space<vmem>>)
      tpu.yield
    }) : () -> ()
    "tpu.region"() ({
      %run_scoped3A = tpu.sem_alloc : memref<!tpu.dma_semaphore, #tpu.memory_space<semaphore_mem>>
      %dma_start3A_371 = arith.constant 0 : i32
      %dma_start3A_372 = tpu.memref_slice %arg5[%arg0, %multiple_of3A_358, %dma_start3A_371] : memref<2x10000x128xf32, #tpu.memory_space<hbm>> -> memref<1x128x128xf32, #tpu.memory_space<hbm>>
      %dma_start3A_373 = tpu.memref_squeeze %dma_start3A_372 : memref<1x128x128xf32, #tpu.memory_space<hbm>> -> memref<128x128xf32, #tpu.memory_space<hbm>>
      %dma_start3A_374 = arith.constant 0 : i32
      %dma_start3A_375 = tpu.memref_slice %arg5[%arg0, %multiple_of3A_358, %dma_start3A_374] : memref<2x10000x128xf32, #tpu.memory_space<hbm>> -> memref<1x128x128xf32, #tpu.memory_space<hbm>>
      %dma_start3A_376 = tpu.memref_squeeze %dma_start3A_375 : memref<1x128x128xf32, #tpu.memory_space<hbm>> -> memref<128x128xf32, #tpu.memory_space<hbm>>
      tpu.enqueue_dma source(%arg11 : memref<128x128xf32, #tpu.memory_space<vmem>>) target(%dma_start3A_376 : memref<128x128xf32, #tpu.memory_space<hbm>>) target_semaphore(%run_scoped3A : memref<!tpu.dma_semaphore, #tpu.memory_space<semaphore_mem>>)
      %dma_wait3A = arith.constant 0 : i32
      %dma_wait3A_377 = tpu.memref_slice %arg5[%arg0, %multiple_of3A_358, %dma_wait3A] : memref<2x10000x128xf32, #tpu.memory_space<hbm>> -> memref<1x128x128xf32, #tpu.memory_space<hbm>>
      %dma_wait3A_378 = tpu.memref_squeeze %dma_wait3A_377 : memref<1x128x128xf32, #tpu.memory_space<hbm>> -> memref<128x128xf32, #tpu.memory_space<hbm>>
      %dma_wait3A_379 = arith.constant 0 : i32
      %dma_wait3A_380 = tpu.memref_slice %arg5[%arg0, %multiple_of3A_358, %dma_wait3A_379] : memref<2x10000x128xf32, #tpu.memory_space<hbm>> -> memref<1x128x128xf32, #tpu.memory_space<hbm>>
      %dma_wait3A_381 = tpu.memref_squeeze %dma_wait3A_380 : memref<1x128x128xf32, #tpu.memory_space<hbm>> -> memref<128x128xf32, #tpu.memory_space<hbm>>
      tpu.wait_dma2 semaphore(%run_scoped3A : memref<!tpu.dma_semaphore, #tpu.memory_space<semaphore_mem>>) src(%arg11 : memref<128x128xf32, #tpu.memory_space<vmem>>) dst(%dma_wait3A_381 : memref<128x128xf32, #tpu.memory_space<hbm>>)
      tpu.yield
    }) : () -> ()
    %sub3A_359 = arith.constant 128 : i32
    %sub3A_360 = arith.subi %select_n3A_340, %sub3A_359 : i32
    %min3A_361 = arith.constant 384 : i32
    %min3A_362 = arith.minsi %min3A_361, %sub3A_360 : i32
    %add3A_363 = arith.addi %mul3A_342, %min3A_362 : i32
    %multiple_of3A_364 = tpu.assume_multiple %add3A_363, 8 : i32
    "tpu.region"() ({
      %run_scoped3A = tpu.sem_alloc : memref<!tpu.dma_semaphore, #tpu.memory_space<semaphore_mem>>
      %dma_start3A_371 = arith.constant 0 : i32
      %dma_start3A_372 = tpu.memref_slice %arg13[%multiple_of3A_364, %dma_start3A_371] : memref<10240x128xf32, #tpu.memory_space<vmem_shared>> -> memref<128x128xf32, #tpu.memory_space<vmem_shared>>
      %dma_start3A_373 = arith.constant 0 : i32
      %dma_start3A_374 = tpu.memref_slice %arg13[%multiple_of3A_364, %dma_start3A_373] : memref<10240x128xf32, #tpu.memory_space<vmem_shared>> -> memref<128x128xf32, #tpu.memory_space<vmem_shared>>
      tpu.enqueue_dma source(%dma_start3A_374 : memref<128x128xf32, #tpu.memory_space<vmem_shared>>) target(%arg12 : memref<128x128xf32, #tpu.memory_space<vmem>>) target_semaphore(%run_scoped3A : memref<!tpu.dma_semaphore, #tpu.memory_space<semaphore_mem>>)
      %dma_wait3A = arith.constant 0 : i32
      %dma_wait3A_375 = tpu.memref_slice %arg13[%multiple_of3A_364, %dma_wait3A] : memref<10240x128xf32, #tpu.memory_space<vmem_shared>> -> memref<128x128xf32, #tpu.memory_space<vmem_shared>>
      %dma_wait3A_376 = arith.constant 0 : i32
      %dma_wait3A_377 = tpu.memref_slice %arg13[%multiple_of3A_364, %dma_wait3A_376] : memref<10240x128xf32, #tpu.memory_space<vmem_shared>> -> memref<128x128xf32, #tpu.memory_space<vmem_shared>>
      tpu.wait_dma2 semaphore(%run_scoped3A : memref<!tpu.dma_semaphore, #tpu.memory_space<semaphore_mem>>) src(%dma_wait3A_377 : memref<128x128xf32, #tpu.memory_space<vmem_shared>>) dst(%arg12 : memref<128x128xf32, #tpu.memory_space<vmem>>)
      tpu.yield
    }) : () -> ()
    "tpu.region"() ({
      %run_scoped3A = tpu.sem_alloc : memref<!tpu.dma_semaphore, #tpu.memory_space<semaphore_mem>>
      %dma_start3A_371 = arith.constant 0 : i32
      %dma_start3A_372 = tpu.memref_slice %arg5[%arg0, %multiple_of3A_364, %dma_start3A_371] : memref<2x10000x128xf32, #tpu.memory_space<hbm>> -> memref<1x128x128xf32, #tpu.memory_space<hbm>>
      %dma_start3A_373 = tpu.memref_squeeze %dma_start3A_372 : memref<1x128x128xf32, #tpu.memory_space<hbm>> -> memref<128x128xf32, #tpu.memory_space<hbm>>
      %dma_start3A_374 = arith.constant 0 : i32
      %dma_start3A_375 = tpu.memref_slice %arg5[%arg0, %multiple_of3A_364, %dma_start3A_374] : memref<2x10000x128xf32, #tpu.memory_space<hbm>> -> memref<1x128x128xf32, #tpu.memory_space<hbm>>
      %dma_start3A_376 = tpu.memref_squeeze %dma_start3A_375 : memref<1x128x128xf32, #tpu.memory_space<hbm>> -> memref<128x128xf32, #tpu.memory_space<hbm>>
      tpu.enqueue_dma source(%arg12 : memref<128x128xf32, #tpu.memory_space<vmem>>) target(%dma_start3A_376 : memref<128x128xf32, #tpu.memory_space<hbm>>) target_semaphore(%run_scoped3A : memref<!tpu.dma_semaphore, #tpu.memory_space<semaphore_mem>>)
      %dma_wait3A = arith.constant 0 : i32
      %dma_wait3A_377 = tpu.memref_slice %arg5[%arg0, %multiple_of3A_364, %dma_wait3A] : memref<2x10000x128xf32, #tpu.memory_space<hbm>> -> memref<1x128x128xf32, #tpu.memory_space<hbm>>
      %dma_wait3A_378 = tpu.memref_squeeze %dma_wait3A_377 : memref<1x128x128xf32, #tpu.memory_space<hbm>> -> memref<128x128xf32, #tpu.memory_space<hbm>>
      %dma_wait3A_379 = arith.constant 0 : i32
      %dma_wait3A_380 = tpu.memref_slice %arg5[%arg0, %multiple_of3A_364, %dma_wait3A_379] : memref<2x10000x128xf32, #tpu.memory_space<hbm>> -> memref<1x128x128xf32, #tpu.memory_space<hbm>>
      %dma_wait3A_381 = tpu.memref_squeeze %dma_wait3A_380 : memref<1x128x128xf32, #tpu.memory_space<hbm>> -> memref<128x128xf32, #tpu.memory_space<hbm>>
      tpu.wait_dma2 semaphore(%run_scoped3A : memref<!tpu.dma_semaphore, #tpu.memory_space<semaphore_mem>>) src(%arg12 : memref<128x128xf32, #tpu.memory_space<vmem>>) dst(%dma_wait3A_381 : memref<128x128xf32, #tpu.memory_space<hbm>>)
      tpu.yield
    }) : () -> ()
    %sub3A_365 = arith.constant 128 : i32
    %sub3A_366 = arith.subi %select_n3A_340, %sub3A_365 : i32
    %min3A_367 = arith.constant 512 : i32
    %min3A_368 = arith.minsi %min3A_367, %sub3A_366 : i32
    %add3A_369 = arith.addi %mul3A_342, %min3A_368 : i32
    %multiple_of3A_370 = tpu.assume_multiple %add3A_369, 8 : i32
    "tpu.region"() ({
      %run_scoped3A = tpu.sem_alloc : memref<!tpu.dma_semaphore, #tpu.memory_space<semaphore_mem>>
      %dma_start3A_371 = arith.constant 0 : i32
      %dma_start3A_372 = tpu.memref_slice %arg13[%multiple_of3A_370, %dma_start3A_371] : memref<10240x128xf32, #tpu.memory_space<vmem_shared>> -> memref<128x128xf32, #tpu.memory_space<vmem_shared>>
      %dma_start3A_373 = arith.constant 0 : i32
      %dma_start3A_374 = tpu.memref_slice %arg13[%multiple_of3A_370, %dma_start3A_373] : memref<10240x128xf32, #tpu.memory_space<vmem_shared>> -> memref<128x128xf32, #tpu.memory_space<vmem_shared>>
      tpu.enqueue_dma source(%dma_start3A_374 : memref<128x128xf32, #tpu.memory_space<vmem_shared>>) target(%arg11 : memref<128x128xf32, #tpu.memory_space<vmem>>) target_semaphore(%run_scoped3A : memref<!tpu.dma_semaphore, #tpu.memory_space<semaphore_mem>>)
      %dma_wait3A = arith.constant 0 : i32
      %dma_wait3A_375 = tpu.memref_slice %arg13[%multiple_of3A_370, %dma_wait3A] : memref<10240x128xf32, #tpu.memory_space<vmem_shared>> -> memref<128x128xf32, #tpu.memory_space<vmem_shared>>
      %dma_wait3A_376 = arith.constant 0 : i32
      %dma_wait3A_377 = tpu.memref_slice %arg13[%multiple_of3A_370, %dma_wait3A_376] : memref<10240x128xf32, #tpu.memory_space<vmem_shared>> -> memref<128x128xf32, #tpu.memory_space<vmem_shared>>
      tpu.wait_dma2 semaphore(%run_scoped3A : memref<!tpu.dma_semaphore, #tpu.memory_space<semaphore_mem>>) src(%dma_wait3A_377 : memref<128x128xf32, #tpu.memory_space<vmem_shared>>) dst(%arg11 : memref<128x128xf32, #tpu.memory_space<vmem>>)
      tpu.yield
    }) : () -> ()
    "tpu.region"() ({
      %run_scoped3A = tpu.sem_alloc : memref<!tpu.dma_semaphore, #tpu.memory_space<semaphore_mem>>
      %dma_start3A_371 = arith.constant 0 : i32
      %dma_start3A_372 = tpu.memref_slice %arg5[%arg0, %multiple_of3A_370, %dma_start3A_371] : memref<2x10000x128xf32, #tpu.memory_space<hbm>> -> memref<1x128x128xf32, #tpu.memory_space<hbm>>
      %dma_start3A_373 = tpu.memref_squeeze %dma_start3A_372 : memref<1x128x128xf32, #tpu.memory_space<hbm>> -> memref<128x128xf32, #tpu.memory_space<hbm>>
      %dma_start3A_374 = arith.constant 0 : i32
      %dma_start3A_375 = tpu.memref_slice %arg5[%arg0, %multiple_of3A_370, %dma_start3A_374] : memref<2x10000x128xf32, #tpu.memory_space<hbm>> -> memref<1x128x128xf32, #tpu.memory_space<hbm>>
      %dma_start3A_376 = tpu.memref_squeeze %dma_start3A_375 : memref<1x128x128xf32, #tpu.memory_space<hbm>> -> memref<128x128xf32, #tpu.memory_space<hbm>>
      tpu.enqueue_dma source(%arg11 : memref<128x128xf32, #tpu.memory_space<vmem>>) target(%dma_start3A_376 : memref<128x128xf32, #tpu.memory_space<hbm>>) target_semaphore(%run_scoped3A : memref<!tpu.dma_semaphore, #tpu.memory_space<semaphore_mem>>)
      %dma_wait3A = arith.constant 0 : i32
      %dma_wait3A_377 = tpu.memref_slice %arg5[%arg0, %multiple_of3A_370, %dma_wait3A] : memref<2x10000x128xf32, #tpu.memory_space<hbm>> -> memref<1x128x128xf32, #tpu.memory_space<hbm>>
      %dma_wait3A_378 = tpu.memref_squeeze %dma_wait3A_377 : memref<1x128x128xf32, #tpu.memory_space<hbm>> -> memref<128x128xf32, #tpu.memory_space<hbm>>
      %dma_wait3A_379 = arith.constant 0 : i32
      %dma_wait3A_380 = tpu.memref_slice %arg5[%arg0, %multiple_of3A_370, %dma_wait3A_379] : memref<2x10000x128xf32, #tpu.memory_space<hbm>> -> memref<1x128x128xf32, #tpu.memory_space<hbm>>
      %dma_wait3A_381 = tpu.memref_squeeze %dma_wait3A_380 : memref<1x128x128xf32, #tpu.memory_space<hbm>> -> memref<128x128xf32, #tpu.memory_space<hbm>>
      tpu.wait_dma2 semaphore(%run_scoped3A : memref<!tpu.dma_semaphore, #tpu.memory_space<semaphore_mem>>) src(%arg11 : memref<128x128xf32, #tpu.memory_space<vmem>>) dst(%dma_wait3A_381 : memref<128x128xf32, #tpu.memory_space<hbm>>)
      tpu.yield
    }) : () -> ()
    return
  }
}

#map = affine_map<(d0, d1) -> (0, 0)>
#map1 = affine_map<(d0, d1) -> (0)>
module attributes {stable_mosaic.version = 14 : i64} {
  func.func @_deg_kernel(%arg0: i32, %arg1: i32, %arg2: memref<2x320000xi32, #tpu.memory_space<hbm>>, %arg3: memref<128xf32, #tpu.memory_space<hbm>>, %arg4: memref<10240xf32, #tpu.memory_space<hbm>>, %arg5: memref<2x10240xf32, #tpu.memory_space<hbm>>, %arg6: memref<320000xi32, #tpu.memory_space<hbm>>, %arg7: memref<10240xi32, #tpu.memory_space<vmem>>, %arg8: memref<10240xi32, #tpu.memory_space<vmem>>, %arg9: memref<10240xi32, #tpu.memory_space<vmem>>, %arg10: memref<128xi32, #tpu.memory_space<vmem>>, %arg11: memref<128xf32, #tpu.memory_space<vmem>>, %arg12: memref<10240xf32, #tpu.memory_space<vmem>>, %arg13: memref<10240xf32, #tpu.memory_space<vmem_shared>>) attributes {dimension_semantics = [#tpu.dimension_semantics<core_parallel>, #tpu.dimension_semantics<subcore_parallel>], iteration_bounds = array<i64: 2, 16>, scalar_prefetch = 0 : i64, scratch_operands = 7 : i64, tpu.core_type = #tpu.core_type<sc_vector_subcore>, window_params = [{transform_indices = #map}, {transform_indices = #map1}, {transform_indices = #map1}, {transform_indices = #map}, {transform_indices = #map1}]} {
    %mul3A = arith.constant 16 : i32
    %mul3A_0 = arith.muli %arg0, %mul3A : i32
    %add3A = arith.addi %mul3A_0, %arg1 : i32
    %mul3A_1 = arith.constant 80 : i32
    %mul3A_2 = arith.muli %add3A, %mul3A_1 : i32
    %mul3A_3 = arith.constant 128 : i32
    %mul3A_4 = arith.muli %mul3A_2, %mul3A_3 : i32
    %eq3A = arith.constant 0 : i32
    %eq3A_5 = arith.cmpi eq, %arg1, %eq3A : i32
    %convert_element_type3A = arith.extui %eq3A_5 : i1 to i32
    %cond3A = arith.constant 0 : i32
    %cond3A_6 = arith.cmpi ne, %convert_element_type3A, %cond3A : i32
    scf.if %cond3A_6 {
      "tpu.region"() ({
        %run_scoped3A = tpu.sem_alloc : memref<!tpu.dma_semaphore, #tpu.memory_space<semaphore_mem>>
        tpu.enqueue_dma source(%arg4 : memref<10240xf32, #tpu.memory_space<hbm>>) target(%arg12 : memref<10240xf32, #tpu.memory_space<vmem>>) target_semaphore(%run_scoped3A : memref<!tpu.dma_semaphore, #tpu.memory_space<semaphore_mem>>)
        tpu.wait_dma2 semaphore(%run_scoped3A : memref<!tpu.dma_semaphore, #tpu.memory_space<semaphore_mem>>) src(%arg4 : memref<10240xf32, #tpu.memory_space<hbm>>) dst(%arg12 : memref<10240xf32, #tpu.memory_space<vmem>>)
        tpu.yield
      }) : () -> ()
      "tpu.region"() ({
        %run_scoped3A = tpu.sem_alloc : memref<!tpu.dma_semaphore, #tpu.memory_space<semaphore_mem>>
        tpu.enqueue_dma source(%arg12 : memref<10240xf32, #tpu.memory_space<vmem>>) target(%arg13 : memref<10240xf32, #tpu.memory_space<vmem_shared>>) target_semaphore(%run_scoped3A : memref<!tpu.dma_semaphore, #tpu.memory_space<semaphore_mem>>)
        tpu.wait_dma2 semaphore(%run_scoped3A : memref<!tpu.dma_semaphore, #tpu.memory_space<semaphore_mem>>) src(%arg12 : memref<10240xf32, #tpu.memory_space<vmem>>) dst(%arg13 : memref<10240xf32, #tpu.memory_space<vmem_shared>>)
        tpu.yield
      }) : () -> ()
    } else {
    }
    %lt3A = arith.constant 31 : i32
    %lt3A_7 = arith.cmpi slt, %add3A, %lt3A : i32
    %convert_element_type3A_8 = arith.extui %lt3A_7 : i1 to i32
    %cond3A_9 = arith.constant 0 : i32
    %cond3A_10 = arith.cmpi ne, %convert_element_type3A_8, %cond3A_9 : i32
    scf.if %cond3A_10 {
      %run_scoped3A = arith.constant 0 : i32
      "tpu.region"() ({
        %run_scoped3A_45 = tpu.sem_alloc : memref<!tpu.dma_semaphore, #tpu.memory_space<semaphore_mem>>
        %dma_start3A = tpu.memref_slice %arg2[%run_scoped3A, %mul3A_4] : memref<2x320000xi32, #tpu.memory_space<hbm>> -> memref<1x10240xi32, #tpu.memory_space<hbm>>
        %dma_start3A_46 = tpu.memref_squeeze %dma_start3A : memref<1x10240xi32, #tpu.memory_space<hbm>> -> memref<10240xi32, #tpu.memory_space<hbm>>
        %dma_start3A_47 = tpu.memref_slice %arg2[%run_scoped3A, %mul3A_4] : memref<2x320000xi32, #tpu.memory_space<hbm>> -> memref<1x10240xi32, #tpu.memory_space<hbm>>
        %dma_start3A_48 = tpu.memref_squeeze %dma_start3A_47 : memref<1x10240xi32, #tpu.memory_space<hbm>> -> memref<10240xi32, #tpu.memory_space<hbm>>
        tpu.enqueue_dma source(%dma_start3A_48 : memref<10240xi32, #tpu.memory_space<hbm>>) target(%arg7 : memref<10240xi32, #tpu.memory_space<vmem>>) target_semaphore(%run_scoped3A_45 : memref<!tpu.dma_semaphore, #tpu.memory_space<semaphore_mem>>)
        %dma_wait3A = tpu.memref_slice %arg2[%run_scoped3A, %mul3A_4] : memref<2x320000xi32, #tpu.memory_space<hbm>> -> memref<1x10240xi32, #tpu.memory_space<hbm>>
        %dma_wait3A_49 = tpu.memref_squeeze %dma_wait3A : memref<1x10240xi32, #tpu.memory_space<hbm>> -> memref<10240xi32, #tpu.memory_space<hbm>>
        %dma_wait3A_50 = tpu.memref_slice %arg2[%run_scoped3A, %mul3A_4] : memref<2x320000xi32, #tpu.memory_space<hbm>> -> memref<1x10240xi32, #tpu.memory_space<hbm>>
        %dma_wait3A_51 = tpu.memref_squeeze %dma_wait3A_50 : memref<1x10240xi32, #tpu.memory_space<hbm>> -> memref<10240xi32, #tpu.memory_space<hbm>>
        tpu.wait_dma2 semaphore(%run_scoped3A_45 : memref<!tpu.dma_semaphore, #tpu.memory_space<semaphore_mem>>) src(%dma_wait3A_51 : memref<10240xi32, #tpu.memory_space<hbm>>) dst(%arg7 : memref<10240xi32, #tpu.memory_space<vmem>>)
        tpu.yield
      }) : () -> ()
      %run_scoped3A_44 = arith.constant 1 : i32
      "tpu.region"() ({
        %run_scoped3A_45 = tpu.sem_alloc : memref<!tpu.dma_semaphore, #tpu.memory_space<semaphore_mem>>
        %dma_start3A = tpu.memref_slice %arg2[%run_scoped3A_44, %mul3A_4] : memref<2x320000xi32, #tpu.memory_space<hbm>> -> memref<1x10240xi32, #tpu.memory_space<hbm>>
        %dma_start3A_46 = tpu.memref_squeeze %dma_start3A : memref<1x10240xi32, #tpu.memory_space<hbm>> -> memref<10240xi32, #tpu.memory_space<hbm>>
        %dma_start3A_47 = tpu.memref_slice %arg2[%run_scoped3A_44, %mul3A_4] : memref<2x320000xi32, #tpu.memory_space<hbm>> -> memref<1x10240xi32, #tpu.memory_space<hbm>>
        %dma_start3A_48 = tpu.memref_squeeze %dma_start3A_47 : memref<1x10240xi32, #tpu.memory_space<hbm>> -> memref<10240xi32, #tpu.memory_space<hbm>>
        tpu.enqueue_dma source(%dma_start3A_48 : memref<10240xi32, #tpu.memory_space<hbm>>) target(%arg8 : memref<10240xi32, #tpu.memory_space<vmem>>) target_semaphore(%run_scoped3A_45 : memref<!tpu.dma_semaphore, #tpu.memory_space<semaphore_mem>>)
        %dma_wait3A = tpu.memref_slice %arg2[%run_scoped3A_44, %mul3A_4] : memref<2x320000xi32, #tpu.memory_space<hbm>> -> memref<1x10240xi32, #tpu.memory_space<hbm>>
        %dma_wait3A_49 = tpu.memref_squeeze %dma_wait3A : memref<1x10240xi32, #tpu.memory_space<hbm>> -> memref<10240xi32, #tpu.memory_space<hbm>>
        %dma_wait3A_50 = tpu.memref_slice %arg2[%run_scoped3A_44, %mul3A_4] : memref<2x320000xi32, #tpu.memory_space<hbm>> -> memref<1x10240xi32, #tpu.memory_space<hbm>>
        %dma_wait3A_51 = tpu.memref_squeeze %dma_wait3A_50 : memref<1x10240xi32, #tpu.memory_space<hbm>> -> memref<10240xi32, #tpu.memory_space<hbm>>
        tpu.wait_dma2 semaphore(%run_scoped3A_45 : memref<!tpu.dma_semaphore, #tpu.memory_space<semaphore_mem>>) src(%dma_wait3A_51 : memref<10240xi32, #tpu.memory_space<hbm>>) dst(%arg8 : memref<10240xi32, #tpu.memory_space<vmem>>)
        tpu.yield
      }) : () -> ()
    } else {
    }
    %eq3A_11 = arith.constant 31 : i32
    %eq3A_12 = arith.cmpi eq, %add3A, %eq3A_11 : i32
    %convert_element_type3A_13 = arith.extui %eq3A_12 : i1 to i32
    %cond3A_14 = arith.constant 0 : i32
    %cond3A_15 = arith.cmpi ne, %convert_element_type3A_13, %cond3A_14 : i32
    scf.if %cond3A_15 {
      %run_scoped3A = arith.constant 0 : i32
      "tpu.region"() ({
        %run_scoped3A_45 = tpu.sem_alloc : memref<!tpu.dma_semaphore, #tpu.memory_space<semaphore_mem>>
        %dma_start3A = arith.constant 0 : i32
        %dma_start3A_46 = tpu.memref_slice %arg7[%dma_start3A] : memref<10240xi32, #tpu.memory_space<vmem>> -> memref<2560xi32, #tpu.memory_space<vmem>>
        %dma_start3A_47 = tpu.memref_slice %arg2[%run_scoped3A, %mul3A_4] : memref<2x320000xi32, #tpu.memory_space<hbm>> -> memref<1x2560xi32, #tpu.memory_space<hbm>>
        %dma_start3A_48 = tpu.memref_squeeze %dma_start3A_47 : memref<1x2560xi32, #tpu.memory_space<hbm>> -> memref<2560xi32, #tpu.memory_space<hbm>>
        %dma_start3A_49 = arith.constant 0 : i32
        %dma_start3A_50 = tpu.memref_slice %arg7[%dma_start3A_49] : memref<10240xi32, #tpu.memory_space<vmem>> -> memref<2560xi32, #tpu.memory_space<vmem>>
        %dma_start3A_51 = tpu.memref_slice %arg2[%run_scoped3A, %mul3A_4] : memref<2x320000xi32, #tpu.memory_space<hbm>> -> memref<1x2560xi32, #tpu.memory_space<hbm>>
        %dma_start3A_52 = tpu.memref_squeeze %dma_start3A_51 : memref<1x2560xi32, #tpu.memory_space<hbm>> -> memref<2560xi32, #tpu.memory_space<hbm>>
        tpu.enqueue_dma source(%dma_start3A_52 : memref<2560xi32, #tpu.memory_space<hbm>>) target(%dma_start3A_50 : memref<2560xi32, #tpu.memory_space<vmem>>) target_semaphore(%run_scoped3A_45 : memref<!tpu.dma_semaphore, #tpu.memory_space<semaphore_mem>>)
        %dma_wait3A = arith.constant 0 : i32
        %dma_wait3A_53 = tpu.memref_slice %arg7[%dma_wait3A] : memref<10240xi32, #tpu.memory_space<vmem>> -> memref<2560xi32, #tpu.memory_space<vmem>>
        %dma_wait3A_54 = tpu.memref_slice %arg2[%run_scoped3A, %mul3A_4] : memref<2x320000xi32, #tpu.memory_space<hbm>> -> memref<1x2560xi32, #tpu.memory_space<hbm>>
        %dma_wait3A_55 = tpu.memref_squeeze %dma_wait3A_54 : memref<1x2560xi32, #tpu.memory_space<hbm>> -> memref<2560xi32, #tpu.memory_space<hbm>>
        %dma_wait3A_56 = arith.constant 0 : i32
        %dma_wait3A_57 = tpu.memref_slice %arg7[%dma_wait3A_56] : memref<10240xi32, #tpu.memory_space<vmem>> -> memref<2560xi32, #tpu.memory_space<vmem>>
        %dma_wait3A_58 = tpu.memref_slice %arg2[%run_scoped3A, %mul3A_4] : memref<2x320000xi32, #tpu.memory_space<hbm>> -> memref<1x2560xi32, #tpu.memory_space<hbm>>
        %dma_wait3A_59 = tpu.memref_squeeze %dma_wait3A_58 : memref<1x2560xi32, #tpu.memory_space<hbm>> -> memref<2560xi32, #tpu.memory_space<hbm>>
        tpu.wait_dma2 semaphore(%run_scoped3A_45 : memref<!tpu.dma_semaphore, #tpu.memory_space<semaphore_mem>>) src(%dma_wait3A_59 : memref<2560xi32, #tpu.memory_space<hbm>>) dst(%dma_wait3A_57 : memref<2560xi32, #tpu.memory_space<vmem>>)
        tpu.yield
      }) : () -> ()
      %run_scoped3A_44 = arith.constant 1 : i32
      "tpu.region"() ({
        %run_scoped3A_45 = tpu.sem_alloc : memref<!tpu.dma_semaphore, #tpu.memory_space<semaphore_mem>>
        %dma_start3A = arith.constant 0 : i32
        %dma_start3A_46 = tpu.memref_slice %arg8[%dma_start3A] : memref<10240xi32, #tpu.memory_space<vmem>> -> memref<2560xi32, #tpu.memory_space<vmem>>
        %dma_start3A_47 = tpu.memref_slice %arg2[%run_scoped3A_44, %mul3A_4] : memref<2x320000xi32, #tpu.memory_space<hbm>> -> memref<1x2560xi32, #tpu.memory_space<hbm>>
        %dma_start3A_48 = tpu.memref_squeeze %dma_start3A_47 : memref<1x2560xi32, #tpu.memory_space<hbm>> -> memref<2560xi32, #tpu.memory_space<hbm>>
        %dma_start3A_49 = arith.constant 0 : i32
        %dma_start3A_50 = tpu.memref_slice %arg8[%dma_start3A_49] : memref<10240xi32, #tpu.memory_space<vmem>> -> memref<2560xi32, #tpu.memory_space<vmem>>
        %dma_start3A_51 = tpu.memref_slice %arg2[%run_scoped3A_44, %mul3A_4] : memref<2x320000xi32, #tpu.memory_space<hbm>> -> memref<1x2560xi32, #tpu.memory_space<hbm>>
        %dma_start3A_52 = tpu.memref_squeeze %dma_start3A_51 : memref<1x2560xi32, #tpu.memory_space<hbm>> -> memref<2560xi32, #tpu.memory_space<hbm>>
        tpu.enqueue_dma source(%dma_start3A_52 : memref<2560xi32, #tpu.memory_space<hbm>>) target(%dma_start3A_50 : memref<2560xi32, #tpu.memory_space<vmem>>) target_semaphore(%run_scoped3A_45 : memref<!tpu.dma_semaphore, #tpu.memory_space<semaphore_mem>>)
        %dma_wait3A = arith.constant 0 : i32
        %dma_wait3A_53 = tpu.memref_slice %arg8[%dma_wait3A] : memref<10240xi32, #tpu.memory_space<vmem>> -> memref<2560xi32, #tpu.memory_space<vmem>>
        %dma_wait3A_54 = tpu.memref_slice %arg2[%run_scoped3A_44, %mul3A_4] : memref<2x320000xi32, #tpu.memory_space<hbm>> -> memref<1x2560xi32, #tpu.memory_space<hbm>>
        %dma_wait3A_55 = tpu.memref_squeeze %dma_wait3A_54 : memref<1x2560xi32, #tpu.memory_space<hbm>> -> memref<2560xi32, #tpu.memory_space<hbm>>
        %dma_wait3A_56 = arith.constant 0 : i32
        %dma_wait3A_57 = tpu.memref_slice %arg8[%dma_wait3A_56] : memref<10240xi32, #tpu.memory_space<vmem>> -> memref<2560xi32, #tpu.memory_space<vmem>>
        %dma_wait3A_58 = tpu.memref_slice %arg2[%run_scoped3A_44, %mul3A_4] : memref<2x320000xi32, #tpu.memory_space<hbm>> -> memref<1x2560xi32, #tpu.memory_space<hbm>>
        %dma_wait3A_59 = tpu.memref_squeeze %dma_wait3A_58 : memref<1x2560xi32, #tpu.memory_space<hbm>> -> memref<2560xi32, #tpu.memory_space<hbm>>
        tpu.wait_dma2 semaphore(%run_scoped3A_45 : memref<!tpu.dma_semaphore, #tpu.memory_space<semaphore_mem>>) src(%dma_wait3A_59 : memref<2560xi32, #tpu.memory_space<hbm>>) dst(%dma_wait3A_57 : memref<2560xi32, #tpu.memory_space<vmem>>)
        tpu.yield
      }) : () -> ()
    } else {
    }
    "tpu.region"() ({
      %run_scoped3A = tpu.sem_alloc : memref<!tpu.dma_semaphore, #tpu.memory_space<semaphore_mem>>
      tpu.enqueue_dma source(%arg3 : memref<128xf32, #tpu.memory_space<hbm>>) target(%arg11 : memref<128xf32, #tpu.memory_space<vmem>>) target_semaphore(%run_scoped3A : memref<!tpu.dma_semaphore, #tpu.memory_space<semaphore_mem>>)
      tpu.wait_dma2 semaphore(%run_scoped3A : memref<!tpu.dma_semaphore, #tpu.memory_space<semaphore_mem>>) src(%arg3 : memref<128xf32, #tpu.memory_space<hbm>>) dst(%arg11 : memref<128xf32, #tpu.memory_space<vmem>>)
      tpu.yield
    }) : () -> ()
    %barrier3A = arith.constant 0 : index
    tpu.barrier barrier_id(%barrier3A)
    %eq3A_16 = arith.constant 31 : i32
    %eq3A_17 = arith.cmpi eq, %add3A, %eq3A_16 : i32
    %jit3A = arith.constant 20 : i32
    %jit3A_18 = arith.constant 80 : i32
    %select_n3A = arith.select %eq3A_17, %jit3A, %jit3A_18 : i32
    %while3A = arith.constant 0 : i32
    %while3A_19 = arith.constant 0 : i32
    %while3A_20 = arith.subi %select_n3A, %while3A_19 : i32
    %while3A_21 = arith.addi %while3A_19, %while3A_20 : i32
    %while3A_22 = arith.constant 1 : i32
    %while3A_23 = arith.divsi %while3A_20, %while3A_22 : i32
    %while3A_24 = arith.muli %while3A_23, %while3A_22 : i32
    %while3A_25 = arith.addi %while3A_19, %while3A_24 : i32
    %while3A_26 = arith.constant 1 : i32
    scf.for %while3A_44 = %while3A_19 to %while3A_25 step %while3A_26  : i32 {
      %mul3A_45 = arith.constant 128 : i32
      %mul3A_46 = arith.muli %while3A_44, %mul3A_45 : i32
      %add3A_47 = arith.constant 0 : i32
      %add3A_48 = arith.addi %mul3A_46, %add3A_47 : i32
      %get3A = arith.index_cast %add3A_48 : i32 to index
      %get3A_49 = tpu.vector_load %arg8[%get3A] {strides = array<i32>} : memref<10240xi32, #tpu.memory_space<vmem>>, vector<16xi32>,
      %get3A_50 = vector.shape_cast %get3A_49 : vector<16xi32> to vector<16xi32>
      %swap3A = arith.constant 0 : index
      %swap3A_51 = tpu.vector_load %arg10[%swap3A] {strides = array<i32>} : memref<128xi32, #tpu.memory_space<vmem>>, vector<16xi32>,
      %swap3A_52 = vector.shape_cast %swap3A_51 : vector<16xi32> to vector<16xi32>
      %swap3A_53 = vector.shape_cast %get3A_50 : vector<16xi32> to vector<16xi32>
      tpu.vector_store %arg10[%swap3A], %swap3A_53 {strides = array<i32>} : memref<128xi32, #tpu.memory_space<vmem>>, vector<16xi32>,
      %mul3A_54 = arith.constant 128 : i32
      %mul3A_55 = arith.muli %while3A_44, %mul3A_54 : i32
      %add3A_56 = arith.constant 0 : i32
      %add3A_57 = arith.addi %mul3A_55, %add3A_56 : i32
      %get3A_58 = arith.index_cast %add3A_57 : i32 to index
      %get3A_59 = tpu.vector_load %arg7[%get3A_58] {strides = array<i32>} : memref<10240xi32, #tpu.memory_space<vmem>>, vector<16xi32>,
      %get3A_60 = vector.shape_cast %get3A_59 : vector<16xi32> to vector<16xi32>
      %shift_left3A = arith.constant 14 : i32
      %shift_left3A_61 = vector.broadcast %shift_left3A : i32 to vector<16xi32>
      %shift_left3A_62 = arith.shli %get3A_50, %shift_left3A_61 : vector<16xi32>
      %or3A = arith.ori %get3A_60, %shift_left3A_62 : vector<16xi32>
      %mul3A_63 = arith.constant 128 : i32
      %mul3A_64 = arith.muli %while3A_44, %mul3A_63 : i32
      %add3A_65 = arith.constant 0 : i32
      %add3A_66 = arith.addi %mul3A_64, %add3A_65 : i32
      %swap3A_67 = arith.index_cast %add3A_66 : i32 to index
      %swap3A_68 = tpu.vector_load %arg9[%swap3A_67] {strides = array<i32>} : memref<10240xi32, #tpu.memory_space<vmem>>, vector<16xi32>,
      %swap3A_69 = vector.shape_cast %swap3A_68 : vector<16xi32> to vector<16xi32>
      %swap3A_70 = vector.shape_cast %or3A : vector<16xi32> to vector<16xi32>
      tpu.vector_store %arg9[%swap3A_67], %swap3A_70 {strides = array<i32>} : memref<10240xi32, #tpu.memory_space<vmem>>, vector<16xi32>,
      %mul3A_71 = arith.constant 128 : i32
      %mul3A_72 = arith.muli %while3A_44, %mul3A_71 : i32
      %add3A_73 = arith.constant 16 : i32
      %add3A_74 = arith.addi %mul3A_72, %add3A_73 : i32
      %get3A_75 = arith.index_cast %add3A_74 : i32 to index
      %get3A_76 = tpu.vector_load %arg8[%get3A_75] {strides = array<i32>} : memref<10240xi32, #tpu.memory_space<vmem>>, vector<16xi32>,
      %get3A_77 = vector.shape_cast %get3A_76 : vector<16xi32> to vector<16xi32>
      %swap3A_78 = arith.constant 16 : index
      %swap3A_79 = tpu.vector_load %arg10[%swap3A_78] {strides = array<i32>} : memref<128xi32, #tpu.memory_space<vmem>>, vector<16xi32>,
      %swap3A_80 = vector.shape_cast %swap3A_79 : vector<16xi32> to vector<16xi32>
      %swap3A_81 = vector.shape_cast %get3A_77 : vector<16xi32> to vector<16xi32>
      tpu.vector_store %arg10[%swap3A_78], %swap3A_81 {strides = array<i32>} : memref<128xi32, #tpu.memory_space<vmem>>, vector<16xi32>,
      %mul3A_82 = arith.constant 128 : i32
      %mul3A_83 = arith.muli %while3A_44, %mul3A_82 : i32
      %add3A_84 = arith.constant 16 : i32
      %add3A_85 = arith.addi %mul3A_83, %add3A_84 : i32
      %get3A_86 = arith.index_cast %add3A_85 : i32 to index
      %get3A_87 = tpu.vector_load %arg7[%get3A_86] {strides = array<i32>} : memref<10240xi32, #tpu.memory_space<vmem>>, vector<16xi32>,
      %get3A_88 = vector.shape_cast %get3A_87 : vector<16xi32> to vector<16xi32>
      %shift_left3A_89 = arith.constant 14 : i32
      %shift_left3A_90 = vector.broadcast %shift_left3A_89 : i32 to vector<16xi32>
      %shift_left3A_91 = arith.shli %get3A_77, %shift_left3A_90 : vector<16xi32>
      %or3A_92 = arith.ori %get3A_88, %shift_left3A_91 : vector<16xi32>
      %mul3A_93 = arith.constant 128 : i32
      %mul3A_94 = arith.muli %while3A_44, %mul3A_93 : i32
      %add3A_95 = arith.constant 16 : i32
      %add3A_96 = arith.addi %mul3A_94, %add3A_95 : i32
      %swap3A_97 = arith.index_cast %add3A_96 : i32 to index
      %swap3A_98 = tpu.vector_load %arg9[%swap3A_97] {strides = array<i32>} : memref<10240xi32, #tpu.memory_space<vmem>>, vector<16xi32>,
      %swap3A_99 = vector.shape_cast %swap3A_98 : vector<16xi32> to vector<16xi32>
      %swap3A_100 = vector.shape_cast %or3A_92 : vector<16xi32> to vector<16xi32>
      tpu.vector_store %arg9[%swap3A_97], %swap3A_100 {strides = array<i32>} : memref<10240xi32, #tpu.memory_space<vmem>>, vector<16xi32>,
      %mul3A_101 = arith.constant 128 : i32
      %mul3A_102 = arith.muli %while3A_44, %mul3A_101 : i32
      %add3A_103 = arith.constant 32 : i32
      %add3A_104 = arith.addi %mul3A_102, %add3A_103 : i32
      %get3A_105 = arith.index_cast %add3A_104 : i32 to index
      %get3A_106 = tpu.vector_load %arg8[%get3A_105] {strides = array<i32>} : memref<10240xi32, #tpu.memory_space<vmem>>, vector<16xi32>,
      %get3A_107 = vector.shape_cast %get3A_106 : vector<16xi32> to vector<16xi32>
      %swap3A_108 = arith.constant 32 : index
      %swap3A_109 = tpu.vector_load %arg10[%swap3A_108] {strides = array<i32>} : memref<128xi32, #tpu.memory_space<vmem>>, vector<16xi32>,
      %swap3A_110 = vector.shape_cast %swap3A_109 : vector<16xi32> to vector<16xi32>
      %swap3A_111 = vector.shape_cast %get3A_107 : vector<16xi32> to vector<16xi32>
      tpu.vector_store %arg10[%swap3A_108], %swap3A_111 {strides = array<i32>} : memref<128xi32, #tpu.memory_space<vmem>>, vector<16xi32>,
      %mul3A_112 = arith.constant 128 : i32
      %mul3A_113 = arith.muli %while3A_44, %mul3A_112 : i32
      %add3A_114 = arith.constant 32 : i32
      %add3A_115 = arith.addi %mul3A_113, %add3A_114 : i32
      %get3A_116 = arith.index_cast %add3A_115 : i32 to index
      %get3A_117 = tpu.vector_load %arg7[%get3A_116] {strides = array<i32>} : memref<10240xi32, #tpu.memory_space<vmem>>, vector<16xi32>,
      %get3A_118 = vector.shape_cast %get3A_117 : vector<16xi32> to vector<16xi32>
      %shift_left3A_119 = arith.constant 14 : i32
      %shift_left3A_120 = vector.broadcast %shift_left3A_119 : i32 to vector<16xi32>
      %shift_left3A_121 = arith.shli %get3A_107, %shift_left3A_120 : vector<16xi32>
      %or3A_122 = arith.ori %get3A_118, %shift_left3A_121 : vector<16xi32>
      %mul3A_123 = arith.constant 128 : i32
      %mul3A_124 = arith.muli %while3A_44, %mul3A_123 : i32
      %add3A_125 = arith.constant 32 : i32
      %add3A_126 = arith.addi %mul3A_124, %add3A_125 : i32
      %swap3A_127 = arith.index_cast %add3A_126 : i32 to index
      %swap3A_128 = tpu.vector_load %arg9[%swap3A_127] {strides = array<i32>} : memref<10240xi32, #tpu.memory_space<vmem>>, vector<16xi32>,
      %swap3A_129 = vector.shape_cast %swap3A_128 : vector<16xi32> to vector<16xi32>
      %swap3A_130 = vector.shape_cast %or3A_122 : vector<16xi32> to vector<16xi32>
      tpu.vector_store %arg9[%swap3A_127], %swap3A_130 {strides = array<i32>} : memref<10240xi32, #tpu.memory_space<vmem>>, vector<16xi32>,
      %mul3A_131 = arith.constant 128 : i32
      %mul3A_132 = arith.muli %while3A_44, %mul3A_131 : i32
      %add3A_133 = arith.constant 48 : i32
      %add3A_134 = arith.addi %mul3A_132, %add3A_133 : i32
      %get3A_135 = arith.index_cast %add3A_134 : i32 to index
      %get3A_136 = tpu.vector_load %arg8[%get3A_135] {strides = array<i32>} : memref<10240xi32, #tpu.memory_space<vmem>>, vector<16xi32>,
      %get3A_137 = vector.shape_cast %get3A_136 : vector<16xi32> to vector<16xi32>
      %swap3A_138 = arith.constant 48 : index
      %swap3A_139 = tpu.vector_load %arg10[%swap3A_138] {strides = array<i32>} : memref<128xi32, #tpu.memory_space<vmem>>, vector<16xi32>,
      %swap3A_140 = vector.shape_cast %swap3A_139 : vector<16xi32> to vector<16xi32>
      %swap3A_141 = vector.shape_cast %get3A_137 : vector<16xi32> to vector<16xi32>
      tpu.vector_store %arg10[%swap3A_138], %swap3A_141 {strides = array<i32>} : memref<128xi32, #tpu.memory_space<vmem>>, vector<16xi32>,
      %mul3A_142 = arith.constant 128 : i32
      %mul3A_143 = arith.muli %while3A_44, %mul3A_142 : i32
      %add3A_144 = arith.constant 48 : i32
      %add3A_145 = arith.addi %mul3A_143, %add3A_144 : i32
      %get3A_146 = arith.index_cast %add3A_145 : i32 to index
      %get3A_147 = tpu.vector_load %arg7[%get3A_146] {strides = array<i32>} : memref<10240xi32, #tpu.memory_space<vmem>>, vector<16xi32>,
      %get3A_148 = vector.shape_cast %get3A_147 : vector<16xi32> to vector<16xi32>
      %shift_left3A_149 = arith.constant 14 : i32
      %shift_left3A_150 = vector.broadcast %shift_left3A_149 : i32 to vector<16xi32>
      %shift_left3A_151 = arith.shli %get3A_137, %shift_left3A_150 : vector<16xi32>
      %or3A_152 = arith.ori %get3A_148, %shift_left3A_151 : vector<16xi32>
      %mul3A_153 = arith.constant 128 : i32
      %mul3A_154 = arith.muli %while3A_44, %mul3A_153 : i32
      %add3A_155 = arith.constant 48 : i32
      %add3A_156 = arith.addi %mul3A_154, %add3A_155 : i32
      %swap3A_157 = arith.index_cast %add3A_156 : i32 to index
      %swap3A_158 = tpu.vector_load %arg9[%swap3A_157] {strides = array<i32>} : memref<10240xi32, #tpu.memory_space<vmem>>, vector<16xi32>,
      %swap3A_159 = vector.shape_cast %swap3A_158 : vector<16xi32> to vector<16xi32>
      %swap3A_160 = vector.shape_cast %or3A_152 : vector<16xi32> to vector<16xi32>
      tpu.vector_store %arg9[%swap3A_157], %swap3A_160 {strides = array<i32>} : memref<10240xi32, #tpu.memory_space<vmem>>, vector<16xi32>,
      %mul3A_161 = arith.constant 128 : i32
      %mul3A_162 = arith.muli %while3A_44, %mul3A_161 : i32
      %add3A_163 = arith.constant 64 : i32
      %add3A_164 = arith.addi %mul3A_162, %add3A_163 : i32
      %get3A_165 = arith.index_cast %add3A_164 : i32 to index
      %get3A_166 = tpu.vector_load %arg8[%get3A_165] {strides = array<i32>} : memref<10240xi32, #tpu.memory_space<vmem>>, vector<16xi32>,
      %get3A_167 = vector.shape_cast %get3A_166 : vector<16xi32> to vector<16xi32>
      %swap3A_168 = arith.constant 64 : index
      %swap3A_169 = tpu.vector_load %arg10[%swap3A_168] {strides = array<i32>} : memref<128xi32, #tpu.memory_space<vmem>>, vector<16xi32>,
      %swap3A_170 = vector.shape_cast %swap3A_169 : vector<16xi32> to vector<16xi32>
      %swap3A_171 = vector.shape_cast %get3A_167 : vector<16xi32> to vector<16xi32>
      tpu.vector_store %arg10[%swap3A_168], %swap3A_171 {strides = array<i32>} : memref<128xi32, #tpu.memory_space<vmem>>, vector<16xi32>,
      %mul3A_172 = arith.constant 128 : i32
      %mul3A_173 = arith.muli %while3A_44, %mul3A_172 : i32
      %add3A_174 = arith.constant 64 : i32
      %add3A_175 = arith.addi %mul3A_173, %add3A_174 : i32
      %get3A_176 = arith.index_cast %add3A_175 : i32 to index
      %get3A_177 = tpu.vector_load %arg7[%get3A_176] {strides = array<i32>} : memref<10240xi32, #tpu.memory_space<vmem>>, vector<16xi32>,
      %get3A_178 = vector.shape_cast %get3A_177 : vector<16xi32> to vector<16xi32>
      %shift_left3A_179 = arith.constant 14 : i32
      %shift_left3A_180 = vector.broadcast %shift_left3A_179 : i32 to vector<16xi32>
      %shift_left3A_181 = arith.shli %get3A_167, %shift_left3A_180 : vector<16xi32>
      %or3A_182 = arith.ori %get3A_178, %shift_left3A_181 : vector<16xi32>
      %mul3A_183 = arith.constant 128 : i32
      %mul3A_184 = arith.muli %while3A_44, %mul3A_183 : i32
      %add3A_185 = arith.constant 64 : i32
      %add3A_186 = arith.addi %mul3A_184, %add3A_185 : i32
      %swap3A_187 = arith.index_cast %add3A_186 : i32 to index
      %swap3A_188 = tpu.vector_load %arg9[%swap3A_187] {strides = array<i32>} : memref<10240xi32, #tpu.memory_space<vmem>>, vector<16xi32>,
      %swap3A_189 = vector.shape_cast %swap3A_188 : vector<16xi32> to vector<16xi32>
      %swap3A_190 = vector.shape_cast %or3A_182 : vector<16xi32> to vector<16xi32>
      tpu.vector_store %arg9[%swap3A_187], %swap3A_190 {strides = array<i32>} : memref<10240xi32, #tpu.memory_space<vmem>>, vector<16xi32>,
      %mul3A_191 = arith.constant 128 : i32
      %mul3A_192 = arith.muli %while3A_44, %mul3A_191 : i32
      %add3A_193 = arith.constant 80 : i32
      %add3A_194 = arith.addi %mul3A_192, %add3A_193 : i32
      %get3A_195 = arith.index_cast %add3A_194 : i32 to index
      %get3A_196 = tpu.vector_load %arg8[%get3A_195] {strides = array<i32>} : memref<10240xi32, #tpu.memory_space<vmem>>, vector<16xi32>,
      %get3A_197 = vector.shape_cast %get3A_196 : vector<16xi32> to vector<16xi32>
      %swap3A_198 = arith.constant 80 : index
      %swap3A_199 = tpu.vector_load %arg10[%swap3A_198] {strides = array<i32>} : memref<128xi32, #tpu.memory_space<vmem>>, vector<16xi32>,
      %swap3A_200 = vector.shape_cast %swap3A_199 : vector<16xi32> to vector<16xi32>
      %swap3A_201 = vector.shape_cast %get3A_197 : vector<16xi32> to vector<16xi32>
      tpu.vector_store %arg10[%swap3A_198], %swap3A_201 {strides = array<i32>} : memref<128xi32, #tpu.memory_space<vmem>>, vector<16xi32>,
      %mul3A_202 = arith.constant 128 : i32
      %mul3A_203 = arith.muli %while3A_44, %mul3A_202 : i32
      %add3A_204 = arith.constant 80 : i32
      %add3A_205 = arith.addi %mul3A_203, %add3A_204 : i32
      %get3A_206 = arith.index_cast %add3A_205 : i32 to index
      %get3A_207 = tpu.vector_load %arg7[%get3A_206] {strides = array<i32>} : memref<10240xi32, #tpu.memory_space<vmem>>, vector<16xi32>,
      %get3A_208 = vector.shape_cast %get3A_207 : vector<16xi32> to vector<16xi32>
      %shift_left3A_209 = arith.constant 14 : i32
      %shift_left3A_210 = vector.broadcast %shift_left3A_209 : i32 to vector<16xi32>
      %shift_left3A_211 = arith.shli %get3A_197, %shift_left3A_210 : vector<16xi32>
      %or3A_212 = arith.ori %get3A_208, %shift_left3A_211 : vector<16xi32>
      %mul3A_213 = arith.constant 128 : i32
      %mul3A_214 = arith.muli %while3A_44, %mul3A_213 : i32
      %add3A_215 = arith.constant 80 : i32
      %add3A_216 = arith.addi %mul3A_214, %add3A_215 : i32
      %swap3A_217 = arith.index_cast %add3A_216 : i32 to index
      %swap3A_218 = tpu.vector_load %arg9[%swap3A_217] {strides = array<i32>} : memref<10240xi32, #tpu.memory_space<vmem>>, vector<16xi32>,
      %swap3A_219 = vector.shape_cast %swap3A_218 : vector<16xi32> to vector<16xi32>
      %swap3A_220 = vector.shape_cast %or3A_212 : vector<16xi32> to vector<16xi32>
      tpu.vector_store %arg9[%swap3A_217], %swap3A_220 {strides = array<i32>} : memref<10240xi32, #tpu.memory_space<vmem>>, vector<16xi32>,
      %mul3A_221 = arith.constant 128 : i32
      %mul3A_222 = arith.muli %while3A_44, %mul3A_221 : i32
      %add3A_223 = arith.constant 96 : i32
      %add3A_224 = arith.addi %mul3A_222, %add3A_223 : i32
      %get3A_225 = arith.index_cast %add3A_224 : i32 to index
      %get3A_226 = tpu.vector_load %arg8[%get3A_225] {strides = array<i32>} : memref<10240xi32, #tpu.memory_space<vmem>>, vector<16xi32>,
      %get3A_227 = vector.shape_cast %get3A_226 : vector<16xi32> to vector<16xi32>
      %swap3A_228 = arith.constant 96 : index
      %swap3A_229 = tpu.vector_load %arg10[%swap3A_228] {strides = array<i32>} : memref<128xi32, #tpu.memory_space<vmem>>, vector<16xi32>,
      %swap3A_230 = vector.shape_cast %swap3A_229 : vector<16xi32> to vector<16xi32>
      %swap3A_231 = vector.shape_cast %get3A_227 : vector<16xi32> to vector<16xi32>
      tpu.vector_store %arg10[%swap3A_228], %swap3A_231 {strides = array<i32>} : memref<128xi32, #tpu.memory_space<vmem>>, vector<16xi32>,
      %mul3A_232 = arith.constant 128 : i32
      %mul3A_233 = arith.muli %while3A_44, %mul3A_232 : i32
      %add3A_234 = arith.constant 96 : i32
      %add3A_235 = arith.addi %mul3A_233, %add3A_234 : i32
      %get3A_236 = arith.index_cast %add3A_235 : i32 to index
      %get3A_237 = tpu.vector_load %arg7[%get3A_236] {strides = array<i32>} : memref<10240xi32, #tpu.memory_space<vmem>>, vector<16xi32>,
      %get3A_238 = vector.shape_cast %get3A_237 : vector<16xi32> to vector<16xi32>
      %shift_left3A_239 = arith.constant 14 : i32
      %shift_left3A_240 = vector.broadcast %shift_left3A_239 : i32 to vector<16xi32>
      %shift_left3A_241 = arith.shli %get3A_227, %shift_left3A_240 : vector<16xi32>
      %or3A_242 = arith.ori %get3A_238, %shift_left3A_241 : vector<16xi32>
      %mul3A_243 = arith.constant 128 : i32
      %mul3A_244 = arith.muli %while3A_44, %mul3A_243 : i32
      %add3A_245 = arith.constant 96 : i32
      %add3A_246 = arith.addi %mul3A_244, %add3A_245 : i32
      %swap3A_247 = arith.index_cast %add3A_246 : i32 to index
      %swap3A_248 = tpu.vector_load %arg9[%swap3A_247] {strides = array<i32>} : memref<10240xi32, #tpu.memory_space<vmem>>, vector<16xi32>,
      %swap3A_249 = vector.shape_cast %swap3A_248 : vector<16xi32> to vector<16xi32>
      %swap3A_250 = vector.shape_cast %or3A_242 : vector<16xi32> to vector<16xi32>
      tpu.vector_store %arg9[%swap3A_247], %swap3A_250 {strides = array<i32>} : memref<10240xi32, #tpu.memory_space<vmem>>, vector<16xi32>,
      %mul3A_251 = arith.constant 128 : i32
      %mul3A_252 = arith.muli %while3A_44, %mul3A_251 : i32
      %add3A_253 = arith.constant 112 : i32
      %add3A_254 = arith.addi %mul3A_252, %add3A_253 : i32
      %get3A_255 = arith.index_cast %add3A_254 : i32 to index
      %get3A_256 = tpu.vector_load %arg8[%get3A_255] {strides = array<i32>} : memref<10240xi32, #tpu.memory_space<vmem>>, vector<16xi32>,
      %get3A_257 = vector.shape_cast %get3A_256 : vector<16xi32> to vector<16xi32>
      %swap3A_258 = arith.constant 112 : index
      %swap3A_259 = tpu.vector_load %arg10[%swap3A_258] {strides = array<i32>} : memref<128xi32, #tpu.memory_space<vmem>>, vector<16xi32>,
      %swap3A_260 = vector.shape_cast %swap3A_259 : vector<16xi32> to vector<16xi32>
      %swap3A_261 = vector.shape_cast %get3A_257 : vector<16xi32> to vector<16xi32>
      tpu.vector_store %arg10[%swap3A_258], %swap3A_261 {strides = array<i32>} : memref<128xi32, #tpu.memory_space<vmem>>, vector<16xi32>,
      %mul3A_262 = arith.constant 128 : i32
      %mul3A_263 = arith.muli %while3A_44, %mul3A_262 : i32
      %add3A_264 = arith.constant 112 : i32
      %add3A_265 = arith.addi %mul3A_263, %add3A_264 : i32
      %get3A_266 = arith.index_cast %add3A_265 : i32 to index
      %get3A_267 = tpu.vector_load %arg7[%get3A_266] {strides = array<i32>} : memref<10240xi32, #tpu.memory_space<vmem>>, vector<16xi32>,
      %get3A_268 = vector.shape_cast %get3A_267 : vector<16xi32> to vector<16xi32>
      %shift_left3A_269 = arith.constant 14 : i32
      %shift_left3A_270 = vector.broadcast %shift_left3A_269 : i32 to vector<16xi32>
      %shift_left3A_271 = arith.shli %get3A_257, %shift_left3A_270 : vector<16xi32>
      %or3A_272 = arith.ori %get3A_268, %shift_left3A_271 : vector<16xi32>
      %mul3A_273 = arith.constant 128 : i32
      %mul3A_274 = arith.muli %while3A_44, %mul3A_273 : i32
      %add3A_275 = arith.constant 112 : i32
      %add3A_276 = arith.addi %mul3A_274, %add3A_275 : i32
      %swap3A_277 = arith.index_cast %add3A_276 : i32 to index
      %swap3A_278 = tpu.vector_load %arg9[%swap3A_277] {strides = array<i32>} : memref<10240xi32, #tpu.memory_space<vmem>>, vector<16xi32>,
      %swap3A_279 = vector.shape_cast %swap3A_278 : vector<16xi32> to vector<16xi32>
      %swap3A_280 = vector.shape_cast %or3A_272 : vector<16xi32> to vector<16xi32>
      tpu.vector_store %arg9[%swap3A_277], %swap3A_280 {strides = array<i32>} : memref<10240xi32, #tpu.memory_space<vmem>>, vector<16xi32>,
      "tpu.region"() ({
        %run_scoped3A = tpu.sem_alloc : memref<!tpu.dma_semaphore, #tpu.memory_space<semaphore_mem>>
        %dma_start3A = arith.constant 0 : i32
        %dma_start3A_281 = tpu.memref_slice %arg13[%dma_start3A] : memref<10240xf32, #tpu.memory_space<vmem_shared>> -> memref<10240xf32, #tpu.memory_space<vmem_shared>>
        tpu.enqueue_indirect_dma source(%arg11 : memref<128xf32, #tpu.memory_space<vmem>>) target(%dma_start3A_281 : memref<10240xf32, #tpu.memory_space<vmem_shared>>) offsets(%arg10 : memref<128xi32, #tpu.memory_space<vmem>>) semaphore(%run_scoped3A : memref<!tpu.dma_semaphore, #tpu.memory_space<semaphore_mem>>) {add = true}
        %dma_wait3A = arith.constant 0 : i32
        %dma_wait3A_282 = tpu.memref_slice %arg13[%dma_wait3A] : memref<10240xf32, #tpu.memory_space<vmem_shared>> -> memref<10240xf32, #tpu.memory_space<vmem_shared>>
        tpu.wait_indirect_dma semaphore(%run_scoped3A : memref<!tpu.dma_semaphore, #tpu.memory_space<semaphore_mem>>) src(%arg11 : memref<128xf32, #tpu.memory_space<vmem>>) dst(%dma_wait3A_282 : memref<10240xf32, #tpu.memory_space<vmem_shared>>)
        tpu.yield
      }) : () -> ()
    }
    %while3A_27 = arith.constant 1 : i32
    scf.for %while3A_44 = %while3A_25 to %while3A_21 step %while3A_27  : i32 {
      %mul3A_45 = arith.constant 128 : i32
      %mul3A_46 = arith.muli %while3A_44, %mul3A_45 : i32
      %add3A_47 = arith.constant 0 : i32
      %add3A_48 = arith.addi %mul3A_46, %add3A_47 : i32
      %get3A = arith.index_cast %add3A_48 : i32 to index
      %get3A_49 = tpu.vector_load %arg8[%get3A] {strides = array<i32>} : memref<10240xi32, #tpu.memory_space<vmem>>, vector<16xi32>,
      %get3A_50 = vector.shape_cast %get3A_49 : vector<16xi32> to vector<16xi32>
      %swap3A = arith.constant 0 : index
      %swap3A_51 = tpu.vector_load %arg10[%swap3A] {strides = array<i32>} : memref<128xi32, #tpu.memory_space<vmem>>, vector<16xi32>,
      %swap3A_52 = vector.shape_cast %swap3A_51 : vector<16xi32> to vector<16xi32>
      %swap3A_53 = vector.shape_cast %get3A_50 : vector<16xi32> to vector<16xi32>
      tpu.vector_store %arg10[%swap3A], %swap3A_53 {strides = array<i32>} : memref<128xi32, #tpu.memory_space<vmem>>, vector<16xi32>,
      %mul3A_54 = arith.constant 128 : i32
      %mul3A_55 = arith.muli %while3A_44, %mul3A_54 : i32
      %add3A_56 = arith.constant 0 : i32
      %add3A_57 = arith.addi %mul3A_55, %add3A_56 : i32
      %get3A_58 = arith.index_cast %add3A_57 : i32 to index
      %get3A_59 = tpu.vector_load %arg7[%get3A_58] {strides = array<i32>} : memref<10240xi32, #tpu.memory_space<vmem>>, vector<16xi32>,
      %get3A_60 = vector.shape_cast %get3A_59 : vector<16xi32> to vector<16xi32>
      %shift_left3A = arith.constant 14 : i32
      %shift_left3A_61 = vector.broadcast %shift_left3A : i32 to vector<16xi32>
      %shift_left3A_62 = arith.shli %get3A_50, %shift_left3A_61 : vector<16xi32>
      %or3A = arith.ori %get3A_60, %shift_left3A_62 : vector<16xi32>
      %mul3A_63 = arith.constant 128 : i32
      %mul3A_64 = arith.muli %while3A_44, %mul3A_63 : i32
      %add3A_65 = arith.constant 0 : i32
      %add3A_66 = arith.addi %mul3A_64, %add3A_65 : i32
      %swap3A_67 = arith.index_cast %add3A_66 : i32 to index
      %swap3A_68 = tpu.vector_load %arg9[%swap3A_67] {strides = array<i32>} : memref<10240xi32, #tpu.memory_space<vmem>>, vector<16xi32>,
      %swap3A_69 = vector.shape_cast %swap3A_68 : vector<16xi32> to vector<16xi32>
      %swap3A_70 = vector.shape_cast %or3A : vector<16xi32> to vector<16xi32>
      tpu.vector_store %arg9[%swap3A_67], %swap3A_70 {strides = array<i32>} : memref<10240xi32, #tpu.memory_space<vmem>>, vector<16xi32>,
      %mul3A_71 = arith.constant 128 : i32
      %mul3A_72 = arith.muli %while3A_44, %mul3A_71 : i32
      %add3A_73 = arith.constant 16 : i32
      %add3A_74 = arith.addi %mul3A_72, %add3A_73 : i32
      %get3A_75 = arith.index_cast %add3A_74 : i32 to index
      %get3A_76 = tpu.vector_load %arg8[%get3A_75] {strides = array<i32>} : memref<10240xi32, #tpu.memory_space<vmem>>, vector<16xi32>,
      %get3A_77 = vector.shape_cast %get3A_76 : vector<16xi32> to vector<16xi32>
      %swap3A_78 = arith.constant 16 : index
      %swap3A_79 = tpu.vector_load %arg10[%swap3A_78] {strides = array<i32>} : memref<128xi32, #tpu.memory_space<vmem>>, vector<16xi32>,
      %swap3A_80 = vector.shape_cast %swap3A_79 : vector<16xi32> to vector<16xi32>
      %swap3A_81 = vector.shape_cast %get3A_77 : vector<16xi32> to vector<16xi32>
      tpu.vector_store %arg10[%swap3A_78], %swap3A_81 {strides = array<i32>} : memref<128xi32, #tpu.memory_space<vmem>>, vector<16xi32>,
      %mul3A_82 = arith.constant 128 : i32
      %mul3A_83 = arith.muli %while3A_44, %mul3A_82 : i32
      %add3A_84 = arith.constant 16 : i32
      %add3A_85 = arith.addi %mul3A_83, %add3A_84 : i32
      %get3A_86 = arith.index_cast %add3A_85 : i32 to index
      %get3A_87 = tpu.vector_load %arg7[%get3A_86] {strides = array<i32>} : memref<10240xi32, #tpu.memory_space<vmem>>, vector<16xi32>,
      %get3A_88 = vector.shape_cast %get3A_87 : vector<16xi32> to vector<16xi32>
      %shift_left3A_89 = arith.constant 14 : i32
      %shift_left3A_90 = vector.broadcast %shift_left3A_89 : i32 to vector<16xi32>
      %shift_left3A_91 = arith.shli %get3A_77, %shift_left3A_90 : vector<16xi32>
      %or3A_92 = arith.ori %get3A_88, %shift_left3A_91 : vector<16xi32>
      %mul3A_93 = arith.constant 128 : i32
      %mul3A_94 = arith.muli %while3A_44, %mul3A_93 : i32
      %add3A_95 = arith.constant 16 : i32
      %add3A_96 = arith.addi %mul3A_94, %add3A_95 : i32
      %swap3A_97 = arith.index_cast %add3A_96 : i32 to index
      %swap3A_98 = tpu.vector_load %arg9[%swap3A_97] {strides = array<i32>} : memref<10240xi32, #tpu.memory_space<vmem>>, vector<16xi32>,
      %swap3A_99 = vector.shape_cast %swap3A_98 : vector<16xi32> to vector<16xi32>
      %swap3A_100 = vector.shape_cast %or3A_92 : vector<16xi32> to vector<16xi32>
      tpu.vector_store %arg9[%swap3A_97], %swap3A_100 {strides = array<i32>} : memref<10240xi32, #tpu.memory_space<vmem>>, vector<16xi32>,
      %mul3A_101 = arith.constant 128 : i32
      %mul3A_102 = arith.muli %while3A_44, %mul3A_101 : i32
      %add3A_103 = arith.constant 32 : i32
      %add3A_104 = arith.addi %mul3A_102, %add3A_103 : i32
      %get3A_105 = arith.index_cast %add3A_104 : i32 to index
      %get3A_106 = tpu.vector_load %arg8[%get3A_105] {strides = array<i32>} : memref<10240xi32, #tpu.memory_space<vmem>>, vector<16xi32>,
      %get3A_107 = vector.shape_cast %get3A_106 : vector<16xi32> to vector<16xi32>
      %swap3A_108 = arith.constant 32 : index
      %swap3A_109 = tpu.vector_load %arg10[%swap3A_108] {strides = array<i32>} : memref<128xi32, #tpu.memory_space<vmem>>, vector<16xi32>,
      %swap3A_110 = vector.shape_cast %swap3A_109 : vector<16xi32> to vector<16xi32>
      %swap3A_111 = vector.shape_cast %get3A_107 : vector<16xi32> to vector<16xi32>
      tpu.vector_store %arg10[%swap3A_108], %swap3A_111 {strides = array<i32>} : memref<128xi32, #tpu.memory_space<vmem>>, vector<16xi32>,
      %mul3A_112 = arith.constant 128 : i32
      %mul3A_113 = arith.muli %while3A_44, %mul3A_112 : i32
      %add3A_114 = arith.constant 32 : i32
      %add3A_115 = arith.addi %mul3A_113, %add3A_114 : i32
      %get3A_116 = arith.index_cast %add3A_115 : i32 to index
      %get3A_117 = tpu.vector_load %arg7[%get3A_116] {strides = array<i32>} : memref<10240xi32, #tpu.memory_space<vmem>>, vector<16xi32>,
      %get3A_118 = vector.shape_cast %get3A_117 : vector<16xi32> to vector<16xi32>
      %shift_left3A_119 = arith.constant 14 : i32
      %shift_left3A_120 = vector.broadcast %shift_left3A_119 : i32 to vector<16xi32>
      %shift_left3A_121 = arith.shli %get3A_107, %shift_left3A_120 : vector<16xi32>
      %or3A_122 = arith.ori %get3A_118, %shift_left3A_121 : vector<16xi32>
      %mul3A_123 = arith.constant 128 : i32
      %mul3A_124 = arith.muli %while3A_44, %mul3A_123 : i32
      %add3A_125 = arith.constant 32 : i32
      %add3A_126 = arith.addi %mul3A_124, %add3A_125 : i32
      %swap3A_127 = arith.index_cast %add3A_126 : i32 to index
      %swap3A_128 = tpu.vector_load %arg9[%swap3A_127] {strides = array<i32>} : memref<10240xi32, #tpu.memory_space<vmem>>, vector<16xi32>,
      %swap3A_129 = vector.shape_cast %swap3A_128 : vector<16xi32> to vector<16xi32>
      %swap3A_130 = vector.shape_cast %or3A_122 : vector<16xi32> to vector<16xi32>
      tpu.vector_store %arg9[%swap3A_127], %swap3A_130 {strides = array<i32>} : memref<10240xi32, #tpu.memory_space<vmem>>, vector<16xi32>,
      %mul3A_131 = arith.constant 128 : i32
      %mul3A_132 = arith.muli %while3A_44, %mul3A_131 : i32
      %add3A_133 = arith.constant 48 : i32
      %add3A_134 = arith.addi %mul3A_132, %add3A_133 : i32
      %get3A_135 = arith.index_cast %add3A_134 : i32 to index
      %get3A_136 = tpu.vector_load %arg8[%get3A_135] {strides = array<i32>} : memref<10240xi32, #tpu.memory_space<vmem>>, vector<16xi32>,
      %get3A_137 = vector.shape_cast %get3A_136 : vector<16xi32> to vector<16xi32>
      %swap3A_138 = arith.constant 48 : index
      %swap3A_139 = tpu.vector_load %arg10[%swap3A_138] {strides = array<i32>} : memref<128xi32, #tpu.memory_space<vmem>>, vector<16xi32>,
      %swap3A_140 = vector.shape_cast %swap3A_139 : vector<16xi32> to vector<16xi32>
      %swap3A_141 = vector.shape_cast %get3A_137 : vector<16xi32> to vector<16xi32>
      tpu.vector_store %arg10[%swap3A_138], %swap3A_141 {strides = array<i32>} : memref<128xi32, #tpu.memory_space<vmem>>, vector<16xi32>,
      %mul3A_142 = arith.constant 128 : i32
      %mul3A_143 = arith.muli %while3A_44, %mul3A_142 : i32
      %add3A_144 = arith.constant 48 : i32
      %add3A_145 = arith.addi %mul3A_143, %add3A_144 : i32
      %get3A_146 = arith.index_cast %add3A_145 : i32 to index
      %get3A_147 = tpu.vector_load %arg7[%get3A_146] {strides = array<i32>} : memref<10240xi32, #tpu.memory_space<vmem>>, vector<16xi32>,
      %get3A_148 = vector.shape_cast %get3A_147 : vector<16xi32> to vector<16xi32>
      %shift_left3A_149 = arith.constant 14 : i32
      %shift_left3A_150 = vector.broadcast %shift_left3A_149 : i32 to vector<16xi32>
      %shift_left3A_151 = arith.shli %get3A_137, %shift_left3A_150 : vector<16xi32>
      %or3A_152 = arith.ori %get3A_148, %shift_left3A_151 : vector<16xi32>
      %mul3A_153 = arith.constant 128 : i32
      %mul3A_154 = arith.muli %while3A_44, %mul3A_153 : i32
      %add3A_155 = arith.constant 48 : i32
      %add3A_156 = arith.addi %mul3A_154, %add3A_155 : i32
      %swap3A_157 = arith.index_cast %add3A_156 : i32 to index
      %swap3A_158 = tpu.vector_load %arg9[%swap3A_157] {strides = array<i32>} : memref<10240xi32, #tpu.memory_space<vmem>>, vector<16xi32>,
      %swap3A_159 = vector.shape_cast %swap3A_158 : vector<16xi32> to vector<16xi32>
      %swap3A_160 = vector.shape_cast %or3A_152 : vector<16xi32> to vector<16xi32>
      tpu.vector_store %arg9[%swap3A_157], %swap3A_160 {strides = array<i32>} : memref<10240xi32, #tpu.memory_space<vmem>>, vector<16xi32>,
      %mul3A_161 = arith.constant 128 : i32
      %mul3A_162 = arith.muli %while3A_44, %mul3A_161 : i32
      %add3A_163 = arith.constant 64 : i32
      %add3A_164 = arith.addi %mul3A_162, %add3A_163 : i32
      %get3A_165 = arith.index_cast %add3A_164 : i32 to index
      %get3A_166 = tpu.vector_load %arg8[%get3A_165] {strides = array<i32>} : memref<10240xi32, #tpu.memory_space<vmem>>, vector<16xi32>,
      %get3A_167 = vector.shape_cast %get3A_166 : vector<16xi32> to vector<16xi32>
      %swap3A_168 = arith.constant 64 : index
      %swap3A_169 = tpu.vector_load %arg10[%swap3A_168] {strides = array<i32>} : memref<128xi32, #tpu.memory_space<vmem>>, vector<16xi32>,
      %swap3A_170 = vector.shape_cast %swap3A_169 : vector<16xi32> to vector<16xi32>
      %swap3A_171 = vector.shape_cast %get3A_167 : vector<16xi32> to vector<16xi32>
      tpu.vector_store %arg10[%swap3A_168], %swap3A_171 {strides = array<i32>} : memref<128xi32, #tpu.memory_space<vmem>>, vector<16xi32>,
      %mul3A_172 = arith.constant 128 : i32
      %mul3A_173 = arith.muli %while3A_44, %mul3A_172 : i32
      %add3A_174 = arith.constant 64 : i32
      %add3A_175 = arith.addi %mul3A_173, %add3A_174 : i32
      %get3A_176 = arith.index_cast %add3A_175 : i32 to index
      %get3A_177 = tpu.vector_load %arg7[%get3A_176] {strides = array<i32>} : memref<10240xi32, #tpu.memory_space<vmem>>, vector<16xi32>,
      %get3A_178 = vector.shape_cast %get3A_177 : vector<16xi32> to vector<16xi32>
      %shift_left3A_179 = arith.constant 14 : i32
      %shift_left3A_180 = vector.broadcast %shift_left3A_179 : i32 to vector<16xi32>
      %shift_left3A_181 = arith.shli %get3A_167, %shift_left3A_180 : vector<16xi32>
      %or3A_182 = arith.ori %get3A_178, %shift_left3A_181 : vector<16xi32>
      %mul3A_183 = arith.constant 128 : i32
      %mul3A_184 = arith.muli %while3A_44, %mul3A_183 : i32
      %add3A_185 = arith.constant 64 : i32
      %add3A_186 = arith.addi %mul3A_184, %add3A_185 : i32
      %swap3A_187 = arith.index_cast %add3A_186 : i32 to index
      %swap3A_188 = tpu.vector_load %arg9[%swap3A_187] {strides = array<i32>} : memref<10240xi32, #tpu.memory_space<vmem>>, vector<16xi32>,
      %swap3A_189 = vector.shape_cast %swap3A_188 : vector<16xi32> to vector<16xi32>
      %swap3A_190 = vector.shape_cast %or3A_182 : vector<16xi32> to vector<16xi32>
      tpu.vector_store %arg9[%swap3A_187], %swap3A_190 {strides = array<i32>} : memref<10240xi32, #tpu.memory_space<vmem>>, vector<16xi32>,
      %mul3A_191 = arith.constant 128 : i32
      %mul3A_192 = arith.muli %while3A_44, %mul3A_191 : i32
      %add3A_193 = arith.constant 80 : i32
      %add3A_194 = arith.addi %mul3A_192, %add3A_193 : i32
      %get3A_195 = arith.index_cast %add3A_194 : i32 to index
      %get3A_196 = tpu.vector_load %arg8[%get3A_195] {strides = array<i32>} : memref<10240xi32, #tpu.memory_space<vmem>>, vector<16xi32>,
      %get3A_197 = vector.shape_cast %get3A_196 : vector<16xi32> to vector<16xi32>
      %swap3A_198 = arith.constant 80 : index
      %swap3A_199 = tpu.vector_load %arg10[%swap3A_198] {strides = array<i32>} : memref<128xi32, #tpu.memory_space<vmem>>, vector<16xi32>,
      %swap3A_200 = vector.shape_cast %swap3A_199 : vector<16xi32> to vector<16xi32>
      %swap3A_201 = vector.shape_cast %get3A_197 : vector<16xi32> to vector<16xi32>
      tpu.vector_store %arg10[%swap3A_198], %swap3A_201 {strides = array<i32>} : memref<128xi32, #tpu.memory_space<vmem>>, vector<16xi32>,
      %mul3A_202 = arith.constant 128 : i32
      %mul3A_203 = arith.muli %while3A_44, %mul3A_202 : i32
      %add3A_204 = arith.constant 80 : i32
      %add3A_205 = arith.addi %mul3A_203, %add3A_204 : i32
      %get3A_206 = arith.index_cast %add3A_205 : i32 to index
      %get3A_207 = tpu.vector_load %arg7[%get3A_206] {strides = array<i32>} : memref<10240xi32, #tpu.memory_space<vmem>>, vector<16xi32>,
      %get3A_208 = vector.shape_cast %get3A_207 : vector<16xi32> to vector<16xi32>
      %shift_left3A_209 = arith.constant 14 : i32
      %shift_left3A_210 = vector.broadcast %shift_left3A_209 : i32 to vector<16xi32>
      %shift_left3A_211 = arith.shli %get3A_197, %shift_left3A_210 : vector<16xi32>
      %or3A_212 = arith.ori %get3A_208, %shift_left3A_211 : vector<16xi32>
      %mul3A_213 = arith.constant 128 : i32
      %mul3A_214 = arith.muli %while3A_44, %mul3A_213 : i32
      %add3A_215 = arith.constant 80 : i32
      %add3A_216 = arith.addi %mul3A_214, %add3A_215 : i32
      %swap3A_217 = arith.index_cast %add3A_216 : i32 to index
      %swap3A_218 = tpu.vector_load %arg9[%swap3A_217] {strides = array<i32>} : memref<10240xi32, #tpu.memory_space<vmem>>, vector<16xi32>,
      %swap3A_219 = vector.shape_cast %swap3A_218 : vector<16xi32> to vector<16xi32>
      %swap3A_220 = vector.shape_cast %or3A_212 : vector<16xi32> to vector<16xi32>
      tpu.vector_store %arg9[%swap3A_217], %swap3A_220 {strides = array<i32>} : memref<10240xi32, #tpu.memory_space<vmem>>, vector<16xi32>,
      %mul3A_221 = arith.constant 128 : i32
      %mul3A_222 = arith.muli %while3A_44, %mul3A_221 : i32
      %add3A_223 = arith.constant 96 : i32
      %add3A_224 = arith.addi %mul3A_222, %add3A_223 : i32
      %get3A_225 = arith.index_cast %add3A_224 : i32 to index
      %get3A_226 = tpu.vector_load %arg8[%get3A_225] {strides = array<i32>} : memref<10240xi32, #tpu.memory_space<vmem>>, vector<16xi32>,
      %get3A_227 = vector.shape_cast %get3A_226 : vector<16xi32> to vector<16xi32>
      %swap3A_228 = arith.constant 96 : index
      %swap3A_229 = tpu.vector_load %arg10[%swap3A_228] {strides = array<i32>} : memref<128xi32, #tpu.memory_space<vmem>>, vector<16xi32>,
      %swap3A_230 = vector.shape_cast %swap3A_229 : vector<16xi32> to vector<16xi32>
      %swap3A_231 = vector.shape_cast %get3A_227 : vector<16xi32> to vector<16xi32>
      tpu.vector_store %arg10[%swap3A_228], %swap3A_231 {strides = array<i32>} : memref<128xi32, #tpu.memory_space<vmem>>, vector<16xi32>,
      %mul3A_232 = arith.constant 128 : i32
      %mul3A_233 = arith.muli %while3A_44, %mul3A_232 : i32
      %add3A_234 = arith.constant 96 : i32
      %add3A_235 = arith.addi %mul3A_233, %add3A_234 : i32
      %get3A_236 = arith.index_cast %add3A_235 : i32 to index
      %get3A_237 = tpu.vector_load %arg7[%get3A_236] {strides = array<i32>} : memref<10240xi32, #tpu.memory_space<vmem>>, vector<16xi32>,
      %get3A_238 = vector.shape_cast %get3A_237 : vector<16xi32> to vector<16xi32>
      %shift_left3A_239 = arith.constant 14 : i32
      %shift_left3A_240 = vector.broadcast %shift_left3A_239 : i32 to vector<16xi32>
      %shift_left3A_241 = arith.shli %get3A_227, %shift_left3A_240 : vector<16xi32>
      %or3A_242 = arith.ori %get3A_238, %shift_left3A_241 : vector<16xi32>
      %mul3A_243 = arith.constant 128 : i32
      %mul3A_244 = arith.muli %while3A_44, %mul3A_243 : i32
      %add3A_245 = arith.constant 96 : i32
      %add3A_246 = arith.addi %mul3A_244, %add3A_245 : i32
      %swap3A_247 = arith.index_cast %add3A_246 : i32 to index
      %swap3A_248 = tpu.vector_load %arg9[%swap3A_247] {strides = array<i32>} : memref<10240xi32, #tpu.memory_space<vmem>>, vector<16xi32>,
      %swap3A_249 = vector.shape_cast %swap3A_248 : vector<16xi32> to vector<16xi32>
      %swap3A_250 = vector.shape_cast %or3A_242 : vector<16xi32> to vector<16xi32>
      tpu.vector_store %arg9[%swap3A_247], %swap3A_250 {strides = array<i32>} : memref<10240xi32, #tpu.memory_space<vmem>>, vector<16xi32>,
      %mul3A_251 = arith.constant 128 : i32
      %mul3A_252 = arith.muli %while3A_44, %mul3A_251 : i32
      %add3A_253 = arith.constant 112 : i32
      %add3A_254 = arith.addi %mul3A_252, %add3A_253 : i32
      %get3A_255 = arith.index_cast %add3A_254 : i32 to index
      %get3A_256 = tpu.vector_load %arg8[%get3A_255] {strides = array<i32>} : memref<10240xi32, #tpu.memory_space<vmem>>, vector<16xi32>,
      %get3A_257 = vector.shape_cast %get3A_256 : vector<16xi32> to vector<16xi32>
      %swap3A_258 = arith.constant 112 : index
      %swap3A_259 = tpu.vector_load %arg10[%swap3A_258] {strides = array<i32>} : memref<128xi32, #tpu.memory_space<vmem>>, vector<16xi32>,
      %swap3A_260 = vector.shape_cast %swap3A_259 : vector<16xi32> to vector<16xi32>
      %swap3A_261 = vector.shape_cast %get3A_257 : vector<16xi32> to vector<16xi32>
      tpu.vector_store %arg10[%swap3A_258], %swap3A_261 {strides = array<i32>} : memref<128xi32, #tpu.memory_space<vmem>>, vector<16xi32>,
      %mul3A_262 = arith.constant 128 : i32
      %mul3A_263 = arith.muli %while3A_44, %mul3A_262 : i32
      %add3A_264 = arith.constant 112 : i32
      %add3A_265 = arith.addi %mul3A_263, %add3A_264 : i32
      %get3A_266 = arith.index_cast %add3A_265 : i32 to index
      %get3A_267 = tpu.vector_load %arg7[%get3A_266] {strides = array<i32>} : memref<10240xi32, #tpu.memory_space<vmem>>, vector<16xi32>,
      %get3A_268 = vector.shape_cast %get3A_267 : vector<16xi32> to vector<16xi32>
      %shift_left3A_269 = arith.constant 14 : i32
      %shift_left3A_270 = vector.broadcast %shift_left3A_269 : i32 to vector<16xi32>
      %shift_left3A_271 = arith.shli %get3A_257, %shift_left3A_270 : vector<16xi32>
      %or3A_272 = arith.ori %get3A_268, %shift_left3A_271 : vector<16xi32>
      %mul3A_273 = arith.constant 128 : i32
      %mul3A_274 = arith.muli %while3A_44, %mul3A_273 : i32
      %add3A_275 = arith.constant 112 : i32
      %add3A_276 = arith.addi %mul3A_274, %add3A_275 : i32
      %swap3A_277 = arith.index_cast %add3A_276 : i32 to index
      %swap3A_278 = tpu.vector_load %arg9[%swap3A_277] {strides = array<i32>} : memref<10240xi32, #tpu.memory_space<vmem>>, vector<16xi32>,
      %swap3A_279 = vector.shape_cast %swap3A_278 : vector<16xi32> to vector<16xi32>
      %swap3A_280 = vector.shape_cast %or3A_272 : vector<16xi32> to vector<16xi32>
      tpu.vector_store %arg9[%swap3A_277], %swap3A_280 {strides = array<i32>} : memref<10240xi32, #tpu.memory_space<vmem>>, vector<16xi32>,
      "tpu.region"() ({
        %run_scoped3A = tpu.sem_alloc : memref<!tpu.dma_semaphore, #tpu.memory_space<semaphore_mem>>
        %dma_start3A = arith.constant 0 : i32
        %dma_start3A_281 = tpu.memref_slice %arg13[%dma_start3A] : memref<10240xf32, #tpu.memory_space<vmem_shared>> -> memref<10240xf32, #tpu.memory_space<vmem_shared>>
        tpu.enqueue_indirect_dma source(%arg11 : memref<128xf32, #tpu.memory_space<vmem>>) target(%dma_start3A_281 : memref<10240xf32, #tpu.memory_space<vmem_shared>>) offsets(%arg10 : memref<128xi32, #tpu.memory_space<vmem>>) semaphore(%run_scoped3A : memref<!tpu.dma_semaphore, #tpu.memory_space<semaphore_mem>>) {add = true}
        %dma_wait3A = arith.constant 0 : i32
        %dma_wait3A_282 = tpu.memref_slice %arg13[%dma_wait3A] : memref<10240xf32, #tpu.memory_space<vmem_shared>> -> memref<10240xf32, #tpu.memory_space<vmem_shared>>
        tpu.wait_indirect_dma semaphore(%run_scoped3A : memref<!tpu.dma_semaphore, #tpu.memory_space<semaphore_mem>>) src(%arg11 : memref<128xf32, #tpu.memory_space<vmem>>) dst(%dma_wait3A_282 : memref<10240xf32, #tpu.memory_space<vmem_shared>>)
        tpu.yield
      }) : () -> ()
    }
    %lt3A_28 = arith.constant 31 : i32
    %lt3A_29 = arith.cmpi slt, %add3A, %lt3A_28 : i32
    %convert_element_type3A_30 = arith.extui %lt3A_29 : i1 to i32
    %cond3A_31 = arith.constant 0 : i32
    %cond3A_32 = arith.cmpi ne, %convert_element_type3A_30, %cond3A_31 : i32
    scf.if %cond3A_32 {
      "tpu.region"() ({
        %run_scoped3A = tpu.sem_alloc : memref<!tpu.dma_semaphore, #tpu.memory_space<semaphore_mem>>
        %dma_start3A = tpu.memref_slice %arg6[%mul3A_4] : memref<320000xi32, #tpu.memory_space<hbm>> -> memref<10240xi32, #tpu.memory_space<hbm>>
        %dma_start3A_44 = tpu.memref_slice %arg6[%mul3A_4] : memref<320000xi32, #tpu.memory_space<hbm>> -> memref<10240xi32, #tpu.memory_space<hbm>>
        tpu.enqueue_dma source(%arg9 : memref<10240xi32, #tpu.memory_space<vmem>>) target(%dma_start3A_44 : memref<10240xi32, #tpu.memory_space<hbm>>) target_semaphore(%run_scoped3A : memref<!tpu.dma_semaphore, #tpu.memory_space<semaphore_mem>>)
        %dma_wait3A = tpu.memref_slice %arg6[%mul3A_4] : memref<320000xi32, #tpu.memory_space<hbm>> -> memref<10240xi32, #tpu.memory_space<hbm>>
        %dma_wait3A_45 = tpu.memref_slice %arg6[%mul3A_4] : memref<320000xi32, #tpu.memory_space<hbm>> -> memref<10240xi32, #tpu.memory_space<hbm>>
        tpu.wait_dma2 semaphore(%run_scoped3A : memref<!tpu.dma_semaphore, #tpu.memory_space<semaphore_mem>>) src(%arg9 : memref<10240xi32, #tpu.memory_space<vmem>>) dst(%dma_wait3A_45 : memref<10240xi32, #tpu.memory_space<hbm>>)
        tpu.yield
      }) : () -> ()
    } else {
    }
    %eq3A_33 = arith.constant 31 : i32
    %eq3A_34 = arith.cmpi eq, %add3A, %eq3A_33 : i32
    %convert_element_type3A_35 = arith.extui %eq3A_34 : i1 to i32
    %cond3A_36 = arith.constant 0 : i32
    %cond3A_37 = arith.cmpi ne, %convert_element_type3A_35, %cond3A_36 : i32
    scf.if %cond3A_37 {
      "tpu.region"() ({
        %run_scoped3A = tpu.sem_alloc : memref<!tpu.dma_semaphore, #tpu.memory_space<semaphore_mem>>
        %dma_start3A = arith.constant 0 : i32
        %dma_start3A_44 = tpu.memref_slice %arg9[%dma_start3A] : memref<10240xi32, #tpu.memory_space<vmem>> -> memref<2560xi32, #tpu.memory_space<vmem>>
        %dma_start3A_45 = tpu.memref_slice %arg6[%mul3A_4] : memref<320000xi32, #tpu.memory_space<hbm>> -> memref<2560xi32, #tpu.memory_space<hbm>>
        %dma_start3A_46 = tpu.memref_slice %arg6[%mul3A_4] : memref<320000xi32, #tpu.memory_space<hbm>> -> memref<2560xi32, #tpu.memory_space<hbm>>
        %dma_start3A_47 = arith.constant 0 : i32
        %dma_start3A_48 = tpu.memref_slice %arg9[%dma_start3A_47] : memref<10240xi32, #tpu.memory_space<vmem>> -> memref<2560xi32, #tpu.memory_space<vmem>>
        tpu.enqueue_dma source(%dma_start3A_48 : memref<2560xi32, #tpu.memory_space<vmem>>) target(%dma_start3A_46 : memref<2560xi32, #tpu.memory_space<hbm>>) target_semaphore(%run_scoped3A : memref<!tpu.dma_semaphore, #tpu.memory_space<semaphore_mem>>)
        %dma_wait3A = arith.constant 0 : i32
        %dma_wait3A_49 = tpu.memref_slice %arg9[%dma_wait3A] : memref<10240xi32, #tpu.memory_space<vmem>> -> memref<2560xi32, #tpu.memory_space<vmem>>
        %dma_wait3A_50 = tpu.memref_slice %arg6[%mul3A_4] : memref<320000xi32, #tpu.memory_space<hbm>> -> memref<2560xi32, #tpu.memory_space<hbm>>
        %dma_wait3A_51 = tpu.memref_slice %arg6[%mul3A_4] : memref<320000xi32, #tpu.memory_space<hbm>> -> memref<2560xi32, #tpu.memory_space<hbm>>
        %dma_wait3A_52 = arith.constant 0 : i32
        %dma_wait3A_53 = tpu.memref_slice %arg9[%dma_wait3A_52] : memref<10240xi32, #tpu.memory_space<vmem>> -> memref<2560xi32, #tpu.memory_space<vmem>>
        tpu.wait_dma2 semaphore(%run_scoped3A : memref<!tpu.dma_semaphore, #tpu.memory_space<semaphore_mem>>) src(%dma_wait3A_53 : memref<2560xi32, #tpu.memory_space<vmem>>) dst(%dma_wait3A_51 : memref<2560xi32, #tpu.memory_space<hbm>>)
        tpu.yield
      }) : () -> ()
    } else {
    }
    %barrier3A_38 = arith.constant 0 : index
    tpu.barrier barrier_id(%barrier3A_38)
    %eq3A_39 = arith.constant 0 : i32
    %eq3A_40 = arith.cmpi eq, %arg1, %eq3A_39 : i32
    %convert_element_type3A_41 = arith.extui %eq3A_40 : i1 to i32
    %cond3A_42 = arith.constant 0 : i32
    %cond3A_43 = arith.cmpi ne, %convert_element_type3A_41, %cond3A_42 : i32
    scf.if %cond3A_43 {
      "tpu.region"() ({
        %run_scoped3A = tpu.sem_alloc : memref<!tpu.dma_semaphore, #tpu.memory_space<semaphore_mem>>
        tpu.enqueue_dma source(%arg13 : memref<10240xf32, #tpu.memory_space<vmem_shared>>) target(%arg12 : memref<10240xf32, #tpu.memory_space<vmem>>) target_semaphore(%run_scoped3A : memref<!tpu.dma_semaphore, #tpu.memory_space<semaphore_mem>>)
        tpu.wait_dma2 semaphore(%run_scoped3A : memref<!tpu.dma_semaphore, #tpu.memory_space<semaphore_mem>>) src(%arg13 : memref<10240xf32, #tpu.memory_space<vmem_shared>>) dst(%arg12 : memref<10240xf32, #tpu.memory_space<vmem>>)
        tpu.yield
      }) : () -> ()
      "tpu.region"() ({
        %run_scoped3A = tpu.sem_alloc : memref<!tpu.dma_semaphore, #tpu.memory_space<semaphore_mem>>
        %dma_start3A = arith.constant 0 : i32
        %dma_start3A_44 = tpu.memref_slice %arg5[%arg0, %dma_start3A] : memref<2x10240xf32, #tpu.memory_space<hbm>> -> memref<1x10240xf32, #tpu.memory_space<hbm>>
        %dma_start3A_45 = tpu.memref_squeeze %dma_start3A_44 : memref<1x10240xf32, #tpu.memory_space<hbm>> -> memref<10240xf32, #tpu.memory_space<hbm>>
        %dma_start3A_46 = arith.constant 0 : i32
        %dma_start3A_47 = tpu.memref_slice %arg5[%arg0, %dma_start3A_46] : memref<2x10240xf32, #tpu.memory_space<hbm>> -> memref<1x10240xf32, #tpu.memory_space<hbm>>
        %dma_start3A_48 = tpu.memref_squeeze %dma_start3A_47 : memref<1x10240xf32, #tpu.memory_space<hbm>> -> memref<10240xf32, #tpu.memory_space<hbm>>
        tpu.enqueue_dma source(%arg12 : memref<10240xf32, #tpu.memory_space<vmem>>) target(%dma_start3A_48 : memref<10240xf32, #tpu.memory_space<hbm>>) target_semaphore(%run_scoped3A : memref<!tpu.dma_semaphore, #tpu.memory_space<semaphore_mem>>)
        %dma_wait3A = arith.constant 0 : i32
        %dma_wait3A_49 = tpu.memref_slice %arg5[%arg0, %dma_wait3A] : memref<2x10240xf32, #tpu.memory_space<hbm>> -> memref<1x10240xf32, #tpu.memory_space<hbm>>
        %dma_wait3A_50 = tpu.memref_squeeze %dma_wait3A_49 : memref<1x10240xf32, #tpu.memory_space<hbm>> -> memref<10240xf32, #tpu.memory_space<hbm>>
        %dma_wait3A_51 = arith.constant 0 : i32
        %dma_wait3A_52 = tpu.memref_slice %arg5[%arg0, %dma_wait3A_51] : memref<2x10240xf32, #tpu.memory_space<hbm>> -> memref<1x10240xf32, #tpu.memory_space<hbm>>
        %dma_wait3A_53 = tpu.memref_squeeze %dma_wait3A_52 : memref<1x10240xf32, #tpu.memory_space<hbm>> -> memref<10240xf32, #tpu.memory_space<hbm>>
        tpu.wait_dma2 semaphore(%run_scoped3A : memref<!tpu.dma_semaphore, #tpu.memory_space<semaphore_mem>>) src(%arg12 : memref<10240xf32, #tpu.memory_space<vmem>>) dst(%dma_wait3A_53 : memref<10240xf32, #tpu.memory_space<hbm>>)
        tpu.yield
      }) : () -> ()
    } else {
    }
    return
  }
}

#map = affine_map<(d0, d1) -> (0, 0)>
#map1 = affine_map<(d0, d1) -> (0)>
#map2 = affine_map<(d0, d1) -> (0, 0, 0)>
module attributes {stable_mosaic.version = 14 : i64} {
  func.func @_agg_kernel(%arg0: i32, %arg1: i32, %arg2: memref<10000x128xf32, #tpu.memory_space<hbm>>, %arg3: memref<320000xi32, #tpu.memory_space<hbm>>, %arg4: memref<128x128xf32, #tpu.memory_space<hbm>>, %arg5: memref<2x10000x128xf32, #tpu.memory_space<hbm>>, %arg6: memref<10240xi32, #tpu.memory_space<vmem>>, %arg7: memref<128xi32, #tpu.memory_space<vmem>>, %arg8: memref<128xi32, #tpu.memory_space<vmem>>, %arg9: memref<128xi32, #tpu.memory_space<vmem>>, %arg10: memref<128xi32, #tpu.memory_space<vmem>>, %arg11: memref<128x128xf32, #tpu.memory_space<vmem>>, %arg12: memref<128x128xf32, #tpu.memory_space<vmem>>, %arg13: memref<10240x128xf32, #tpu.memory_space<vmem_shared>>, %arg14: memref<!tpu.dma_semaphore, #tpu.memory_space<semaphore_mem>>, %arg15: memref<!tpu.dma_semaphore, #tpu.memory_space<semaphore_mem>>) attributes {dimension_semantics = [#tpu.dimension_semantics<core_parallel>, #tpu.dimension_semantics<subcore_parallel>], iteration_bounds = array<i64: 2, 16>, scalar_prefetch = 0 : i64, scratch_operands = 10 : i64, tpu.core_type = #tpu.core_type<sc_vector_subcore>, window_params = [{transform_indices = #map}, {transform_indices = #map1}, {transform_indices = #map}, {transform_indices = #map2}]} {
    %mul3A = arith.constant 16 : i32
    %mul3A_0 = arith.muli %arg0, %mul3A : i32
    %add3A = arith.addi %mul3A_0, %arg1 : i32
    %mul3A_1 = arith.constant 80 : i32
    %mul3A_2 = arith.muli %add3A, %mul3A_1 : i32
    %mul3A_3 = arith.constant 128 : i32
    %mul3A_4 = arith.muli %mul3A_2, %mul3A_3 : i32
    %lt3A = arith.constant 31 : i32
    %lt3A_5 = arith.cmpi slt, %add3A, %lt3A : i32
    %convert_element_type3A = arith.extui %lt3A_5 : i1 to i32
    %cond3A = arith.constant 0 : i32
    %cond3A_6 = arith.cmpi ne, %convert_element_type3A, %cond3A : i32
    scf.if %cond3A_6 {
      "tpu.region"() ({
        %run_scoped3A = tpu.sem_alloc : memref<!tpu.dma_semaphore, #tpu.memory_space<semaphore_mem>>
        %dma_start3A_371 = tpu.memref_slice %arg3[%mul3A_4] : memref<320000xi32, #tpu.memory_space<hbm>> -> memref<10240xi32, #tpu.memory_space<hbm>>
        %dma_start3A_372 = tpu.memref_slice %arg3[%mul3A_4] : memref<320000xi32, #tpu.memory_space<hbm>> -> memref<10240xi32, #tpu.memory_space<hbm>>
        tpu.enqueue_dma source(%dma_start3A_372 : memref<10240xi32, #tpu.memory_space<hbm>>) target(%arg6 : memref<10240xi32, #tpu.memory_space<vmem>>) target_semaphore(%run_scoped3A : memref<!tpu.dma_semaphore, #tpu.memory_space<semaphore_mem>>)
        %dma_wait3A = tpu.memref_slice %arg3[%mul3A_4] : memref<320000xi32, #tpu.memory_space<hbm>> -> memref<10240xi32, #tpu.memory_space<hbm>>
        %dma_wait3A_373 = tpu.memref_slice %arg3[%mul3A_4] : memref<320000xi32, #tpu.memory_space<hbm>> -> memref<10240xi32, #tpu.memory_space<hbm>>
        tpu.wait_dma2 semaphore(%run_scoped3A : memref<!tpu.dma_semaphore, #tpu.memory_space<semaphore_mem>>) src(%dma_wait3A_373 : memref<10240xi32, #tpu.memory_space<hbm>>) dst(%arg6 : memref<10240xi32, #tpu.memory_space<vmem>>)
        tpu.yield
      }) : () -> ()
    } else {
    }
    %eq3A = arith.constant 31 : i32
    %eq3A_7 = arith.cmpi eq, %add3A, %eq3A : i32
    %convert_element_type3A_8 = arith.extui %eq3A_7 : i1 to i32
    %cond3A_9 = arith.constant 0 : i32
    %cond3A_10 = arith.cmpi ne, %convert_element_type3A_8, %cond3A_9 : i32
    scf.if %cond3A_10 {
      "tpu.region"() ({
        %run_scoped3A = tpu.sem_alloc : memref<!tpu.dma_semaphore, #tpu.memory_space<semaphore_mem>>
        %dma_start3A_371 = arith.constant 0 : i32
        %dma_start3A_372 = tpu.memref_slice %arg6[%dma_start3A_371] : memref<10240xi32, #tpu.memory_space<vmem>> -> memref<2560xi32, #tpu.memory_space<vmem>>
        %dma_start3A_373 = tpu.memref_slice %arg3[%mul3A_4] : memref<320000xi32, #tpu.memory_space<hbm>> -> memref<2560xi32, #tpu.memory_space<hbm>>
        %dma_start3A_374 = arith.constant 0 : i32
        %dma_start3A_375 = tpu.memref_slice %arg6[%dma_start3A_374] : memref<10240xi32, #tpu.memory_space<vmem>> -> memref<2560xi32, #tpu.memory_space<vmem>>
        %dma_start3A_376 = tpu.memref_slice %arg3[%mul3A_4] : memref<320000xi32, #tpu.memory_space<hbm>> -> memref<2560xi32, #tpu.memory_space<hbm>>
        tpu.enqueue_dma source(%dma_start3A_376 : memref<2560xi32, #tpu.memory_space<hbm>>) target(%dma_start3A_375 : memref<2560xi32, #tpu.memory_space<vmem>>) target_semaphore(%run_scoped3A : memref<!tpu.dma_semaphore, #tpu.memory_space<semaphore_mem>>)
        %dma_wait3A = arith.constant 0 : i32
        %dma_wait3A_377 = tpu.memref_slice %arg6[%dma_wait3A] : memref<10240xi32, #tpu.memory_space<vmem>> -> memref<2560xi32, #tpu.memory_space<vmem>>
        %dma_wait3A_378 = tpu.memref_slice %arg3[%mul3A_4] : memref<320000xi32, #tpu.memory_space<hbm>> -> memref<2560xi32, #tpu.memory_space<hbm>>
        %dma_wait3A_379 = arith.constant 0 : i32
        %dma_wait3A_380 = tpu.memref_slice %arg6[%dma_wait3A_379] : memref<10240xi32, #tpu.memory_space<vmem>> -> memref<2560xi32, #tpu.memory_space<vmem>>
        %dma_wait3A_381 = tpu.memref_slice %arg3[%mul3A_4] : memref<320000xi32, #tpu.memory_space<hbm>> -> memref<2560xi32, #tpu.memory_space<hbm>>
        tpu.wait_dma2 semaphore(%run_scoped3A : memref<!tpu.dma_semaphore, #tpu.memory_space<semaphore_mem>>) src(%dma_wait3A_381 : memref<2560xi32, #tpu.memory_space<hbm>>) dst(%dma_wait3A_380 : memref<2560xi32, #tpu.memory_space<vmem>>)
        tpu.yield
      }) : () -> ()
    } else {
    }
    "tpu.region"() ({
      %run_scoped3A = tpu.sem_alloc : memref<!tpu.dma_semaphore, #tpu.memory_space<semaphore_mem>>
      tpu.enqueue_dma source(%arg4 : memref<128x128xf32, #tpu.memory_space<hbm>>) target(%arg11 : memref<128x128xf32, #tpu.memory_space<vmem>>) target_semaphore(%run_scoped3A : memref<!tpu.dma_semaphore, #tpu.memory_space<semaphore_mem>>)
      tpu.wait_dma2 semaphore(%run_scoped3A : memref<!tpu.dma_semaphore, #tpu.memory_space<semaphore_mem>>) src(%arg4 : memref<128x128xf32, #tpu.memory_space<hbm>>) dst(%arg11 : memref<128x128xf32, #tpu.memory_space<vmem>>)
      tpu.yield
    }) : () -> ()
    %mul3A_11 = arith.constant 640 : i32
    %mul3A_12 = arith.muli %arg1, %mul3A_11 : i32
    %add3A_13 = arith.constant 0 : i32
    %add3A_14 = arith.addi %mul3A_12, %add3A_13 : i32
    "tpu.region"() ({
      %run_scoped3A = tpu.sem_alloc : memref<!tpu.dma_semaphore, #tpu.memory_space<semaphore_mem>>
      %dma_start3A_371 = arith.constant 0 : i32
      %dma_start3A_372 = tpu.memref_slice %arg13[%add3A_14, %dma_start3A_371] : memref<10240x128xf32, #tpu.memory_space<vmem_shared>> -> memref<128x128xf32, #tpu.memory_space<vmem_shared>>
      %dma_start3A_373 = arith.constant 0 : i32
      %dma_start3A_374 = tpu.memref_slice %arg13[%add3A_14, %dma_start3A_373] : memref<10240x128xf32, #tpu.memory_space<vmem_shared>> -> memref<128x128xf32, #tpu.memory_space<vmem_shared>>
      tpu.enqueue_dma source(%arg11 : memref<128x128xf32, #tpu.memory_space<vmem>>) target(%dma_start3A_374 : memref<128x128xf32, #tpu.memory_space<vmem_shared>>) target_semaphore(%run_scoped3A : memref<!tpu.dma_semaphore, #tpu.memory_space<semaphore_mem>>)
      %dma_wait3A = arith.constant 0 : i32
      %dma_wait3A_375 = tpu.memref_slice %arg13[%add3A_14, %dma_wait3A] : memref<10240x128xf32, #tpu.memory_space<vmem_shared>> -> memref<128x128xf32, #tpu.memory_space<vmem_shared>>
      %dma_wait3A_376 = arith.constant 0 : i32
      %dma_wait3A_377 = tpu.memref_slice %arg13[%add3A_14, %dma_wait3A_376] : memref<10240x128xf32, #tpu.memory_space<vmem_shared>> -> memref<128x128xf32, #tpu.memory_space<vmem_shared>>
      tpu.wait_dma2 semaphore(%run_scoped3A : memref<!tpu.dma_semaphore, #tpu.memory_space<semaphore_mem>>) src(%arg11 : memref<128x128xf32, #tpu.memory_space<vmem>>) dst(%dma_wait3A_377 : memref<128x128xf32, #tpu.memory_space<vmem_shared>>)
      tpu.yield
    }) : () -> ()
    %mul3A_15 = arith.constant 640 : i32
    %mul3A_16 = arith.muli %arg1, %mul3A_15 : i32
    %add3A_17 = arith.constant 128 : i32
    %add3A_18 = arith.addi %mul3A_16, %add3A_17 : i32
    "tpu.region"() ({
      %run_scoped3A = tpu.sem_alloc : memref<!tpu.dma_semaphore, #tpu.memory_space<semaphore_mem>>
      %dma_start3A_371 = arith.constant 0 : i32
      %dma_start3A_372 = tpu.memref_slice %arg13[%add3A_18, %dma_start3A_371] : memref<10240x128xf32, #tpu.memory_space<vmem_shared>> -> memref<128x128xf32, #tpu.memory_space<vmem_shared>>
      %dma_start3A_373 = arith.constant 0 : i32
      %dma_start3A_374 = tpu.memref_slice %arg13[%add3A_18, %dma_start3A_373] : memref<10240x128xf32, #tpu.memory_space<vmem_shared>> -> memref<128x128xf32, #tpu.memory_space<vmem_shared>>
      tpu.enqueue_dma source(%arg11 : memref<128x128xf32, #tpu.memory_space<vmem>>) target(%dma_start3A_374 : memref<128x128xf32, #tpu.memory_space<vmem_shared>>) target_semaphore(%run_scoped3A : memref<!tpu.dma_semaphore, #tpu.memory_space<semaphore_mem>>)
      %dma_wait3A = arith.constant 0 : i32
      %dma_wait3A_375 = tpu.memref_slice %arg13[%add3A_18, %dma_wait3A] : memref<10240x128xf32, #tpu.memory_space<vmem_shared>> -> memref<128x128xf32, #tpu.memory_space<vmem_shared>>
      %dma_wait3A_376 = arith.constant 0 : i32
      %dma_wait3A_377 = tpu.memref_slice %arg13[%add3A_18, %dma_wait3A_376] : memref<10240x128xf32, #tpu.memory_space<vmem_shared>> -> memref<128x128xf32, #tpu.memory_space<vmem_shared>>
      tpu.wait_dma2 semaphore(%run_scoped3A : memref<!tpu.dma_semaphore, #tpu.memory_space<semaphore_mem>>) src(%arg11 : memref<128x128xf32, #tpu.memory_space<vmem>>) dst(%dma_wait3A_377 : memref<128x128xf32, #tpu.memory_space<vmem_shared>>)
      tpu.yield
    }) : () -> ()
    %mul3A_19 = arith.constant 640 : i32
    %mul3A_20 = arith.muli %arg1, %mul3A_19 : i32
    %add3A_21 = arith.constant 256 : i32
    %add3A_22 = arith.addi %mul3A_20, %add3A_21 : i32
    "tpu.region"() ({
      %run_scoped3A = tpu.sem_alloc : memref<!tpu.dma_semaphore, #tpu.memory_space<semaphore_mem>>
      %dma_start3A_371 = arith.constant 0 : i32
      %dma_start3A_372 = tpu.memref_slice %arg13[%add3A_22, %dma_start3A_371] : memref<10240x128xf32, #tpu.memory_space<vmem_shared>> -> memref<128x128xf32, #tpu.memory_space<vmem_shared>>
      %dma_start3A_373 = arith.constant 0 : i32
      %dma_start3A_374 = tpu.memref_slice %arg13[%add3A_22, %dma_start3A_373] : memref<10240x128xf32, #tpu.memory_space<vmem_shared>> -> memref<128x128xf32, #tpu.memory_space<vmem_shared>>
      tpu.enqueue_dma source(%arg11 : memref<128x128xf32, #tpu.memory_space<vmem>>) target(%dma_start3A_374 : memref<128x128xf32, #tpu.memory_space<vmem_shared>>) target_semaphore(%run_scoped3A : memref<!tpu.dma_semaphore, #tpu.memory_space<semaphore_mem>>)
      %dma_wait3A = arith.constant 0 : i32
      %dma_wait3A_375 = tpu.memref_slice %arg13[%add3A_22, %dma_wait3A] : memref<10240x128xf32, #tpu.memory_space<vmem_shared>> -> memref<128x128xf32, #tpu.memory_space<vmem_shared>>
      %dma_wait3A_376 = arith.constant 0 : i32
      %dma_wait3A_377 = tpu.memref_slice %arg13[%add3A_22, %dma_wait3A_376] : memref<10240x128xf32, #tpu.memory_space<vmem_shared>> -> memref<128x128xf32, #tpu.memory_space<vmem_shared>>
      tpu.wait_dma2 semaphore(%run_scoped3A : memref<!tpu.dma_semaphore, #tpu.memory_space<semaphore_mem>>) src(%arg11 : memref<128x128xf32, #tpu.memory_space<vmem>>) dst(%dma_wait3A_377 : memref<128x128xf32, #tpu.memory_space<vmem_shared>>)
      tpu.yield
    }) : () -> ()
    %mul3A_23 = arith.constant 640 : i32
    %mul3A_24 = arith.muli %arg1, %mul3A_23 : i32
    %add3A_25 = arith.constant 384 : i32
    %add3A_26 = arith.addi %mul3A_24, %add3A_25 : i32
    "tpu.region"() ({
      %run_scoped3A = tpu.sem_alloc : memref<!tpu.dma_semaphore, #tpu.memory_space<semaphore_mem>>
      %dma_start3A_371 = arith.constant 0 : i32
      %dma_start3A_372 = tpu.memref_slice %arg13[%add3A_26, %dma_start3A_371] : memref<10240x128xf32, #tpu.memory_space<vmem_shared>> -> memref<128x128xf32, #tpu.memory_space<vmem_shared>>
      %dma_start3A_373 = arith.constant 0 : i32
      %dma_start3A_374 = tpu.memref_slice %arg13[%add3A_26, %dma_start3A_373] : memref<10240x128xf32, #tpu.memory_space<vmem_shared>> -> memref<128x128xf32, #tpu.memory_space<vmem_shared>>
      tpu.enqueue_dma source(%arg11 : memref<128x128xf32, #tpu.memory_space<vmem>>) target(%dma_start3A_374 : memref<128x128xf32, #tpu.memory_space<vmem_shared>>) target_semaphore(%run_scoped3A : memref<!tpu.dma_semaphore, #tpu.memory_space<semaphore_mem>>)
      %dma_wait3A = arith.constant 0 : i32
      %dma_wait3A_375 = tpu.memref_slice %arg13[%add3A_26, %dma_wait3A] : memref<10240x128xf32, #tpu.memory_space<vmem_shared>> -> memref<128x128xf32, #tpu.memory_space<vmem_shared>>
      %dma_wait3A_376 = arith.constant 0 : i32
      %dma_wait3A_377 = tpu.memref_slice %arg13[%add3A_26, %dma_wait3A_376] : memref<10240x128xf32, #tpu.memory_space<vmem_shared>> -> memref<128x128xf32, #tpu.memory_space<vmem_shared>>
      tpu.wait_dma2 semaphore(%run_scoped3A : memref<!tpu.dma_semaphore, #tpu.memory_space<semaphore_mem>>) src(%arg11 : memref<128x128xf32, #tpu.memory_space<vmem>>) dst(%dma_wait3A_377 : memref<128x128xf32, #tpu.memory_space<vmem_shared>>)
      tpu.yield
    }) : () -> ()
    %mul3A_27 = arith.constant 640 : i32
    %mul3A_28 = arith.muli %arg1, %mul3A_27 : i32
    %add3A_29 = arith.constant 512 : i32
    %add3A_30 = arith.addi %mul3A_28, %add3A_29 : i32
    "tpu.region"() ({
      %run_scoped3A = tpu.sem_alloc : memref<!tpu.dma_semaphore, #tpu.memory_space<semaphore_mem>>
      %dma_start3A_371 = arith.constant 0 : i32
      %dma_start3A_372 = tpu.memref_slice %arg13[%add3A_30, %dma_start3A_371] : memref<10240x128xf32, #tpu.memory_space<vmem_shared>> -> memref<128x128xf32, #tpu.memory_space<vmem_shared>>
      %dma_start3A_373 = arith.constant 0 : i32
      %dma_start3A_374 = tpu.memref_slice %arg13[%add3A_30, %dma_start3A_373] : memref<10240x128xf32, #tpu.memory_space<vmem_shared>> -> memref<128x128xf32, #tpu.memory_space<vmem_shared>>
      tpu.enqueue_dma source(%arg11 : memref<128x128xf32, #tpu.memory_space<vmem>>) target(%dma_start3A_374 : memref<128x128xf32, #tpu.memory_space<vmem_shared>>) target_semaphore(%run_scoped3A : memref<!tpu.dma_semaphore, #tpu.memory_space<semaphore_mem>>)
      %dma_wait3A = arith.constant 0 : i32
      %dma_wait3A_375 = tpu.memref_slice %arg13[%add3A_30, %dma_wait3A] : memref<10240x128xf32, #tpu.memory_space<vmem_shared>> -> memref<128x128xf32, #tpu.memory_space<vmem_shared>>
      %dma_wait3A_376 = arith.constant 0 : i32
      %dma_wait3A_377 = tpu.memref_slice %arg13[%add3A_30, %dma_wait3A_376] : memref<10240x128xf32, #tpu.memory_space<vmem_shared>> -> memref<128x128xf32, #tpu.memory_space<vmem_shared>>
      tpu.wait_dma2 semaphore(%run_scoped3A : memref<!tpu.dma_semaphore, #tpu.memory_space<semaphore_mem>>) src(%arg11 : memref<128x128xf32, #tpu.memory_space<vmem>>) dst(%dma_wait3A_377 : memref<128x128xf32, #tpu.memory_space<vmem_shared>>)
      tpu.yield
    }) : () -> ()
    %barrier3A = arith.constant 0 : index
    tpu.barrier barrier_id(%barrier3A)
    %eq3A_31 = arith.constant 31 : i32
    %eq3A_32 = arith.cmpi eq, %add3A, %eq3A_31 : i32
    %jit3A = arith.constant 20 : i32
    %jit3A_33 = arith.constant 80 : i32
    %select_n3A = arith.select %eq3A_32, %jit3A, %jit3A_33 : i32
    %get3A = arith.constant 0 : index
    %get3A_34 = tpu.vector_load %arg6[%get3A] {strides = array<i32>} : memref<10240xi32, #tpu.memory_space<vmem>>, vector<16xi32>,
    %get3A_35 = vector.shape_cast %get3A_34 : vector<16xi32> to vector<16xi32>
    %and3A = arith.constant 16383 : i32
    %and3A_36 = vector.broadcast %and3A : i32 to vector<16xi32>
    %and3A_37 = arith.andi %get3A_35, %and3A_36 : vector<16xi32>
    %swap3A = arith.constant 0 : index
    %swap3A_38 = tpu.vector_load %arg7[%swap3A] {strides = array<i32>} : memref<128xi32, #tpu.memory_space<vmem>>, vector<16xi32>,
    %swap3A_39 = vector.shape_cast %swap3A_38 : vector<16xi32> to vector<16xi32>
    %swap3A_40 = vector.shape_cast %and3A_37 : vector<16xi32> to vector<16xi32>
    tpu.vector_store %arg7[%swap3A], %swap3A_40 {strides = array<i32>} : memref<128xi32, #tpu.memory_space<vmem>>, vector<16xi32>,
    %shift_right_logical3A = arith.constant 14 : i32
    %shift_right_logical3A_41 = vector.broadcast %shift_right_logical3A : i32 to vector<16xi32>
    %shift_right_logical3A_42 = arith.shrui %get3A_35, %shift_right_logical3A_41 : vector<16xi32>
    %swap3A_43 = arith.constant 0 : index
    %swap3A_44 = tpu.vector_load %arg9[%swap3A_43] {strides = array<i32>} : memref<128xi32, #tpu.memory_space<vmem>>, vector<16xi32>,
    %swap3A_45 = vector.shape_cast %swap3A_44 : vector<16xi32> to vector<16xi32>
    %swap3A_46 = vector.shape_cast %shift_right_logical3A_42 : vector<16xi32> to vector<16xi32>
    tpu.vector_store %arg9[%swap3A_43], %swap3A_46 {strides = array<i32>} : memref<128xi32, #tpu.memory_space<vmem>>, vector<16xi32>,
    %get3A_47 = arith.constant 16 : index
    %get3A_48 = tpu.vector_load %arg6[%get3A_47] {strides = array<i32>} : memref<10240xi32, #tpu.memory_space<vmem>>, vector<16xi32>,
    %get3A_49 = vector.shape_cast %get3A_48 : vector<16xi32> to vector<16xi32>
    %and3A_50 = arith.constant 16383 : i32
    %and3A_51 = vector.broadcast %and3A_50 : i32 to vector<16xi32>
    %and3A_52 = arith.andi %get3A_49, %and3A_51 : vector<16xi32>
    %swap3A_53 = arith.constant 16 : index
    %swap3A_54 = tpu.vector_load %arg7[%swap3A_53] {strides = array<i32>} : memref<128xi32, #tpu.memory_space<vmem>>, vector<16xi32>,
    %swap3A_55 = vector.shape_cast %swap3A_54 : vector<16xi32> to vector<16xi32>
    %swap3A_56 = vector.shape_cast %and3A_52 : vector<16xi32> to vector<16xi32>
    tpu.vector_store %arg7[%swap3A_53], %swap3A_56 {strides = array<i32>} : memref<128xi32, #tpu.memory_space<vmem>>, vector<16xi32>,
    %shift_right_logical3A_57 = arith.constant 14 : i32
    %shift_right_logical3A_58 = vector.broadcast %shift_right_logical3A_57 : i32 to vector<16xi32>
    %shift_right_logical3A_59 = arith.shrui %get3A_49, %shift_right_logical3A_58 : vector<16xi32>
    %swap3A_60 = arith.constant 16 : index
    %swap3A_61 = tpu.vector_load %arg9[%swap3A_60] {strides = array<i32>} : memref<128xi32, #tpu.memory_space<vmem>>, vector<16xi32>,
    %swap3A_62 = vector.shape_cast %swap3A_61 : vector<16xi32> to vector<16xi32>
    %swap3A_63 = vector.shape_cast %shift_right_logical3A_59 : vector<16xi32> to vector<16xi32>
    tpu.vector_store %arg9[%swap3A_60], %swap3A_63 {strides = array<i32>} : memref<128xi32, #tpu.memory_space<vmem>>, vector<16xi32>,
    %get3A_64 = arith.constant 32 : index
    %get3A_65 = tpu.vector_load %arg6[%get3A_64] {strides = array<i32>} : memref<10240xi32, #tpu.memory_space<vmem>>, vector<16xi32>,
    %get3A_66 = vector.shape_cast %get3A_65 : vector<16xi32> to vector<16xi32>
    %and3A_67 = arith.constant 16383 : i32
    %and3A_68 = vector.broadcast %and3A_67 : i32 to vector<16xi32>
    %and3A_69 = arith.andi %get3A_66, %and3A_68 : vector<16xi32>
    %swap3A_70 = arith.constant 32 : index
    %swap3A_71 = tpu.vector_load %arg7[%swap3A_70] {strides = array<i32>} : memref<128xi32, #tpu.memory_space<vmem>>, vector<16xi32>,
    %swap3A_72 = vector.shape_cast %swap3A_71 : vector<16xi32> to vector<16xi32>
    %swap3A_73 = vector.shape_cast %and3A_69 : vector<16xi32> to vector<16xi32>
    tpu.vector_store %arg7[%swap3A_70], %swap3A_73 {strides = array<i32>} : memref<128xi32, #tpu.memory_space<vmem>>, vector<16xi32>,
    %shift_right_logical3A_74 = arith.constant 14 : i32
    %shift_right_logical3A_75 = vector.broadcast %shift_right_logical3A_74 : i32 to vector<16xi32>
    %shift_right_logical3A_76 = arith.shrui %get3A_66, %shift_right_logical3A_75 : vector<16xi32>
    %swap3A_77 = arith.constant 32 : index
    %swap3A_78 = tpu.vector_load %arg9[%swap3A_77] {strides = array<i32>} : memref<128xi32, #tpu.memory_space<vmem>>, vector<16xi32>,
    %swap3A_79 = vector.shape_cast %swap3A_78 : vector<16xi32> to vector<16xi32>
    %swap3A_80 = vector.shape_cast %shift_right_logical3A_76 : vector<16xi32> to vector<16xi32>
    tpu.vector_store %arg9[%swap3A_77], %swap3A_80 {strides = array<i32>} : memref<128xi32, #tpu.memory_space<vmem>>, vector<16xi32>,
    %get3A_81 = arith.constant 48 : index
    %get3A_82 = tpu.vector_load %arg6[%get3A_81] {strides = array<i32>} : memref<10240xi32, #tpu.memory_space<vmem>>, vector<16xi32>,
    %get3A_83 = vector.shape_cast %get3A_82 : vector<16xi32> to vector<16xi32>
    %and3A_84 = arith.constant 16383 : i32
    %and3A_85 = vector.broadcast %and3A_84 : i32 to vector<16xi32>
    %and3A_86 = arith.andi %get3A_83, %and3A_85 : vector<16xi32>
    %swap3A_87 = arith.constant 48 : index
    %swap3A_88 = tpu.vector_load %arg7[%swap3A_87] {strides = array<i32>} : memref<128xi32, #tpu.memory_space<vmem>>, vector<16xi32>,
    %swap3A_89 = vector.shape_cast %swap3A_88 : vector<16xi32> to vector<16xi32>
    %swap3A_90 = vector.shape_cast %and3A_86 : vector<16xi32> to vector<16xi32>
    tpu.vector_store %arg7[%swap3A_87], %swap3A_90 {strides = array<i32>} : memref<128xi32, #tpu.memory_space<vmem>>, vector<16xi32>,
    %shift_right_logical3A_91 = arith.constant 14 : i32
    %shift_right_logical3A_92 = vector.broadcast %shift_right_logical3A_91 : i32 to vector<16xi32>
    %shift_right_logical3A_93 = arith.shrui %get3A_83, %shift_right_logical3A_92 : vector<16xi32>
    %swap3A_94 = arith.constant 48 : index
    %swap3A_95 = tpu.vector_load %arg9[%swap3A_94] {strides = array<i32>} : memref<128xi32, #tpu.memory_space<vmem>>, vector<16xi32>,
    %swap3A_96 = vector.shape_cast %swap3A_95 : vector<16xi32> to vector<16xi32>
    %swap3A_97 = vector.shape_cast %shift_right_logical3A_93 : vector<16xi32> to vector<16xi32>
    tpu.vector_store %arg9[%swap3A_94], %swap3A_97 {strides = array<i32>} : memref<128xi32, #tpu.memory_space<vmem>>, vector<16xi32>,
    %get3A_98 = arith.constant 64 : index
    %get3A_99 = tpu.vector_load %arg6[%get3A_98] {strides = array<i32>} : memref<10240xi32, #tpu.memory_space<vmem>>, vector<16xi32>,
    %get3A_100 = vector.shape_cast %get3A_99 : vector<16xi32> to vector<16xi32>
    %and3A_101 = arith.constant 16383 : i32
    %and3A_102 = vector.broadcast %and3A_101 : i32 to vector<16xi32>
    %and3A_103 = arith.andi %get3A_100, %and3A_102 : vector<16xi32>
    %swap3A_104 = arith.constant 64 : index
    %swap3A_105 = tpu.vector_load %arg7[%swap3A_104] {strides = array<i32>} : memref<128xi32, #tpu.memory_space<vmem>>, vector<16xi32>,
    %swap3A_106 = vector.shape_cast %swap3A_105 : vector<16xi32> to vector<16xi32>
    %swap3A_107 = vector.shape_cast %and3A_103 : vector<16xi32> to vector<16xi32>
    tpu.vector_store %arg7[%swap3A_104], %swap3A_107 {strides = array<i32>} : memref<128xi32, #tpu.memory_space<vmem>>, vector<16xi32>,
    %shift_right_logical3A_108 = arith.constant 14 : i32
    %shift_right_logical3A_109 = vector.broadcast %shift_right_logical3A_108 : i32 to vector<16xi32>
    %shift_right_logical3A_110 = arith.shrui %get3A_100, %shift_right_logical3A_109 : vector<16xi32>
    %swap3A_111 = arith.constant 64 : index
    %swap3A_112 = tpu.vector_load %arg9[%swap3A_111] {strides = array<i32>} : memref<128xi32, #tpu.memory_space<vmem>>, vector<16xi32>,
    %swap3A_113 = vector.shape_cast %swap3A_112 : vector<16xi32> to vector<16xi32>
    %swap3A_114 = vector.shape_cast %shift_right_logical3A_110 : vector<16xi32> to vector<16xi32>
    tpu.vector_store %arg9[%swap3A_111], %swap3A_114 {strides = array<i32>} : memref<128xi32, #tpu.memory_space<vmem>>, vector<16xi32>,
    %get3A_115 = arith.constant 80 : index
    %get3A_116 = tpu.vector_load %arg6[%get3A_115] {strides = array<i32>} : memref<10240xi32, #tpu.memory_space<vmem>>, vector<16xi32>,
    %get3A_117 = vector.shape_cast %get3A_116 : vector<16xi32> to vector<16xi32>
    %and3A_118 = arith.constant 16383 : i32
    %and3A_119 = vector.broadcast %and3A_118 : i32 to vector<16xi32>
    %and3A_120 = arith.andi %get3A_117, %and3A_119 : vector<16xi32>
    %swap3A_121 = arith.constant 80 : index
    %swap3A_122 = tpu.vector_load %arg7[%swap3A_121] {strides = array<i32>} : memref<128xi32, #tpu.memory_space<vmem>>, vector<16xi32>,
    %swap3A_123 = vector.shape_cast %swap3A_122 : vector<16xi32> to vector<16xi32>
    %swap3A_124 = vector.shape_cast %and3A_120 : vector<16xi32> to vector<16xi32>
    tpu.vector_store %arg7[%swap3A_121], %swap3A_124 {strides = array<i32>} : memref<128xi32, #tpu.memory_space<vmem>>, vector<16xi32>,
    %shift_right_logical3A_125 = arith.constant 14 : i32
    %shift_right_logical3A_126 = vector.broadcast %shift_right_logical3A_125 : i32 to vector<16xi32>
    %shift_right_logical3A_127 = arith.shrui %get3A_117, %shift_right_logical3A_126 : vector<16xi32>
    %swap3A_128 = arith.constant 80 : index
    %swap3A_129 = tpu.vector_load %arg9[%swap3A_128] {strides = array<i32>} : memref<128xi32, #tpu.memory_space<vmem>>, vector<16xi32>,
    %swap3A_130 = vector.shape_cast %swap3A_129 : vector<16xi32> to vector<16xi32>
    %swap3A_131 = vector.shape_cast %shift_right_logical3A_127 : vector<16xi32> to vector<16xi32>
    tpu.vector_store %arg9[%swap3A_128], %swap3A_131 {strides = array<i32>} : memref<128xi32, #tpu.memory_space<vmem>>, vector<16xi32>,
    %get3A_132 = arith.constant 96 : index
    %get3A_133 = tpu.vector_load %arg6[%get3A_132] {strides = array<i32>} : memref<10240xi32, #tpu.memory_space<vmem>>, vector<16xi32>,
    %get3A_134 = vector.shape_cast %get3A_133 : vector<16xi32> to vector<16xi32>
    %and3A_135 = arith.constant 16383 : i32
    %and3A_136 = vector.broadcast %and3A_135 : i32 to vector<16xi32>
    %and3A_137 = arith.andi %get3A_134, %and3A_136 : vector<16xi32>
    %swap3A_138 = arith.constant 96 : index
    %swap3A_139 = tpu.vector_load %arg7[%swap3A_138] {strides = array<i32>} : memref<128xi32, #tpu.memory_space<vmem>>, vector<16xi32>,
    %swap3A_140 = vector.shape_cast %swap3A_139 : vector<16xi32> to vector<16xi32>
    %swap3A_141 = vector.shape_cast %and3A_137 : vector<16xi32> to vector<16xi32>
    tpu.vector_store %arg7[%swap3A_138], %swap3A_141 {strides = array<i32>} : memref<128xi32, #tpu.memory_space<vmem>>, vector<16xi32>,
    %shift_right_logical3A_142 = arith.constant 14 : i32
    %shift_right_logical3A_143 = vector.broadcast %shift_right_logical3A_142 : i32 to vector<16xi32>
    %shift_right_logical3A_144 = arith.shrui %get3A_134, %shift_right_logical3A_143 : vector<16xi32>
    %swap3A_145 = arith.constant 96 : index
    %swap3A_146 = tpu.vector_load %arg9[%swap3A_145] {strides = array<i32>} : memref<128xi32, #tpu.memory_space<vmem>>, vector<16xi32>,
    %swap3A_147 = vector.shape_cast %swap3A_146 : vector<16xi32> to vector<16xi32>
    %swap3A_148 = vector.shape_cast %shift_right_logical3A_144 : vector<16xi32> to vector<16xi32>
    tpu.vector_store %arg9[%swap3A_145], %swap3A_148 {strides = array<i32>} : memref<128xi32, #tpu.memory_space<vmem>>, vector<16xi32>,
    %get3A_149 = arith.constant 112 : index
    %get3A_150 = tpu.vector_load %arg6[%get3A_149] {strides = array<i32>} : memref<10240xi32, #tpu.memory_space<vmem>>, vector<16xi32>,
    %get3A_151 = vector.shape_cast %get3A_150 : vector<16xi32> to vector<16xi32>
    %and3A_152 = arith.constant 16383 : i32
    %and3A_153 = vector.broadcast %and3A_152 : i32 to vector<16xi32>
    %and3A_154 = arith.andi %get3A_151, %and3A_153 : vector<16xi32>
    %swap3A_155 = arith.constant 112 : index
    %swap3A_156 = tpu.vector_load %arg7[%swap3A_155] {strides = array<i32>} : memref<128xi32, #tpu.memory_space<vmem>>, vector<16xi32>,
    %swap3A_157 = vector.shape_cast %swap3A_156 : vector<16xi32> to vector<16xi32>
    %swap3A_158 = vector.shape_cast %and3A_154 : vector<16xi32> to vector<16xi32>
    tpu.vector_store %arg7[%swap3A_155], %swap3A_158 {strides = array<i32>} : memref<128xi32, #tpu.memory_space<vmem>>, vector<16xi32>,
    %shift_right_logical3A_159 = arith.constant 14 : i32
    %shift_right_logical3A_160 = vector.broadcast %shift_right_logical3A_159 : i32 to vector<16xi32>
    %shift_right_logical3A_161 = arith.shrui %get3A_151, %shift_right_logical3A_160 : vector<16xi32>
    %swap3A_162 = arith.constant 112 : index
    %swap3A_163 = tpu.vector_load %arg9[%swap3A_162] {strides = array<i32>} : memref<128xi32, #tpu.memory_space<vmem>>, vector<16xi32>,
    %swap3A_164 = vector.shape_cast %swap3A_163 : vector<16xi32> to vector<16xi32>
    %swap3A_165 = vector.shape_cast %shift_right_logical3A_161 : vector<16xi32> to vector<16xi32>
    tpu.vector_store %arg9[%swap3A_162], %swap3A_165 {strides = array<i32>} : memref<128xi32, #tpu.memory_space<vmem>>, vector<16xi32>,
    %dma_start3A = arith.constant 0 : i32
    %dma_start3A_166 = arith.constant 0 : i32
    %dma_start3A_167 = tpu.memref_slice %arg2[%dma_start3A, %dma_start3A_166] : memref<10000x128xf32, #tpu.memory_space<hbm>> -> memref<10000x128xf32, #tpu.memory_space<hbm>>
    tpu.enqueue_indirect_dma source(%dma_start3A_167 : memref<10000x128xf32, #tpu.memory_space<hbm>>) target(%arg11 : memref<128x128xf32, #tpu.memory_space<vmem>>) offsets(%arg7 : memref<128xi32, #tpu.memory_space<vmem>>) semaphore(%arg14 : memref<!tpu.dma_semaphore, #tpu.memory_space<semaphore_mem>>)
    %get3A_168 = arith.constant 128 : index
    %get3A_169 = tpu.vector_load %arg6[%get3A_168] {strides = array<i32>} : memref<10240xi32, #tpu.memory_space<vmem>>, vector<16xi32>,
    %get3A_170 = vector.shape_cast %get3A_169 : vector<16xi32> to vector<16xi32>
    %and3A_171 = arith.constant 16383 : i32
    %and3A_172 = vector.broadcast %and3A_171 : i32 to vector<16xi32>
    %and3A_173 = arith.andi %get3A_170, %and3A_172 : vector<16xi32>
    %swap3A_174 = arith.constant 0 : index
    %swap3A_175 = tpu.vector_load %arg8[%swap3A_174] {strides = array<i32>} : memref<128xi32, #tpu.memory_space<vmem>>, vector<16xi32>,
    %swap3A_176 = vector.shape_cast %swap3A_175 : vector<16xi32> to vector<16xi32>
    %swap3A_177 = vector.shape_cast %and3A_173 : vector<16xi32> to vector<16xi32>
    tpu.vector_store %arg8[%swap3A_174], %swap3A_177 {strides = array<i32>} : memref<128xi32, #tpu.memory_space<vmem>>, vector<16xi32>,
    %shift_right_logical3A_178 = arith.constant 14 : i32
    %shift_right_logical3A_179 = vector.broadcast %shift_right_logical3A_178 : i32 to vector<16xi32>
    %shift_right_logical3A_180 = arith.shrui %get3A_170, %shift_right_logical3A_179 : vector<16xi32>
    %swap3A_181 = arith.constant 0 : index
    %swap3A_182 = tpu.vector_load %arg10[%swap3A_181] {strides = array<i32>} : memref<128xi32, #tpu.memory_space<vmem>>, vector<16xi32>,
    %swap3A_183 = vector.shape_cast %swap3A_182 : vector<16xi32> to vector<16xi32>
    %swap3A_184 = vector.shape_cast %shift_right_logical3A_180 : vector<16xi32> to vector<16xi32>
    tpu.vector_store %arg10[%swap3A_181], %swap3A_184 {strides = array<i32>} : memref<128xi32, #tpu.memory_space<vmem>>, vector<16xi32>,
    %get3A_185 = arith.constant 144 : index
    %get3A_186 = tpu.vector_load %arg6[%get3A_185] {strides = array<i32>} : memref<10240xi32, #tpu.memory_space<vmem>>, vector<16xi32>,
    %get3A_187 = vector.shape_cast %get3A_186 : vector<16xi32> to vector<16xi32>
    %and3A_188 = arith.constant 16383 : i32
    %and3A_189 = vector.broadcast %and3A_188 : i32 to vector<16xi32>
    %and3A_190 = arith.andi %get3A_187, %and3A_189 : vector<16xi32>
    %swap3A_191 = arith.constant 16 : index
    %swap3A_192 = tpu.vector_load %arg8[%swap3A_191] {strides = array<i32>} : memref<128xi32, #tpu.memory_space<vmem>>, vector<16xi32>,
    %swap3A_193 = vector.shape_cast %swap3A_192 : vector<16xi32> to vector<16xi32>
    %swap3A_194 = vector.shape_cast %and3A_190 : vector<16xi32> to vector<16xi32>
    tpu.vector_store %arg8[%swap3A_191], %swap3A_194 {strides = array<i32>} : memref<128xi32, #tpu.memory_space<vmem>>, vector<16xi32>,
    %shift_right_logical3A_195 = arith.constant 14 : i32
    %shift_right_logical3A_196 = vector.broadcast %shift_right_logical3A_195 : i32 to vector<16xi32>
    %shift_right_logical3A_197 = arith.shrui %get3A_187, %shift_right_logical3A_196 : vector<16xi32>
    %swap3A_198 = arith.constant 16 : index
    %swap3A_199 = tpu.vector_load %arg10[%swap3A_198] {strides = array<i32>} : memref<128xi32, #tpu.memory_space<vmem>>, vector<16xi32>,
    %swap3A_200 = vector.shape_cast %swap3A_199 : vector<16xi32> to vector<16xi32>
    %swap3A_201 = vector.shape_cast %shift_right_logical3A_197 : vector<16xi32> to vector<16xi32>
    tpu.vector_store %arg10[%swap3A_198], %swap3A_201 {strides = array<i32>} : memref<128xi32, #tpu.memory_space<vmem>>, vector<16xi32>,
    %get3A_202 = arith.constant 160 : index
    %get3A_203 = tpu.vector_load %arg6[%get3A_202] {strides = array<i32>} : memref<10240xi32, #tpu.memory_space<vmem>>, vector<16xi32>,
    %get3A_204 = vector.shape_cast %get3A_203 : vector<16xi32> to vector<16xi32>
    %and3A_205 = arith.constant 16383 : i32
    %and3A_206 = vector.broadcast %and3A_205 : i32 to vector<16xi32>
    %and3A_207 = arith.andi %get3A_204, %and3A_206 : vector<16xi32>
    %swap3A_208 = arith.constant 32 : index
    %swap3A_209 = tpu.vector_load %arg8[%swap3A_208] {strides = array<i32>} : memref<128xi32, #tpu.memory_space<vmem>>, vector<16xi32>,
    %swap3A_210 = vector.shape_cast %swap3A_209 : vector<16xi32> to vector<16xi32>
    %swap3A_211 = vector.shape_cast %and3A_207 : vector<16xi32> to vector<16xi32>
    tpu.vector_store %arg8[%swap3A_208], %swap3A_211 {strides = array<i32>} : memref<128xi32, #tpu.memory_space<vmem>>, vector<16xi32>,
    %shift_right_logical3A_212 = arith.constant 14 : i32
    %shift_right_logical3A_213 = vector.broadcast %shift_right_logical3A_212 : i32 to vector<16xi32>
    %shift_right_logical3A_214 = arith.shrui %get3A_204, %shift_right_logical3A_213 : vector<16xi32>
    %swap3A_215 = arith.constant 32 : index
    %swap3A_216 = tpu.vector_load %arg10[%swap3A_215] {strides = array<i32>} : memref<128xi32, #tpu.memory_space<vmem>>, vector<16xi32>,
    %swap3A_217 = vector.shape_cast %swap3A_216 : vector<16xi32> to vector<16xi32>
    %swap3A_218 = vector.shape_cast %shift_right_logical3A_214 : vector<16xi32> to vector<16xi32>
    tpu.vector_store %arg10[%swap3A_215], %swap3A_218 {strides = array<i32>} : memref<128xi32, #tpu.memory_space<vmem>>, vector<16xi32>,
    %get3A_219 = arith.constant 176 : index
    %get3A_220 = tpu.vector_load %arg6[%get3A_219] {strides = array<i32>} : memref<10240xi32, #tpu.memory_space<vmem>>, vector<16xi32>,
    %get3A_221 = vector.shape_cast %get3A_220 : vector<16xi32> to vector<16xi32>
    %and3A_222 = arith.constant 16383 : i32
    %and3A_223 = vector.broadcast %and3A_222 : i32 to vector<16xi32>
    %and3A_224 = arith.andi %get3A_221, %and3A_223 : vector<16xi32>
    %swap3A_225 = arith.constant 48 : index
    %swap3A_226 = tpu.vector_load %arg8[%swap3A_225] {strides = array<i32>} : memref<128xi32, #tpu.memory_space<vmem>>, vector<16xi32>,
    %swap3A_227 = vector.shape_cast %swap3A_226 : vector<16xi32> to vector<16xi32>
    %swap3A_228 = vector.shape_cast %and3A_224 : vector<16xi32> to vector<16xi32>
    tpu.vector_store %arg8[%swap3A_225], %swap3A_228 {strides = array<i32>} : memref<128xi32, #tpu.memory_space<vmem>>, vector<16xi32>,
    %shift_right_logical3A_229 = arith.constant 14 : i32
    %shift_right_logical3A_230 = vector.broadcast %shift_right_logical3A_229 : i32 to vector<16xi32>
    %shift_right_logical3A_231 = arith.shrui %get3A_221, %shift_right_logical3A_230 : vector<16xi32>
    %swap3A_232 = arith.constant 48 : index
    %swap3A_233 = tpu.vector_load %arg10[%swap3A_232] {strides = array<i32>} : memref<128xi32, #tpu.memory_space<vmem>>, vector<16xi32>,
    %swap3A_234 = vector.shape_cast %swap3A_233 : vector<16xi32> to vector<16xi32>
    %swap3A_235 = vector.shape_cast %shift_right_logical3A_231 : vector<16xi32> to vector<16xi32>
    tpu.vector_store %arg10[%swap3A_232], %swap3A_235 {strides = array<i32>} : memref<128xi32, #tpu.memory_space<vmem>>, vector<16xi32>,
    %get3A_236 = arith.constant 192 : index
    %get3A_237 = tpu.vector_load %arg6[%get3A_236] {strides = array<i32>} : memref<10240xi32, #tpu.memory_space<vmem>>, vector<16xi32>,
    %get3A_238 = vector.shape_cast %get3A_237 : vector<16xi32> to vector<16xi32>
    %and3A_239 = arith.constant 16383 : i32
    %and3A_240 = vector.broadcast %and3A_239 : i32 to vector<16xi32>
    %and3A_241 = arith.andi %get3A_238, %and3A_240 : vector<16xi32>
    %swap3A_242 = arith.constant 64 : index
    %swap3A_243 = tpu.vector_load %arg8[%swap3A_242] {strides = array<i32>} : memref<128xi32, #tpu.memory_space<vmem>>, vector<16xi32>,
    %swap3A_244 = vector.shape_cast %swap3A_243 : vector<16xi32> to vector<16xi32>
    %swap3A_245 = vector.shape_cast %and3A_241 : vector<16xi32> to vector<16xi32>
    tpu.vector_store %arg8[%swap3A_242], %swap3A_245 {strides = array<i32>} : memref<128xi32, #tpu.memory_space<vmem>>, vector<16xi32>,
    %shift_right_logical3A_246 = arith.constant 14 : i32
    %shift_right_logical3A_247 = vector.broadcast %shift_right_logical3A_246 : i32 to vector<16xi32>
    %shift_right_logical3A_248 = arith.shrui %get3A_238, %shift_right_logical3A_247 : vector<16xi32>
    %swap3A_249 = arith.constant 64 : index
    %swap3A_250 = tpu.vector_load %arg10[%swap3A_249] {strides = array<i32>} : memref<128xi32, #tpu.memory_space<vmem>>, vector<16xi32>,
    %swap3A_251 = vector.shape_cast %swap3A_250 : vector<16xi32> to vector<16xi32>
    %swap3A_252 = vector.shape_cast %shift_right_logical3A_248 : vector<16xi32> to vector<16xi32>
    tpu.vector_store %arg10[%swap3A_249], %swap3A_252 {strides = array<i32>} : memref<128xi32, #tpu.memory_space<vmem>>, vector<16xi32>,
    %get3A_253 = arith.constant 208 : index
    %get3A_254 = tpu.vector_load %arg6[%get3A_253] {strides = array<i32>} : memref<10240xi32, #tpu.memory_space<vmem>>, vector<16xi32>,
    %get3A_255 = vector.shape_cast %get3A_254 : vector<16xi32> to vector<16xi32>
    %and3A_256 = arith.constant 16383 : i32
    %and3A_257 = vector.broadcast %and3A_256 : i32 to vector<16xi32>
    %and3A_258 = arith.andi %get3A_255, %and3A_257 : vector<16xi32>
    %swap3A_259 = arith.constant 80 : index
    %swap3A_260 = tpu.vector_load %arg8[%swap3A_259] {strides = array<i32>} : memref<128xi32, #tpu.memory_space<vmem>>, vector<16xi32>,
    %swap3A_261 = vector.shape_cast %swap3A_260 : vector<16xi32> to vector<16xi32>
    %swap3A_262 = vector.shape_cast %and3A_258 : vector<16xi32> to vector<16xi32>
    tpu.vector_store %arg8[%swap3A_259], %swap3A_262 {strides = array<i32>} : memref<128xi32, #tpu.memory_space<vmem>>, vector<16xi32>,
    %shift_right_logical3A_263 = arith.constant 14 : i32
    %shift_right_logical3A_264 = vector.broadcast %shift_right_logical3A_263 : i32 to vector<16xi32>
    %shift_right_logical3A_265 = arith.shrui %get3A_255, %shift_right_logical3A_264 : vector<16xi32>
    %swap3A_266 = arith.constant 80 : index
    %swap3A_267 = tpu.vector_load %arg10[%swap3A_266] {strides = array<i32>} : memref<128xi32, #tpu.memory_space<vmem>>, vector<16xi32>,
    %swap3A_268 = vector.shape_cast %swap3A_267 : vector<16xi32> to vector<16xi32>
    %swap3A_269 = vector.shape_cast %shift_right_logical3A_265 : vector<16xi32> to vector<16xi32>
    tpu.vector_store %arg10[%swap3A_266], %swap3A_269 {strides = array<i32>} : memref<128xi32, #tpu.memory_space<vmem>>, vector<16xi32>,
    %get3A_270 = arith.constant 224 : index
    %get3A_271 = tpu.vector_load %arg6[%get3A_270] {strides = array<i32>} : memref<10240xi32, #tpu.memory_space<vmem>>, vector<16xi32>,
    %get3A_272 = vector.shape_cast %get3A_271 : vector<16xi32> to vector<16xi32>
    %and3A_273 = arith.constant 16383 : i32
    %and3A_274 = vector.broadcast %and3A_273 : i32 to vector<16xi32>
    %and3A_275 = arith.andi %get3A_272, %and3A_274 : vector<16xi32>
    %swap3A_276 = arith.constant 96 : index
    %swap3A_277 = tpu.vector_load %arg8[%swap3A_276] {strides = array<i32>} : memref<128xi32, #tpu.memory_space<vmem>>, vector<16xi32>,
    %swap3A_278 = vector.shape_cast %swap3A_277 : vector<16xi32> to vector<16xi32>
    %swap3A_279 = vector.shape_cast %and3A_275 : vector<16xi32> to vector<16xi32>
    tpu.vector_store %arg8[%swap3A_276], %swap3A_279 {strides = array<i32>} : memref<128xi32, #tpu.memory_space<vmem>>, vector<16xi32>,
    %shift_right_logical3A_280 = arith.constant 14 : i32
    %shift_right_logical3A_281 = vector.broadcast %shift_right_logical3A_280 : i32 to vector<16xi32>
    %shift_right_logical3A_282 = arith.shrui %get3A_272, %shift_right_logical3A_281 : vector<16xi32>
    %swap3A_283 = arith.constant 96 : index
    %swap3A_284 = tpu.vector_load %arg10[%swap3A_283] {strides = array<i32>} : memref<128xi32, #tpu.memory_space<vmem>>, vector<16xi32>,
    %swap3A_285 = vector.shape_cast %swap3A_284 : vector<16xi32> to vector<16xi32>
    %swap3A_286 = vector.shape_cast %shift_right_logical3A_282 : vector<16xi32> to vector<16xi32>
    tpu.vector_store %arg10[%swap3A_283], %swap3A_286 {strides = array<i32>} : memref<128xi32, #tpu.memory_space<vmem>>, vector<16xi32>,
    %get3A_287 = arith.constant 240 : index
    %get3A_288 = tpu.vector_load %arg6[%get3A_287] {strides = array<i32>} : memref<10240xi32, #tpu.memory_space<vmem>>, vector<16xi32>,
    %get3A_289 = vector.shape_cast %get3A_288 : vector<16xi32> to vector<16xi32>
    %and3A_290 = arith.constant 16383 : i32
    %and3A_291 = vector.broadcast %and3A_290 : i32 to vector<16xi32>
    %and3A_292 = arith.andi %get3A_289, %and3A_291 : vector<16xi32>
    %swap3A_293 = arith.constant 112 : index
    %swap3A_294 = tpu.vector_load %arg8[%swap3A_293] {strides = array<i32>} : memref<128xi32, #tpu.memory_space<vmem>>, vector<16xi32>,
    %swap3A_295 = vector.shape_cast %swap3A_294 : vector<16xi32> to vector<16xi32>
    %swap3A_296 = vector.shape_cast %and3A_292 : vector<16xi32> to vector<16xi32>
    tpu.vector_store %arg8[%swap3A_293], %swap3A_296 {strides = array<i32>} : memref<128xi32, #tpu.memory_space<vmem>>, vector<16xi32>,
    %shift_right_logical3A_297 = arith.constant 14 : i32
    %shift_right_logical3A_298 = vector.broadcast %shift_right_logical3A_297 : i32 to vector<16xi32>
    %shift_right_logical3A_299 = arith.shrui %get3A_289, %shift_right_logical3A_298 : vector<16xi32>
    %swap3A_300 = arith.constant 112 : index
    %swap3A_301 = tpu.vector_load %arg10[%swap3A_300] {strides = array<i32>} : memref<128xi32, #tpu.memory_space<vmem>>, vector<16xi32>,
    %swap3A_302 = vector.shape_cast %swap3A_301 : vector<16xi32> to vector<16xi32>
    %swap3A_303 = vector.shape_cast %shift_right_logical3A_299 : vector<16xi32> to vector<16xi32>
    tpu.vector_store %arg10[%swap3A_300], %swap3A_303 {strides = array<i32>} : memref<128xi32, #tpu.memory_space<vmem>>, vector<16xi32>,
    %dma_start3A_304 = arith.constant 0 : i32
    %dma_start3A_305 = arith.constant 0 : i32
    %dma_start3A_306 = tpu.memref_slice %arg2[%dma_start3A_304, %dma_start3A_305] : memref<10000x128xf32, #tpu.memory_space<hbm>> -> memref<10000x128xf32, #tpu.memory_space<hbm>>
    tpu.enqueue_indirect_dma source(%dma_start3A_306 : memref<10000x128xf32, #tpu.memory_space<hbm>>) target(%arg12 : memref<128x128xf32, #tpu.memory_space<vmem>>) offsets(%arg8 : memref<128xi32, #tpu.memory_space<vmem>>) semaphore(%arg15 : memref<!tpu.dma_semaphore, #tpu.memory_space<semaphore_mem>>)
    %jit3A_307 = arith.constant 2 : i32
    %div3A = arith.divsi %select_n3A, %jit3A_307 : i32
    %sign3A = arith.constant 0 : i32
    %sign3A_308 = arith.cmpi sgt, %select_n3A, %sign3A : i32
    %sign3A_309 = arith.extui %sign3A_308 : i1 to i32
    %sign3A_310 = arith.constant 0 : i32
    %sign3A_311 = arith.cmpi slt, %select_n3A, %sign3A_310 : i32
    %sign3A_312 = arith.extui %sign3A_311 : i1 to i32
    %sign3A_313 = arith.subi %sign3A_309, %sign3A_312 : i32
    %sign3A_314 = arith.constant 0 : i32
    %sign3A_315 = arith.cmpi sgt, %jit3A_307, %sign3A_314 : i32
    %sign3A_316 = arith.extui %sign3A_315 : i1 to i32
    %sign3A_317 = arith.constant 0 : i32
    %sign3A_318 = arith.cmpi slt, %jit3A_307, %sign3A_317 : i32
    %sign3A_319 = arith.extui %sign3A_318 : i1 to i32
    %sign3A_320 = arith.subi %sign3A_316, %sign3A_319 : i32
    %ne3A = arith.cmpi ne, %sign3A_313, %sign3A_320 : i32
    %rem3A = arith.remsi %select_n3A, %jit3A_307 : i32
    %ne3A_321 = arith.constant 0 : i32
    %ne3A_322 = arith.cmpi ne, %rem3A, %ne3A_321 : i32
    %and3A_323 = arith.andi %ne3A, %ne3A_322 : i1
    %sub3A = arith.constant 1 : i32
    %sub3A_324 = arith.subi %div3A, %sub3A : i32
    %select_n3A_325 = arith.select %and3A_323, %sub3A_324, %div3A : i32
    %while3A = arith.constant 0 : i32
    %while3A_326 = arith.constant 0 : i32
    %while3A_327 = arith.subi %select_n3A_325, %while3A_326 : i32
    %while3A_328 = arith.addi %while3A_326, %while3A_327 : i32
    %while3A_329 = arith.constant 1 : i32
    %while3A_330 = arith.divsi %while3A_327, %while3A_329 : i32
    %while3A_331 = arith.muli %while3A_330, %while3A_329 : i32
    %while3A_332 = arith.addi %while3A_326, %while3A_331 : i32
    %while3A_333 = arith.constant 1 : i32
    scf.for %while3A_371 = %while3A_326 to %while3A_332 step %while3A_333  : i32 {
      %mul3A_372 = arith.constant 2 : i32
      %mul3A_373 = arith.muli %while3A_371, %mul3A_372 : i32
      %add3A_374 = arith.constant 0 : i32
      %add3A_375 = arith.addi %mul3A_373, %add3A_374 : i32
      %dma_wait3A = arith.constant 0 : i32
      %dma_wait3A_376 = arith.constant 0 : i32
      %dma_wait3A_377 = tpu.memref_slice %arg2[%dma_wait3A, %dma_wait3A_376] : memref<10000x128xf32, #tpu.memory_space<hbm>> -> memref<10000x128xf32, #tpu.memory_space<hbm>>
      tpu.wait_indirect_dma semaphore(%arg14 : memref<!tpu.dma_semaphore, #tpu.memory_space<semaphore_mem>>) src(%dma_wait3A_377 : memref<10000x128xf32, #tpu.memory_space<hbm>>) dst(%arg11 : memref<128x128xf32, #tpu.memory_space<vmem>>)
      "tpu.region"() ({
        %run_scoped3A = tpu.sem_alloc : memref<!tpu.dma_semaphore, #tpu.memory_space<semaphore_mem>>
        %dma_start3A_395 = arith.constant 0 : i32
        %dma_start3A_396 = arith.constant 0 : i32
        %dma_start3A_397 = tpu.memref_slice %arg13[%dma_start3A_395, %dma_start3A_396] : memref<10240x128xf32, #tpu.memory_space<vmem_shared>> -> memref<10240x128xf32, #tpu.memory_space<vmem_shared>>
        tpu.enqueue_indirect_dma source(%arg11 : memref<128x128xf32, #tpu.memory_space<vmem>>) target(%dma_start3A_397 : memref<10240x128xf32, #tpu.memory_space<vmem_shared>>) offsets(%arg9 : memref<128xi32, #tpu.memory_space<vmem>>) semaphore(%run_scoped3A : memref<!tpu.dma_semaphore, #tpu.memory_space<semaphore_mem>>) {add = true}
        %dma_wait3A_398 = arith.constant 0 : i32
        %dma_wait3A_399 = arith.constant 0 : i32
        %dma_wait3A_400 = tpu.memref_slice %arg13[%dma_wait3A_398, %dma_wait3A_399] : memref<10240x128xf32, #tpu.memory_space<vmem_shared>> -> memref<10240x128xf32, #tpu.memory_space<vmem_shared>>
        tpu.wait_indirect_dma semaphore(%run_scoped3A : memref<!tpu.dma_semaphore, #tpu.memory_space<semaphore_mem>>) src(%arg11 : memref<128x128xf32, #tpu.memory_space<vmem>>) dst(%dma_wait3A_400 : memref<10240x128xf32, #tpu.memory_space<vmem_shared>>)
        tpu.yield
      }) : () -> ()
      %add3A_378 = arith.constant 2 : i32
      %add3A_379 = arith.addi %add3A_375, %add3A_378 : i32
      %lt3A_380 = arith.cmpi slt, %add3A_379, %select_n3A : i32
      %convert_element_type3A_381 = arith.extui %lt3A_380 : i1 to i32
      %cond3A_382 = arith.constant 0 : i32
      %cond3A_383 = arith.cmpi ne, %convert_element_type3A_381, %cond3A_382 : i32
      scf.if %cond3A_383 {
        %add3A_395 = arith.constant 2 : i32
        %add3A_396 = arith.addi %add3A_375, %add3A_395 : i32
        %mul3A_397 = arith.constant 128 : i32
        %mul3A_398 = arith.muli %add3A_396, %mul3A_397 : i32
        %add3A_399 = arith.constant 0 : i32
        %add3A_400 = arith.addi %mul3A_398, %add3A_399 : i32
        %get3A_401 = arith.index_cast %add3A_400 : i32 to index
        %get3A_402 = tpu.vector_load %arg6[%get3A_401] {strides = array<i32>} : memref<10240xi32, #tpu.memory_space<vmem>>, vector<16xi32>,
        %get3A_403 = vector.shape_cast %get3A_402 : vector<16xi32> to vector<16xi32>
        %and3A_404 = arith.constant 16383 : i32
        %and3A_405 = vector.broadcast %and3A_404 : i32 to vector<16xi32>
        %and3A_406 = arith.andi %get3A_403, %and3A_405 : vector<16xi32>
        %swap3A_407 = arith.constant 0 : index
        %swap3A_408 = tpu.vector_load %arg7[%swap3A_407] {strides = array<i32>} : memref<128xi32, #tpu.memory_space<vmem>>, vector<16xi32>,
        %swap3A_409 = vector.shape_cast %swap3A_408 : vector<16xi32> to vector<16xi32>
        %swap3A_410 = vector.shape_cast %and3A_406 : vector<16xi32> to vector<16xi32>
        tpu.vector_store %arg7[%swap3A_407], %swap3A_410 {strides = array<i32>} : memref<128xi32, #tpu.memory_space<vmem>>, vector<16xi32>,
        %shift_right_logical3A_411 = arith.constant 14 : i32
        %shift_right_logical3A_412 = vector.broadcast %shift_right_logical3A_411 : i32 to vector<16xi32>
        %shift_right_logical3A_413 = arith.shrui %get3A_403, %shift_right_logical3A_412 : vector<16xi32>
        %swap3A_414 = arith.constant 0 : index
        %swap3A_415 = tpu.vector_load %arg9[%swap3A_414] {strides = array<i32>} : memref<128xi32, #tpu.memory_space<vmem>>, vector<16xi32>,
        %swap3A_416 = vector.shape_cast %swap3A_415 : vector<16xi32> to vector<16xi32>
        %swap3A_417 = vector.shape_cast %shift_right_logical3A_413 : vector<16xi32> to vector<16xi32>
        tpu.vector_store %arg9[%swap3A_414], %swap3A_417 {strides = array<i32>} : memref<128xi32, #tpu.memory_space<vmem>>, vector<16xi32>,
        %mul3A_418 = arith.constant 128 : i32
        %mul3A_419 = arith.muli %add3A_396, %mul3A_418 : i32
        %add3A_420 = arith.constant 16 : i32
        %add3A_421 = arith.addi %mul3A_419, %add3A_420 : i32
        %get3A_422 = arith.index_cast %add3A_421 : i32 to index
        %get3A_423 = tpu.vector_load %arg6[%get3A_422] {strides = array<i32>} : memref<10240xi32, #tpu.memory_space<vmem>>, vector<16xi32>,
        %get3A_424 = vector.shape_cast %get3A_423 : vector<16xi32> to vector<16xi32>
        %and3A_425 = arith.constant 16383 : i32
        %and3A_426 = vector.broadcast %and3A_425 : i32 to vector<16xi32>
        %and3A_427 = arith.andi %get3A_424, %and3A_426 : vector<16xi32>
        %swap3A_428 = arith.constant 16 : index
        %swap3A_429 = tpu.vector_load %arg7[%swap3A_428] {strides = array<i32>} : memref<128xi32, #tpu.memory_space<vmem>>, vector<16xi32>,
        %swap3A_430 = vector.shape_cast %swap3A_429 : vector<16xi32> to vector<16xi32>
        %swap3A_431 = vector.shape_cast %and3A_427 : vector<16xi32> to vector<16xi32>
        tpu.vector_store %arg7[%swap3A_428], %swap3A_431 {strides = array<i32>} : memref<128xi32, #tpu.memory_space<vmem>>, vector<16xi32>,
        %shift_right_logical3A_432 = arith.constant 14 : i32
        %shift_right_logical3A_433 = vector.broadcast %shift_right_logical3A_432 : i32 to vector<16xi32>
        %shift_right_logical3A_434 = arith.shrui %get3A_424, %shift_right_logical3A_433 : vector<16xi32>
        %swap3A_435 = arith.constant 16 : index
        %swap3A_436 = tpu.vector_load %arg9[%swap3A_435] {strides = array<i32>} : memref<128xi32, #tpu.memory_space<vmem>>, vector<16xi32>,
        %swap3A_437 = vector.shape_cast %swap3A_436 : vector<16xi32> to vector<16xi32>
        %swap3A_438 = vector.shape_cast %shift_right_logical3A_434 : vector<16xi32> to vector<16xi32>
        tpu.vector_store %arg9[%swap3A_435], %swap3A_438 {strides = array<i32>} : memref<128xi32, #tpu.memory_space<vmem>>, vector<16xi32>,
        %mul3A_439 = arith.constant 128 : i32
        %mul3A_440 = arith.muli %add3A_396, %mul3A_439 : i32
        %add3A_441 = arith.constant 32 : i32
        %add3A_442 = arith.addi %mul3A_440, %add3A_441 : i32
        %get3A_443 = arith.index_cast %add3A_442 : i32 to index
        %get3A_444 = tpu.vector_load %arg6[%get3A_443] {strides = array<i32>} : memref<10240xi32, #tpu.memory_space<vmem>>, vector<16xi32>,
        %get3A_445 = vector.shape_cast %get3A_444 : vector<16xi32> to vector<16xi32>
        %and3A_446 = arith.constant 16383 : i32
        %and3A_447 = vector.broadcast %and3A_446 : i32 to vector<16xi32>
        %and3A_448 = arith.andi %get3A_445, %and3A_447 : vector<16xi32>
        %swap3A_449 = arith.constant 32 : index
        %swap3A_450 = tpu.vector_load %arg7[%swap3A_449] {strides = array<i32>} : memref<128xi32, #tpu.memory_space<vmem>>, vector<16xi32>,
        %swap3A_451 = vector.shape_cast %swap3A_450 : vector<16xi32> to vector<16xi32>
        %swap3A_452 = vector.shape_cast %and3A_448 : vector<16xi32> to vector<16xi32>
        tpu.vector_store %arg7[%swap3A_449], %swap3A_452 {strides = array<i32>} : memref<128xi32, #tpu.memory_space<vmem>>, vector<16xi32>,
        %shift_right_logical3A_453 = arith.constant 14 : i32
        %shift_right_logical3A_454 = vector.broadcast %shift_right_logical3A_453 : i32 to vector<16xi32>
        %shift_right_logical3A_455 = arith.shrui %get3A_445, %shift_right_logical3A_454 : vector<16xi32>
        %swap3A_456 = arith.constant 32 : index
        %swap3A_457 = tpu.vector_load %arg9[%swap3A_456] {strides = array<i32>} : memref<128xi32, #tpu.memory_space<vmem>>, vector<16xi32>,
        %swap3A_458 = vector.shape_cast %swap3A_457 : vector<16xi32> to vector<16xi32>
        %swap3A_459 = vector.shape_cast %shift_right_logical3A_455 : vector<16xi32> to vector<16xi32>
        tpu.vector_store %arg9[%swap3A_456], %swap3A_459 {strides = array<i32>} : memref<128xi32, #tpu.memory_space<vmem>>, vector<16xi32>,
        %mul3A_460 = arith.constant 128 : i32
        %mul3A_461 = arith.muli %add3A_396, %mul3A_460 : i32
        %add3A_462 = arith.constant 48 : i32
        %add3A_463 = arith.addi %mul3A_461, %add3A_462 : i32
        %get3A_464 = arith.index_cast %add3A_463 : i32 to index
        %get3A_465 = tpu.vector_load %arg6[%get3A_464] {strides = array<i32>} : memref<10240xi32, #tpu.memory_space<vmem>>, vector<16xi32>,
        %get3A_466 = vector.shape_cast %get3A_465 : vector<16xi32> to vector<16xi32>
        %and3A_467 = arith.constant 16383 : i32
        %and3A_468 = vector.broadcast %and3A_467 : i32 to vector<16xi32>
        %and3A_469 = arith.andi %get3A_466, %and3A_468 : vector<16xi32>
        %swap3A_470 = arith.constant 48 : index
        %swap3A_471 = tpu.vector_load %arg7[%swap3A_470] {strides = array<i32>} : memref<128xi32, #tpu.memory_space<vmem>>, vector<16xi32>,
        %swap3A_472 = vector.shape_cast %swap3A_471 : vector<16xi32> to vector<16xi32>
        %swap3A_473 = vector.shape_cast %and3A_469 : vector<16xi32> to vector<16xi32>
        tpu.vector_store %arg7[%swap3A_470], %swap3A_473 {strides = array<i32>} : memref<128xi32, #tpu.memory_space<vmem>>, vector<16xi32>,
        %shift_right_logical3A_474 = arith.constant 14 : i32
        %shift_right_logical3A_475 = vector.broadcast %shift_right_logical3A_474 : i32 to vector<16xi32>
        %shift_right_logical3A_476 = arith.shrui %get3A_466, %shift_right_logical3A_475 : vector<16xi32>
        %swap3A_477 = arith.constant 48 : index
        %swap3A_478 = tpu.vector_load %arg9[%swap3A_477] {strides = array<i32>} : memref<128xi32, #tpu.memory_space<vmem>>, vector<16xi32>,
        %swap3A_479 = vector.shape_cast %swap3A_478 : vector<16xi32> to vector<16xi32>
        %swap3A_480 = vector.shape_cast %shift_right_logical3A_476 : vector<16xi32> to vector<16xi32>
        tpu.vector_store %arg9[%swap3A_477], %swap3A_480 {strides = array<i32>} : memref<128xi32, #tpu.memory_space<vmem>>, vector<16xi32>,
        %mul3A_481 = arith.constant 128 : i32
        %mul3A_482 = arith.muli %add3A_396, %mul3A_481 : i32
        %add3A_483 = arith.constant 64 : i32
        %add3A_484 = arith.addi %mul3A_482, %add3A_483 : i32
        %get3A_485 = arith.index_cast %add3A_484 : i32 to index
        %get3A_486 = tpu.vector_load %arg6[%get3A_485] {strides = array<i32>} : memref<10240xi32, #tpu.memory_space<vmem>>, vector<16xi32>,
        %get3A_487 = vector.shape_cast %get3A_486 : vector<16xi32> to vector<16xi32>
        %and3A_488 = arith.constant 16383 : i32
        %and3A_489 = vector.broadcast %and3A_488 : i32 to vector<16xi32>
        %and3A_490 = arith.andi %get3A_487, %and3A_489 : vector<16xi32>
        %swap3A_491 = arith.constant 64 : index
        %swap3A_492 = tpu.vector_load %arg7[%swap3A_491] {strides = array<i32>} : memref<128xi32, #tpu.memory_space<vmem>>, vector<16xi32>,
        %swap3A_493 = vector.shape_cast %swap3A_492 : vector<16xi32> to vector<16xi32>
        %swap3A_494 = vector.shape_cast %and3A_490 : vector<16xi32> to vector<16xi32>
        tpu.vector_store %arg7[%swap3A_491], %swap3A_494 {strides = array<i32>} : memref<128xi32, #tpu.memory_space<vmem>>, vector<16xi32>,
        %shift_right_logical3A_495 = arith.constant 14 : i32
        %shift_right_logical3A_496 = vector.broadcast %shift_right_logical3A_495 : i32 to vector<16xi32>
        %shift_right_logical3A_497 = arith.shrui %get3A_487, %shift_right_logical3A_496 : vector<16xi32>
        %swap3A_498 = arith.constant 64 : index
        %swap3A_499 = tpu.vector_load %arg9[%swap3A_498] {strides = array<i32>} : memref<128xi32, #tpu.memory_space<vmem>>, vector<16xi32>,
        %swap3A_500 = vector.shape_cast %swap3A_499 : vector<16xi32> to vector<16xi32>
        %swap3A_501 = vector.shape_cast %shift_right_logical3A_497 : vector<16xi32> to vector<16xi32>
        tpu.vector_store %arg9[%swap3A_498], %swap3A_501 {strides = array<i32>} : memref<128xi32, #tpu.memory_space<vmem>>, vector<16xi32>,
        %mul3A_502 = arith.constant 128 : i32
        %mul3A_503 = arith.muli %add3A_396, %mul3A_502 : i32
        %add3A_504 = arith.constant 80 : i32
        %add3A_505 = arith.addi %mul3A_503, %add3A_504 : i32
        %get3A_506 = arith.index_cast %add3A_505 : i32 to index
        %get3A_507 = tpu.vector_load %arg6[%get3A_506] {strides = array<i32>} : memref<10240xi32, #tpu.memory_space<vmem>>, vector<16xi32>,
        %get3A_508 = vector.shape_cast %get3A_507 : vector<16xi32> to vector<16xi32>
        %and3A_509 = arith.constant 16383 : i32
        %and3A_510 = vector.broadcast %and3A_509 : i32 to vector<16xi32>
        %and3A_511 = arith.andi %get3A_508, %and3A_510 : vector<16xi32>
        %swap3A_512 = arith.constant 80 : index
        %swap3A_513 = tpu.vector_load %arg7[%swap3A_512] {strides = array<i32>} : memref<128xi32, #tpu.memory_space<vmem>>, vector<16xi32>,
        %swap3A_514 = vector.shape_cast %swap3A_513 : vector<16xi32> to vector<16xi32>
        %swap3A_515 = vector.shape_cast %and3A_511 : vector<16xi32> to vector<16xi32>
        tpu.vector_store %arg7[%swap3A_512], %swap3A_515 {strides = array<i32>} : memref<128xi32, #tpu.memory_space<vmem>>, vector<16xi32>,
        %shift_right_logical3A_516 = arith.constant 14 : i32
        %shift_right_logical3A_517 = vector.broadcast %shift_right_logical3A_516 : i32 to vector<16xi32>
        %shift_right_logical3A_518 = arith.shrui %get3A_508, %shift_right_logical3A_517 : vector<16xi32>
        %swap3A_519 = arith.constant 80 : index
        %swap3A_520 = tpu.vector_load %arg9[%swap3A_519] {strides = array<i32>} : memref<128xi32, #tpu.memory_space<vmem>>, vector<16xi32>,
        %swap3A_521 = vector.shape_cast %swap3A_520 : vector<16xi32> to vector<16xi32>
        %swap3A_522 = vector.shape_cast %shift_right_logical3A_518 : vector<16xi32> to vector<16xi32>
        tpu.vector_store %arg9[%swap3A_519], %swap3A_522 {strides = array<i32>} : memref<128xi32, #tpu.memory_space<vmem>>, vector<16xi32>,
        %mul3A_523 = arith.constant 128 : i32
        %mul3A_524 = arith.muli %add3A_396, %mul3A_523 : i32
        %add3A_525 = arith.constant 96 : i32
        %add3A_526 = arith.addi %mul3A_524, %add3A_525 : i32
        %get3A_527 = arith.index_cast %add3A_526 : i32 to index
        %get3A_528 = tpu.vector_load %arg6[%get3A_527] {strides = array<i32>} : memref<10240xi32, #tpu.memory_space<vmem>>, vector<16xi32>,
        %get3A_529 = vector.shape_cast %get3A_528 : vector<16xi32> to vector<16xi32>
        %and3A_530 = arith.constant 16383 : i32
        %and3A_531 = vector.broadcast %and3A_530 : i32 to vector<16xi32>
        %and3A_532 = arith.andi %get3A_529, %and3A_531 : vector<16xi32>
        %swap3A_533 = arith.constant 96 : index
        %swap3A_534 = tpu.vector_load %arg7[%swap3A_533] {strides = array<i32>} : memref<128xi32, #tpu.memory_space<vmem>>, vector<16xi32>,
        %swap3A_535 = vector.shape_cast %swap3A_534 : vector<16xi32> to vector<16xi32>
        %swap3A_536 = vector.shape_cast %and3A_532 : vector<16xi32> to vector<16xi32>
        tpu.vector_store %arg7[%swap3A_533], %swap3A_536 {strides = array<i32>} : memref<128xi32, #tpu.memory_space<vmem>>, vector<16xi32>,
        %shift_right_logical3A_537 = arith.constant 14 : i32
        %shift_right_logical3A_538 = vector.broadcast %shift_right_logical3A_537 : i32 to vector<16xi32>
        %shift_right_logical3A_539 = arith.shrui %get3A_529, %shift_right_logical3A_538 : vector<16xi32>
        %swap3A_540 = arith.constant 96 : index
        %swap3A_541 = tpu.vector_load %arg9[%swap3A_540] {strides = array<i32>} : memref<128xi32, #tpu.memory_space<vmem>>, vector<16xi32>,
        %swap3A_542 = vector.shape_cast %swap3A_541 : vector<16xi32> to vector<16xi32>
        %swap3A_543 = vector.shape_cast %shift_right_logical3A_539 : vector<16xi32> to vector<16xi32>
        tpu.vector_store %arg9[%swap3A_540], %swap3A_543 {strides = array<i32>} : memref<128xi32, #tpu.memory_space<vmem>>, vector<16xi32>,
        %mul3A_544 = arith.constant 128 : i32
        %mul3A_545 = arith.muli %add3A_396, %mul3A_544 : i32
        %add3A_546 = arith.constant 112 : i32
        %add3A_547 = arith.addi %mul3A_545, %add3A_546 : i32
        %get3A_548 = arith.index_cast %add3A_547 : i32 to index
        %get3A_549 = tpu.vector_load %arg6[%get3A_548] {strides = array<i32>} : memref<10240xi32, #tpu.memory_space<vmem>>, vector<16xi32>,
        %get3A_550 = vector.shape_cast %get3A_549 : vector<16xi32> to vector<16xi32>
        %and3A_551 = arith.constant 16383 : i32
        %and3A_552 = vector.broadcast %and3A_551 : i32 to vector<16xi32>
        %and3A_553 = arith.andi %get3A_550, %and3A_552 : vector<16xi32>
        %swap3A_554 = arith.constant 112 : index
        %swap3A_555 = tpu.vector_load %arg7[%swap3A_554] {strides = array<i32>} : memref<128xi32, #tpu.memory_space<vmem>>, vector<16xi32>,
        %swap3A_556 = vector.shape_cast %swap3A_555 : vector<16xi32> to vector<16xi32>
        %swap3A_557 = vector.shape_cast %and3A_553 : vector<16xi32> to vector<16xi32>
        tpu.vector_store %arg7[%swap3A_554], %swap3A_557 {strides = array<i32>} : memref<128xi32, #tpu.memory_space<vmem>>, vector<16xi32>,
        %shift_right_logical3A_558 = arith.constant 14 : i32
        %shift_right_logical3A_559 = vector.broadcast %shift_right_logical3A_558 : i32 to vector<16xi32>
        %shift_right_logical3A_560 = arith.shrui %get3A_550, %shift_right_logical3A_559 : vector<16xi32>
        %swap3A_561 = arith.constant 112 : index
        %swap3A_562 = tpu.vector_load %arg9[%swap3A_561] {strides = array<i32>} : memref<128xi32, #tpu.memory_space<vmem>>, vector<16xi32>,
        %swap3A_563 = vector.shape_cast %swap3A_562 : vector<16xi32> to vector<16xi32>
        %swap3A_564 = vector.shape_cast %shift_right_logical3A_560 : vector<16xi32> to vector<16xi32>
        tpu.vector_store %arg9[%swap3A_561], %swap3A_564 {strides = array<i32>} : memref<128xi32, #tpu.memory_space<vmem>>, vector<16xi32>,
        %dma_start3A_565 = arith.constant 0 : i32
        %dma_start3A_566 = arith.constant 0 : i32
        %dma_start3A_567 = tpu.memref_slice %arg2[%dma_start3A_565, %dma_start3A_566] : memref<10000x128xf32, #tpu.memory_space<hbm>> -> memref<10000x128xf32, #tpu.memory_space<hbm>>
        tpu.enqueue_indirect_dma source(%dma_start3A_567 : memref<10000x128xf32, #tpu.memory_space<hbm>>) target(%arg11 : memref<128x128xf32, #tpu.memory_space<vmem>>) offsets(%arg7 : memref<128xi32, #tpu.memory_space<vmem>>) semaphore(%arg14 : memref<!tpu.dma_semaphore, #tpu.memory_space<semaphore_mem>>)
      } else {
      }
      %add3A_384 = arith.constant 1 : i32
      %add3A_385 = arith.addi %mul3A_373, %add3A_384 : i32
      %dma_wait3A_386 = arith.constant 0 : i32
      %dma_wait3A_387 = arith.constant 0 : i32
      %dma_wait3A_388 = tpu.memref_slice %arg2[%dma_wait3A_386, %dma_wait3A_387] : memref<10000x128xf32, #tpu.memory_space<hbm>> -> memref<10000x128xf32, #tpu.memory_space<hbm>>
      tpu.wait_indirect_dma semaphore(%arg15 : memref<!tpu.dma_semaphore, #tpu.memory_space<semaphore_mem>>) src(%dma_wait3A_388 : memref<10000x128xf32, #tpu.memory_space<hbm>>) dst(%arg12 : memref<128x128xf32, #tpu.memory_space<vmem>>)
      "tpu.region"() ({
        %run_scoped3A = tpu.sem_alloc : memref<!tpu.dma_semaphore, #tpu.memory_space<semaphore_mem>>
        %dma_start3A_395 = arith.constant 0 : i32
        %dma_start3A_396 = arith.constant 0 : i32
        %dma_start3A_397 = tpu.memref_slice %arg13[%dma_start3A_395, %dma_start3A_396] : memref<10240x128xf32, #tpu.memory_space<vmem_shared>> -> memref<10240x128xf32, #tpu.memory_space<vmem_shared>>
        tpu.enqueue_indirect_dma source(%arg12 : memref<128x128xf32, #tpu.memory_space<vmem>>) target(%dma_start3A_397 : memref<10240x128xf32, #tpu.memory_space<vmem_shared>>) offsets(%arg10 : memref<128xi32, #tpu.memory_space<vmem>>) semaphore(%run_scoped3A : memref<!tpu.dma_semaphore, #tpu.memory_space<semaphore_mem>>) {add = true}
        %dma_wait3A_398 = arith.constant 0 : i32
        %dma_wait3A_399 = arith.constant 0 : i32
        %dma_wait3A_400 = tpu.memref_slice %arg13[%dma_wait3A_398, %dma_wait3A_399] : memref<10240x128xf32, #tpu.memory_space<vmem_shared>> -> memref<10240x128xf32, #tpu.memory_space<vmem_shared>>
        tpu.wait_indirect_dma semaphore(%run_scoped3A : memref<!tpu.dma_semaphore, #tpu.memory_space<semaphore_mem>>) src(%arg12 : memref<128x128xf32, #tpu.memory_space<vmem>>) dst(%dma_wait3A_400 : memref<10240x128xf32, #tpu.memory_space<vmem_shared>>)
        tpu.yield
      }) : () -> ()
      %add3A_389 = arith.constant 2 : i32
      %add3A_390 = arith.addi %add3A_385, %add3A_389 : i32
      %lt3A_391 = arith.cmpi slt, %add3A_390, %select_n3A : i32
      %convert_element_type3A_392 = arith.extui %lt3A_391 : i1 to i32
      %cond3A_393 = arith.constant 0 : i32
      %cond3A_394 = arith.cmpi ne, %convert_element_type3A_392, %cond3A_393 : i32
      scf.if %cond3A_394 {
        %add3A_395 = arith.constant 2 : i32
        %add3A_396 = arith.addi %add3A_385, %add3A_395 : i32
        %mul3A_397 = arith.constant 128 : i32
        %mul3A_398 = arith.muli %add3A_396, %mul3A_397 : i32
        %add3A_399 = arith.constant 0 : i32
        %add3A_400 = arith.addi %mul3A_398, %add3A_399 : i32
        %get3A_401 = arith.index_cast %add3A_400 : i32 to index
        %get3A_402 = tpu.vector_load %arg6[%get3A_401] {strides = array<i32>} : memref<10240xi32, #tpu.memory_space<vmem>>, vector<16xi32>,
        %get3A_403 = vector.shape_cast %get3A_402 : vector<16xi32> to vector<16xi32>
        %and3A_404 = arith.constant 16383 : i32
        %and3A_405 = vector.broadcast %and3A_404 : i32 to vector<16xi32>
        %and3A_406 = arith.andi %get3A_403, %and3A_405 : vector<16xi32>
        %swap3A_407 = arith.constant 0 : index
        %swap3A_408 = tpu.vector_load %arg8[%swap3A_407] {strides = array<i32>} : memref<128xi32, #tpu.memory_space<vmem>>, vector<16xi32>,
        %swap3A_409 = vector.shape_cast %swap3A_408 : vector<16xi32> to vector<16xi32>
        %swap3A_410 = vector.shape_cast %and3A_406 : vector<16xi32> to vector<16xi32>
        tpu.vector_store %arg8[%swap3A_407], %swap3A_410 {strides = array<i32>} : memref<128xi32, #tpu.memory_space<vmem>>, vector<16xi32>,
        %shift_right_logical3A_411 = arith.constant 14 : i32
        %shift_right_logical3A_412 = vector.broadcast %shift_right_logical3A_411 : i32 to vector<16xi32>
        %shift_right_logical3A_413 = arith.shrui %get3A_403, %shift_right_logical3A_412 : vector<16xi32>
        %swap3A_414 = arith.constant 0 : index
        %swap3A_415 = tpu.vector_load %arg10[%swap3A_414] {strides = array<i32>} : memref<128xi32, #tpu.memory_space<vmem>>, vector<16xi32>,
        %swap3A_416 = vector.shape_cast %swap3A_415 : vector<16xi32> to vector<16xi32>
        %swap3A_417 = vector.shape_cast %shift_right_logical3A_413 : vector<16xi32> to vector<16xi32>
        tpu.vector_store %arg10[%swap3A_414], %swap3A_417 {strides = array<i32>} : memref<128xi32, #tpu.memory_space<vmem>>, vector<16xi32>,
        %mul3A_418 = arith.constant 128 : i32
        %mul3A_419 = arith.muli %add3A_396, %mul3A_418 : i32
        %add3A_420 = arith.constant 16 : i32
        %add3A_421 = arith.addi %mul3A_419, %add3A_420 : i32
        %get3A_422 = arith.index_cast %add3A_421 : i32 to index
        %get3A_423 = tpu.vector_load %arg6[%get3A_422] {strides = array<i32>} : memref<10240xi32, #tpu.memory_space<vmem>>, vector<16xi32>,
        %get3A_424 = vector.shape_cast %get3A_423 : vector<16xi32> to vector<16xi32>
        %and3A_425 = arith.constant 16383 : i32
        %and3A_426 = vector.broadcast %and3A_425 : i32 to vector<16xi32>
        %and3A_427 = arith.andi %get3A_424, %and3A_426 : vector<16xi32>
        %swap3A_428 = arith.constant 16 : index
        %swap3A_429 = tpu.vector_load %arg8[%swap3A_428] {strides = array<i32>} : memref<128xi32, #tpu.memory_space<vmem>>, vector<16xi32>,
        %swap3A_430 = vector.shape_cast %swap3A_429 : vector<16xi32> to vector<16xi32>
        %swap3A_431 = vector.shape_cast %and3A_427 : vector<16xi32> to vector<16xi32>
        tpu.vector_store %arg8[%swap3A_428], %swap3A_431 {strides = array<i32>} : memref<128xi32, #tpu.memory_space<vmem>>, vector<16xi32>,
        %shift_right_logical3A_432 = arith.constant 14 : i32
        %shift_right_logical3A_433 = vector.broadcast %shift_right_logical3A_432 : i32 to vector<16xi32>
        %shift_right_logical3A_434 = arith.shrui %get3A_424, %shift_right_logical3A_433 : vector<16xi32>
        %swap3A_435 = arith.constant 16 : index
        %swap3A_436 = tpu.vector_load %arg10[%swap3A_435] {strides = array<i32>} : memref<128xi32, #tpu.memory_space<vmem>>, vector<16xi32>,
        %swap3A_437 = vector.shape_cast %swap3A_436 : vector<16xi32> to vector<16xi32>
        %swap3A_438 = vector.shape_cast %shift_right_logical3A_434 : vector<16xi32> to vector<16xi32>
        tpu.vector_store %arg10[%swap3A_435], %swap3A_438 {strides = array<i32>} : memref<128xi32, #tpu.memory_space<vmem>>, vector<16xi32>,
        %mul3A_439 = arith.constant 128 : i32
        %mul3A_440 = arith.muli %add3A_396, %mul3A_439 : i32
        %add3A_441 = arith.constant 32 : i32
        %add3A_442 = arith.addi %mul3A_440, %add3A_441 : i32
        %get3A_443 = arith.index_cast %add3A_442 : i32 to index
        %get3A_444 = tpu.vector_load %arg6[%get3A_443] {strides = array<i32>} : memref<10240xi32, #tpu.memory_space<vmem>>, vector<16xi32>,
        %get3A_445 = vector.shape_cast %get3A_444 : vector<16xi32> to vector<16xi32>
        %and3A_446 = arith.constant 16383 : i32
        %and3A_447 = vector.broadcast %and3A_446 : i32 to vector<16xi32>
        %and3A_448 = arith.andi %get3A_445, %and3A_447 : vector<16xi32>
        %swap3A_449 = arith.constant 32 : index
        %swap3A_450 = tpu.vector_load %arg8[%swap3A_449] {strides = array<i32>} : memref<128xi32, #tpu.memory_space<vmem>>, vector<16xi32>,
        %swap3A_451 = vector.shape_cast %swap3A_450 : vector<16xi32> to vector<16xi32>
        %swap3A_452 = vector.shape_cast %and3A_448 : vector<16xi32> to vector<16xi32>
        tpu.vector_store %arg8[%swap3A_449], %swap3A_452 {strides = array<i32>} : memref<128xi32, #tpu.memory_space<vmem>>, vector<16xi32>,
        %shift_right_logical3A_453 = arith.constant 14 : i32
        %shift_right_logical3A_454 = vector.broadcast %shift_right_logical3A_453 : i32 to vector<16xi32>
        %shift_right_logical3A_455 = arith.shrui %get3A_445, %shift_right_logical3A_454 : vector<16xi32>
        %swap3A_456 = arith.constant 32 : index
        %swap3A_457 = tpu.vector_load %arg10[%swap3A_456] {strides = array<i32>} : memref<128xi32, #tpu.memory_space<vmem>>, vector<16xi32>,
        %swap3A_458 = vector.shape_cast %swap3A_457 : vector<16xi32> to vector<16xi32>
        %swap3A_459 = vector.shape_cast %shift_right_logical3A_455 : vector<16xi32> to vector<16xi32>
        tpu.vector_store %arg10[%swap3A_456], %swap3A_459 {strides = array<i32>} : memref<128xi32, #tpu.memory_space<vmem>>, vector<16xi32>,
        %mul3A_460 = arith.constant 128 : i32
        %mul3A_461 = arith.muli %add3A_396, %mul3A_460 : i32
        %add3A_462 = arith.constant 48 : i32
        %add3A_463 = arith.addi %mul3A_461, %add3A_462 : i32
        %get3A_464 = arith.index_cast %add3A_463 : i32 to index
        %get3A_465 = tpu.vector_load %arg6[%get3A_464] {strides = array<i32>} : memref<10240xi32, #tpu.memory_space<vmem>>, vector<16xi32>,
        %get3A_466 = vector.shape_cast %get3A_465 : vector<16xi32> to vector<16xi32>
        %and3A_467 = arith.constant 16383 : i32
        %and3A_468 = vector.broadcast %and3A_467 : i32 to vector<16xi32>
        %and3A_469 = arith.andi %get3A_466, %and3A_468 : vector<16xi32>
        %swap3A_470 = arith.constant 48 : index
        %swap3A_471 = tpu.vector_load %arg8[%swap3A_470] {strides = array<i32>} : memref<128xi32, #tpu.memory_space<vmem>>, vector<16xi32>,
        %swap3A_472 = vector.shape_cast %swap3A_471 : vector<16xi32> to vector<16xi32>
        %swap3A_473 = vector.shape_cast %and3A_469 : vector<16xi32> to vector<16xi32>
        tpu.vector_store %arg8[%swap3A_470], %swap3A_473 {strides = array<i32>} : memref<128xi32, #tpu.memory_space<vmem>>, vector<16xi32>,
        %shift_right_logical3A_474 = arith.constant 14 : i32
        %shift_right_logical3A_475 = vector.broadcast %shift_right_logical3A_474 : i32 to vector<16xi32>
        %shift_right_logical3A_476 = arith.shrui %get3A_466, %shift_right_logical3A_475 : vector<16xi32>
        %swap3A_477 = arith.constant 48 : index
        %swap3A_478 = tpu.vector_load %arg10[%swap3A_477] {strides = array<i32>} : memref<128xi32, #tpu.memory_space<vmem>>, vector<16xi32>,
        %swap3A_479 = vector.shape_cast %swap3A_478 : vector<16xi32> to vector<16xi32>
        %swap3A_480 = vector.shape_cast %shift_right_logical3A_476 : vector<16xi32> to vector<16xi32>
        tpu.vector_store %arg10[%swap3A_477], %swap3A_480 {strides = array<i32>} : memref<128xi32, #tpu.memory_space<vmem>>, vector<16xi32>,
        %mul3A_481 = arith.constant 128 : i32
        %mul3A_482 = arith.muli %add3A_396, %mul3A_481 : i32
        %add3A_483 = arith.constant 64 : i32
        %add3A_484 = arith.addi %mul3A_482, %add3A_483 : i32
        %get3A_485 = arith.index_cast %add3A_484 : i32 to index
        %get3A_486 = tpu.vector_load %arg6[%get3A_485] {strides = array<i32>} : memref<10240xi32, #tpu.memory_space<vmem>>, vector<16xi32>,
        %get3A_487 = vector.shape_cast %get3A_486 : vector<16xi32> to vector<16xi32>
        %and3A_488 = arith.constant 16383 : i32
        %and3A_489 = vector.broadcast %and3A_488 : i32 to vector<16xi32>
        %and3A_490 = arith.andi %get3A_487, %and3A_489 : vector<16xi32>
        %swap3A_491 = arith.constant 64 : index
        %swap3A_492 = tpu.vector_load %arg8[%swap3A_491] {strides = array<i32>} : memref<128xi32, #tpu.memory_space<vmem>>, vector<16xi32>,
        %swap3A_493 = vector.shape_cast %swap3A_492 : vector<16xi32> to vector<16xi32>
        %swap3A_494 = vector.shape_cast %and3A_490 : vector<16xi32> to vector<16xi32>
        tpu.vector_store %arg8[%swap3A_491], %swap3A_494 {strides = array<i32>} : memref<128xi32, #tpu.memory_space<vmem>>, vector<16xi32>,
        %shift_right_logical3A_495 = arith.constant 14 : i32
        %shift_right_logical3A_496 = vector.broadcast %shift_right_logical3A_495 : i32 to vector<16xi32>
        %shift_right_logical3A_497 = arith.shrui %get3A_487, %shift_right_logical3A_496 : vector<16xi32>
        %swap3A_498 = arith.constant 64 : index
        %swap3A_499 = tpu.vector_load %arg10[%swap3A_498] {strides = array<i32>} : memref<128xi32, #tpu.memory_space<vmem>>, vector<16xi32>,
        %swap3A_500 = vector.shape_cast %swap3A_499 : vector<16xi32> to vector<16xi32>
        %swap3A_501 = vector.shape_cast %shift_right_logical3A_497 : vector<16xi32> to vector<16xi32>
        tpu.vector_store %arg10[%swap3A_498], %swap3A_501 {strides = array<i32>} : memref<128xi32, #tpu.memory_space<vmem>>, vector<16xi32>,
        %mul3A_502 = arith.constant 128 : i32
        %mul3A_503 = arith.muli %add3A_396, %mul3A_502 : i32
        %add3A_504 = arith.constant 80 : i32
        %add3A_505 = arith.addi %mul3A_503, %add3A_504 : i32
        %get3A_506 = arith.index_cast %add3A_505 : i32 to index
        %get3A_507 = tpu.vector_load %arg6[%get3A_506] {strides = array<i32>} : memref<10240xi32, #tpu.memory_space<vmem>>, vector<16xi32>,
        %get3A_508 = vector.shape_cast %get3A_507 : vector<16xi32> to vector<16xi32>
        %and3A_509 = arith.constant 16383 : i32
        %and3A_510 = vector.broadcast %and3A_509 : i32 to vector<16xi32>
        %and3A_511 = arith.andi %get3A_508, %and3A_510 : vector<16xi32>
        %swap3A_512 = arith.constant 80 : index
        %swap3A_513 = tpu.vector_load %arg8[%swap3A_512] {strides = array<i32>} : memref<128xi32, #tpu.memory_space<vmem>>, vector<16xi32>,
        %swap3A_514 = vector.shape_cast %swap3A_513 : vector<16xi32> to vector<16xi32>
        %swap3A_515 = vector.shape_cast %and3A_511 : vector<16xi32> to vector<16xi32>
        tpu.vector_store %arg8[%swap3A_512], %swap3A_515 {strides = array<i32>} : memref<128xi32, #tpu.memory_space<vmem>>, vector<16xi32>,
        %shift_right_logical3A_516 = arith.constant 14 : i32
        %shift_right_logical3A_517 = vector.broadcast %shift_right_logical3A_516 : i32 to vector<16xi32>
        %shift_right_logical3A_518 = arith.shrui %get3A_508, %shift_right_logical3A_517 : vector<16xi32>
        %swap3A_519 = arith.constant 80 : index
        %swap3A_520 = tpu.vector_load %arg10[%swap3A_519] {strides = array<i32>} : memref<128xi32, #tpu.memory_space<vmem>>, vector<16xi32>,
        %swap3A_521 = vector.shape_cast %swap3A_520 : vector<16xi32> to vector<16xi32>
        %swap3A_522 = vector.shape_cast %shift_right_logical3A_518 : vector<16xi32> to vector<16xi32>
        tpu.vector_store %arg10[%swap3A_519], %swap3A_522 {strides = array<i32>} : memref<128xi32, #tpu.memory_space<vmem>>, vector<16xi32>,
        %mul3A_523 = arith.constant 128 : i32
        %mul3A_524 = arith.muli %add3A_396, %mul3A_523 : i32
        %add3A_525 = arith.constant 96 : i32
        %add3A_526 = arith.addi %mul3A_524, %add3A_525 : i32
        %get3A_527 = arith.index_cast %add3A_526 : i32 to index
        %get3A_528 = tpu.vector_load %arg6[%get3A_527] {strides = array<i32>} : memref<10240xi32, #tpu.memory_space<vmem>>, vector<16xi32>,
        %get3A_529 = vector.shape_cast %get3A_528 : vector<16xi32> to vector<16xi32>
        %and3A_530 = arith.constant 16383 : i32
        %and3A_531 = vector.broadcast %and3A_530 : i32 to vector<16xi32>
        %and3A_532 = arith.andi %get3A_529, %and3A_531 : vector<16xi32>
        %swap3A_533 = arith.constant 96 : index
        %swap3A_534 = tpu.vector_load %arg8[%swap3A_533] {strides = array<i32>} : memref<128xi32, #tpu.memory_space<vmem>>, vector<16xi32>,
        %swap3A_535 = vector.shape_cast %swap3A_534 : vector<16xi32> to vector<16xi32>
        %swap3A_536 = vector.shape_cast %and3A_532 : vector<16xi32> to vector<16xi32>
        tpu.vector_store %arg8[%swap3A_533], %swap3A_536 {strides = array<i32>} : memref<128xi32, #tpu.memory_space<vmem>>, vector<16xi32>,
        %shift_right_logical3A_537 = arith.constant 14 : i32
        %shift_right_logical3A_538 = vector.broadcast %shift_right_logical3A_537 : i32 to vector<16xi32>
        %shift_right_logical3A_539 = arith.shrui %get3A_529, %shift_right_logical3A_538 : vector<16xi32>
        %swap3A_540 = arith.constant 96 : index
        %swap3A_541 = tpu.vector_load %arg10[%swap3A_540] {strides = array<i32>} : memref<128xi32, #tpu.memory_space<vmem>>, vector<16xi32>,
        %swap3A_542 = vector.shape_cast %swap3A_541 : vector<16xi32> to vector<16xi32>
        %swap3A_543 = vector.shape_cast %shift_right_logical3A_539 : vector<16xi32> to vector<16xi32>
        tpu.vector_store %arg10[%swap3A_540], %swap3A_543 {strides = array<i32>} : memref<128xi32, #tpu.memory_space<vmem>>, vector<16xi32>,
        %mul3A_544 = arith.constant 128 : i32
        %mul3A_545 = arith.muli %add3A_396, %mul3A_544 : i32
        %add3A_546 = arith.constant 112 : i32
        %add3A_547 = arith.addi %mul3A_545, %add3A_546 : i32
        %get3A_548 = arith.index_cast %add3A_547 : i32 to index
        %get3A_549 = tpu.vector_load %arg6[%get3A_548] {strides = array<i32>} : memref<10240xi32, #tpu.memory_space<vmem>>, vector<16xi32>,
        %get3A_550 = vector.shape_cast %get3A_549 : vector<16xi32> to vector<16xi32>
        %and3A_551 = arith.constant 16383 : i32
        %and3A_552 = vector.broadcast %and3A_551 : i32 to vector<16xi32>
        %and3A_553 = arith.andi %get3A_550, %and3A_552 : vector<16xi32>
        %swap3A_554 = arith.constant 112 : index
        %swap3A_555 = tpu.vector_load %arg8[%swap3A_554] {strides = array<i32>} : memref<128xi32, #tpu.memory_space<vmem>>, vector<16xi32>,
        %swap3A_556 = vector.shape_cast %swap3A_555 : vector<16xi32> to vector<16xi32>
        %swap3A_557 = vector.shape_cast %and3A_553 : vector<16xi32> to vector<16xi32>
        tpu.vector_store %arg8[%swap3A_554], %swap3A_557 {strides = array<i32>} : memref<128xi32, #tpu.memory_space<vmem>>, vector<16xi32>,
        %shift_right_logical3A_558 = arith.constant 14 : i32
        %shift_right_logical3A_559 = vector.broadcast %shift_right_logical3A_558 : i32 to vector<16xi32>
        %shift_right_logical3A_560 = arith.shrui %get3A_550, %shift_right_logical3A_559 : vector<16xi32>
        %swap3A_561 = arith.constant 112 : index
        %swap3A_562 = tpu.vector_load %arg10[%swap3A_561] {strides = array<i32>} : memref<128xi32, #tpu.memory_space<vmem>>, vector<16xi32>,
        %swap3A_563 = vector.shape_cast %swap3A_562 : vector<16xi32> to vector<16xi32>
        %swap3A_564 = vector.shape_cast %shift_right_logical3A_560 : vector<16xi32> to vector<16xi32>
        tpu.vector_store %arg10[%swap3A_561], %swap3A_564 {strides = array<i32>} : memref<128xi32, #tpu.memory_space<vmem>>, vector<16xi32>,
        %dma_start3A_565 = arith.constant 0 : i32
        %dma_start3A_566 = arith.constant 0 : i32
        %dma_start3A_567 = tpu.memref_slice %arg2[%dma_start3A_565, %dma_start3A_566] : memref<10000x128xf32, #tpu.memory_space<hbm>> -> memref<10000x128xf32, #tpu.memory_space<hbm>>
        tpu.enqueue_indirect_dma source(%dma_start3A_567 : memref<10000x128xf32, #tpu.memory_space<hbm>>) target(%arg12 : memref<128x128xf32, #tpu.memory_space<vmem>>) offsets(%arg8 : memref<128xi32, #tpu.memory_space<vmem>>) semaphore(%arg15 : memref<!tpu.dma_semaphore, #tpu.memory_space<semaphore_mem>>)
      } else {
      }
    }
    %while3A_334 = arith.constant 1 : i32
    scf.for %while3A_371 = %while3A_332 to %while3A_328 step %while3A_334  : i32 {
      %mul3A_372 = arith.constant 2 : i32
      %mul3A_373 = arith.muli %while3A_371, %mul3A_372 : i32
      %add3A_374 = arith.constant 0 : i32
      %add3A_375 = arith.addi %mul3A_373, %add3A_374 : i32
      %dma_wait3A = arith.constant 0 : i32
      %dma_wait3A_376 = arith.constant 0 : i32
      %dma_wait3A_377 = tpu.memref_slice %arg2[%dma_wait3A, %dma_wait3A_376] : memref<10000x128xf32, #tpu.memory_space<hbm>> -> memref<10000x128xf32, #tpu.memory_space<hbm>>
      tpu.wait_indirect_dma semaphore(%arg14 : memref<!tpu.dma_semaphore, #tpu.memory_space<semaphore_mem>>) src(%dma_wait3A_377 : memref<10000x128xf32, #tpu.memory_space<hbm>>) dst(%arg11 : memref<128x128xf32, #tpu.memory_space<vmem>>)
      "tpu.region"() ({
        %run_scoped3A = tpu.sem_alloc : memref<!tpu.dma_semaphore, #tpu.memory_space<semaphore_mem>>
        %dma_start3A_395 = arith.constant 0 : i32
        %dma_start3A_396 = arith.constant 0 : i32
        %dma_start3A_397 = tpu.memref_slice %arg13[%dma_start3A_395, %dma_start3A_396] : memref<10240x128xf32, #tpu.memory_space<vmem_shared>> -> memref<10240x128xf32, #tpu.memory_space<vmem_shared>>
        tpu.enqueue_indirect_dma source(%arg11 : memref<128x128xf32, #tpu.memory_space<vmem>>) target(%dma_start3A_397 : memref<10240x128xf32, #tpu.memory_space<vmem_shared>>) offsets(%arg9 : memref<128xi32, #tpu.memory_space<vmem>>) semaphore(%run_scoped3A : memref<!tpu.dma_semaphore, #tpu.memory_space<semaphore_mem>>) {add = true}
        %dma_wait3A_398 = arith.constant 0 : i32
        %dma_wait3A_399 = arith.constant 0 : i32
        %dma_wait3A_400 = tpu.memref_slice %arg13[%dma_wait3A_398, %dma_wait3A_399] : memref<10240x128xf32, #tpu.memory_space<vmem_shared>> -> memref<10240x128xf32, #tpu.memory_space<vmem_shared>>
        tpu.wait_indirect_dma semaphore(%run_scoped3A : memref<!tpu.dma_semaphore, #tpu.memory_space<semaphore_mem>>) src(%arg11 : memref<128x128xf32, #tpu.memory_space<vmem>>) dst(%dma_wait3A_400 : memref<10240x128xf32, #tpu.memory_space<vmem_shared>>)
        tpu.yield
      }) : () -> ()
      %add3A_378 = arith.constant 2 : i32
      %add3A_379 = arith.addi %add3A_375, %add3A_378 : i32
      %lt3A_380 = arith.cmpi slt, %add3A_379, %select_n3A : i32
      %convert_element_type3A_381 = arith.extui %lt3A_380 : i1 to i32
      %cond3A_382 = arith.constant 0 : i32
      %cond3A_383 = arith.cmpi ne, %convert_element_type3A_381, %cond3A_382 : i32
      scf.if %cond3A_383 {
        %add3A_395 = arith.constant 2 : i32
        %add3A_396 = arith.addi %add3A_375, %add3A_395 : i32
        %mul3A_397 = arith.constant 128 : i32
        %mul3A_398 = arith.muli %add3A_396, %mul3A_397 : i32
        %add3A_399 = arith.constant 0 : i32
        %add3A_400 = arith.addi %mul3A_398, %add3A_399 : i32
        %get3A_401 = arith.index_cast %add3A_400 : i32 to index
        %get3A_402 = tpu.vector_load %arg6[%get3A_401] {strides = array<i32>} : memref<10240xi32, #tpu.memory_space<vmem>>, vector<16xi32>,
        %get3A_403 = vector.shape_cast %get3A_402 : vector<16xi32> to vector<16xi32>
        %and3A_404 = arith.constant 16383 : i32
        %and3A_405 = vector.broadcast %and3A_404 : i32 to vector<16xi32>
        %and3A_406 = arith.andi %get3A_403, %and3A_405 : vector<16xi32>
        %swap3A_407 = arith.constant 0 : index
        %swap3A_408 = tpu.vector_load %arg7[%swap3A_407] {strides = array<i32>} : memref<128xi32, #tpu.memory_space<vmem>>, vector<16xi32>,
        %swap3A_409 = vector.shape_cast %swap3A_408 : vector<16xi32> to vector<16xi32>
        %swap3A_410 = vector.shape_cast %and3A_406 : vector<16xi32> to vector<16xi32>
        tpu.vector_store %arg7[%swap3A_407], %swap3A_410 {strides = array<i32>} : memref<128xi32, #tpu.memory_space<vmem>>, vector<16xi32>,
        %shift_right_logical3A_411 = arith.constant 14 : i32
        %shift_right_logical3A_412 = vector.broadcast %shift_right_logical3A_411 : i32 to vector<16xi32>
        %shift_right_logical3A_413 = arith.shrui %get3A_403, %shift_right_logical3A_412 : vector<16xi32>
        %swap3A_414 = arith.constant 0 : index
        %swap3A_415 = tpu.vector_load %arg9[%swap3A_414] {strides = array<i32>} : memref<128xi32, #tpu.memory_space<vmem>>, vector<16xi32>,
        %swap3A_416 = vector.shape_cast %swap3A_415 : vector<16xi32> to vector<16xi32>
        %swap3A_417 = vector.shape_cast %shift_right_logical3A_413 : vector<16xi32> to vector<16xi32>
        tpu.vector_store %arg9[%swap3A_414], %swap3A_417 {strides = array<i32>} : memref<128xi32, #tpu.memory_space<vmem>>, vector<16xi32>,
        %mul3A_418 = arith.constant 128 : i32
        %mul3A_419 = arith.muli %add3A_396, %mul3A_418 : i32
        %add3A_420 = arith.constant 16 : i32
        %add3A_421 = arith.addi %mul3A_419, %add3A_420 : i32
        %get3A_422 = arith.index_cast %add3A_421 : i32 to index
        %get3A_423 = tpu.vector_load %arg6[%get3A_422] {strides = array<i32>} : memref<10240xi32, #tpu.memory_space<vmem>>, vector<16xi32>,
        %get3A_424 = vector.shape_cast %get3A_423 : vector<16xi32> to vector<16xi32>
        %and3A_425 = arith.constant 16383 : i32
        %and3A_426 = vector.broadcast %and3A_425 : i32 to vector<16xi32>
        %and3A_427 = arith.andi %get3A_424, %and3A_426 : vector<16xi32>
        %swap3A_428 = arith.constant 16 : index
        %swap3A_429 = tpu.vector_load %arg7[%swap3A_428] {strides = array<i32>} : memref<128xi32, #tpu.memory_space<vmem>>, vector<16xi32>,
        %swap3A_430 = vector.shape_cast %swap3A_429 : vector<16xi32> to vector<16xi32>
        %swap3A_431 = vector.shape_cast %and3A_427 : vector<16xi32> to vector<16xi32>
        tpu.vector_store %arg7[%swap3A_428], %swap3A_431 {strides = array<i32>} : memref<128xi32, #tpu.memory_space<vmem>>, vector<16xi32>,
        %shift_right_logical3A_432 = arith.constant 14 : i32
        %shift_right_logical3A_433 = vector.broadcast %shift_right_logical3A_432 : i32 to vector<16xi32>
        %shift_right_logical3A_434 = arith.shrui %get3A_424, %shift_right_logical3A_433 : vector<16xi32>
        %swap3A_435 = arith.constant 16 : index
        %swap3A_436 = tpu.vector_load %arg9[%swap3A_435] {strides = array<i32>} : memref<128xi32, #tpu.memory_space<vmem>>, vector<16xi32>,
        %swap3A_437 = vector.shape_cast %swap3A_436 : vector<16xi32> to vector<16xi32>
        %swap3A_438 = vector.shape_cast %shift_right_logical3A_434 : vector<16xi32> to vector<16xi32>
        tpu.vector_store %arg9[%swap3A_435], %swap3A_438 {strides = array<i32>} : memref<128xi32, #tpu.memory_space<vmem>>, vector<16xi32>,
        %mul3A_439 = arith.constant 128 : i32
        %mul3A_440 = arith.muli %add3A_396, %mul3A_439 : i32
        %add3A_441 = arith.constant 32 : i32
        %add3A_442 = arith.addi %mul3A_440, %add3A_441 : i32
        %get3A_443 = arith.index_cast %add3A_442 : i32 to index
        %get3A_444 = tpu.vector_load %arg6[%get3A_443] {strides = array<i32>} : memref<10240xi32, #tpu.memory_space<vmem>>, vector<16xi32>,
        %get3A_445 = vector.shape_cast %get3A_444 : vector<16xi32> to vector<16xi32>
        %and3A_446 = arith.constant 16383 : i32
        %and3A_447 = vector.broadcast %and3A_446 : i32 to vector<16xi32>
        %and3A_448 = arith.andi %get3A_445, %and3A_447 : vector<16xi32>
        %swap3A_449 = arith.constant 32 : index
        %swap3A_450 = tpu.vector_load %arg7[%swap3A_449] {strides = array<i32>} : memref<128xi32, #tpu.memory_space<vmem>>, vector<16xi32>,
        %swap3A_451 = vector.shape_cast %swap3A_450 : vector<16xi32> to vector<16xi32>
        %swap3A_452 = vector.shape_cast %and3A_448 : vector<16xi32> to vector<16xi32>
        tpu.vector_store %arg7[%swap3A_449], %swap3A_452 {strides = array<i32>} : memref<128xi32, #tpu.memory_space<vmem>>, vector<16xi32>,
        %shift_right_logical3A_453 = arith.constant 14 : i32
        %shift_right_logical3A_454 = vector.broadcast %shift_right_logical3A_453 : i32 to vector<16xi32>
        %shift_right_logical3A_455 = arith.shrui %get3A_445, %shift_right_logical3A_454 : vector<16xi32>
        %swap3A_456 = arith.constant 32 : index
        %swap3A_457 = tpu.vector_load %arg9[%swap3A_456] {strides = array<i32>} : memref<128xi32, #tpu.memory_space<vmem>>, vector<16xi32>,
        %swap3A_458 = vector.shape_cast %swap3A_457 : vector<16xi32> to vector<16xi32>
        %swap3A_459 = vector.shape_cast %shift_right_logical3A_455 : vector<16xi32> to vector<16xi32>
        tpu.vector_store %arg9[%swap3A_456], %swap3A_459 {strides = array<i32>} : memref<128xi32, #tpu.memory_space<vmem>>, vector<16xi32>,
        %mul3A_460 = arith.constant 128 : i32
        %mul3A_461 = arith.muli %add3A_396, %mul3A_460 : i32
        %add3A_462 = arith.constant 48 : i32
        %add3A_463 = arith.addi %mul3A_461, %add3A_462 : i32
        %get3A_464 = arith.index_cast %add3A_463 : i32 to index
        %get3A_465 = tpu.vector_load %arg6[%get3A_464] {strides = array<i32>} : memref<10240xi32, #tpu.memory_space<vmem>>, vector<16xi32>,
        %get3A_466 = vector.shape_cast %get3A_465 : vector<16xi32> to vector<16xi32>
        %and3A_467 = arith.constant 16383 : i32
        %and3A_468 = vector.broadcast %and3A_467 : i32 to vector<16xi32>
        %and3A_469 = arith.andi %get3A_466, %and3A_468 : vector<16xi32>
        %swap3A_470 = arith.constant 48 : index
        %swap3A_471 = tpu.vector_load %arg7[%swap3A_470] {strides = array<i32>} : memref<128xi32, #tpu.memory_space<vmem>>, vector<16xi32>,
        %swap3A_472 = vector.shape_cast %swap3A_471 : vector<16xi32> to vector<16xi32>
        %swap3A_473 = vector.shape_cast %and3A_469 : vector<16xi32> to vector<16xi32>
        tpu.vector_store %arg7[%swap3A_470], %swap3A_473 {strides = array<i32>} : memref<128xi32, #tpu.memory_space<vmem>>, vector<16xi32>,
        %shift_right_logical3A_474 = arith.constant 14 : i32
        %shift_right_logical3A_475 = vector.broadcast %shift_right_logical3A_474 : i32 to vector<16xi32>
        %shift_right_logical3A_476 = arith.shrui %get3A_466, %shift_right_logical3A_475 : vector<16xi32>
        %swap3A_477 = arith.constant 48 : index
        %swap3A_478 = tpu.vector_load %arg9[%swap3A_477] {strides = array<i32>} : memref<128xi32, #tpu.memory_space<vmem>>, vector<16xi32>,
        %swap3A_479 = vector.shape_cast %swap3A_478 : vector<16xi32> to vector<16xi32>
        %swap3A_480 = vector.shape_cast %shift_right_logical3A_476 : vector<16xi32> to vector<16xi32>
        tpu.vector_store %arg9[%swap3A_477], %swap3A_480 {strides = array<i32>} : memref<128xi32, #tpu.memory_space<vmem>>, vector<16xi32>,
        %mul3A_481 = arith.constant 128 : i32
        %mul3A_482 = arith.muli %add3A_396, %mul3A_481 : i32
        %add3A_483 = arith.constant 64 : i32
        %add3A_484 = arith.addi %mul3A_482, %add3A_483 : i32
        %get3A_485 = arith.index_cast %add3A_484 : i32 to index
        %get3A_486 = tpu.vector_load %arg6[%get3A_485] {strides = array<i32>} : memref<10240xi32, #tpu.memory_space<vmem>>, vector<16xi32>,
        %get3A_487 = vector.shape_cast %get3A_486 : vector<16xi32> to vector<16xi32>
        %and3A_488 = arith.constant 16383 : i32
        %and3A_489 = vector.broadcast %and3A_488 : i32 to vector<16xi32>
        %and3A_490 = arith.andi %get3A_487, %and3A_489 : vector<16xi32>
        %swap3A_491 = arith.constant 64 : index
        %swap3A_492 = tpu.vector_load %arg7[%swap3A_491] {strides = array<i32>} : memref<128xi32, #tpu.memory_space<vmem>>, vector<16xi32>,
        %swap3A_493 = vector.shape_cast %swap3A_492 : vector<16xi32> to vector<16xi32>
        %swap3A_494 = vector.shape_cast %and3A_490 : vector<16xi32> to vector<16xi32>
        tpu.vector_store %arg7[%swap3A_491], %swap3A_494 {strides = array<i32>} : memref<128xi32, #tpu.memory_space<vmem>>, vector<16xi32>,
        %shift_right_logical3A_495 = arith.constant 14 : i32
        %shift_right_logical3A_496 = vector.broadcast %shift_right_logical3A_495 : i32 to vector<16xi32>
        %shift_right_logical3A_497 = arith.shrui %get3A_487, %shift_right_logical3A_496 : vector<16xi32>
        %swap3A_498 = arith.constant 64 : index
        %swap3A_499 = tpu.vector_load %arg9[%swap3A_498] {strides = array<i32>} : memref<128xi32, #tpu.memory_space<vmem>>, vector<16xi32>,
        %swap3A_500 = vector.shape_cast %swap3A_499 : vector<16xi32> to vector<16xi32>
        %swap3A_501 = vector.shape_cast %shift_right_logical3A_497 : vector<16xi32> to vector<16xi32>
        tpu.vector_store %arg9[%swap3A_498], %swap3A_501 {strides = array<i32>} : memref<128xi32, #tpu.memory_space<vmem>>, vector<16xi32>,
        %mul3A_502 = arith.constant 128 : i32
        %mul3A_503 = arith.muli %add3A_396, %mul3A_502 : i32
        %add3A_504 = arith.constant 80 : i32
        %add3A_505 = arith.addi %mul3A_503, %add3A_504 : i32
        %get3A_506 = arith.index_cast %add3A_505 : i32 to index
        %get3A_507 = tpu.vector_load %arg6[%get3A_506] {strides = array<i32>} : memref<10240xi32, #tpu.memory_space<vmem>>, vector<16xi32>,
        %get3A_508 = vector.shape_cast %get3A_507 : vector<16xi32> to vector<16xi32>
        %and3A_509 = arith.constant 16383 : i32
        %and3A_510 = vector.broadcast %and3A_509 : i32 to vector<16xi32>
        %and3A_511 = arith.andi %get3A_508, %and3A_510 : vector<16xi32>
        %swap3A_512 = arith.constant 80 : index
        %swap3A_513 = tpu.vector_load %arg7[%swap3A_512] {strides = array<i32>} : memref<128xi32, #tpu.memory_space<vmem>>, vector<16xi32>,
        %swap3A_514 = vector.shape_cast %swap3A_513 : vector<16xi32> to vector<16xi32>
        %swap3A_515 = vector.shape_cast %and3A_511 : vector<16xi32> to vector<16xi32>
        tpu.vector_store %arg7[%swap3A_512], %swap3A_515 {strides = array<i32>} : memref<128xi32, #tpu.memory_space<vmem>>, vector<16xi32>,
        %shift_right_logical3A_516 = arith.constant 14 : i32
        %shift_right_logical3A_517 = vector.broadcast %shift_right_logical3A_516 : i32 to vector<16xi32>
        %shift_right_logical3A_518 = arith.shrui %get3A_508, %shift_right_logical3A_517 : vector<16xi32>
        %swap3A_519 = arith.constant 80 : index
        %swap3A_520 = tpu.vector_load %arg9[%swap3A_519] {strides = array<i32>} : memref<128xi32, #tpu.memory_space<vmem>>, vector<16xi32>,
        %swap3A_521 = vector.shape_cast %swap3A_520 : vector<16xi32> to vector<16xi32>
        %swap3A_522 = vector.shape_cast %shift_right_logical3A_518 : vector<16xi32> to vector<16xi32>
        tpu.vector_store %arg9[%swap3A_519], %swap3A_522 {strides = array<i32>} : memref<128xi32, #tpu.memory_space<vmem>>, vector<16xi32>,
        %mul3A_523 = arith.constant 128 : i32
        %mul3A_524 = arith.muli %add3A_396, %mul3A_523 : i32
        %add3A_525 = arith.constant 96 : i32
        %add3A_526 = arith.addi %mul3A_524, %add3A_525 : i32
        %get3A_527 = arith.index_cast %add3A_526 : i32 to index
        %get3A_528 = tpu.vector_load %arg6[%get3A_527] {strides = array<i32>} : memref<10240xi32, #tpu.memory_space<vmem>>, vector<16xi32>,
        %get3A_529 = vector.shape_cast %get3A_528 : vector<16xi32> to vector<16xi32>
        %and3A_530 = arith.constant 16383 : i32
        %and3A_531 = vector.broadcast %and3A_530 : i32 to vector<16xi32>
        %and3A_532 = arith.andi %get3A_529, %and3A_531 : vector<16xi32>
        %swap3A_533 = arith.constant 96 : index
        %swap3A_534 = tpu.vector_load %arg7[%swap3A_533] {strides = array<i32>} : memref<128xi32, #tpu.memory_space<vmem>>, vector<16xi32>,
        %swap3A_535 = vector.shape_cast %swap3A_534 : vector<16xi32> to vector<16xi32>
        %swap3A_536 = vector.shape_cast %and3A_532 : vector<16xi32> to vector<16xi32>
        tpu.vector_store %arg7[%swap3A_533], %swap3A_536 {strides = array<i32>} : memref<128xi32, #tpu.memory_space<vmem>>, vector<16xi32>,
        %shift_right_logical3A_537 = arith.constant 14 : i32
        %shift_right_logical3A_538 = vector.broadcast %shift_right_logical3A_537 : i32 to vector<16xi32>
        %shift_right_logical3A_539 = arith.shrui %get3A_529, %shift_right_logical3A_538 : vector<16xi32>
        %swap3A_540 = arith.constant 96 : index
        %swap3A_541 = tpu.vector_load %arg9[%swap3A_540] {strides = array<i32>} : memref<128xi32, #tpu.memory_space<vmem>>, vector<16xi32>,
        %swap3A_542 = vector.shape_cast %swap3A_541 : vector<16xi32> to vector<16xi32>
        %swap3A_543 = vector.shape_cast %shift_right_logical3A_539 : vector<16xi32> to vector<16xi32>
        tpu.vector_store %arg9[%swap3A_540], %swap3A_543 {strides = array<i32>} : memref<128xi32, #tpu.memory_space<vmem>>, vector<16xi32>,
        %mul3A_544 = arith.constant 128 : i32
        %mul3A_545 = arith.muli %add3A_396, %mul3A_544 : i32
        %add3A_546 = arith.constant 112 : i32
        %add3A_547 = arith.addi %mul3A_545, %add3A_546 : i32
        %get3A_548 = arith.index_cast %add3A_547 : i32 to index
        %get3A_549 = tpu.vector_load %arg6[%get3A_548] {strides = array<i32>} : memref<10240xi32, #tpu.memory_space<vmem>>, vector<16xi32>,
        %get3A_550 = vector.shape_cast %get3A_549 : vector<16xi32> to vector<16xi32>
        %and3A_551 = arith.constant 16383 : i32
        %and3A_552 = vector.broadcast %and3A_551 : i32 to vector<16xi32>
        %and3A_553 = arith.andi %get3A_550, %and3A_552 : vector<16xi32>
        %swap3A_554 = arith.constant 112 : index
        %swap3A_555 = tpu.vector_load %arg7[%swap3A_554] {strides = array<i32>} : memref<128xi32, #tpu.memory_space<vmem>>, vector<16xi32>,
        %swap3A_556 = vector.shape_cast %swap3A_555 : vector<16xi32> to vector<16xi32>
        %swap3A_557 = vector.shape_cast %and3A_553 : vector<16xi32> to vector<16xi32>
        tpu.vector_store %arg7[%swap3A_554], %swap3A_557 {strides = array<i32>} : memref<128xi32, #tpu.memory_space<vmem>>, vector<16xi32>,
        %shift_right_logical3A_558 = arith.constant 14 : i32
        %shift_right_logical3A_559 = vector.broadcast %shift_right_logical3A_558 : i32 to vector<16xi32>
        %shift_right_logical3A_560 = arith.shrui %get3A_550, %shift_right_logical3A_559 : vector<16xi32>
        %swap3A_561 = arith.constant 112 : index
        %swap3A_562 = tpu.vector_load %arg9[%swap3A_561] {strides = array<i32>} : memref<128xi32, #tpu.memory_space<vmem>>, vector<16xi32>,
        %swap3A_563 = vector.shape_cast %swap3A_562 : vector<16xi32> to vector<16xi32>
        %swap3A_564 = vector.shape_cast %shift_right_logical3A_560 : vector<16xi32> to vector<16xi32>
        tpu.vector_store %arg9[%swap3A_561], %swap3A_564 {strides = array<i32>} : memref<128xi32, #tpu.memory_space<vmem>>, vector<16xi32>,
        %dma_start3A_565 = arith.constant 0 : i32
        %dma_start3A_566 = arith.constant 0 : i32
        %dma_start3A_567 = tpu.memref_slice %arg2[%dma_start3A_565, %dma_start3A_566] : memref<10000x128xf32, #tpu.memory_space<hbm>> -> memref<10000x128xf32, #tpu.memory_space<hbm>>
        tpu.enqueue_indirect_dma source(%dma_start3A_567 : memref<10000x128xf32, #tpu.memory_space<hbm>>) target(%arg11 : memref<128x128xf32, #tpu.memory_space<vmem>>) offsets(%arg7 : memref<128xi32, #tpu.memory_space<vmem>>) semaphore(%arg14 : memref<!tpu.dma_semaphore, #tpu.memory_space<semaphore_mem>>)
      } else {
      }
      %add3A_384 = arith.constant 1 : i32
      %add3A_385 = arith.addi %mul3A_373, %add3A_384 : i32
      %dma_wait3A_386 = arith.constant 0 : i32
      %dma_wait3A_387 = arith.constant 0 : i32
      %dma_wait3A_388 = tpu.memref_slice %arg2[%dma_wait3A_386, %dma_wait3A_387] : memref<10000x128xf32, #tpu.memory_space<hbm>> -> memref<10000x128xf32, #tpu.memory_space<hbm>>
      tpu.wait_indirect_dma semaphore(%arg15 : memref<!tpu.dma_semaphore, #tpu.memory_space<semaphore_mem>>) src(%dma_wait3A_388 : memref<10000x128xf32, #tpu.memory_space<hbm>>) dst(%arg12 : memref<128x128xf32, #tpu.memory_space<vmem>>)
      "tpu.region"() ({
        %run_scoped3A = tpu.sem_alloc : memref<!tpu.dma_semaphore, #tpu.memory_space<semaphore_mem>>
        %dma_start3A_395 = arith.constant 0 : i32
        %dma_start3A_396 = arith.constant 0 : i32
        %dma_start3A_397 = tpu.memref_slice %arg13[%dma_start3A_395, %dma_start3A_396] : memref<10240x128xf32, #tpu.memory_space<vmem_shared>> -> memref<10240x128xf32, #tpu.memory_space<vmem_shared>>
        tpu.enqueue_indirect_dma source(%arg12 : memref<128x128xf32, #tpu.memory_space<vmem>>) target(%dma_start3A_397 : memref<10240x128xf32, #tpu.memory_space<vmem_shared>>) offsets(%arg10 : memref<128xi32, #tpu.memory_space<vmem>>) semaphore(%run_scoped3A : memref<!tpu.dma_semaphore, #tpu.memory_space<semaphore_mem>>) {add = true}
        %dma_wait3A_398 = arith.constant 0 : i32
        %dma_wait3A_399 = arith.constant 0 : i32
        %dma_wait3A_400 = tpu.memref_slice %arg13[%dma_wait3A_398, %dma_wait3A_399] : memref<10240x128xf32, #tpu.memory_space<vmem_shared>> -> memref<10240x128xf32, #tpu.memory_space<vmem_shared>>
        tpu.wait_indirect_dma semaphore(%run_scoped3A : memref<!tpu.dma_semaphore, #tpu.memory_space<semaphore_mem>>) src(%arg12 : memref<128x128xf32, #tpu.memory_space<vmem>>) dst(%dma_wait3A_400 : memref<10240x128xf32, #tpu.memory_space<vmem_shared>>)
        tpu.yield
      }) : () -> ()
      %add3A_389 = arith.constant 2 : i32
      %add3A_390 = arith.addi %add3A_385, %add3A_389 : i32
      %lt3A_391 = arith.cmpi slt, %add3A_390, %select_n3A : i32
      %convert_element_type3A_392 = arith.extui %lt3A_391 : i1 to i32
      %cond3A_393 = arith.constant 0 : i32
      %cond3A_394 = arith.cmpi ne, %convert_element_type3A_392, %cond3A_393 : i32
      scf.if %cond3A_394 {
        %add3A_395 = arith.constant 2 : i32
        %add3A_396 = arith.addi %add3A_385, %add3A_395 : i32
        %mul3A_397 = arith.constant 128 : i32
        %mul3A_398 = arith.muli %add3A_396, %mul3A_397 : i32
        %add3A_399 = arith.constant 0 : i32
        %add3A_400 = arith.addi %mul3A_398, %add3A_399 : i32
        %get3A_401 = arith.index_cast %add3A_400 : i32 to index
        %get3A_402 = tpu.vector_load %arg6[%get3A_401] {strides = array<i32>} : memref<10240xi32, #tpu.memory_space<vmem>>, vector<16xi32>,
        %get3A_403 = vector.shape_cast %get3A_402 : vector<16xi32> to vector<16xi32>
        %and3A_404 = arith.constant 16383 : i32
        %and3A_405 = vector.broadcast %and3A_404 : i32 to vector<16xi32>
        %and3A_406 = arith.andi %get3A_403, %and3A_405 : vector<16xi32>
        %swap3A_407 = arith.constant 0 : index
        %swap3A_408 = tpu.vector_load %arg8[%swap3A_407] {strides = array<i32>} : memref<128xi32, #tpu.memory_space<vmem>>, vector<16xi32>,
        %swap3A_409 = vector.shape_cast %swap3A_408 : vector<16xi32> to vector<16xi32>
        %swap3A_410 = vector.shape_cast %and3A_406 : vector<16xi32> to vector<16xi32>
        tpu.vector_store %arg8[%swap3A_407], %swap3A_410 {strides = array<i32>} : memref<128xi32, #tpu.memory_space<vmem>>, vector<16xi32>,
        %shift_right_logical3A_411 = arith.constant 14 : i32
        %shift_right_logical3A_412 = vector.broadcast %shift_right_logical3A_411 : i32 to vector<16xi32>
        %shift_right_logical3A_413 = arith.shrui %get3A_403, %shift_right_logical3A_412 : vector<16xi32>
        %swap3A_414 = arith.constant 0 : index
        %swap3A_415 = tpu.vector_load %arg10[%swap3A_414] {strides = array<i32>} : memref<128xi32, #tpu.memory_space<vmem>>, vector<16xi32>,
        %swap3A_416 = vector.shape_cast %swap3A_415 : vector<16xi32> to vector<16xi32>
        %swap3A_417 = vector.shape_cast %shift_right_logical3A_413 : vector<16xi32> to vector<16xi32>
        tpu.vector_store %arg10[%swap3A_414], %swap3A_417 {strides = array<i32>} : memref<128xi32, #tpu.memory_space<vmem>>, vector<16xi32>,
        %mul3A_418 = arith.constant 128 : i32
        %mul3A_419 = arith.muli %add3A_396, %mul3A_418 : i32
        %add3A_420 = arith.constant 16 : i32
        %add3A_421 = arith.addi %mul3A_419, %add3A_420 : i32
        %get3A_422 = arith.index_cast %add3A_421 : i32 to index
        %get3A_423 = tpu.vector_load %arg6[%get3A_422] {strides = array<i32>} : memref<10240xi32, #tpu.memory_space<vmem>>, vector<16xi32>,
        %get3A_424 = vector.shape_cast %get3A_423 : vector<16xi32> to vector<16xi32>
        %and3A_425 = arith.constant 16383 : i32
        %and3A_426 = vector.broadcast %and3A_425 : i32 to vector<16xi32>
        %and3A_427 = arith.andi %get3A_424, %and3A_426 : vector<16xi32>
        %swap3A_428 = arith.constant 16 : index
        %swap3A_429 = tpu.vector_load %arg8[%swap3A_428] {strides = array<i32>} : memref<128xi32, #tpu.memory_space<vmem>>, vector<16xi32>,
        %swap3A_430 = vector.shape_cast %swap3A_429 : vector<16xi32> to vector<16xi32>
        %swap3A_431 = vector.shape_cast %and3A_427 : vector<16xi32> to vector<16xi32>
        tpu.vector_store %arg8[%swap3A_428], %swap3A_431 {strides = array<i32>} : memref<128xi32, #tpu.memory_space<vmem>>, vector<16xi32>,
        %shift_right_logical3A_432 = arith.constant 14 : i32
        %shift_right_logical3A_433 = vector.broadcast %shift_right_logical3A_432 : i32 to vector<16xi32>
        %shift_right_logical3A_434 = arith.shrui %get3A_424, %shift_right_logical3A_433 : vector<16xi32>
        %swap3A_435 = arith.constant 16 : index
        %swap3A_436 = tpu.vector_load %arg10[%swap3A_435] {strides = array<i32>} : memref<128xi32, #tpu.memory_space<vmem>>, vector<16xi32>,
        %swap3A_437 = vector.shape_cast %swap3A_436 : vector<16xi32> to vector<16xi32>
        %swap3A_438 = vector.shape_cast %shift_right_logical3A_434 : vector<16xi32> to vector<16xi32>
        tpu.vector_store %arg10[%swap3A_435], %swap3A_438 {strides = array<i32>} : memref<128xi32, #tpu.memory_space<vmem>>, vector<16xi32>,
        %mul3A_439 = arith.constant 128 : i32
        %mul3A_440 = arith.muli %add3A_396, %mul3A_439 : i32
        %add3A_441 = arith.constant 32 : i32
        %add3A_442 = arith.addi %mul3A_440, %add3A_441 : i32
        %get3A_443 = arith.index_cast %add3A_442 : i32 to index
        %get3A_444 = tpu.vector_load %arg6[%get3A_443] {strides = array<i32>} : memref<10240xi32, #tpu.memory_space<vmem>>, vector<16xi32>,
        %get3A_445 = vector.shape_cast %get3A_444 : vector<16xi32> to vector<16xi32>
        %and3A_446 = arith.constant 16383 : i32
        %and3A_447 = vector.broadcast %and3A_446 : i32 to vector<16xi32>
        %and3A_448 = arith.andi %get3A_445, %and3A_447 : vector<16xi32>
        %swap3A_449 = arith.constant 32 : index
        %swap3A_450 = tpu.vector_load %arg8[%swap3A_449] {strides = array<i32>} : memref<128xi32, #tpu.memory_space<vmem>>, vector<16xi32>,
        %swap3A_451 = vector.shape_cast %swap3A_450 : vector<16xi32> to vector<16xi32>
        %swap3A_452 = vector.shape_cast %and3A_448 : vector<16xi32> to vector<16xi32>
        tpu.vector_store %arg8[%swap3A_449], %swap3A_452 {strides = array<i32>} : memref<128xi32, #tpu.memory_space<vmem>>, vector<16xi32>,
        %shift_right_logical3A_453 = arith.constant 14 : i32
        %shift_right_logical3A_454 = vector.broadcast %shift_right_logical3A_453 : i32 to vector<16xi32>
        %shift_right_logical3A_455 = arith.shrui %get3A_445, %shift_right_logical3A_454 : vector<16xi32>
        %swap3A_456 = arith.constant 32 : index
        %swap3A_457 = tpu.vector_load %arg10[%swap3A_456] {strides = array<i32>} : memref<128xi32, #tpu.memory_space<vmem>>, vector<16xi32>,
        %swap3A_458 = vector.shape_cast %swap3A_457 : vector<16xi32> to vector<16xi32>
        %swap3A_459 = vector.shape_cast %shift_right_logical3A_455 : vector<16xi32> to vector<16xi32>
        tpu.vector_store %arg10[%swap3A_456], %swap3A_459 {strides = array<i32>} : memref<128xi32, #tpu.memory_space<vmem>>, vector<16xi32>,
        %mul3A_460 = arith.constant 128 : i32
        %mul3A_461 = arith.muli %add3A_396, %mul3A_460 : i32
        %add3A_462 = arith.constant 48 : i32
        %add3A_463 = arith.addi %mul3A_461, %add3A_462 : i32
        %get3A_464 = arith.index_cast %add3A_463 : i32 to index
        %get3A_465 = tpu.vector_load %arg6[%get3A_464] {strides = array<i32>} : memref<10240xi32, #tpu.memory_space<vmem>>, vector<16xi32>,
        %get3A_466 = vector.shape_cast %get3A_465 : vector<16xi32> to vector<16xi32>
        %and3A_467 = arith.constant 16383 : i32
        %and3A_468 = vector.broadcast %and3A_467 : i32 to vector<16xi32>
        %and3A_469 = arith.andi %get3A_466, %and3A_468 : vector<16xi32>
        %swap3A_470 = arith.constant 48 : index
        %swap3A_471 = tpu.vector_load %arg8[%swap3A_470] {strides = array<i32>} : memref<128xi32, #tpu.memory_space<vmem>>, vector<16xi32>,
        %swap3A_472 = vector.shape_cast %swap3A_471 : vector<16xi32> to vector<16xi32>
        %swap3A_473 = vector.shape_cast %and3A_469 : vector<16xi32> to vector<16xi32>
        tpu.vector_store %arg8[%swap3A_470], %swap3A_473 {strides = array<i32>} : memref<128xi32, #tpu.memory_space<vmem>>, vector<16xi32>,
        %shift_right_logical3A_474 = arith.constant 14 : i32
        %shift_right_logical3A_475 = vector.broadcast %shift_right_logical3A_474 : i32 to vector<16xi32>
        %shift_right_logical3A_476 = arith.shrui %get3A_466, %shift_right_logical3A_475 : vector<16xi32>
        %swap3A_477 = arith.constant 48 : index
        %swap3A_478 = tpu.vector_load %arg10[%swap3A_477] {strides = array<i32>} : memref<128xi32, #tpu.memory_space<vmem>>, vector<16xi32>,
        %swap3A_479 = vector.shape_cast %swap3A_478 : vector<16xi32> to vector<16xi32>
        %swap3A_480 = vector.shape_cast %shift_right_logical3A_476 : vector<16xi32> to vector<16xi32>
        tpu.vector_store %arg10[%swap3A_477], %swap3A_480 {strides = array<i32>} : memref<128xi32, #tpu.memory_space<vmem>>, vector<16xi32>,
        %mul3A_481 = arith.constant 128 : i32
        %mul3A_482 = arith.muli %add3A_396, %mul3A_481 : i32
        %add3A_483 = arith.constant 64 : i32
        %add3A_484 = arith.addi %mul3A_482, %add3A_483 : i32
        %get3A_485 = arith.index_cast %add3A_484 : i32 to index
        %get3A_486 = tpu.vector_load %arg6[%get3A_485] {strides = array<i32>} : memref<10240xi32, #tpu.memory_space<vmem>>, vector<16xi32>,
        %get3A_487 = vector.shape_cast %get3A_486 : vector<16xi32> to vector<16xi32>
        %and3A_488 = arith.constant 16383 : i32
        %and3A_489 = vector.broadcast %and3A_488 : i32 to vector<16xi32>
        %and3A_490 = arith.andi %get3A_487, %and3A_489 : vector<16xi32>
        %swap3A_491 = arith.constant 64 : index
        %swap3A_492 = tpu.vector_load %arg8[%swap3A_491] {strides = array<i32>} : memref<128xi32, #tpu.memory_space<vmem>>, vector<16xi32>,
        %swap3A_493 = vector.shape_cast %swap3A_492 : vector<16xi32> to vector<16xi32>
        %swap3A_494 = vector.shape_cast %and3A_490 : vector<16xi32> to vector<16xi32>
        tpu.vector_store %arg8[%swap3A_491], %swap3A_494 {strides = array<i32>} : memref<128xi32, #tpu.memory_space<vmem>>, vector<16xi32>,
        %shift_right_logical3A_495 = arith.constant 14 : i32
        %shift_right_logical3A_496 = vector.broadcast %shift_right_logical3A_495 : i32 to vector<16xi32>
        %shift_right_logical3A_497 = arith.shrui %get3A_487, %shift_right_logical3A_496 : vector<16xi32>
        %swap3A_498 = arith.constant 64 : index
        %swap3A_499 = tpu.vector_load %arg10[%swap3A_498] {strides = array<i32>} : memref<128xi32, #tpu.memory_space<vmem>>, vector<16xi32>,
        %swap3A_500 = vector.shape_cast %swap3A_499 : vector<16xi32> to vector<16xi32>
        %swap3A_501 = vector.shape_cast %shift_right_logical3A_497 : vector<16xi32> to vector<16xi32>
        tpu.vector_store %arg10[%swap3A_498], %swap3A_501 {strides = array<i32>} : memref<128xi32, #tpu.memory_space<vmem>>, vector<16xi32>,
        %mul3A_502 = arith.constant 128 : i32
        %mul3A_503 = arith.muli %add3A_396, %mul3A_502 : i32
        %add3A_504 = arith.constant 80 : i32
        %add3A_505 = arith.addi %mul3A_503, %add3A_504 : i32
        %get3A_506 = arith.index_cast %add3A_505 : i32 to index
        %get3A_507 = tpu.vector_load %arg6[%get3A_506] {strides = array<i32>} : memref<10240xi32, #tpu.memory_space<vmem>>, vector<16xi32>,
        %get3A_508 = vector.shape_cast %get3A_507 : vector<16xi32> to vector<16xi32>
        %and3A_509 = arith.constant 16383 : i32
        %and3A_510 = vector.broadcast %and3A_509 : i32 to vector<16xi32>
        %and3A_511 = arith.andi %get3A_508, %and3A_510 : vector<16xi32>
        %swap3A_512 = arith.constant 80 : index
        %swap3A_513 = tpu.vector_load %arg8[%swap3A_512] {strides = array<i32>} : memref<128xi32, #tpu.memory_space<vmem>>, vector<16xi32>,
        %swap3A_514 = vector.shape_cast %swap3A_513 : vector<16xi32> to vector<16xi32>
        %swap3A_515 = vector.shape_cast %and3A_511 : vector<16xi32> to vector<16xi32>
        tpu.vector_store %arg8[%swap3A_512], %swap3A_515 {strides = array<i32>} : memref<128xi32, #tpu.memory_space<vmem>>, vector<16xi32>,
        %shift_right_logical3A_516 = arith.constant 14 : i32
        %shift_right_logical3A_517 = vector.broadcast %shift_right_logical3A_516 : i32 to vector<16xi32>
        %shift_right_logical3A_518 = arith.shrui %get3A_508, %shift_right_logical3A_517 : vector<16xi32>
        %swap3A_519 = arith.constant 80 : index
        %swap3A_520 = tpu.vector_load %arg10[%swap3A_519] {strides = array<i32>} : memref<128xi32, #tpu.memory_space<vmem>>, vector<16xi32>,
        %swap3A_521 = vector.shape_cast %swap3A_520 : vector<16xi32> to vector<16xi32>
        %swap3A_522 = vector.shape_cast %shift_right_logical3A_518 : vector<16xi32> to vector<16xi32>
        tpu.vector_store %arg10[%swap3A_519], %swap3A_522 {strides = array<i32>} : memref<128xi32, #tpu.memory_space<vmem>>, vector<16xi32>,
        %mul3A_523 = arith.constant 128 : i32
        %mul3A_524 = arith.muli %add3A_396, %mul3A_523 : i32
        %add3A_525 = arith.constant 96 : i32
        %add3A_526 = arith.addi %mul3A_524, %add3A_525 : i32
        %get3A_527 = arith.index_cast %add3A_526 : i32 to index
        %get3A_528 = tpu.vector_load %arg6[%get3A_527] {strides = array<i32>} : memref<10240xi32, #tpu.memory_space<vmem>>, vector<16xi32>,
        %get3A_529 = vector.shape_cast %get3A_528 : vector<16xi32> to vector<16xi32>
        %and3A_530 = arith.constant 16383 : i32
        %and3A_531 = vector.broadcast %and3A_530 : i32 to vector<16xi32>
        %and3A_532 = arith.andi %get3A_529, %and3A_531 : vector<16xi32>
        %swap3A_533 = arith.constant 96 : index
        %swap3A_534 = tpu.vector_load %arg8[%swap3A_533] {strides = array<i32>} : memref<128xi32, #tpu.memory_space<vmem>>, vector<16xi32>,
        %swap3A_535 = vector.shape_cast %swap3A_534 : vector<16xi32> to vector<16xi32>
        %swap3A_536 = vector.shape_cast %and3A_532 : vector<16xi32> to vector<16xi32>
        tpu.vector_store %arg8[%swap3A_533], %swap3A_536 {strides = array<i32>} : memref<128xi32, #tpu.memory_space<vmem>>, vector<16xi32>,
        %shift_right_logical3A_537 = arith.constant 14 : i32
        %shift_right_logical3A_538 = vector.broadcast %shift_right_logical3A_537 : i32 to vector<16xi32>
        %shift_right_logical3A_539 = arith.shrui %get3A_529, %shift_right_logical3A_538 : vector<16xi32>
        %swap3A_540 = arith.constant 96 : index
        %swap3A_541 = tpu.vector_load %arg10[%swap3A_540] {strides = array<i32>} : memref<128xi32, #tpu.memory_space<vmem>>, vector<16xi32>,
        %swap3A_542 = vector.shape_cast %swap3A_541 : vector<16xi32> to vector<16xi32>
        %swap3A_543 = vector.shape_cast %shift_right_logical3A_539 : vector<16xi32> to vector<16xi32>
        tpu.vector_store %arg10[%swap3A_540], %swap3A_543 {strides = array<i32>} : memref<128xi32, #tpu.memory_space<vmem>>, vector<16xi32>,
        %mul3A_544 = arith.constant 128 : i32
        %mul3A_545 = arith.muli %add3A_396, %mul3A_544 : i32
        %add3A_546 = arith.constant 112 : i32
        %add3A_547 = arith.addi %mul3A_545, %add3A_546 : i32
        %get3A_548 = arith.index_cast %add3A_547 : i32 to index
        %get3A_549 = tpu.vector_load %arg6[%get3A_548] {strides = array<i32>} : memref<10240xi32, #tpu.memory_space<vmem>>, vector<16xi32>,
        %get3A_550 = vector.shape_cast %get3A_549 : vector<16xi32> to vector<16xi32>
        %and3A_551 = arith.constant 16383 : i32
        %and3A_552 = vector.broadcast %and3A_551 : i32 to vector<16xi32>
        %and3A_553 = arith.andi %get3A_550, %and3A_552 : vector<16xi32>
        %swap3A_554 = arith.constant 112 : index
        %swap3A_555 = tpu.vector_load %arg8[%swap3A_554] {strides = array<i32>} : memref<128xi32, #tpu.memory_space<vmem>>, vector<16xi32>,
        %swap3A_556 = vector.shape_cast %swap3A_555 : vector<16xi32> to vector<16xi32>
        %swap3A_557 = vector.shape_cast %and3A_553 : vector<16xi32> to vector<16xi32>
        tpu.vector_store %arg8[%swap3A_554], %swap3A_557 {strides = array<i32>} : memref<128xi32, #tpu.memory_space<vmem>>, vector<16xi32>,
        %shift_right_logical3A_558 = arith.constant 14 : i32
        %shift_right_logical3A_559 = vector.broadcast %shift_right_logical3A_558 : i32 to vector<16xi32>
        %shift_right_logical3A_560 = arith.shrui %get3A_550, %shift_right_logical3A_559 : vector<16xi32>
        %swap3A_561 = arith.constant 112 : index
        %swap3A_562 = tpu.vector_load %arg10[%swap3A_561] {strides = array<i32>} : memref<128xi32, #tpu.memory_space<vmem>>, vector<16xi32>,
        %swap3A_563 = vector.shape_cast %swap3A_562 : vector<16xi32> to vector<16xi32>
        %swap3A_564 = vector.shape_cast %shift_right_logical3A_560 : vector<16xi32> to vector<16xi32>
        tpu.vector_store %arg10[%swap3A_561], %swap3A_564 {strides = array<i32>} : memref<128xi32, #tpu.memory_space<vmem>>, vector<16xi32>,
        %dma_start3A_565 = arith.constant 0 : i32
        %dma_start3A_566 = arith.constant 0 : i32
        %dma_start3A_567 = tpu.memref_slice %arg2[%dma_start3A_565, %dma_start3A_566] : memref<10000x128xf32, #tpu.memory_space<hbm>> -> memref<10000x128xf32, #tpu.memory_space<hbm>>
        tpu.enqueue_indirect_dma source(%dma_start3A_567 : memref<10000x128xf32, #tpu.memory_space<hbm>>) target(%arg12 : memref<128x128xf32, #tpu.memory_space<vmem>>) offsets(%arg8 : memref<128xi32, #tpu.memory_space<vmem>>) semaphore(%arg15 : memref<!tpu.dma_semaphore, #tpu.memory_space<semaphore_mem>>)
      } else {
      }
    }
    %barrier3A_335 = arith.constant 0 : index
    tpu.barrier barrier_id(%barrier3A_335)
    %eq3A_336 = arith.constant 15 : i32
    %eq3A_337 = arith.cmpi eq, %arg1, %eq3A_336 : i32
    %jit3A_338 = arith.constant 520 : i32
    %jit3A_339 = arith.constant 632 : i32
    %select_n3A_340 = arith.select %eq3A_337, %jit3A_338, %jit3A_339 : i32
    %mul3A_341 = arith.constant 632 : i32
    %mul3A_342 = arith.muli %arg1, %mul3A_341 : i32
    %sub3A_343 = arith.constant 128 : i32
    %sub3A_344 = arith.subi %select_n3A_340, %sub3A_343 : i32
    %min3A = arith.constant 0 : i32
    %min3A_345 = arith.minsi %min3A, %sub3A_344 : i32
    %add3A_346 = arith.addi %mul3A_342, %min3A_345 : i32
    %multiple_of3A = tpu.assume_multiple %add3A_346, 8 : i32
    "tpu.region"() ({
      %run_scoped3A = tpu.sem_alloc : memref<!tpu.dma_semaphore, #tpu.memory_space<semaphore_mem>>
      %dma_start3A_371 = arith.constant 0 : i32
      %dma_start3A_372 = tpu.memref_slice %arg13[%multiple_of3A, %dma_start3A_371] : memref<10240x128xf32, #tpu.memory_space<vmem_shared>> -> memref<128x128xf32, #tpu.memory_space<vmem_shared>>
      %dma_start3A_373 = arith.constant 0 : i32
      %dma_start3A_374 = tpu.memref_slice %arg13[%multiple_of3A, %dma_start3A_373] : memref<10240x128xf32, #tpu.memory_space<vmem_shared>> -> memref<128x128xf32, #tpu.memory_space<vmem_shared>>
      tpu.enqueue_dma source(%dma_start3A_374 : memref<128x128xf32, #tpu.memory_space<vmem_shared>>) target(%arg11 : memref<128x128xf32, #tpu.memory_space<vmem>>) target_semaphore(%run_scoped3A : memref<!tpu.dma_semaphore, #tpu.memory_space<semaphore_mem>>)
      %dma_wait3A = arith.constant 0 : i32
      %dma_wait3A_375 = tpu.memref_slice %arg13[%multiple_of3A, %dma_wait3A] : memref<10240x128xf32, #tpu.memory_space<vmem_shared>> -> memref<128x128xf32, #tpu.memory_space<vmem_shared>>
      %dma_wait3A_376 = arith.constant 0 : i32
      %dma_wait3A_377 = tpu.memref_slice %arg13[%multiple_of3A, %dma_wait3A_376] : memref<10240x128xf32, #tpu.memory_space<vmem_shared>> -> memref<128x128xf32, #tpu.memory_space<vmem_shared>>
      tpu.wait_dma2 semaphore(%run_scoped3A : memref<!tpu.dma_semaphore, #tpu.memory_space<semaphore_mem>>) src(%dma_wait3A_377 : memref<128x128xf32, #tpu.memory_space<vmem_shared>>) dst(%arg11 : memref<128x128xf32, #tpu.memory_space<vmem>>)
      tpu.yield
    }) : () -> ()
    "tpu.region"() ({
      %run_scoped3A = tpu.sem_alloc : memref<!tpu.dma_semaphore, #tpu.memory_space<semaphore_mem>>
      %dma_start3A_371 = arith.constant 0 : i32
      %dma_start3A_372 = tpu.memref_slice %arg5[%arg0, %multiple_of3A, %dma_start3A_371] : memref<2x10000x128xf32, #tpu.memory_space<hbm>> -> memref<1x128x128xf32, #tpu.memory_space<hbm>>
      %dma_start3A_373 = tpu.memref_squeeze %dma_start3A_372 : memref<1x128x128xf32, #tpu.memory_space<hbm>> -> memref<128x128xf32, #tpu.memory_space<hbm>>
      %dma_start3A_374 = arith.constant 0 : i32
      %dma_start3A_375 = tpu.memref_slice %arg5[%arg0, %multiple_of3A, %dma_start3A_374] : memref<2x10000x128xf32, #tpu.memory_space<hbm>> -> memref<1x128x128xf32, #tpu.memory_space<hbm>>
      %dma_start3A_376 = tpu.memref_squeeze %dma_start3A_375 : memref<1x128x128xf32, #tpu.memory_space<hbm>> -> memref<128x128xf32, #tpu.memory_space<hbm>>
      tpu.enqueue_dma source(%arg11 : memref<128x128xf32, #tpu.memory_space<vmem>>) target(%dma_start3A_376 : memref<128x128xf32, #tpu.memory_space<hbm>>) target_semaphore(%run_scoped3A : memref<!tpu.dma_semaphore, #tpu.memory_space<semaphore_mem>>)
      %dma_wait3A = arith.constant 0 : i32
      %dma_wait3A_377 = tpu.memref_slice %arg5[%arg0, %multiple_of3A, %dma_wait3A] : memref<2x10000x128xf32, #tpu.memory_space<hbm>> -> memref<1x128x128xf32, #tpu.memory_space<hbm>>
      %dma_wait3A_378 = tpu.memref_squeeze %dma_wait3A_377 : memref<1x128x128xf32, #tpu.memory_space<hbm>> -> memref<128x128xf32, #tpu.memory_space<hbm>>
      %dma_wait3A_379 = arith.constant 0 : i32
      %dma_wait3A_380 = tpu.memref_slice %arg5[%arg0, %multiple_of3A, %dma_wait3A_379] : memref<2x10000x128xf32, #tpu.memory_space<hbm>> -> memref<1x128x128xf32, #tpu.memory_space<hbm>>
      %dma_wait3A_381 = tpu.memref_squeeze %dma_wait3A_380 : memref<1x128x128xf32, #tpu.memory_space<hbm>> -> memref<128x128xf32, #tpu.memory_space<hbm>>
      tpu.wait_dma2 semaphore(%run_scoped3A : memref<!tpu.dma_semaphore, #tpu.memory_space<semaphore_mem>>) src(%arg11 : memref<128x128xf32, #tpu.memory_space<vmem>>) dst(%dma_wait3A_381 : memref<128x128xf32, #tpu.memory_space<hbm>>)
      tpu.yield
    }) : () -> ()
    %sub3A_347 = arith.constant 128 : i32
    %sub3A_348 = arith.subi %select_n3A_340, %sub3A_347 : i32
    %min3A_349 = arith.constant 128 : i32
    %min3A_350 = arith.minsi %min3A_349, %sub3A_348 : i32
    %add3A_351 = arith.addi %mul3A_342, %min3A_350 : i32
    %multiple_of3A_352 = tpu.assume_multiple %add3A_351, 8 : i32
    "tpu.region"() ({
      %run_scoped3A = tpu.sem_alloc : memref<!tpu.dma_semaphore, #tpu.memory_space<semaphore_mem>>
      %dma_start3A_371 = arith.constant 0 : i32
      %dma_start3A_372 = tpu.memref_slice %arg13[%multiple_of3A_352, %dma_start3A_371] : memref<10240x128xf32, #tpu.memory_space<vmem_shared>> -> memref<128x128xf32, #tpu.memory_space<vmem_shared>>
      %dma_start3A_373 = arith.constant 0 : i32
      %dma_start3A_374 = tpu.memref_slice %arg13[%multiple_of3A_352, %dma_start3A_373] : memref<10240x128xf32, #tpu.memory_space<vmem_shared>> -> memref<128x128xf32, #tpu.memory_space<vmem_shared>>
      tpu.enqueue_dma source(%dma_start3A_374 : memref<128x128xf32, #tpu.memory_space<vmem_shared>>) target(%arg12 : memref<128x128xf32, #tpu.memory_space<vmem>>) target_semaphore(%run_scoped3A : memref<!tpu.dma_semaphore, #tpu.memory_space<semaphore_mem>>)
      %dma_wait3A = arith.constant 0 : i32
      %dma_wait3A_375 = tpu.memref_slice %arg13[%multiple_of3A_352, %dma_wait3A] : memref<10240x128xf32, #tpu.memory_space<vmem_shared>> -> memref<128x128xf32, #tpu.memory_space<vmem_shared>>
      %dma_wait3A_376 = arith.constant 0 : i32
      %dma_wait3A_377 = tpu.memref_slice %arg13[%multiple_of3A_352, %dma_wait3A_376] : memref<10240x128xf32, #tpu.memory_space<vmem_shared>> -> memref<128x128xf32, #tpu.memory_space<vmem_shared>>
      tpu.wait_dma2 semaphore(%run_scoped3A : memref<!tpu.dma_semaphore, #tpu.memory_space<semaphore_mem>>) src(%dma_wait3A_377 : memref<128x128xf32, #tpu.memory_space<vmem_shared>>) dst(%arg12 : memref<128x128xf32, #tpu.memory_space<vmem>>)
      tpu.yield
    }) : () -> ()
    "tpu.region"() ({
      %run_scoped3A = tpu.sem_alloc : memref<!tpu.dma_semaphore, #tpu.memory_space<semaphore_mem>>
      %dma_start3A_371 = arith.constant 0 : i32
      %dma_start3A_372 = tpu.memref_slice %arg5[%arg0, %multiple_of3A_352, %dma_start3A_371] : memref<2x10000x128xf32, #tpu.memory_space<hbm>> -> memref<1x128x128xf32, #tpu.memory_space<hbm>>
      %dma_start3A_373 = tpu.memref_squeeze %dma_start3A_372 : memref<1x128x128xf32, #tpu.memory_space<hbm>> -> memref<128x128xf32, #tpu.memory_space<hbm>>
      %dma_start3A_374 = arith.constant 0 : i32
      %dma_start3A_375 = tpu.memref_slice %arg5[%arg0, %multiple_of3A_352, %dma_start3A_374] : memref<2x10000x128xf32, #tpu.memory_space<hbm>> -> memref<1x128x128xf32, #tpu.memory_space<hbm>>
      %dma_start3A_376 = tpu.memref_squeeze %dma_start3A_375 : memref<1x128x128xf32, #tpu.memory_space<hbm>> -> memref<128x128xf32, #tpu.memory_space<hbm>>
      tpu.enqueue_dma source(%arg12 : memref<128x128xf32, #tpu.memory_space<vmem>>) target(%dma_start3A_376 : memref<128x128xf32, #tpu.memory_space<hbm>>) target_semaphore(%run_scoped3A : memref<!tpu.dma_semaphore, #tpu.memory_space<semaphore_mem>>)
      %dma_wait3A = arith.constant 0 : i32
      %dma_wait3A_377 = tpu.memref_slice %arg5[%arg0, %multiple_of3A_352, %dma_wait3A] : memref<2x10000x128xf32, #tpu.memory_space<hbm>> -> memref<1x128x128xf32, #tpu.memory_space<hbm>>
      %dma_wait3A_378 = tpu.memref_squeeze %dma_wait3A_377 : memref<1x128x128xf32, #tpu.memory_space<hbm>> -> memref<128x128xf32, #tpu.memory_space<hbm>>
      %dma_wait3A_379 = arith.constant 0 : i32
      %dma_wait3A_380 = tpu.memref_slice %arg5[%arg0, %multiple_of3A_352, %dma_wait3A_379] : memref<2x10000x128xf32, #tpu.memory_space<hbm>> -> memref<1x128x128xf32, #tpu.memory_space<hbm>>
      %dma_wait3A_381 = tpu.memref_squeeze %dma_wait3A_380 : memref<1x128x128xf32, #tpu.memory_space<hbm>> -> memref<128x128xf32, #tpu.memory_space<hbm>>
      tpu.wait_dma2 semaphore(%run_scoped3A : memref<!tpu.dma_semaphore, #tpu.memory_space<semaphore_mem>>) src(%arg12 : memref<128x128xf32, #tpu.memory_space<vmem>>) dst(%dma_wait3A_381 : memref<128x128xf32, #tpu.memory_space<hbm>>)
      tpu.yield
    }) : () -> ()
    %sub3A_353 = arith.constant 128 : i32
    %sub3A_354 = arith.subi %select_n3A_340, %sub3A_353 : i32
    %min3A_355 = arith.constant 256 : i32
    %min3A_356 = arith.minsi %min3A_355, %sub3A_354 : i32
    %add3A_357 = arith.addi %mul3A_342, %min3A_356 : i32
    %multiple_of3A_358 = tpu.assume_multiple %add3A_357, 8 : i32
    "tpu.region"() ({
      %run_scoped3A = tpu.sem_alloc : memref<!tpu.dma_semaphore, #tpu.memory_space<semaphore_mem>>
      %dma_start3A_371 = arith.constant 0 : i32
      %dma_start3A_372 = tpu.memref_slice %arg13[%multiple_of3A_358, %dma_start3A_371] : memref<10240x128xf32, #tpu.memory_space<vmem_shared>> -> memref<128x128xf32, #tpu.memory_space<vmem_shared>>
      %dma_start3A_373 = arith.constant 0 : i32
      %dma_start3A_374 = tpu.memref_slice %arg13[%multiple_of3A_358, %dma_start3A_373] : memref<10240x128xf32, #tpu.memory_space<vmem_shared>> -> memref<128x128xf32, #tpu.memory_space<vmem_shared>>
      tpu.enqueue_dma source(%dma_start3A_374 : memref<128x128xf32, #tpu.memory_space<vmem_shared>>) target(%arg11 : memref<128x128xf32, #tpu.memory_space<vmem>>) target_semaphore(%run_scoped3A : memref<!tpu.dma_semaphore, #tpu.memory_space<semaphore_mem>>)
      %dma_wait3A = arith.constant 0 : i32
      %dma_wait3A_375 = tpu.memref_slice %arg13[%multiple_of3A_358, %dma_wait3A] : memref<10240x128xf32, #tpu.memory_space<vmem_shared>> -> memref<128x128xf32, #tpu.memory_space<vmem_shared>>
      %dma_wait3A_376 = arith.constant 0 : i32
      %dma_wait3A_377 = tpu.memref_slice %arg13[%multiple_of3A_358, %dma_wait3A_376] : memref<10240x128xf32, #tpu.memory_space<vmem_shared>> -> memref<128x128xf32, #tpu.memory_space<vmem_shared>>
      tpu.wait_dma2 semaphore(%run_scoped3A : memref<!tpu.dma_semaphore, #tpu.memory_space<semaphore_mem>>) src(%dma_wait3A_377 : memref<128x128xf32, #tpu.memory_space<vmem_shared>>) dst(%arg11 : memref<128x128xf32, #tpu.memory_space<vmem>>)
      tpu.yield
    }) : () -> ()
    "tpu.region"() ({
      %run_scoped3A = tpu.sem_alloc : memref<!tpu.dma_semaphore, #tpu.memory_space<semaphore_mem>>
      %dma_start3A_371 = arith.constant 0 : i32
      %dma_start3A_372 = tpu.memref_slice %arg5[%arg0, %multiple_of3A_358, %dma_start3A_371] : memref<2x10000x128xf32, #tpu.memory_space<hbm>> -> memref<1x128x128xf32, #tpu.memory_space<hbm>>
      %dma_start3A_373 = tpu.memref_squeeze %dma_start3A_372 : memref<1x128x128xf32, #tpu.memory_space<hbm>> -> memref<128x128xf32, #tpu.memory_space<hbm>>
      %dma_start3A_374 = arith.constant 0 : i32
      %dma_start3A_375 = tpu.memref_slice %arg5[%arg0, %multiple_of3A_358, %dma_start3A_374] : memref<2x10000x128xf32, #tpu.memory_space<hbm>> -> memref<1x128x128xf32, #tpu.memory_space<hbm>>
      %dma_start3A_376 = tpu.memref_squeeze %dma_start3A_375 : memref<1x128x128xf32, #tpu.memory_space<hbm>> -> memref<128x128xf32, #tpu.memory_space<hbm>>
      tpu.enqueue_dma source(%arg11 : memref<128x128xf32, #tpu.memory_space<vmem>>) target(%dma_start3A_376 : memref<128x128xf32, #tpu.memory_space<hbm>>) target_semaphore(%run_scoped3A : memref<!tpu.dma_semaphore, #tpu.memory_space<semaphore_mem>>)
      %dma_wait3A = arith.constant 0 : i32
      %dma_wait3A_377 = tpu.memref_slice %arg5[%arg0, %multiple_of3A_358, %dma_wait3A] : memref<2x10000x128xf32, #tpu.memory_space<hbm>> -> memref<1x128x128xf32, #tpu.memory_space<hbm>>
      %dma_wait3A_378 = tpu.memref_squeeze %dma_wait3A_377 : memref<1x128x128xf32, #tpu.memory_space<hbm>> -> memref<128x128xf32, #tpu.memory_space<hbm>>
      %dma_wait3A_379 = arith.constant 0 : i32
      %dma_wait3A_380 = tpu.memref_slice %arg5[%arg0, %multiple_of3A_358, %dma_wait3A_379] : memref<2x10000x128xf32, #tpu.memory_space<hbm>> -> memref<1x128x128xf32, #tpu.memory_space<hbm>>
      %dma_wait3A_381 = tpu.memref_squeeze %dma_wait3A_380 : memref<1x128x128xf32, #tpu.memory_space<hbm>> -> memref<128x128xf32, #tpu.memory_space<hbm>>
      tpu.wait_dma2 semaphore(%run_scoped3A : memref<!tpu.dma_semaphore, #tpu.memory_space<semaphore_mem>>) src(%arg11 : memref<128x128xf32, #tpu.memory_space<vmem>>) dst(%dma_wait3A_381 : memref<128x128xf32, #tpu.memory_space<hbm>>)
      tpu.yield
    }) : () -> ()
    %sub3A_359 = arith.constant 128 : i32
    %sub3A_360 = arith.subi %select_n3A_340, %sub3A_359 : i32
    %min3A_361 = arith.constant 384 : i32
    %min3A_362 = arith.minsi %min3A_361, %sub3A_360 : i32
    %add3A_363 = arith.addi %mul3A_342, %min3A_362 : i32
    %multiple_of3A_364 = tpu.assume_multiple %add3A_363, 8 : i32
    "tpu.region"() ({
      %run_scoped3A = tpu.sem_alloc : memref<!tpu.dma_semaphore, #tpu.memory_space<semaphore_mem>>
      %dma_start3A_371 = arith.constant 0 : i32
      %dma_start3A_372 = tpu.memref_slice %arg13[%multiple_of3A_364, %dma_start3A_371] : memref<10240x128xf32, #tpu.memory_space<vmem_shared>> -> memref<128x128xf32, #tpu.memory_space<vmem_shared>>
      %dma_start3A_373 = arith.constant 0 : i32
      %dma_start3A_374 = tpu.memref_slice %arg13[%multiple_of3A_364, %dma_start3A_373] : memref<10240x128xf32, #tpu.memory_space<vmem_shared>> -> memref<128x128xf32, #tpu.memory_space<vmem_shared>>
      tpu.enqueue_dma source(%dma_start3A_374 : memref<128x128xf32, #tpu.memory_space<vmem_shared>>) target(%arg12 : memref<128x128xf32, #tpu.memory_space<vmem>>) target_semaphore(%run_scoped3A : memref<!tpu.dma_semaphore, #tpu.memory_space<semaphore_mem>>)
      %dma_wait3A = arith.constant 0 : i32
      %dma_wait3A_375 = tpu.memref_slice %arg13[%multiple_of3A_364, %dma_wait3A] : memref<10240x128xf32, #tpu.memory_space<vmem_shared>> -> memref<128x128xf32, #tpu.memory_space<vmem_shared>>
      %dma_wait3A_376 = arith.constant 0 : i32
      %dma_wait3A_377 = tpu.memref_slice %arg13[%multiple_of3A_364, %dma_wait3A_376] : memref<10240x128xf32, #tpu.memory_space<vmem_shared>> -> memref<128x128xf32, #tpu.memory_space<vmem_shared>>
      tpu.wait_dma2 semaphore(%run_scoped3A : memref<!tpu.dma_semaphore, #tpu.memory_space<semaphore_mem>>) src(%dma_wait3A_377 : memref<128x128xf32, #tpu.memory_space<vmem_shared>>) dst(%arg12 : memref<128x128xf32, #tpu.memory_space<vmem>>)
      tpu.yield
    }) : () -> ()
    "tpu.region"() ({
      %run_scoped3A = tpu.sem_alloc : memref<!tpu.dma_semaphore, #tpu.memory_space<semaphore_mem>>
      %dma_start3A_371 = arith.constant 0 : i32
      %dma_start3A_372 = tpu.memref_slice %arg5[%arg0, %multiple_of3A_364, %dma_start3A_371] : memref<2x10000x128xf32, #tpu.memory_space<hbm>> -> memref<1x128x128xf32, #tpu.memory_space<hbm>>
      %dma_start3A_373 = tpu.memref_squeeze %dma_start3A_372 : memref<1x128x128xf32, #tpu.memory_space<hbm>> -> memref<128x128xf32, #tpu.memory_space<hbm>>
      %dma_start3A_374 = arith.constant 0 : i32
      %dma_start3A_375 = tpu.memref_slice %arg5[%arg0, %multiple_of3A_364, %dma_start3A_374] : memref<2x10000x128xf32, #tpu.memory_space<hbm>> -> memref<1x128x128xf32, #tpu.memory_space<hbm>>
      %dma_start3A_376 = tpu.memref_squeeze %dma_start3A_375 : memref<1x128x128xf32, #tpu.memory_space<hbm>> -> memref<128x128xf32, #tpu.memory_space<hbm>>
      tpu.enqueue_dma source(%arg12 : memref<128x128xf32, #tpu.memory_space<vmem>>) target(%dma_start3A_376 : memref<128x128xf32, #tpu.memory_space<hbm>>) target_semaphore(%run_scoped3A : memref<!tpu.dma_semaphore, #tpu.memory_space<semaphore_mem>>)
      %dma_wait3A = arith.constant 0 : i32
      %dma_wait3A_377 = tpu.memref_slice %arg5[%arg0, %multiple_of3A_364, %dma_wait3A] : memref<2x10000x128xf32, #tpu.memory_space<hbm>> -> memref<1x128x128xf32, #tpu.memory_space<hbm>>
      %dma_wait3A_378 = tpu.memref_squeeze %dma_wait3A_377 : memref<1x128x128xf32, #tpu.memory_space<hbm>> -> memref<128x128xf32, #tpu.memory_space<hbm>>
      %dma_wait3A_379 = arith.constant 0 : i32
      %dma_wait3A_380 = tpu.memref_slice %arg5[%arg0, %multiple_of3A_364, %dma_wait3A_379] : memref<2x10000x128xf32, #tpu.memory_space<hbm>> -> memref<1x128x128xf32, #tpu.memory_space<hbm>>
      %dma_wait3A_381 = tpu.memref_squeeze %dma_wait3A_380 : memref<1x128x128xf32, #tpu.memory_space<hbm>> -> memref<128x128xf32, #tpu.memory_space<hbm>>
      tpu.wait_dma2 semaphore(%run_scoped3A : memref<!tpu.dma_semaphore, #tpu.memory_space<semaphore_mem>>) src(%arg12 : memref<128x128xf32, #tpu.memory_space<vmem>>) dst(%dma_wait3A_381 : memref<128x128xf32, #tpu.memory_space<hbm>>)
      tpu.yield
    }) : () -> ()
    %sub3A_365 = arith.constant 128 : i32
    %sub3A_366 = arith.subi %select_n3A_340, %sub3A_365 : i32
    %min3A_367 = arith.constant 512 : i32
    %min3A_368 = arith.minsi %min3A_367, %sub3A_366 : i32
    %add3A_369 = arith.addi %mul3A_342, %min3A_368 : i32
    %multiple_of3A_370 = tpu.assume_multiple %add3A_369, 8 : i32
    "tpu.region"() ({
      %run_scoped3A = tpu.sem_alloc : memref<!tpu.dma_semaphore, #tpu.memory_space<semaphore_mem>>
      %dma_start3A_371 = arith.constant 0 : i32
      %dma_start3A_372 = tpu.memref_slice %arg13[%multiple_of3A_370, %dma_start3A_371] : memref<10240x128xf32, #tpu.memory_space<vmem_shared>> -> memref<128x128xf32, #tpu.memory_space<vmem_shared>>
      %dma_start3A_373 = arith.constant 0 : i32
      %dma_start3A_374 = tpu.memref_slice %arg13[%multiple_of3A_370, %dma_start3A_373] : memref<10240x128xf32, #tpu.memory_space<vmem_shared>> -> memref<128x128xf32, #tpu.memory_space<vmem_shared>>
      tpu.enqueue_dma source(%dma_start3A_374 : memref<128x128xf32, #tpu.memory_space<vmem_shared>>) target(%arg11 : memref<128x128xf32, #tpu.memory_space<vmem>>) target_semaphore(%run_scoped3A : memref<!tpu.dma_semaphore, #tpu.memory_space<semaphore_mem>>)
      %dma_wait3A = arith.constant 0 : i32
      %dma_wait3A_375 = tpu.memref_slice %arg13[%multiple_of3A_370, %dma_wait3A] : memref<10240x128xf32, #tpu.memory_space<vmem_shared>> -> memref<128x128xf32, #tpu.memory_space<vmem_shared>>
      %dma_wait3A_376 = arith.constant 0 : i32
      %dma_wait3A_377 = tpu.memref_slice %arg13[%multiple_of3A_370, %dma_wait3A_376] : memref<10240x128xf32, #tpu.memory_space<vmem_shared>> -> memref<128x128xf32, #tpu.memory_space<vmem_shared>>
      tpu.wait_dma2 semaphore(%run_scoped3A : memref<!tpu.dma_semaphore, #tpu.memory_space<semaphore_mem>>) src(%dma_wait3A_377 : memref<128x128xf32, #tpu.memory_space<vmem_shared>>) dst(%arg11 : memref<128x128xf32, #tpu.memory_space<vmem>>)
      tpu.yield
    }) : () -> ()
    "tpu.region"() ({
      %run_scoped3A = tpu.sem_alloc : memref<!tpu.dma_semaphore, #tpu.memory_space<semaphore_mem>>
      %dma_start3A_371 = arith.constant 0 : i32
      %dma_start3A_372 = tpu.memref_slice %arg5[%arg0, %multiple_of3A_370, %dma_start3A_371] : memref<2x10000x128xf32, #tpu.memory_space<hbm>> -> memref<1x128x128xf32, #tpu.memory_space<hbm>>
      %dma_start3A_373 = tpu.memref_squeeze %dma_start3A_372 : memref<1x128x128xf32, #tpu.memory_space<hbm>> -> memref<128x128xf32, #tpu.memory_space<hbm>>
      %dma_start3A_374 = arith.constant 0 : i32
      %dma_start3A_375 = tpu.memref_slice %arg5[%arg0, %multiple_of3A_370, %dma_start3A_374] : memref<2x10000x128xf32, #tpu.memory_space<hbm>> -> memref<1x128x128xf32, #tpu.memory_space<hbm>>
      %dma_start3A_376 = tpu.memref_squeeze %dma_start3A_375 : memref<1x128x128xf32, #tpu.memory_space<hbm>> -> memref<128x128xf32, #tpu.memory_space<hbm>>
      tpu.enqueue_dma source(%arg11 : memref<128x128xf32, #tpu.memory_space<vmem>>) target(%dma_start3A_376 : memref<128x128xf32, #tpu.memory_space<hbm>>) target_semaphore(%run_scoped3A : memref<!tpu.dma_semaphore, #tpu.memory_space<semaphore_mem>>)
      %dma_wait3A = arith.constant 0 : i32
      %dma_wait3A_377 = tpu.memref_slice %arg5[%arg0, %multiple_of3A_370, %dma_wait3A] : memref<2x10000x128xf32, #tpu.memory_space<hbm>> -> memref<1x128x128xf32, #tpu.memory_space<hbm>>
      %dma_wait3A_378 = tpu.memref_squeeze %dma_wait3A_377 : memref<1x128x128xf32, #tpu.memory_space<hbm>> -> memref<128x128xf32, #tpu.memory_space<hbm>>
      %dma_wait3A_379 = arith.constant 0 : i32
      %dma_wait3A_380 = tpu.memref_slice %arg5[%arg0, %multiple_of3A_370, %dma_wait3A_379] : memref<2x10000x128xf32, #tpu.memory_space<hbm>> -> memref<1x128x128xf32, #tpu.memory_space<hbm>>
      %dma_wait3A_381 = tpu.memref_squeeze %dma_wait3A_380 : memref<1x128x128xf32, #tpu.memory_space<hbm>> -> memref<128x128xf32, #tpu.memory_space<hbm>>
      tpu.wait_dma2 semaphore(%run_scoped3A : memref<!tpu.dma_semaphore, #tpu.memory_space<semaphore_mem>>) src(%arg11 : memref<128x128xf32, #tpu.memory_space<vmem>>) dst(%dma_wait3A_381 : memref<128x128xf32, #tpu.memory_space<hbm>>)
      tpu.yield
    }) : () -> ()
    return
  }
}

module attributes {stable_mosaic.version = 14 : i64} {
  func.func @_mm_body(%arg0: i32, %arg1: memref<2000x128xf32, #tpu.memory_space<vmem>>, %arg2: memref<128x128xf32, #tpu.memory_space<vmem>>, %arg3: memref<2000x128xf32, #tpu.memory_space<vmem>>) attributes {dimension_semantics = [#tpu.dimension_semantics<arbitrary>], iteration_bounds = array<i64: 5>, scalar_prefetch = 0 : i64, scratch_operands = 0 : i64, tpu.core_type = #tpu.core_type<tc>, window_params = [{transform_indices = @transform_0, window_bounds = array<i64: 2000, 128>}, {pipeline_mode = #tpu.pipeline_mode<synchronous>, transform_indices = @transform_1, window_bounds = array<i64: 128, 128>}, {transform_indices = @transform_2, window_bounds = array<i64: 2000, 128>}]} {
    %get3A = arith.constant 0 : index
    %get3A_0 = arith.constant 0 : index
    %get3A_1 = vector.load %arg1[%get3A, %get3A_0] : memref<2000x128xf32, #tpu.memory_space<vmem>>, vector<2000x128xf32>
    %get3A_2 = arith.constant 0 : index
    %get3A_3 = arith.constant 0 : index
    %get3A_4 = vector.load %arg2[%get3A_2, %get3A_3] : memref<128x128xf32, #tpu.memory_space<vmem>>, vector<128x128xf32>
    %dot_general3A = arith.constant dense<0.000000e+00> : vector<2000x128xf32>
    %dot_general3A_5 = tpu.matmul %get3A_1, %get3A_4, %dot_general3A {dimension_numbers = #tpu.dot_dimension_numbers<[1], [0], [0], [1], [0, 0, 1, 1], [], []>, transpose_lhs_hint = false} : vector<2000x128xf32>, vector<128x128xf32>, vector<2000x128xf32> -> vector<2000x128xf32>
    %swap3A = arith.constant 0 : index
    %swap3A_6 = arith.constant 0 : index
    %swap3A_7 = vector.load %arg3[%swap3A, %swap3A_6] : memref<2000x128xf32, #tpu.memory_space<vmem>>, vector<2000x128xf32>
    tpu.vector_store %arg3[%swap3A, %swap3A_6], %dot_general3A_5 {strides = array<i32>} : memref<2000x128xf32, #tpu.memory_space<vmem>>, vector<2000x128xf32>,
    return
  }
  func.func @transform_0(%arg0: i32) -> (i32, i32) {
    %c0_i32 = arith.constant 0 : i32
    %c0_i32_0 = arith.constant 0 : i32
    return %arg0, %c0_i32 : i32, i32
  }
  func.func @transform_1(%arg0: i32) -> (i32, i32) {
    %c0_i32 = arith.constant 0 : i32
    %c0_i32_0 = arith.constant 0 : i32
    %c0_i32_1 = arith.constant 0 : i32
    return %c0_i32, %c0_i32_0 : i32, i32
  }
  func.func @transform_2(%arg0: i32) -> (i32, i32) {
    %c0_i32 = arith.constant 0 : i32
    %c0_i32_0 = arith.constant 0 : i32
    return %arg0, %c0_i32 : i32, i32
  }
}

module attributes {stable_mosaic.version = 14 : i64} {
  func.func @_scale_body(%arg0: i32, %arg1: memref<2x2000x1xf32, #tpu.memory_space<vmem>>, %arg2: memref<2000x128xf32, #tpu.memory_space<vmem>>, %arg3: memref<2000x128xf32, #tpu.memory_space<vmem>>, %arg4: memref<2000x1xf32, #tpu.memory_space<vmem>>) attributes {dimension_semantics = [#tpu.dimension_semantics<arbitrary>], iteration_bounds = array<i64: 5>, scalar_prefetch = 0 : i64, scratch_operands = 0 : i64, tpu.core_type = #tpu.core_type<tc>, window_params = [{transform_indices = @transform_0, window_bounds = array<i64: 2, 2000, 1>}, {transform_indices = @transform_1, window_bounds = array<i64: 2000, 128>}, {transform_indices = @transform_2, window_bounds = array<i64: 2000, 128>}, {transform_indices = @transform_3, window_bounds = array<i64: 2000, 1>}]} {
    %get3A = arith.constant 0 : index
    %get3A_0 = arith.constant 0 : index
    %get3A_1 = arith.constant 0 : index
    %get3A_2 = vector.load %arg1[%get3A, %get3A_0, %get3A_1] : memref<2x2000x1xf32, #tpu.memory_space<vmem>>, vector<1x2000x1xf32>
    %get3A_3 = vector.shape_cast %get3A_2 : vector<1x2000x1xf32> to vector<2000x1xf32>
    %get3A_4 = arith.constant 1 : index
    %get3A_5 = arith.constant 0 : index
    %get3A_6 = arith.constant 0 : index
    %get3A_7 = vector.load %arg1[%get3A_4, %get3A_5, %get3A_6] : memref<2x2000x1xf32, #tpu.memory_space<vmem>>, vector<1x2000x1xf32>
    %get3A_8 = vector.shape_cast %get3A_7 : vector<1x2000x1xf32> to vector<2000x1xf32>
    %add3A = arith.addf %get3A_3, %get3A_8 : vector<2000x1xf32>
    %add3A_9 = arith.constant 1.000000e+00 : f32
    %add3A_10 = vector.broadcast %add3A_9 : f32 to vector<2000x1xf32>
    %add3A_11 = arith.addf %add3A, %add3A_10 : vector<2000x1xf32>
    %rsqrt3A = math.rsqrt %add3A_11 : vector<2000x1xf32>
    %get3A_12 = arith.constant 0 : index
    %get3A_13 = arith.constant 0 : index
    %get3A_14 = vector.load %arg2[%get3A_12, %get3A_13] : memref<2000x128xf32, #tpu.memory_space<vmem>>, vector<2000x128xf32>
    %mul3A = vector.broadcast %rsqrt3A : vector<2000x1xf32> to vector<2000x128xf32>
    %mul3A_15 = arith.mulf %get3A_14, %mul3A : vector<2000x128xf32>
    %swap3A = arith.constant 0 : index
    %swap3A_16 = arith.constant 0 : index
    %swap3A_17 = vector.load %arg3[%swap3A, %swap3A_16] : memref<2000x128xf32, #tpu.memory_space<vmem>>, vector<2000x128xf32>
    tpu.vector_store %arg3[%swap3A, %swap3A_16], %mul3A_15 {strides = array<i32>} : memref<2000x128xf32, #tpu.memory_space<vmem>>, vector<2000x128xf32>,
    %swap3A_18 = arith.constant 0 : index
    %swap3A_19 = arith.constant 0 : index
    %swap3A_20 = vector.load %arg4[%swap3A_18, %swap3A_19] : memref<2000x1xf32, #tpu.memory_space<vmem>>, vector<2000x1xf32>
    tpu.vector_store %arg4[%swap3A_18, %swap3A_19], %rsqrt3A {strides = array<i32>} : memref<2000x1xf32, #tpu.memory_space<vmem>>, vector<2000x1xf32>,
    return
  }
  func.func @transform_0(%arg0: i32) -> (i32, i32, i32) {
    %c0_i32 = arith.constant 0 : i32
    %c0_i32_0 = arith.constant 0 : i32
    %c0_i32_1 = arith.constant 0 : i32
    return %c0_i32, %arg0, %c0_i32_0 : i32, i32, i32
  }
  func.func @transform_1(%arg0: i32) -> (i32, i32) {
    %c0_i32 = arith.constant 0 : i32
    %c0_i32_0 = arith.constant 0 : i32
    return %arg0, %c0_i32 : i32, i32
  }
  func.func @transform_2(%arg0: i32) -> (i32, i32) {
    %c0_i32 = arith.constant 0 : i32
    %c0_i32_0 = arith.constant 0 : i32
    return %arg0, %c0_i32 : i32, i32
  }
  func.func @transform_3(%arg0: i32) -> (i32, i32) {
    %c0_i32 = arith.constant 0 : i32
    %c0_i32_0 = arith.constant 0 : i32
    return %arg0, %c0_i32 : i32, i32
  }
}

module attributes {stable_mosaic.version = 14 : i64} {
  func.func @_tc2_body(%arg0: i32, %arg1: memref<2x2000x128xf32, #tpu.memory_space<vmem>>, %arg2: memref<2000x128xf32, #tpu.memory_space<vmem>>, %arg3: memref<2000x1xf32, #tpu.memory_space<vmem>>, %arg4: memref<1x128xf32, #tpu.memory_space<vmem>>, %arg5: memref<128x128xf32, #tpu.memory_space<vmem>>, %arg6: memref<2000x128xf32, #tpu.memory_space<vmem>>) attributes {dimension_semantics = [#tpu.dimension_semantics<arbitrary>], iteration_bounds = array<i64: 5>, scalar_prefetch = 0 : i64, scratch_operands = 0 : i64, tpu.core_type = #tpu.core_type<tc>, window_params = [{transform_indices = @transform_0, window_bounds = array<i64: 2, 2000, 128>}, {transform_indices = @transform_1, window_bounds = array<i64: 2000, 128>}, {transform_indices = @transform_2, window_bounds = array<i64: 2000, 1>}, {pipeline_mode = #tpu.pipeline_mode<synchronous>, transform_indices = @transform_3, window_bounds = array<i64: 1, 128>}, {pipeline_mode = #tpu.pipeline_mode<synchronous>, transform_indices = @transform_4, window_bounds = array<i64: 128, 128>}, {transform_indices = @transform_5, window_bounds = array<i64: 2000, 128>}]} {
    %get3A = arith.constant 0 : index
    %get3A_0 = arith.constant 0 : index
    %get3A_1 = vector.load %arg3[%get3A, %get3A_0] : memref<2000x1xf32, #tpu.memory_space<vmem>>, vector<2000x1xf32>
    %get3A_2 = arith.constant 0 : index
    %get3A_3 = arith.constant 0 : index
    %get3A_4 = arith.constant 0 : index
    %get3A_5 = vector.load %arg1[%get3A_2, %get3A_3, %get3A_4] : memref<2x2000x128xf32, #tpu.memory_space<vmem>>, vector<1x2000x128xf32>
    %get3A_6 = vector.shape_cast %get3A_5 : vector<1x2000x128xf32> to vector<2000x128xf32>
    %get3A_7 = arith.constant 1 : index
    %get3A_8 = arith.constant 0 : index
    %get3A_9 = arith.constant 0 : index
    %get3A_10 = vector.load %arg1[%get3A_7, %get3A_8, %get3A_9] : memref<2x2000x128xf32, #tpu.memory_space<vmem>>, vector<1x2000x128xf32>
    %get3A_11 = vector.shape_cast %get3A_10 : vector<1x2000x128xf32> to vector<2000x128xf32>
    %add3A = arith.addf %get3A_6, %get3A_11 : vector<2000x128xf32>
    %get3A_12 = arith.constant 0 : index
    %get3A_13 = arith.constant 0 : index
    %get3A_14 = vector.load %arg2[%get3A_12, %get3A_13] : memref<2000x128xf32, #tpu.memory_space<vmem>>, vector<2000x128xf32>
    %add3A_15 = arith.addf %add3A, %get3A_14 : vector<2000x128xf32>
    %mul3A = vector.broadcast %get3A_1 : vector<2000x1xf32> to vector<2000x128xf32>
    %mul3A_16 = arith.mulf %mul3A, %add3A_15 : vector<2000x128xf32>
    %get3A_17 = arith.constant 0 : index
    %get3A_18 = arith.constant 0 : index
    %get3A_19 = vector.load %arg4[%get3A_17, %get3A_18] : memref<1x128xf32, #tpu.memory_space<vmem>>, vector<1x128xf32>
    %add3A_20 = vector.broadcast %get3A_19 : vector<1x128xf32> to vector<2000x128xf32>
    %add3A_21 = arith.addf %mul3A_16, %add3A_20 : vector<2000x128xf32>
    %max3A = arith.constant 0.000000e+00 : f32
    %max3A_22 = vector.broadcast %max3A : f32 to vector<2000x128xf32>
    %max3A_23 = arith.maximumf %add3A_21, %max3A_22 : vector<2000x128xf32>
    %get3A_24 = arith.constant 0 : index
    %get3A_25 = arith.constant 0 : index
    %get3A_26 = vector.load %arg5[%get3A_24, %get3A_25] : memref<128x128xf32, #tpu.memory_space<vmem>>, vector<128x128xf32>
    %dot_general3A = arith.constant dense<0.000000e+00> : vector<2000x128xf32>
    %dot_general3A_27 = tpu.matmul %max3A_23, %get3A_26, %dot_general3A {dimension_numbers = #tpu.dot_dimension_numbers<[1], [0], [0], [1], [0, 0, 1, 1], [], []>, transpose_lhs_hint = false} : vector<2000x128xf32>, vector<128x128xf32>, vector<2000x128xf32> -> vector<2000x128xf32>
    %mul3A_28 = vector.broadcast %get3A_1 : vector<2000x1xf32> to vector<2000x128xf32>
    %mul3A_29 = arith.mulf %dot_general3A_27, %mul3A_28 : vector<2000x128xf32>
    %swap3A = arith.constant 0 : index
    %swap3A_30 = arith.constant 0 : index
    %swap3A_31 = vector.load %arg6[%swap3A, %swap3A_30] : memref<2000x128xf32, #tpu.memory_space<vmem>>, vector<2000x128xf32>
    tpu.vector_store %arg6[%swap3A, %swap3A_30], %mul3A_29 {strides = array<i32>} : memref<2000x128xf32, #tpu.memory_space<vmem>>, vector<2000x128xf32>,
    return
  }
  func.func @transform_0(%arg0: i32) -> (i32, i32, i32) {
    %c0_i32 = arith.constant 0 : i32
    %c0_i32_0 = arith.constant 0 : i32
    %c0_i32_1 = arith.constant 0 : i32
    return %c0_i32, %arg0, %c0_i32_0 : i32, i32, i32
  }
  func.func @transform_1(%arg0: i32) -> (i32, i32) {
    %c0_i32 = arith.constant 0 : i32
    %c0_i32_0 = arith.constant 0 : i32
    return %arg0, %c0_i32 : i32, i32
  }
  func.func @transform_2(%arg0: i32) -> (i32, i32) {
    %c0_i32 = arith.constant 0 : i32
    %c0_i32_0 = arith.constant 0 : i32
    return %arg0, %c0_i32 : i32, i32
  }
  func.func @transform_3(%arg0: i32) -> (i32, i32) {
    %c0_i32 = arith.constant 0 : i32
    %c0_i32_0 = arith.constant 0 : i32
    %c0_i32_1 = arith.constant 0 : i32
    return %c0_i32, %c0_i32_0 : i32, i32
  }
  func.func @transform_4(%arg0: i32) -> (i32, i32) {
    %c0_i32 = arith.constant 0 : i32
    %c0_i32_0 = arith.constant 0 : i32
    %c0_i32_1 = arith.constant 0 : i32
    return %c0_i32, %c0_i32_0 : i32, i32
  }
  func.func @transform_5(%arg0: i32) -> (i32, i32) {
    %c0_i32 = arith.constant 0 : i32
    %c0_i32_0 = arith.constant 0 : i32
    return %arg0, %c0_i32 : i32, i32
  }
}

module attributes {stable_mosaic.version = 14 : i64} {
  func.func @_tc3_body(%arg0: i32, %arg1: memref<2x2000x128xf32, #tpu.memory_space<vmem>>, %arg2: memref<2000x128xf32, #tpu.memory_space<vmem>>, %arg3: memref<2000x1xf32, #tpu.memory_space<vmem>>, %arg4: memref<1x128xf32, #tpu.memory_space<vmem>>, %arg5: memref<2000x128xf32, #tpu.memory_space<vmem>>) attributes {dimension_semantics = [#tpu.dimension_semantics<arbitrary>], iteration_bounds = array<i64: 5>, scalar_prefetch = 0 : i64, scratch_operands = 0 : i64, tpu.core_type = #tpu.core_type<tc>, window_params = [{transform_indices = @transform_0, window_bounds = array<i64: 2, 2000, 128>}, {transform_indices = @transform_1, window_bounds = array<i64: 2000, 128>}, {transform_indices = @transform_2, window_bounds = array<i64: 2000, 1>}, {pipeline_mode = #tpu.pipeline_mode<synchronous>, transform_indices = @transform_3, window_bounds = array<i64: 1, 128>}, {transform_indices = @transform_4, window_bounds = array<i64: 2000, 128>}]} {
    %get3A = arith.constant 0 : index
    %get3A_0 = arith.constant 0 : index
    %get3A_1 = vector.load %arg3[%get3A, %get3A_0] : memref<2000x1xf32, #tpu.memory_space<vmem>>, vector<2000x1xf32>
    %get3A_2 = arith.constant 0 : index
    %get3A_3 = arith.constant 0 : index
    %get3A_4 = arith.constant 0 : index
    %get3A_5 = vector.load %arg1[%get3A_2, %get3A_3, %get3A_4] : memref<2x2000x128xf32, #tpu.memory_space<vmem>>, vector<1x2000x128xf32>
    %get3A_6 = vector.shape_cast %get3A_5 : vector<1x2000x128xf32> to vector<2000x128xf32>
    %get3A_7 = arith.constant 1 : index
    %get3A_8 = arith.constant 0 : index
    %get3A_9 = arith.constant 0 : index
    %get3A_10 = vector.load %arg1[%get3A_7, %get3A_8, %get3A_9] : memref<2x2000x128xf32, #tpu.memory_space<vmem>>, vector<1x2000x128xf32>
    %get3A_11 = vector.shape_cast %get3A_10 : vector<1x2000x128xf32> to vector<2000x128xf32>
    %add3A = arith.addf %get3A_6, %get3A_11 : vector<2000x128xf32>
    %get3A_12 = arith.constant 0 : index
    %get3A_13 = arith.constant 0 : index
    %get3A_14 = vector.load %arg2[%get3A_12, %get3A_13] : memref<2000x128xf32, #tpu.memory_space<vmem>>, vector<2000x128xf32>
    %add3A_15 = arith.addf %add3A, %get3A_14 : vector<2000x128xf32>
    %mul3A = vector.broadcast %get3A_1 : vector<2000x1xf32> to vector<2000x128xf32>
    %mul3A_16 = arith.mulf %mul3A, %add3A_15 : vector<2000x128xf32>
    %get3A_17 = arith.constant 0 : index
    %get3A_18 = arith.constant 0 : index
    %get3A_19 = vector.load %arg4[%get3A_17, %get3A_18] : memref<1x128xf32, #tpu.memory_space<vmem>>, vector<1x128xf32>
    %add3A_20 = vector.broadcast %get3A_19 : vector<1x128xf32> to vector<2000x128xf32>
    %add3A_21 = arith.addf %mul3A_16, %add3A_20 : vector<2000x128xf32>
    %max3A = arith.constant 0.000000e+00 : f32
    %max3A_22 = vector.broadcast %max3A : f32 to vector<2000x128xf32>
    %max3A_23 = arith.maximumf %add3A_21, %max3A_22 : vector<2000x128xf32>
    %swap3A = arith.constant 0 : index
    %swap3A_24 = arith.constant 0 : index
    %swap3A_25 = vector.load %arg5[%swap3A, %swap3A_24] : memref<2000x128xf32, #tpu.memory_space<vmem>>, vector<2000x128xf32>
    tpu.vector_store %arg5[%swap3A, %swap3A_24], %max3A_23 {strides = array<i32>} : memref<2000x128xf32, #tpu.memory_space<vmem>>, vector<2000x128xf32>,
    return
  }
  func.func @transform_0(%arg0: i32) -> (i32, i32, i32) {
    %c0_i32 = arith.constant 0 : i32
    %c0_i32_0 = arith.constant 0 : i32
    %c0_i32_1 = arith.constant 0 : i32
    return %c0_i32, %arg0, %c0_i32_0 : i32, i32, i32
  }
  func.func @transform_1(%arg0: i32) -> (i32, i32) {
    %c0_i32 = arith.constant 0 : i32
    %c0_i32_0 = arith.constant 0 : i32
    return %arg0, %c0_i32 : i32, i32
  }
  func.func @transform_2(%arg0: i32) -> (i32, i32) {
    %c0_i32 = arith.constant 0 : i32
    %c0_i32_0 = arith.constant 0 : i32
    return %arg0, %c0_i32 : i32, i32
  }
  func.func @transform_3(%arg0: i32) -> (i32, i32) {
    %c0_i32 = arith.constant 0 : i32
    %c0_i32_0 = arith.constant 0 : i32
    %c0_i32_1 = arith.constant 0 : i32
    return %c0_i32, %c0_i32_0 : i32, i32
  }
  func.func @transform_4(%arg0: i32) -> (i32, i32) {
    %c0_i32 = arith.constant 0 : i32
    %c0_i32_0 = arith.constant 0 : i32
    return %arg0, %c0_i32 : i32, i32
  }
}

</mosaic_0001>

<sc_bundles>
// kernel: kernel.12.cloned.1.call-start
scs
__scs_entry_jumppad:
0x0: {  	(pc) =	sbr.rel $0x88, $3  }
0x1: {  	(tag) =	ssettag $0x0;
	lr =	simm.s32 $0x1  }
0x2: {  	[smem:$0x3F9B] =	sst lr;
	_ =	strace $0xD0000000  }
0x3: {  	_ = 	snop  }
0x4: {  	_ = 	snop  }
0x5: {  	_ = 	snop  }
0x6: {  	_ = 	snop  }
0x7: {  	_ = 	snop  }
__scs_overlays_trampoline_lowered:
0x8: {  	[smem:$0x3FAA] =	sst s0  }
0x9: {  	[smem:$0x3FAB] =	sst s1  }
0xa: {  	[smem:$0x3FAC] =	sst s2  }
0xb: {  	[smem:$0x3FAD] =	sst s3  }
0xc: {  	[smem:$0x3FAE] =	sst s4  }
0xd: {  	[smem:$0x3FAF] =	sst s5  }
0xe: {  	[smem:$0x3FB0] =	sst s6  }
0xf: {  	[smem:$0x3FB1] =	sst s7  }
0x10: {  	[smem:$0x3FB2] =	sst s8  }
0x11: {  	[smem:$0x3FB3] =	sst s9;
	s0 =	simm.s32 @!p0 $0x0  }
0x12: {  	s1 =	sld [smem:$0x3F99];
	s0 =	simm.s32 @p0 $0x1  }
0x13: {  	[smem:$0x3FB4] =	sst s0;
	s0 =	simm.s32 @!p1 $0x0  }
0x14: {  	s2 =	sld [smem:$0x3F98];
	s0 =	simm.s32 @p1 $0x1  }
0x15: {  	[smem:$0x3FB5] =	sst s0;
	s0 =	simm.s32 @!p2 $0x0  }
0x16: {  	s3 =	sld [smem:$0x3FDB];
	s0 =	simm.s32 @p2 $0x1  }
0x17: {  	s4 =	simm.s32 $0x1BF5;
	[smem:$0x3FB7] =	sst s0  }
0x18: {  	s0 =	sld [smem:$0x3F9A];
	_ =	swait.ge [sflag:s4], $0x0  }
0x19: {  	s7 =	sld [smem:$0x3F9B]  }
0x1a: {  	s8 =	sadd.s32 $0xFFFFE003, lr  }
0x1b: {  	s9 =	sadd.s32 $0xFFFFFEF7, lr;
	s5 =	simm.s32 $0xFFFFFFFF;
	p2 =	slt.u32 s8, $0xFFFFF086  }
0x1c: {  	p1 =	slt.u32 s9, $0xF7A;
	s5 =	simm.s32 @!p2 $0x0  }
0x1d: {  	s5 =	simm.s32 @p1 $0x1;
	p0 =	seq.s32 s7, s2  }
0x1e: {  	s7 =	smul.u32 @!p0 $0xF7A, s2;
	p2 =	seq.s32 @!p0 s5, $0x0  }
0x1f: {  	s9 =	smul.u32 $0xF7A, s1;
	s8 =	simm.s32 @!p0 $0x1BF5;
	p2 =	por !p2, p0  }
0x20: {  	[sflag:s8] =	ssyncset.s32 @!p0 $0xFFFFF086;
	s6 =	sadd.s32 @!p0 s3, s7;
	s7 =	simm.s32 @!p0 $0x108  }
0x21: {  	s3 =	sadd.s32 s3, s9;
	s6 =	sadd.s32 @!p0 $0x88, s6;
	s7 =	simm.s32 @p2 $0x1082  }
0x22: {  	[simem:s7], [sflag:s8] =	dma.local @!p0 [hbm:s6], $0xF7A  }
0x23: {  	s9 =	sor.u32 $0xD0000000, s2;
	s6 =	simm.s32 $0x108;
	_ =	swait.ge @!p0 [sflag:s8], $0x0  }
0x24: {  	s3 =	sadd.s32 $0x88, s3;
	s6 =	simm.s32 @!p1 $0x1082;
	[sflag:s4] =	ssyncset.s32 $0xFFFFF086  }
0x25: {  	[simem:s6], [sflag:s4] =	dma.local [hbm:s3], $0xF7A  }
0x26: {  	[smem:$0x3F9B] =	sst s1;
	(tag) =	ssettag s2;
	_ =	strace s9  }
0x27: {  	s1 =	sld [smem:$0x3FAB]  }
0x28: {  	s2 =	sld [smem:$0x3FAC]  }
0x29: {  	s4 =	sld [smem:$0x3FAE]  }
0x2a: {  	p0 =	seq.s32 s5, $0x0;
	s5 =	sld [smem:$0x3FAF]  }
0x2b: {  	s6 =	sld [smem:$0x3FB0]  }
0x2c: {  	s7 =	sld [smem:$0x3FB1]  }
0x2d: {  	s3 =	simm.s32 $0x108;
	s8 =	sld [smem:$0x3FB2]  }
0x2e: {  	s3 =	simm.s32 @!p0 $0x1082;
	s9 =	sld [smem:$0x3FB3]  }
0x2f: {  	lr =	sadd.s32 s0, s3;
	s0 =	sld [smem:$0x3FAA]  }
0x30: {  	s3 =	sld [smem:$0x3FAD]  }
0x31: {  	[smem:$0x3FB6] =	sst s10  }
0x32: {  	s10 =	sld [smem:$0x3FB4];
	_ =	sdelay $0x3  }
0x33: {  	p0 =	seq.s32 s10, $0x1;
	s10 =	sld [smem:$0x3FB6];
	_ =	sdelay $0x3  }
0x34: {  	[smem:$0x3FB6] =	sst s10  }
0x35: {  	s10 =	sld [smem:$0x3FB5];
	_ =	sdelay $0x3  }
0x36: {  	p1 =	seq.s32 s10, $0x1;
	s10 =	sld [smem:$0x3FB6];
	_ =	sdelay $0x3  }
0x37: {  	[smem:$0x3FB6] =	sst s10  }
0x38: {  	s10 =	sld [smem:$0x3FB7]  }
0x39: {  	_ = 	snop;
	(pc) =	sbr.ind lr, $3  }
0x3a: {  	_ = 	snop  }
0x3b: {  	_ = 	snop  }
0x3c: {  	p2 =	seq.s32 s10, $0x1;
	s10 =	sld [smem:$0x3FB6]  }
0x3d: {  	_ =	shalt  }
0x3e: {  	_ =	shalt  }
0x3f: {  	_ =	shalt  }
0x40: {  	_ =	shalt  }
0x41: {  	_ =	shalt  }
0x42: {  	_ =	shalt  }
0x43: {  	_ =	shalt  }
0x44: {  	_ =	shalt  }
0x45: {  	_ =	shalt  }
0x46: {  	_ =	shalt  }
0x47: {  	_ =	shalt  }
0x48: {  	_ =	shalt  }
0x49: {  	_ =	shalt  }
0x4a: {  	_ =	shalt  }
0x4b: {  	_ =	shalt  }
0x4c: {  	_ =	shalt  }
0x4d: {  	_ =	shalt  }
0x4e: {  	_ =	shalt  }
0x4f: {  	_ =	shalt  }
0x50: {  	_ =	shalt  }
0x51: {  	_ =	shalt  }
0x52: {  	_ =	shalt  }
0x53: {  	_ =	shalt  }
0x54: {  	_ =	shalt  }
0x55: {  	_ =	shalt  }
0x56: {  	_ =	shalt  }
0x57: {  	_ =	shalt  }
0x58: {  	_ =	shalt  }
0x59: {  	_ =	shalt  }
0x5a: {  	_ =	shalt  }
0x5b: {  	_ =	shalt  }
0x5c: {  	_ =	shalt  }
0x5d: {  	_ =	shalt  }
0x5e: {  	_ =	shalt  }
0x5f: {  	_ =	shalt  }
0x60: {  	_ =	shalt  }
0x61: {  	_ =	shalt  }
0x62: {  	_ =	shalt  }
0x63: {  	_ =	shalt  }
0x64: {  	_ =	shalt  }
0x65: {  	_ =	shalt  }
0x66: {  	_ =	shalt  }
0x67: {  	_ =	shalt  }
0x68: {  	_ =	shalt  }
0x69: {  	_ =	shalt  }
0x6a: {  	_ =	shalt  }
0x6b: {  	_ =	shalt  }
0x6c: {  	_ =	shalt  }
0x6d: {  	_ =	shalt  }
0x6e: {  	_ =	shalt  }
0x6f: {  	_ =	shalt  }
0x70: {  	_ =	shalt  }
0x71: {  	_ =	shalt  }
0x72: {  	_ =	shalt  }
0x73: {  	_ =	shalt  }
0x74: {  	_ =	shalt  }
0x75: {  	_ =	shalt  }
0x76: {  	_ =	shalt  }
0x77: {  	_ =	shalt  }
0x78: {  	_ =	shalt  }
0x79: {  	_ =	shalt  }
0x7a: {  	_ =	shalt  }
0x7b: {  	_ =	shalt  }
0x7c: {  	_ =	shalt  }
0x7d: {  	_ =	shalt  }
0x7e: {  	_ =	shalt  }
0x7f: {  	_ =	shalt  }
0x80: {  	_ =	shalt  }
0x81: {  	_ =	shalt  }
0x82: {  	_ =	shalt  }
0x83: {  	_ =	shalt  }
0x84: {  	_ =	shalt  }
0x85: {  	_ =	shalt  }
0x86: {  	_ =	shalt  }
0x87: {  	_ =	shalt  }
.Lfunc_end0:
.L_simem_size_0:
called_computation.1_lowered:
.L_overlay_start_0:
0x88: {  	s2 =	sld [smem:$0x3FD9]  }
0x89: {  	s3 =	sld [smem:$0x3FFE];
	_ =	sdelay $0x1  }
0x8a: {  	s1 =	srdreg.scid  }
0x8b: {  	s0 =	sand.u32 $0x1, s1  }
0x8c: {  	s17 =	sshll.u32 s0, $0xA;
	s2 =	sadd.s32 s3, s2  }
0x8d: {  	s2 =	sadd.s32 s2, s17  }
0x8e: {  	[smem:$0x3FC2] =	sst s2  }
0x8f: {  	_ = 	snop  }
0x90: {  	s2 =	sld [smem:$0x3FD0];
	(tm) =	ssettm $0x1  }
0x91: {  	s18 =	sld [smem:$0x3FFB];
	_ =	sdelay $0x3  }
0x92: {  	_ =	strace s18  }
0x93: {  	s3 =	sld [smem:$0x3FFC];
	_ =	sdelay $0x3  }
0x94: {  	_ =	strace s3  }
0x95: {  	s3 =	sld [smem:$0x3FFD];
	_ =	sdelay $0x3  }
0x96: {  	_ =	strace s3  }
0x97: {  	_ =	strace $0x8FFFFFFF  }
0x98: {  	s19 =	sld [smem:$0x3FDB];
	_ =	sdelay $0x1  }
0x99: {  	s4 =	simm.s32 $_scs_section_size  }
0x9a: {  	s5 =	simm.s32 $_size__tile_overlayer_lowered;
	s6 =	simm.s32 $_tile_overlayer_lowered  }
0x9b: {  	s22 =	simm.s32 $0x1BFF;
	s21 =	sshll.u32 s6, $0x1;
	s3 =	sadd.s32 s4, s19  }
0x9c: {  	s7 =	simm.s32 $0x0;
	s20 =	sshll.u32 s5, $0x1;
	s5 =	sadd.s32 s21, s3  }
0x9d: {  	[timem:s7], [sflag:s22] =	dma.local [hbm:s5], s20  }
0x9e: {  	_ =	swait.ge [sflag:s22], s20  }
0x9f: {  	s4 =	ssub.s32 $0x0, s20;
	[sflag:s22] =	ssyncset.done $0x0  }
0xa0: {  	[sflag:s22] =	ssyncadd.s32 s4;
	_ =	sdelay $0x1  }
0xa1: {  	s23 =	simm.s32 $0x1B8B  }
0xa2: {  	_ =	swait.ge [sflag:s23], $0x1  }
0xa3: {  	[sflag:s23] =	ssyncset.done $0x0  }
0xa4: {  	s25 =	simm.s32 $0x1B8E;
	s24 =	sld [smem:$0x3FFE];
	[sflag:s23] =	ssyncadd.s32 $0xFFFFFFFF  }
0xa5: {  	s26 =	simm.s32 $execute0_lowered;
	[smem:$0x3FD2] =	sst s25  }
0xa6: {  	s5 =	sshll.u32 s26, $0x1;
	_ =	strace $0x80000049;
	[dreg:$0x1] =	wrdreg $0xFFFFFFFF  }
0xa7: {  	s28 =	simm.s32 $_size_execute0_lowered;
	s3 =	sadd.s32 s3, s5;
	[dreg:$0x0] =	wrdreg $0x0  }
0xa8: {  	s5 =	sshll.u32 s28, $0x1;
	[dreg:$0x2] =	wrdreg s3  }
0xa9: {  	[dreg:$0x3] =	wrdreg s5  }
0xaa: {  	[dreg:$0x4] =	wrdreg $0xC0  }
0xab: {  	_ =	task [dreg:s7], $0x5FFFF  }
0xac: {  	[dreg:$0x1] =	wrdreg $0xFFFFFFFF  }
0xad: {  	[dreg:$0x0] =	wrdreg $0x60  }
0xae: {  	[dreg:$0x2] =	wrdreg s2  }
0xaf: {  	[dreg:$0x3] =	wrdreg s24  }
0xb0: {  	[dreg:$0x4] =	wrdreg $0xAA000  }
0xb1: {  	[dreg:$0x5] =	wrdreg $0x9  }
0xb2: {  	_ =	task.clear_ibuf [dreg:s7], $0x6FFFF;
	_ =	strace $0x90000049  }
0xb3: {  	s29 =	simm.s32 $0x9;
	_ =	strace $0x8000004B  }
0xb4: {  	_ =	swait.ge [sflag:s29], $0x1  }
0xb5: {  	[sflag:s29] =	ssyncadd.s32 $0xFFFFFFFF  }
0xb6: {  	_ =	strace $0x9000004B  }
0xb7: {  	_ =	sfence  }
0xb8: {  	s30 =	sld [smem:$0x0];
	_ =	sdelay $0x2  }
0xb9: {  	s31 =	sshll.u32 s1, $0xD;
	s1 =	sshrl.u32 s1, $0x2  }
0xba: {  	s3 =	sand.u32 $0x4000, s31;
	s1 =	sadd.s32 s1, s30  }
0xbb: {  	s0 =	sor.u32 s3, s0;
	s1 =	sshll.u32 s1, $0x11  }
0xbc: {  	s0 =	sor.u32 s1, s0  }
0xbd: {  	s0 =	sadd.s32 $0x8F2B, s0  }
0xbe: {  	[sflag:s0] =	ssyncadd.remote.s32 $0x1  }
0xbf: {  	_ =	sfence.sel $0xFFFF  }
0xc0: {  	[dreg:$0x0] =	wrdreg $0xFFFFFFFF;
	(pc) =	sbr.abs _section_cstart, $3  }
0xc1: {  	[dreg:$0x1] =	wrdreg $0xFFFFFFFF  }
0xc2: {  	_ =	task.clear_ibuf [dreg:s7], $0x2FFFF;
	_ =	strace $0x9FFFFFFF  }
0xc3: {  	(tm) =	ssettm $0x7FFFFFFF  }
tec
execute0_lowered:
.L_overlay_start_1:
0x0: {  	(tag) =	ssettag $0x1  }
0x1: {  	s0 =	rddreg [dreg:$0x0]  }
0x2: {  	s1 =	srdreg.scid;
	s2 =	rddreg [dreg:$0x1]  }
0x3: {  	s3 =	rddreg [dreg:$0x2];
	s11 =	stileid.u32  }
0x4: {  	s4 =	simm.s32 $0x0;
	s29 =	simm.s32 $0x6A00;
	s30 =	simm.s32 $0x1  }
0x5: {  	s31 =	simm.s32 $0x2900;
	s28 =	simm.s32 $0x0;
	s8 =	smul.u32 $0x50000, s11  }
0x6: {  	s1 =	sand.u32 $0x1, s1;
	[smem:$0x7FF] =	sst s4;
	s26 =	smul.u32 $0x278, s11  }
0x7: {  	s9 =	sadd.s32 $0xCC00, s2;
	s10 =	sadd.s32 $0xD400, s2;
	s15 =	smul.u32 $0x4F000, s11  }
0x8: {  	p0 =	seq.s32 s11, $0xF;
	s5 =	sshll.u32 s1, $0x4;
	_ =	strace $0x8000004A  }
0x9: {  	s7 =	ssub.s32 $0x2, s1;
	[dreg:$0x4] =	wrdreg s9;
	s1 =	smul.u32 $0x138800, s1  }
0xa: {  	s5 =	sor.u32 s11, s5;
	s24 =	sshrl.u32 s7, $0x1;
	s25 =	sshrl.u32 s8, $0x2  }
0xb: {  	s8 =	simm.s32 $0x188;
	s11 =	smul.u32 $0x13C00, s11;
	s18 =	sshll.u32 s26, $0x7  }
0xc: {  	s6 =	smul.u32 $0x500, s5;
	s9 =	ssub.s32 s7, s24;
	s7 =	sadd.s32 s25, s3  }
0xd: {  	s8 =	simm.s32 @!p0 $0x1F8;
	s13 =	sadd.s32 $0x4000, s18;
	s22 =	sadd.s32 $0x8000, s18  }
0xe: {  	s24 =	sadd.s32 $0xC000, s18;
	p0 =	seq.s32 s5, $0x1F;
	s14 =	sadd.s32 $0x4000, s7  }
0xf: {  	s16 =	sadd.s32 $0x8000, s7;
	s17 =	sadd.s32 $0xC000, s7;
	s12 =	sadd.s32 $0x10000, s7  }
0x10: {  	s11 =	sadd.s32 s11, s1;
	s20 =	sadd.s32 s1, s13;
	[dreg:$0x7] =	wrdreg s14  }
0x11: {  	s23 =	sadd.s32 s1, s22;
	s25 =	sadd.s32 s1, s24;
	[dreg:$0x8] =	wrdreg s16  }
0x12: {  	s6 =	sadd.s32 s6, s2;
	s2 =	sadd.s32 $0xC900, s2;
	[dreg:$0x9] =	wrdreg s17  }
0x13: {  	[dreg:$0xa] =	wrdreg s12;
	s19 =	sshrl.u32 s11, $0x3;
	s21 =	sshrl.u32 s20, $0x3  }
0x14: {  	s17 =	sadd.s32 s22, s3;
	s6 =	sadd.s32 $0x2E00, s6;
	[dreg:$0x6] =	wrdreg s2  }
0x15: {  	s2 =	sshrl.u32 s15, $0x2;
	s14 =	sadd.s32 s10, s19;
	s15 =	sadd.s32 s13, s3  }
0x16: {  	s16 =	sadd.s32 s10, s21;
	s19 =	sadd.s32 s24, s3;
	s24 =	simm.s32 $0x2A00  }
0x17: {  	[dreg:$0x5] =	wrdreg s6;
	s2 =	sadd.s32 s2, s3;
	s6 =	sadd.s32 s26, s8  }
0x18: {  	s26 =	sshrl.u32 s25, $0x3;
	s25 =	simm.s32 $0x80;
	[dreg:$0xb] =	wrdreg s2  }
0x19: {  	s2 =	sshrl.u32 s23, $0x3;
	s6 =	sshll.u32 s6, $0x7;
	s20 =	sadd.s32 s10, s26  }
0x1a: {  	s23 =	smax.u32 s9, $0x1;
	s26 =	simm.s32 $0x2980;
	s1 =	sadd.s32 s1, s6  }
0x1b: {  	s18 =	sadd.s32 s10, s2;
	s21 =	sadd.s32 s6, s3;
	s1 =	sshrl.u32 s1, $0x3  }
0x1c: {  	s2 =	simm.s32 $0x2;
	s22 =	sadd.s32 s10, s1;
	s1 =	simm.s32 $0x3  }
.LBB2_1:
0x1d: {  	s5 =	simm.s32 @p0 $0x0;
	s6 =	rddreg [dreg:$0x6]  }
0x1e: {  	[tilespmem:s5], [sflag:$0x3] =	stream.linear.gather @p0 [hbm4b:s6+s5], $0xA00, $0x38;
	[tilespmem:$0x1EA00] =	vst v63  }
0x1f: {  	s5 =	simm.s32 @p0 $0x3  }
0x20: {  	_ =	swait.ge @p0 [sflag:s5], $0xA00  }
0x21: {  	[sflag:s5] =	ssyncset.done @p0 $0x0  }
0x22: {  	s6 =	rddreg [dreg:$0x5];
	[sflag:s5] =	ssyncadd.s32 @p0 $0xFFFFF600;
	s5 =	simm.s32 @!p0 $0x0  }
0x23: {  	[tilespmem:s5], [sflag:$0x3] =	stream.linear.gather @!p0 [hbm4b:s6+s5], $0x2800, $0x38;
	[tilespmem:$0x1EA00] =	vst v63  }
0x24: {  	s5 =	simm.s32 @!p0 $0x3  }
0x25: {  	_ =	swait.ge @!p0 [sflag:s5], $0x2800  }
0x26: {  	[sflag:s5] =	ssyncset.done @!p0 $0x0  }
0x27: {  	s13 =	rddreg [dreg:$0x4];
	[sflag:s5] =	ssyncadd.s32 @!p0 $0xFFFFD800  }
0x28: {  	[tilespmem:s24], [sflag:$0x3] =	stream.linear.gather [hbm4b:s13+s4], $0x4000, $0x38;
	[tilespmem:$0x1EA00] =	vst v63  }
0x29: {  	_ =	swait.ge [sflag:s1], $0x4000  }
0x2a: {  	[sflag:s1] =	ssyncset.done $0x0  }
0x2b: {  	[sflag:s1] =	ssyncadd.s32 $0xFFFFC000  }
0x2c: {  	[spmem:s7] =	stream.linear.scatter [tilespmem:s24], [sflag:$0x3], $0x4000, $0x38;
	[tilespmem:$0x1EA00] =	vst v63  }
0x2d: {  	_ =	swait.ge [sflag:s1], $0x4000  }
0x2e: {  	[sflag:s1] =	ssyncset.done $0x0  }
0x2f: {  	s6 =	rddreg [dreg:$0x7];
	[sflag:s1] =	ssyncadd.s32 $0xFFFFC000  }
0x30: {  	[spmem:s6] =	stream.linear.scatter [tilespmem:s24], [sflag:$0x3], $0x4000, $0x38;
	[tilespmem:$0x1EA00] =	vst v63  }
0x31: {  	_ =	swait.ge [sflag:s1], $0x4000  }
0x32: {  	[sflag:s1] =	ssyncset.done $0x0  }
0x33: {  	s8 =	rddreg [dreg:$0x8];
	[sflag:s1] =	ssyncadd.s32 $0xFFFFC000  }
0x34: {  	[spmem:s8] =	stream.linear.scatter [tilespmem:s24], [sflag:$0x3], $0x4000, $0x38;
	[tilespmem:$0x1EA00] =	vst v63  }
0x35: {  	_ =	swait.ge [sflag:s1], $0x4000  }
0x36: {  	[sflag:s1] =	ssyncset.done $0x0  }
0x37: {  	s9 =	rddreg [dreg:$0x9];
	[sflag:s1] =	ssyncadd.s32 $0xFFFFC000  }
0x38: {  	[spmem:s9] =	stream.linear.scatter [tilespmem:s24], [sflag:$0x3], $0x4000, $0x38;
	[tilespmem:$0x1EA00] =	vst v63  }
0x39: {  	_ =	swait.ge [sflag:s1], $0x4000  }
0x3a: {  	[sflag:s1] =	ssyncset.done $0x0  }
0x3b: {  	s10 =	rddreg [dreg:$0xa];
	[sflag:s1] =	ssyncadd.s32 $0xFFFFC000  }
0x3c: {  	[spmem:s10] =	stream.linear.scatter [tilespmem:s24], [sflag:$0x3], $0x4000, $0x38;
	[tilespmem:$0x1EA00] =	vst v63  }
0x3d: {  	_ =	swait.ge [sflag:s1], $0x4000  }
0x3e: {  	[sflag:s1] =	ssyncset.done $0x0  }
0x3f: {  	[sflag:s1] =	ssyncadd.s32 $0xFFFFC000  }
0x40: {  	[bflag:$0x0] =	sbarrier.arrive $0xFFFF  }
0x41: {  	v0 =	vld [tilespmem:$0x0];
	_ =	sdelay $0x1  }
0x42: {  	v1 =	vld [tilespmem:$0x10];
	_ =	sdelay $0x1  }
0x43: {  	v2 =	vld [tilespmem:$0x20]  }
0x44: {  	v3 =	vand.u32 $0x3FFF, v0  }
0x45: {  	v22 =	vld [tilespmem:$0x30];
	v0 =	vshrl.u32 v0, $0xE;
	[tilespmem:$0x2800] =	vst v3  }
0x46: {  	v23 =	vand.u32 $0x3FFF, v1;
	[tilespmem:$0x2900] =	vst v0  }
0x47: {  	v25 =	vld [tilespmem:$0x40];
	v24 =	vshrl.u32 v1, $0xE;
	[tilespmem:$0x2810] =	vst v23  }
0x48: {  	v26 =	vand.u32 $0x3FFF, v2;
	[tilespmem:$0x2910] =	vst v24  }
0x49: {  	v28 =	vld [tilespmem:$0x50];
	v27 =	vshrl.u32 v2, $0xE;
	[tilespmem:$0x2820] =	vst v26  }
0x4a: {  	v29 =	vand.u32 $0x3FFF, v22;
	[tilespmem:$0x2920] =	vst v27  }
0x4b: {  	v31 =	vld [tilespmem:$0x60];
	v30 =	vshrl.u32 v22, $0xE;
	[tilespmem:$0x2830] =	vst v29  }
0x4c: {  	v32 =	vand.u32 $0x3FFF, v25;
	[tilespmem:$0x2930] =	vst v30  }
0x4d: {  	v34 =	vld [tilespmem:$0x70];
	v33 =	vshrl.u32 v25, $0xE;
	[tilespmem:$0x2840] =	vst v32  }
0x4e: {  	v35 =	vand.u32 $0x3FFF, v28;
	[tilespmem:$0x2940] =	vst v33  }
0x4f: {  	v36 =	vshrl.u32 v28, $0xE;
	[tilespmem:$0x2850] =	vst v35  }
0x50: {  	v37 =	vand.u32 $0x3FFF, v31;
	[tilespmem:$0x2950] =	vst v36  }
0x51: {  	v38 =	vshrl.u32 v31, $0xE;
	[tilespmem:$0x2860] =	vst v37  }
0x52: {  	v39 =	vand.u32 $0x3FFF, v34;
	[tilespmem:$0x2960] =	vst v38  }
0x53: {  	v40 =	vshrl.u32 v34, $0xE;
	[tilespmem:$0x2870] =	vst v39  }
0x54: {  	s11 =	simm.s32 $0x2800;
	[tilespmem:$0x2970] =	vst v40  }
0x55: {  	[tilespmem:s24], [sflag:$0x1] =	stream.indirect.gather [hbm4b:s0+s25], $0x80, s11, s25, $0xb8;
	[tilespmem:$0x1EA00] =	vst v63  }
0x56: {  	v41 =	vld [tilespmem:$0x80];
	_ =	sdelay $0x1  }
0x57: {  	v42 =	vld [tilespmem:$0x90];
	_ =	sdelay $0x1  }
0x58: {  	v43 =	vld [tilespmem:$0xA0]  }
0x59: {  	v44 =	vand.u32 $0x3FFF, v41  }
0x5a: {  	v45 =	vld [tilespmem:$0xB0];
	v0 =	vshrl.u32 v41, $0xE;
	[tilespmem:$0x2880] =	vst v44  }
0x5b: {  	v46 =	vand.u32 $0x3FFF, v42;
	[tilespmem:$0x2980] =	vst v0  }
0x5c: {  	v48 =	vld [tilespmem:$0xC0];
	v47 =	vshrl.u32 v42, $0xE;
	[tilespmem:$0x2890] =	vst v46  }
0x5d: {  	v49 =	vand.u32 $0x3FFF, v43;
	[tilespmem:$0x2990] =	vst v47  }
0x5e: {  	v51 =	vld [tilespmem:$0xD0];
	v50 =	vshrl.u32 v43, $0xE;
	[tilespmem:$0x28A0] =	vst v49  }
0x5f: {  	v52 =	vand.u32 $0x3FFF, v45;
	[tilespmem:$0x29A0] =	vst v50  }
0x60: {  	v54 =	vld [tilespmem:$0xE0];
	v53 =	vshrl.u32 v45, $0xE;
	[tilespmem:$0x28B0] =	vst v52  }
0x61: {  	v55 =	vand.u32 $0x3FFF, v48;
	[tilespmem:$0x29B0] =	vst v53  }
0x62: {  	v57 =	vld [tilespmem:$0xF0];
	v56 =	vshrl.u32 v48, $0xE;
	[tilespmem:$0x28C0] =	vst v55  }
0x63: {  	v58 =	vand.u32 $0x3FFF, v51;
	[tilespmem:$0x29C0] =	vst v56  }
0x64: {  	v59 =	vshrl.u32 v51, $0xE;
	[tilespmem:$0x28D0] =	vst v58  }
0x65: {  	v60 =	vand.u32 $0x3FFF, v54;
	[tilespmem:$0x29D0] =	vst v59  }
0x66: {  	v61 =	vshrl.u32 v54, $0xE;
	[tilespmem:$0x28E0] =	vst v60  }
0x67: {  	v62 =	vand.u32 $0x3FFF, v57;
	[tilespmem:$0x29E0] =	vst v61  }
0x68: {  	v63 =	vshrl.u32 v57, $0xE;
	[tilespmem:$0x28F0] =	vst v62  }
0x69: {  	s12 =	simm.s32 $0x2880;
	[tilespmem:$0x29F0] =	vst v63  }
0x6a: {  	[tilespmem:s29], [sflag:$0x2] =	stream.indirect.gather [hbm4b:s0+s25], $0x80, s12, s25, $0xb8;
	[tilespmem:$0x1EA00] =	vst v63  }
0x6b: {  	_ =	swait.ge [sflag:s30], $0x4000  }
0x6c: {  	[sflag:s30] =	ssyncset.done $0x0  }
0x6d: {  	[sflag:s30] =	ssyncadd.s32 $0xFFFFC000  }
0x6e: {  	[spmem:s3] =	stream.indirect.scatter.add.f32 [tilespmem:s24], [sflag:$0x3], $0x80, s31, s25, $0xb8;
	[tilespmem:$0x1EA00] =	vst v63  }
0x6f: {  	s6 =	simm.s32 @!p0 $0x50;
	_ =	swait.ge [sflag:s1], $0x4000  }
0x70: {  	s6 =	simm.s32 @p0 $0x14;
	[sflag:s1] =	ssyncset.done $0x0  }
0x71: {  	s5 =	simm.s32 $0x1F0;
	p1 =	sle.u32 s6, $0x2;
	[sflag:s1] =	ssyncadd.s32 $0xFFFFC000  }
0x72: {  	v0 =	vld @!p1 [tilespmem:s5+$0xFFFFFF10];
	_ =	sdelay $0x4  }
0x73: {  	v1 =	vand.u32 @!p1 $0x3FFF, v0  }
0x74: {  	v0 =	vshrl.u32 @!p1 v0, $0xE;
	[tilespmem:$0x2800] =	vst @!p1 v1  }
0x75: {  	[tilespmem:$0x2900] =	vst @!p1 v0  }
0x76: {  	v0 =	vld @!p1 [tilespmem:s5+$0xFFFFFF20];
	_ =	sdelay $0x4  }
0x77: {  	v1 =	vand.u32 @!p1 $0x3FFF, v0  }
0x78: {  	v0 =	vshrl.u32 @!p1 v0, $0xE;
	[tilespmem:$0x2810] =	vst @!p1 v1  }
0x79: {  	[tilespmem:$0x2910] =	vst @!p1 v0  }
0x7a: {  	v0 =	vld @!p1 [tilespmem:s5+$0xFFFFFF30];
	_ =	sdelay $0x4  }
0x7b: {  	v1 =	vand.u32 @!p1 $0x3FFF, v0  }
0x7c: {  	v0 =	vshrl.u32 @!p1 v0, $0xE;
	[tilespmem:$0x2820] =	vst @!p1 v1  }
0x7d: {  	[tilespmem:$0x2920] =	vst @!p1 v0  }
0x7e: {  	v0 =	vld @!p1 [tilespmem:s5+$0xFFFFFF40];
	_ =	sdelay $0x4  }
0x7f: {  	v1 =	vand.u32 @!p1 $0x3FFF, v0  }
0x80: {  	v0 =	vshrl.u32 @!p1 v0, $0xE;
	[tilespmem:$0x2830] =	vst @!p1 v1  }
0x81: {  	[tilespmem:$0x2930] =	vst @!p1 v0  }
0x82: {  	v0 =	vld @!p1 [tilespmem:s5+$0xFFFFFF50];
	_ =	sdelay $0x4  }
0x83: {  	v1 =	vand.u32 @!p1 $0x3FFF, v0  }
0x84: {  	v0 =	vshrl.u32 @!p1 v0, $0xE;
	[tilespmem:$0x2840] =	vst @!p1 v1  }
0x85: {  	[tilespmem:$0x2940] =	vst @!p1 v0  }
0x86: {  	v0 =	vld @!p1 [tilespmem:s5+$0xFFFFFF60];
	_ =	sdelay $0x4  }
0x87: {  	v1 =	vand.u32 @!p1 $0x3FFF, v0  }
0x88: {  	v0 =	vshrl.u32 @!p1 v0, $0xE;
	[tilespmem:$0x2850] =	vst @!p1 v1  }
0x89: {  	[tilespmem:$0x2950] =	vst @!p1 v0  }
0x8a: {  	v0 =	vld @!p1 [tilespmem:s5+$0xFFFFFF70];
	_ =	sdelay $0x4  }
0x8b: {  	v1 =	vand.u32 @!p1 $0x3FFF, v0  }
0x8c: {  	v0 =	vshrl.u32 @!p1 v0, $0xE;
	[tilespmem:$0x2860] =	vst @!p1 v1  }
0x8d: {  	[tilespmem:$0x2960] =	vst @!p1 v0  }
0x8e: {  	v0 =	vld @!p1 [tilespmem:s5+$0xFFFFFF80];
	_ =	sdelay $0x4  }
0x8f: {  	v1 =	vand.u32 @!p1 $0x3FFF, v0  }
0x90: {  	v0 =	vshrl.u32 @!p1 v0, $0xE;
	[tilespmem:$0x2870] =	vst @!p1 v1  }
0x91: {  	s8 =	simm.s32 @!p1 $0x80;
	s9 =	simm.s32 @!p1 $0x2800;
	s10 =	simm.s32 @!p1 $0x2A00;
	[tilespmem:$0x2970] =	vst @!p1 v0  }
0x92: {  	[tilespmem:s10], [sflag:$0x1] =	stream.indirect.gather @!p1 [hbm4b:s0+s8], $0x80, s9, s8, $0xb8;
	[tilespmem:$0x1EA00] =	vst v63  }
0x93: {  	_ =	swait.ge [sflag:s2], $0x4000  }
0x94: {  	[sflag:s2] =	ssyncset.done $0x0  }
0x95: {  	[sflag:s2] =	ssyncadd.s32 $0xFFFFC000  }
0x96: {  	[spmem:s3] =	stream.indirect.scatter.add.f32 [tilespmem:s29], [sflag:$0x3], $0x80, s26, s25, $0xb8;
	[tilespmem:$0x1EA00] =	vst v63  }
0x97: {  	_ =	swait.ge [sflag:s1], $0x4000  }
0x98: {  	[sflag:s1] =	ssyncset.done $0x0  }
0x99: {  	p2 =	sle.u32 s6, $0x3;
	[sflag:s1] =	ssyncadd.s32 $0xFFFFC000  }
0x9a: {  	v0 =	vld @!p2 [tilespmem:s5+$0xFFFFFF90];
	_ =	sdelay $0x4  }
0x9b: {  	v1 =	vand.u32 @!p2 $0x3FFF, v0  }
0x9c: {  	v0 =	vshrl.u32 @!p2 v0, $0xE;
	[tilespmem:$0x2880] =	vst @!p2 v1  }
0x9d: {  	[tilespmem:$0x2980] =	vst @!p2 v0  }
0x9e: {  	v0 =	vld @!p2 [tilespmem:s5+$0xFFFFFFA0];
	_ =	sdelay $0x4  }
0x9f: {  	v1 =	vand.u32 @!p2 $0x3FFF, v0  }
0xa0: {  	v0 =	vshrl.u32 @!p2 v0, $0xE;
	[tilespmem:$0x2890] =	vst @!p2 v1  }
0xa1: {  	[tilespmem:$0x2990] =	vst @!p2 v0  }
0xa2: {  	v0 =	vld @!p2 [tilespmem:s5+$0xFFFFFFB0];
	_ =	sdelay $0x4  }
0xa3: {  	v1 =	vand.u32 @!p2 $0x3FFF, v0  }
0xa4: {  	v0 =	vshrl.u32 @!p2 v0, $0xE;
	[tilespmem:$0x28A0] =	vst @!p2 v1  }
0xa5: {  	[tilespmem:$0x29A0] =	vst @!p2 v0  }
0xa6: {  	v0 =	vld @!p2 [tilespmem:s5+$0xFFFFFFC0];
	_ =	sdelay $0x4  }
0xa7: {  	v1 =	vand.u32 @!p2 $0x3FFF, v0  }
0xa8: {  	v0 =	vshrl.u32 @!p2 v0, $0xE;
	[tilespmem:$0x28B0] =	vst @!p2 v1  }
0xa9: {  	[tilespmem:$0x29B0] =	vst @!p2 v0  }
0xaa: {  	v0 =	vld @!p2 [tilespmem:s5+$0xFFFFFFD0];
	_ =	sdelay $0x4  }
0xab: {  	v1 =	vand.u32 @!p2 $0x3FFF, v0  }
0xac: {  	v0 =	vshrl.u32 @!p2 v0, $0xE;
	[tilespmem:$0x28C0] =	vst @!p2 v1  }
0xad: {  	[tilespmem:$0x29C0] =	vst @!p2 v0  }
0xae: {  	s13 =	sshrl.u32 s6, $0x1;
	v0 =	vld @!p2 [tilespmem:s5+$0xFFFFFFE0]  }
0xaf: {  	s8 =	sadd.s32 $0xFFFFFFFF, s13  }
0xb0: {  	p1 =	sne.s32 s8, $0x0  }
.Ltmp0:
0xb1: {  	_ = 	snop;
	(pc) =	sbr.rel @!p1 .LBB2_3-.Ltmp0, $4  }
0xb2: {  	_ = 	snop  }
0xb3: {  	v1 =	vand.u32 @!p2 $0x3FFF, v0  }
0xb4: {  	s11 =	simm.s32 @!p2 $0x80;
	s12 =	simm.s32 @!p2 $0x2880;
	v0 =	vshrl.u32 @!p2 v0, $0xE;
	[tilespmem:$0x28D0] =	vst @!p2 v1  }
0xb5: {  	s13 =	simm.s32 @!p2 $0x6A00;
	s9 =	simm.s32 $0x3;
	s10 =	simm.s32 $0x1F0;
	[tilespmem:$0x29D0] =	vst @!p2 v0  }
.LBB2_2:
0xb6: {  	s8 =	sadd.s32 $0xFFFFFFFF, s8;
	v0 =	vld @!p2 [tilespmem:s5+$0xFFFFFFF0];
	s9 =	sadd.s32 $0x2, s9;
	s10 =	sadd.s32 $0x100, s10  }
0xb7: {  	p1 =	sne.s32 s8, $0x0;
	_ =	sdelay $0x3  }
0xb8: {  	v1 =	vand.u32 @!p2 $0x3FFF, v0;
	v0 =	vshrl.u32 @!p2 v0, $0xE  }
0xb9: {  	[tilespmem:$0x28E0] =	vst @!p2 v1  }
0xba: {  	[tilespmem:$0x29E0] =	vst @!p2 v0  }
0xbb: {  	v0 =	vld @!p2 [tilespmem:s5+$0x0];
	s5 =	smov.u32 s10;
	_ =	sdelay $0x4  }
0xbc: {  	v1 =	vand.u32 @!p2 $0x3FFF, v0;
	v0 =	vshrl.u32 @!p2 v0, $0xE  }
0xbd: {  	[tilespmem:$0x28F0] =	vst @!p2 v1  }
0xbe: {  	[tilespmem:$0x29F0] =	vst @!p2 v0  }
0xbf: {  	[tilespmem:s13], [sflag:$0x2] =	stream.indirect.gather @!p2 [hbm4b:s0+s11], $0x80, s12, s11, $0xb8;
	[tilespmem:$0x1EA00] =	vst v63  }
0xc0: {  	_ =	swait.ge [sflag:s30], $0x4000  }
0xc1: {  	[sflag:s30] =	ssyncset.done $0x0  }
0xc2: {  	[sflag:s30] =	ssyncadd.s32 $0xFFFFC000  }
0xc3: {  	[spmem:s3] =	stream.indirect.scatter.add.f32 [tilespmem:s24], [sflag:$0x3], $0x80, s31, s25, $0xb8;
	[tilespmem:$0x1EA00] =	vst v63  }
0xc4: {  	_ =	swait.ge [sflag:s1], $0x4000  }
0xc5: {  	s11 =	sadd.s32 $0xFFFFFFFF, s9;
	[sflag:s1] =	ssyncset.done $0x0  }
0xc6: {  	p2 =	sge.u32 s11, s6;
	[sflag:s1] =	ssyncadd.s32 $0xFFFFC000  }
0xc7: {  	v0 =	vld @!p2 [tilespmem:s10+$0xFFFFFF10];
	_ =	sdelay $0x4  }
0xc8: {  	v1 =	vand.u32 @!p2 $0x3FFF, v0;
	v0 =	vshrl.u32 @!p2 v0, $0xE  }
0xc9: {  	[tilespmem:$0x2800] =	vst @!p2 v1  }
0xca: {  	[tilespmem:$0x2900] =	vst @!p2 v0  }
0xcb: {  	v0 =	vld @!p2 [tilespmem:s10+$0xFFFFFF20];
	_ =	sdelay $0x4  }
0xcc: {  	v1 =	vand.u32 @!p2 $0x3FFF, v0;
	v0 =	vshrl.u32 @!p2 v0, $0xE  }
0xcd: {  	[tilespmem:$0x2810] =	vst @!p2 v1  }
0xce: {  	[tilespmem:$0x2910] =	vst @!p2 v0  }
0xcf: {  	v0 =	vld @!p2 [tilespmem:s10+$0xFFFFFF30];
	_ =	sdelay $0x4  }
0xd0: {  	v1 =	vand.u32 @!p2 $0x3FFF, v0;
	v0 =	vshrl.u32 @!p2 v0, $0xE  }
0xd1: {  	[tilespmem:$0x2820] =	vst @!p2 v1  }
0xd2: {  	[tilespmem:$0x2920] =	vst @!p2 v0  }
0xd3: {  	v0 =	vld @!p2 [tilespmem:s10+$0xFFFFFF40];
	_ =	sdelay $0x4  }
0xd4: {  	v1 =	vand.u32 @!p2 $0x3FFF, v0;
	v0 =	vshrl.u32 @!p2 v0, $0xE  }
0xd5: {  	[tilespmem:$0x2830] =	vst @!p2 v1  }
0xd6: {  	[tilespmem:$0x2930] =	vst @!p2 v0  }
0xd7: {  	v0 =	vld @!p2 [tilespmem:s10+$0xFFFFFF50];
	_ =	sdelay $0x4  }
0xd8: {  	v1 =	vand.u32 @!p2 $0x3FFF, v0;
	v0 =	vshrl.u32 @!p2 v0, $0xE  }
0xd9: {  	[tilespmem:$0x2840] =	vst @!p2 v1  }
0xda: {  	[tilespmem:$0x2940] =	vst @!p2 v0  }
0xdb: {  	v0 =	vld @!p2 [tilespmem:s10+$0xFFFFFF60];
	_ =	sdelay $0x4  }
0xdc: {  	v1 =	vand.u32 @!p2 $0x3FFF, v0;
	v0 =	vshrl.u32 @!p2 v0, $0xE  }
0xdd: {  	[tilespmem:$0x2850] =	vst @!p2 v1  }
0xde: {  	[tilespmem:$0x2950] =	vst @!p2 v0  }
0xdf: {  	v0 =	vld @!p2 [tilespmem:s10+$0xFFFFFF70];
	_ =	sdelay $0x4  }
0xe0: {  	v1 =	vand.u32 @!p2 $0x3FFF, v0;
	v0 =	vshrl.u32 @!p2 v0, $0xE  }
0xe1: {  	[tilespmem:$0x2860] =	vst @!p2 v1  }
0xe2: {  	s11 =	simm.s32 @!p2 $0x80;
	s12 =	simm.s32 @!p2 $0x2800;
	s13 =	simm.s32 @!p2 $0x2A00;
	[tilespmem:$0x2960] =	vst @!p2 v0  }
0xe3: {  	v0 =	vld @!p2 [tilespmem:s10+$0xFFFFFF80];
	_ =	sdelay $0x4  }
0xe4: {  	v1 =	vand.u32 @!p2 $0x3FFF, v0;
	v0 =	vshrl.u32 @!p2 v0, $0xE  }
0xe5: {  	[tilespmem:$0x2870] =	vst @!p2 v1  }
0xe6: {  	[tilespmem:$0x2970] =	vst @!p2 v0  }
0xe7: {  	[tilespmem:s13], [sflag:$0x1] =	stream.indirect.gather @!p2 [hbm4b:s0+s11], $0x80, s12, s11, $0xb8;
	[tilespmem:$0x1EA00] =	vst v63  }
0xe8: {  	_ =	swait.ge [sflag:s2], $0x4000  }
0xe9: {  	[sflag:s2] =	ssyncset.done $0x0  }
0xea: {  	[sflag:s2] =	ssyncadd.s32 $0xFFFFC000  }
0xeb: {  	[spmem:s3] =	stream.indirect.scatter.add.f32 [tilespmem:s29], [sflag:$0x3], $0x80, s26, s25, $0xb8;
	[tilespmem:$0x1EA00] =	vst v63  }
0xec: {  	_ =	swait.ge [sflag:s1], $0x4000  }
0xed: {  	[sflag:s1] =	ssyncset.done $0x0  }
0xee: {  	p2 =	sge.u32 s9, s6;
	[sflag:s1] =	ssyncadd.s32 $0xFFFFC000  }
0xef: {  	v0 =	vld @!p2 [tilespmem:s10+$0xFFFFFF90];
	_ =	sdelay $0x4  }
0xf0: {  	v1 =	vand.u32 @!p2 $0x3FFF, v0;
	v0 =	vshrl.u32 @!p2 v0, $0xE  }
0xf1: {  	[tilespmem:$0x2880] =	vst @!p2 v1  }
0xf2: {  	[tilespmem:$0x2980] =	vst @!p2 v0  }
0xf3: {  	v0 =	vld @!p2 [tilespmem:s10+$0xFFFFFFA0];
	_ =	sdelay $0x4  }
0xf4: {  	v1 =	vand.u32 @!p2 $0x3FFF, v0;
	v0 =	vshrl.u32 @!p2 v0, $0xE  }
0xf5: {  	[tilespmem:$0x2890] =	vst @!p2 v1  }
0xf6: {  	[tilespmem:$0x2990] =	vst @!p2 v0  }
0xf7: {  	v0 =	vld @!p2 [tilespmem:s10+$0xFFFFFFB0];
	_ =	sdelay $0x4  }
0xf8: {  	v1 =	vand.u32 @!p2 $0x3FFF, v0;
	v0 =	vshrl.u32 @!p2 v0, $0xE  }
0xf9: {  	[tilespmem:$0x28A0] =	vst @!p2 v1  }
0xfa: {  	[tilespmem:$0x29A0] =	vst @!p2 v0  }
0xfb: {  	v0 =	vld @!p2 [tilespmem:s10+$0xFFFFFFC0];
	_ =	sdelay $0x4  }
0xfc: {  	v1 =	vand.u32 @!p2 $0x3FFF, v0;
	v0 =	vshrl.u32 @!p2 v0, $0xE  }
0xfd: {  	[tilespmem:$0x28B0] =	vst @!p2 v1  }
0xfe: {  	[tilespmem:$0x29B0] =	vst @!p2 v0  }
0xff: {  	v0 =	vld @!p2 [tilespmem:s10+$0xFFFFFFD0];
	_ =	sdelay $0x4  }
0x100: {  	v1 =	vand.u32 @!p2 $0x3FFF, v0;
	v0 =	vshrl.u32 @!p2 v0, $0xE  }
0x101: {  	[tilespmem:$0x28C0] =	vst @!p2 v1  }
0x102: {  	[tilespmem:$0x29C0] =	vst @!p2 v0  }
0x103: {  	v0 =	vld @!p2 [tilespmem:s10+$0xFFFFFFE0];
	_ =	sdelay $0x2  }
.Ltmp1:
0x104: {  	(pc) =	sbr.rel @p1 .LBB2_2-.Ltmp1, $4  }
0x105: {  	_ = 	snop  }
0x106: {  	v1 =	vand.u32 @!p2 $0x3FFF, v0;
	v0 =	vshrl.u32 @!p2 v0, $0xE  }
0x107: {  	[tilespmem:$0x28D0] =	vst @!p2 v1  }
0x108: {  	s11 =	simm.s32 @!p2 $0x80;
	s12 =	simm.s32 @!p2 $0x2880;
	s13 =	simm.s32 @!p2 $0x6A00;
	[tilespmem:$0x29D0] =	vst @!p2 v0  }
.LBB2_3:
0x109: {  	v0 =	vld @!p2 [tilespmem:s5+$0xFFFFFFF0];
	_ =	sdelay $0x4  }
0x10a: {  	v1 =	vand.u32 @!p2 $0x3FFF, v0  }
0x10b: {  	v0 =	vshrl.u32 @!p2 v0, $0xE;
	[tilespmem:$0x28E0] =	vst @!p2 v1  }
0x10c: {  	[tilespmem:$0x29E0] =	vst @!p2 v0  }
0x10d: {  	v0 =	vld @!p2 [tilespmem:s5+$0x0];
	_ =	sdelay $0x4  }
0x10e: {  	v1 =	vand.u32 @!p2 $0x3FFF, v0  }
0x10f: {  	v0 =	vshrl.u32 @!p2 v0, $0xE;
	[tilespmem:$0x28F0] =	vst @!p2 v1  }
0x110: {  	[tilespmem:$0x29F0] =	vst @!p2 v0  }
0x111: {  	[tilespmem:s13], [sflag:$0x2] =	stream.indirect.gather @!p2 [hbm4b:s0+s11], $0x80, s12, s11, $0xb8;
	[tilespmem:$0x1EA00] =	vst v63  }
0x112: {  	[bflag:$0x0] =	sbarrier.arrive $0xFFFF  }
0x113: {  	s13 =	rddreg [dreg:$0xb]  }
0x114: {  	[tilespmem:s24], [sflag:$0x3] =	stream.linear.gather [spmem:s13], $0x4000, $0x38;
	[tilespmem:$0x1EA00] =	vst v63  }
0x115: {  	_ =	swait.ge [sflag:s1], $0x4000  }
0x116: {  	[sflag:s1] =	ssyncset.done $0x0  }
0x117: {  	[sflag:s1] =	ssyncadd.s32 $0xFFFFC000  }
0x118: {  	[hbm4b:s14+s4] =	stream.linear.scatter [tilespmem:s24], [sflag:$0x3], $0x4000, $0x38;
	[tilespmem:$0x1EA00] =	vst v63  }
0x119: {  	_ =	swait.ge [sflag:s1], $0x4000  }
0x11a: {  	[sflag:s1] =	ssyncset.done $0x0  }
0x11b: {  	[sflag:s1] =	ssyncadd.s32 $0xFFFFC000  }
0x11c: {  	[tilespmem:s29], [sflag:$0x3] =	stream.linear.gather [spmem:s15], $0x4000, $0x38;
	[tilespmem:$0x1EA00] =	vst v63  }
0x11d: {  	_ =	swait.ge [sflag:s1], $0x4000  }
0x11e: {  	[sflag:s1] =	ssyncset.done $0x0  }
0x11f: {  	[sflag:s1] =	ssyncadd.s32 $0xFFFFC000  }
0x120: {  	[hbm4b:s16+s4] =	stream.linear.scatter [tilespmem:s29], [sflag:$0x3], $0x4000, $0x38;
	[tilespmem:$0x1EA00] =	vst v63  }
0x121: {  	_ =	swait.ge [sflag:s1], $0x4000  }
0x122: {  	[sflag:s1] =	ssyncset.done $0x0  }
0x123: {  	[sflag:s1] =	ssyncadd.s32 $0xFFFFC000  }
0x124: {  	[tilespmem:s24], [sflag:$0x3] =	stream.linear.gather [spmem:s17], $0x4000, $0x38;
	[tilespmem:$0x1EA00] =	vst v63  }
0x125: {  	_ =	swait.ge [sflag:s1], $0x4000  }
0x126: {  	[sflag:s1] =	ssyncset.done $0x0  }
0x127: {  	[sflag:s1] =	ssyncadd.s32 $0xFFFFC000  }
0x128: {  	[hbm4b:s18+s4] =	stream.linear.scatter [tilespmem:s24], [sflag:$0x3], $0x4000, $0x38;
	[tilespmem:$0x1EA00] =	vst v63  }
0x129: {  	_ =	swait.ge [sflag:s1], $0x4000  }
0x12a: {  	[sflag:s1] =	ssyncset.done $0x0  }
0x12b: {  	[sflag:s1] =	ssyncadd.s32 $0xFFFFC000  }
0x12c: {  	[tilespmem:s29], [sflag:$0x3] =	stream.linear.gather [spmem:s19], $0x4000, $0x38;
	[tilespmem:$0x1EA00] =	vst v63  }
0x12d: {  	_ =	swait.ge [sflag:s1], $0x4000  }
0x12e: {  	[sflag:s1] =	ssyncset.done $0x0  }
0x12f: {  	[sflag:s1] =	ssyncadd.s32 $0xFFFFC000  }
0x130: {  	[hbm4b:s20+s4] =	stream.linear.scatter [tilespmem:s29], [sflag:$0x3], $0x4000, $0x38;
	[tilespmem:$0x1EA00] =	vst v63  }
0x131: {  	_ =	swait.ge [sflag:s1], $0x4000  }
0x132: {  	[sflag:s1] =	ssyncset.done $0x0  }
0x133: {  	[sflag:s1] =	ssyncadd.s32 $0xFFFFC000  }
0x134: {  	[tilespmem:s24], [sflag:$0x3] =	stream.linear.gather [spmem:s21], $0x4000, $0x38;
	[tilespmem:$0x1EA00] =	vst v63  }
0x135: {  	s28 =	sadd.s32 $0x1, s28;
	_ =	swait.ge [sflag:s1], $0x4000  }
0x136: {  	p1 =	sne.s32 s28, s23;
	[sflag:s1] =	ssyncset.done $0x0  }
.Ltmp2:
0x137: {  	[sflag:s1] =	ssyncadd.s32 $0xFFFFC000;
	(pc) =	sbr.rel @p1 .LBB2_1-.Ltmp2, $4  }
0x138: {  	[hbm4b:s22+s4] =	stream.linear.scatter [tilespmem:s24], [sflag:$0x3], $0x4000, $0x38;
	[tilespmem:$0x1EA00] =	vst v63  }
0x139: {  	_ =	swait.ge [sflag:s1], $0x4000  }
0x13a: {  	[sflag:s1] =	ssyncset.done $0x0  }
0x13b: {  	[sflag:s1] =	ssyncadd.s32 $0xFFFFC000  }
0x13c: {  	_ =	sfence.sel $0x180000  }
0x13d: {  	[bflag:$0x0] =	sbarrier.arrive $0xFFFF  }
0x13e: {  	_ =	strace $0x9000004A  }
0x13f: {  	s0 =	stileid.u32;
	[bflag:$0x2] =	sbarrier.arrive $0xFFFF  }
0x140: {  	p0 =	sne.s32 s0, $0x0;
	s0 =	rddreg [dreg:$0x3]  }
0x141: {  	s0 =	sadd.s32 @!p0 $0x100000, s0  }
0x142: {  	[sflag:s0] =	ssyncadd.tile.s32 @!p0 $0x1;
	_ =	shalt  }
.Lfunc_end2:
_tile_overlayer_lowered:
.L_overlay_start_2:
0x143: {  	(tag) =	ssettag $0x2  }
0x144: {  	s0 =	rddreg [dreg:$0x0];
	s2 =	stileid.u32  }
0x145: {  	s1 =	rddreg [dreg:$0x1];
	p0 =	sne.s32 s2, $0x0  }
0x146: {  	s3 =	rddreg [dreg:$0x2];
	[bflag:$0x3] =	sbarrier.arrive $0xFFFF;
	s2 =	simm.s32 @!p0 $0x1C03  }
0x147: {  	[timem:s3], [sflag:s2] =	dma.local @!p0 [hbm:s0], s1  }
0x148: {  	s0 =	simm.s32 @!p0 $0x3  }
0x149: {  	_ =	swait.ge @!p0 [sflag:s0], s1  }
0x14a: {  	s1 =	ssub.s32 @!p0 $0x0, s1;
	[sflag:s0] =	ssyncset.done @!p0 $0x0  }
0x14b: {  	[sflag:s0] =	ssyncadd.s32 @!p0 s1  }
0x14c: {  	[bflag:$0x3] =	sbarrier.arrive $0xFFFF  }
0x14d: {  	_ =	shalt  }

// kernel: kernel.15.cloned.1.call-start
scs
__scs_entry_jumppad:
0x0: {  	(pc) =	sbr.rel $0x88, $3  }
0x1: {  	(tag) =	ssettag $0x0;
	lr =	simm.s32 $0x1  }
0x2: {  	[smem:$0x3F9B] =	sst lr;
	_ =	strace $0xD0000000  }
0x3: {  	_ = 	snop  }
0x4: {  	_ = 	snop  }
0x5: {  	_ = 	snop  }
0x6: {  	_ = 	snop  }
0x7: {  	_ = 	snop  }
__scs_overlays_trampoline_lowered:
0x8: {  	[smem:$0x3FAA] =	sst s0  }
0x9: {  	[smem:$0x3FAB] =	sst s1  }
0xa: {  	[smem:$0x3FAC] =	sst s2  }
0xb: {  	[smem:$0x3FAD] =	sst s3  }
0xc: {  	[smem:$0x3FAE] =	sst s4  }
0xd: {  	[smem:$0x3FAF] =	sst s5  }
0xe: {  	[smem:$0x3FB0] =	sst s6  }
0xf: {  	[smem:$0x3FB1] =	sst s7  }
0x10: {  	[smem:$0x3FB2] =	sst s8  }
0x11: {  	[smem:$0x3FB3] =	sst s9;
	s0 =	simm.s32 @!p0 $0x0  }
0x12: {  	s1 =	sld [smem:$0x3F99];
	s0 =	simm.s32 @p0 $0x1  }
0x13: {  	[smem:$0x3FB4] =	sst s0;
	s0 =	simm.s32 @!p1 $0x0  }
0x14: {  	s2 =	sld [smem:$0x3F98];
	s0 =	simm.s32 @p1 $0x1  }
0x15: {  	[smem:$0x3FB5] =	sst s0;
	s0 =	simm.s32 @!p2 $0x0  }
0x16: {  	s3 =	sld [smem:$0x3FDB];
	s0 =	simm.s32 @p2 $0x1  }
0x17: {  	s4 =	simm.s32 $0x1BF5;
	[smem:$0x3FB7] =	sst s0  }
0x18: {  	s0 =	sld [smem:$0x3F9A];
	_ =	swait.ge [sflag:s4], $0x0  }
0x19: {  	s7 =	sld [smem:$0x3F9B]  }
0x1a: {  	s8 =	sadd.s32 $0xFFFFE003, lr  }
0x1b: {  	s9 =	sadd.s32 $0xFFFFFEF7, lr;
	s5 =	simm.s32 $0xFFFFFFFF;
	p2 =	slt.u32 s8, $0xFFFFF086  }
0x1c: {  	p1 =	slt.u32 s9, $0xF7A;
	s5 =	simm.s32 @!p2 $0x0  }
0x1d: {  	s5 =	simm.s32 @p1 $0x1;
	p0 =	seq.s32 s7, s2  }
0x1e: {  	s7 =	smul.u32 @!p0 $0xF7A, s2;
	p2 =	seq.s32 @!p0 s5, $0x0  }
0x1f: {  	s9 =	smul.u32 $0xF7A, s1;
	s8 =	simm.s32 @!p0 $0x1BF5;
	p2 =	por !p2, p0  }
0x20: {  	[sflag:s8] =	ssyncset.s32 @!p0 $0xFFFFF086;
	s6 =	sadd.s32 @!p0 s3, s7;
	s7 =	simm.s32 @!p0 $0x108  }
0x21: {  	s3 =	sadd.s32 s3, s9;
	s6 =	sadd.s32 @!p0 $0x88, s6;
	s7 =	simm.s32 @p2 $0x1082  }
0x22: {  	[simem:s7], [sflag:s8] =	dma.local @!p0 [hbm:s6], $0xF7A  }
0x23: {  	s9 =	sor.u32 $0xD0000000, s2;
	s6 =	simm.s32 $0x108;
	_ =	swait.ge @!p0 [sflag:s8], $0x0  }
0x24: {  	s3 =	sadd.s32 $0x88, s3;
	s6 =	simm.s32 @!p1 $0x1082;
	[sflag:s4] =	ssyncset.s32 $0xFFFFF086  }
0x25: {  	[simem:s6], [sflag:s4] =	dma.local [hbm:s3], $0xF7A  }
0x26: {  	[smem:$0x3F9B] =	sst s1;
	(tag) =	ssettag s2;
	_ =	strace s9  }
0x27: {  	s1 =	sld [smem:$0x3FAB]  }
0x28: {  	s2 =	sld [smem:$0x3FAC]  }
0x29: {  	s4 =	sld [smem:$0x3FAE]  }
0x2a: {  	p0 =	seq.s32 s5, $0x0;
	s5 =	sld [smem:$0x3FAF]  }
0x2b: {  	s6 =	sld [smem:$0x3FB0]  }
0x2c: {  	s7 =	sld [smem:$0x3FB1]  }
0x2d: {  	s3 =	simm.s32 $0x108;
	s8 =	sld [smem:$0x3FB2]  }
0x2e: {  	s3 =	simm.s32 @!p0 $0x1082;
	s9 =	sld [smem:$0x3FB3]  }
0x2f: {  	lr =	sadd.s32 s0, s3;
	s0 =	sld [smem:$0x3FAA]  }
0x30: {  	s3 =	sld [smem:$0x3FAD]  }
0x31: {  	[smem:$0x3FB6] =	sst s10  }
0x32: {  	s10 =	sld [smem:$0x3FB4];
	_ =	sdelay $0x3  }
0x33: {  	p0 =	seq.s32 s10, $0x1;
	s10 =	sld [smem:$0x3FB6];
	_ =	sdelay $0x3  }
0x34: {  	[smem:$0x3FB6] =	sst s10  }
0x35: {  	s10 =	sld [smem:$0x3FB5];
	_ =	sdelay $0x3  }
0x36: {  	p1 =	seq.s32 s10, $0x1;
	s10 =	sld [smem:$0x3FB6];
	_ =	sdelay $0x3  }
0x37: {  	[smem:$0x3FB6] =	sst s10  }
0x38: {  	s10 =	sld [smem:$0x3FB7]  }
0x39: {  	_ = 	snop;
	(pc) =	sbr.ind lr, $3  }
0x3a: {  	_ = 	snop  }
0x3b: {  	_ = 	snop  }
0x3c: {  	p2 =	seq.s32 s10, $0x1;
	s10 =	sld [smem:$0x3FB6]  }
0x3d: {  	_ =	shalt  }
0x3e: {  	_ =	shalt  }
0x3f: {  	_ =	shalt  }
0x40: {  	_ =	shalt  }
0x41: {  	_ =	shalt  }
0x42: {  	_ =	shalt  }
0x43: {  	_ =	shalt  }
0x44: {  	_ =	shalt  }
0x45: {  	_ =	shalt  }
0x46: {  	_ =	shalt  }
0x47: {  	_ =	shalt  }
0x48: {  	_ =	shalt  }
0x49: {  	_ =	shalt  }
0x4a: {  	_ =	shalt  }
0x4b: {  	_ =	shalt  }
0x4c: {  	_ =	shalt  }
0x4d: {  	_ =	shalt  }
0x4e: {  	_ =	shalt  }
0x4f: {  	_ =	shalt  }
0x50: {  	_ =	shalt  }
0x51: {  	_ =	shalt  }
0x52: {  	_ =	shalt  }
0x53: {  	_ =	shalt  }
0x54: {  	_ =	shalt  }
0x55: {  	_ =	shalt  }
0x56: {  	_ =	shalt  }
0x57: {  	_ =	shalt  }
0x58: {  	_ =	shalt  }
0x59: {  	_ =	shalt  }
0x5a: {  	_ =	shalt  }
0x5b: {  	_ =	shalt  }
0x5c: {  	_ =	shalt  }
0x5d: {  	_ =	shalt  }
0x5e: {  	_ =	shalt  }
0x5f: {  	_ =	shalt  }
0x60: {  	_ =	shalt  }
0x61: {  	_ =	shalt  }
0x62: {  	_ =	shalt  }
0x63: {  	_ =	shalt  }
0x64: {  	_ =	shalt  }
0x65: {  	_ =	shalt  }
0x66: {  	_ =	shalt  }
0x67: {  	_ =	shalt  }
0x68: {  	_ =	shalt  }
0x69: {  	_ =	shalt  }
0x6a: {  	_ =	shalt  }
0x6b: {  	_ =	shalt  }
0x6c: {  	_ =	shalt  }
0x6d: {  	_ =	shalt  }
0x6e: {  	_ =	shalt  }
0x6f: {  	_ =	shalt  }
0x70: {  	_ =	shalt  }
0x71: {  	_ =	shalt  }
0x72: {  	_ =	shalt  }
0x73: {  	_ =	shalt  }
0x74: {  	_ =	shalt  }
0x75: {  	_ =	shalt  }
0x76: {  	_ =	shalt  }
0x77: {  	_ =	shalt  }
0x78: {  	_ =	shalt  }
0x79: {  	_ =	shalt  }
0x7a: {  	_ =	shalt  }
0x7b: {  	_ =	shalt  }
0x7c: {  	_ =	shalt  }
0x7d: {  	_ =	shalt  }
0x7e: {  	_ =	shalt  }
0x7f: {  	_ =	shalt  }
0x80: {  	_ =	shalt  }
0x81: {  	_ =	shalt  }
0x82: {  	_ =	shalt  }
0x83: {  	_ =	shalt  }
0x84: {  	_ =	shalt  }
0x85: {  	_ =	shalt  }
0x86: {  	_ =	shalt  }
0x87: {  	_ =	shalt  }
.Lfunc_end0:
.L_simem_size_0:
called_computation.2_lowered:
.L_overlay_start_0:
0x88: {  	s2 =	sld [smem:$0x3FD9]  }
0x89: {  	s3 =	sld [smem:$0x3FFE];
	_ =	sdelay $0x1  }
0x8a: {  	s1 =	srdreg.scid  }
0x8b: {  	s0 =	sand.u32 $0x1, s1  }
0x8c: {  	s17 =	sshll.u32 s0, $0xA;
	s2 =	sadd.s32 s3, s2  }
0x8d: {  	s2 =	sadd.s32 s2, s17  }
0x8e: {  	[smem:$0x3FC2] =	sst s2  }
0x8f: {  	_ = 	snop  }
0x90: {  	s2 =	sld [smem:$0x3FD0];
	(tm) =	ssettm $0x1  }
0x91: {  	s18 =	sld [smem:$0x3FFB];
	_ =	sdelay $0x3  }
0x92: {  	_ =	strace s18  }
0x93: {  	s3 =	sld [smem:$0x3FFC];
	_ =	sdelay $0x3  }
0x94: {  	_ =	strace s3  }
0x95: {  	s3 =	sld [smem:$0x3FFD];
	_ =	sdelay $0x3  }
0x96: {  	_ =	strace s3  }
0x97: {  	_ =	strace $0x8FFFFFFF  }
0x98: {  	s19 =	sld [smem:$0x3FDB];
	_ =	sdelay $0x1  }
0x99: {  	s4 =	simm.s32 $_scs_section_size  }
0x9a: {  	s5 =	simm.s32 $_size__tile_overlayer_lowered;
	s6 =	simm.s32 $_tile_overlayer_lowered  }
0x9b: {  	s22 =	simm.s32 $0x1BFF;
	s21 =	sshll.u32 s6, $0x1;
	s3 =	sadd.s32 s4, s19  }
0x9c: {  	s7 =	simm.s32 $0x0;
	s20 =	sshll.u32 s5, $0x1;
	s5 =	sadd.s32 s21, s3  }
0x9d: {  	[timem:s7], [sflag:s22] =	dma.local [hbm:s5], s20  }
0x9e: {  	_ =	swait.ge [sflag:s22], s20  }
0x9f: {  	s4 =	ssub.s32 $0x0, s20;
	[sflag:s22] =	ssyncset.done $0x0  }
0xa0: {  	[sflag:s22] =	ssyncadd.s32 s4;
	_ =	sdelay $0x1  }
0xa1: {  	s23 =	simm.s32 $0x1B8B  }
0xa2: {  	_ =	swait.ge [sflag:s23], $0x1  }
0xa3: {  	[sflag:s23] =	ssyncset.done $0x0  }
0xa4: {  	s25 =	simm.s32 $0x1B8E;
	s24 =	sld [smem:$0x3FFE];
	[sflag:s23] =	ssyncadd.s32 $0xFFFFFFFF  }
0xa5: {  	s26 =	simm.s32 $execute0_lowered;
	[smem:$0x3FD2] =	sst s25  }
0xa6: {  	s5 =	sshll.u32 s26, $0x1;
	_ =	strace $0x8000004C;
	[dreg:$0x1] =	wrdreg $0xFFFFFFFF  }
0xa7: {  	s28 =	simm.s32 $_size_execute0_lowered;
	s3 =	sadd.s32 s3, s5;
	[dreg:$0x0] =	wrdreg $0x0  }
0xa8: {  	s5 =	sshll.u32 s28, $0x1;
	[dreg:$0x2] =	wrdreg s3  }
0xa9: {  	[dreg:$0x3] =	wrdreg s5  }
0xaa: {  	[dreg:$0x4] =	wrdreg $0xC0  }
0xab: {  	_ =	task [dreg:s7], $0x5FFFF  }
0xac: {  	[dreg:$0x1] =	wrdreg $0xFFFFFFFF  }
0xad: {  	[dreg:$0x0] =	wrdreg $0x60  }
0xae: {  	[dreg:$0x2] =	wrdreg s2  }
0xaf: {  	[dreg:$0x3] =	wrdreg s24  }
0xb0: {  	[dreg:$0x4] =	wrdreg $0xAA000  }
0xb1: {  	[dreg:$0x5] =	wrdreg $0x9  }
0xb2: {  	_ =	task.clear_ibuf [dreg:s7], $0x6FFFF;
	_ =	strace $0x9000004C  }
0xb3: {  	s29 =	simm.s32 $0x9;
	_ =	strace $0x8000004E  }
0xb4: {  	_ =	swait.ge [sflag:s29], $0x1  }
0xb5: {  	[sflag:s29] =	ssyncadd.s32 $0xFFFFFFFF  }
0xb6: {  	_ =	strace $0x9000004E  }
0xb7: {  	_ =	sfence  }
0xb8: {  	s30 =	sld [smem:$0x0];
	_ =	sdelay $0x2  }
0xb9: {  	s31 =	sshll.u32 s1, $0xD;
	s1 =	sshrl.u32 s1, $0x2  }
0xba: {  	s3 =	sand.u32 $0x4000, s31;
	s1 =	sadd.s32 s1, s30  }
0xbb: {  	s0 =	sor.u32 s3, s0;
	s1 =	sshll.u32 s1, $0x11  }
0xbc: {  	s0 =	sor.u32 s1, s0  }
0xbd: {  	s0 =	sadd.s32 $0x8F2B, s0  }
0xbe: {  	[sflag:s0] =	ssyncadd.remote.s32 $0x1  }
0xbf: {  	_ =	sfence.sel $0xFFFF  }
0xc0: {  	[dreg:$0x0] =	wrdreg $0xFFFFFFFF;
	(pc) =	sbr.abs _section_cstart, $3  }
0xc1: {  	[dreg:$0x1] =	wrdreg $0xFFFFFFFF  }
0xc2: {  	_ =	task.clear_ibuf [dreg:s7], $0x2FFFF;
	_ =	strace $0x9FFFFFFF  }
0xc3: {  	(tm) =	ssettm $0x7FFFFFFF  }
tec
execute0_lowered:
.L_overlay_start_1:
0x0: {  	(tag) =	ssettag $0x1  }
0x1: {  	s0 =	rddreg [dreg:$0x0]  }
0x2: {  	s1 =	srdreg.scid;
	s2 =	rddreg [dreg:$0x1]  }
0x3: {  	s3 =	rddreg [dreg:$0x2];
	s11 =	stileid.u32  }
0x4: {  	s4 =	simm.s32 $0x0;
	s29 =	simm.s32 $0x6A00;
	s30 =	simm.s32 $0x1  }
0x5: {  	s31 =	simm.s32 $0x2900;
	s28 =	simm.s32 $0x0;
	s8 =	smul.u32 $0x50000, s11  }
0x6: {  	s1 =	sand.u32 $0x1, s1;
	[smem:$0x7FF] =	sst s4;
	s26 =	smul.u32 $0x278, s11  }
0x7: {  	s9 =	sadd.s32 $0xCC00, s2;
	s10 =	sadd.s32 $0xD400, s2;
	s15 =	smul.u32 $0x4F000, s11  }
0x8: {  	p0 =	seq.s32 s11, $0xF;
	s5 =	sshll.u32 s1, $0x4;
	_ =	strace $0x8000004D  }
0x9: {  	s7 =	ssub.s32 $0x2, s1;
	[dreg:$0x4] =	wrdreg s9;
	s1 =	smul.u32 $0x138800, s1  }
0xa: {  	s5 =	sor.u32 s11, s5;
	s24 =	sshrl.u32 s7, $0x1;
	s25 =	sshrl.u32 s8, $0x2  }
0xb: {  	s8 =	simm.s32 $0x188;
	s11 =	smul.u32 $0x13C00, s11;
	s18 =	sshll.u32 s26, $0x7  }
0xc: {  	s6 =	smul.u32 $0x500, s5;
	s9 =	ssub.s32 s7, s24;
	s7 =	sadd.s32 s25, s3  }
0xd: {  	s8 =	simm.s32 @!p0 $0x1F8;
	s13 =	sadd.s32 $0x4000, s18;
	s22 =	sadd.s32 $0x8000, s18  }
0xe: {  	s24 =	sadd.s32 $0xC000, s18;
	p0 =	seq.s32 s5, $0x1F;
	s14 =	sadd.s32 $0x4000, s7  }
0xf: {  	s16 =	sadd.s32 $0x8000, s7;
	s17 =	sadd.s32 $0xC000, s7;
	s12 =	sadd.s32 $0x10000, s7  }
0x10: {  	s11 =	sadd.s32 s11, s1;
	s20 =	sadd.s32 s1, s13;
	[dreg:$0x7] =	wrdreg s14  }
0x11: {  	s23 =	sadd.s32 s1, s22;
	s25 =	sadd.s32 s1, s24;
	[dreg:$0x8] =	wrdreg s16  }
0x12: {  	s6 =	sadd.s32 s6, s2;
	s2 =	sadd.s32 $0xC900, s2;
	[dreg:$0x9] =	wrdreg s17  }
0x13: {  	[dreg:$0xa] =	wrdreg s12;
	s19 =	sshrl.u32 s11, $0x3;
	s21 =	sshrl.u32 s20, $0x3  }
0x14: {  	s17 =	sadd.s32 s22, s3;
	s6 =	sadd.s32 $0x2E00, s6;
	[dreg:$0x6] =	wrdreg s2  }
0x15: {  	s2 =	sshrl.u32 s15, $0x2;
	s14 =	sadd.s32 s10, s19;
	s15 =	sadd.s32 s13, s3  }
0x16: {  	s16 =	sadd.s32 s10, s21;
	s19 =	sadd.s32 s24, s3;
	s24 =	simm.s32 $0x2A00  }
0x17: {  	[dreg:$0x5] =	wrdreg s6;
	s2 =	sadd.s32 s2, s3;
	s6 =	sadd.s32 s26, s8  }
0x18: {  	s26 =	sshrl.u32 s25, $0x3;
	s25 =	simm.s32 $0x80;
	[dreg:$0xb] =	wrdreg s2  }
0x19: {  	s2 =	sshrl.u32 s23, $0x3;
	s6 =	sshll.u32 s6, $0x7;
	s20 =	sadd.s32 s10, s26  }
0x1a: {  	s23 =	smax.u32 s9, $0x1;
	s26 =	simm.s32 $0x2980;
	s1 =	sadd.s32 s1, s6  }
0x1b: {  	s18 =	sadd.s32 s10, s2;
	s21 =	sadd.s32 s6, s3;
	s1 =	sshrl.u32 s1, $0x3  }
0x1c: {  	s2 =	simm.s32 $0x2;
	s22 =	sadd.s32 s10, s1;
	s1 =	simm.s32 $0x3  }
.LBB2_1:
0x1d: {  	s5 =	simm.s32 @p0 $0x0;
	s6 =	rddreg [dreg:$0x6]  }
0x1e: {  	[tilespmem:s5], [sflag:$0x3] =	stream.linear.gather @p0 [hbm4b:s6+s5], $0xA00, $0x38;
	[tilespmem:$0x1EA00] =	vst v63  }
0x1f: {  	s5 =	simm.s32 @p0 $0x3  }
0x20: {  	_ =	swait.ge @p0 [sflag:s5], $0xA00  }
0x21: {  	[sflag:s5] =	ssyncset.done @p0 $0x0  }
0x22: {  	s6 =	rddreg [dreg:$0x5];
	[sflag:s5] =	ssyncadd.s32 @p0 $0xFFFFF600;
	s5 =	simm.s32 @!p0 $0x0  }
0x23: {  	[tilespmem:s5], [sflag:$0x3] =	stream.linear.gather @!p0 [hbm4b:s6+s5], $0x2800, $0x38;
	[tilespmem:$0x1EA00] =	vst v63  }
0x24: {  	s5 =	simm.s32 @!p0 $0x3  }
0x25: {  	_ =	swait.ge @!p0 [sflag:s5], $0x2800  }
0x26: {  	[sflag:s5] =	ssyncset.done @!p0 $0x0  }
0x27: {  	s13 =	rddreg [dreg:$0x4];
	[sflag:s5] =	ssyncadd.s32 @!p0 $0xFFFFD800  }
0x28: {  	[tilespmem:s24], [sflag:$0x3] =	stream.linear.gather [hbm4b:s13+s4], $0x4000, $0x38;
	[tilespmem:$0x1EA00] =	vst v63  }
0x29: {  	_ =	swait.ge [sflag:s1], $0x4000  }
0x2a: {  	[sflag:s1] =	ssyncset.done $0x0  }
0x2b: {  	[sflag:s1] =	ssyncadd.s32 $0xFFFFC000  }
0x2c: {  	[spmem:s7] =	stream.linear.scatter [tilespmem:s24], [sflag:$0x3], $0x4000, $0x38;
	[tilespmem:$0x1EA00] =	vst v63  }
0x2d: {  	_ =	swait.ge [sflag:s1], $0x4000  }
0x2e: {  	[sflag:s1] =	ssyncset.done $0x0  }
0x2f: {  	s6 =	rddreg [dreg:$0x7];
	[sflag:s1] =	ssyncadd.s32 $0xFFFFC000  }
0x30: {  	[spmem:s6] =	stream.linear.scatter [tilespmem:s24], [sflag:$0x3], $0x4000, $0x38;
	[tilespmem:$0x1EA00] =	vst v63  }
0x31: {  	_ =	swait.ge [sflag:s1], $0x4000  }
0x32: {  	[sflag:s1] =	ssyncset.done $0x0  }
0x33: {  	s8 =	rddreg [dreg:$0x8];
	[sflag:s1] =	ssyncadd.s32 $0xFFFFC000  }
0x34: {  	[spmem:s8] =	stream.linear.scatter [tilespmem:s24], [sflag:$0x3], $0x4000, $0x38;
	[tilespmem:$0x1EA00] =	vst v63  }
0x35: {  	_ =	swait.ge [sflag:s1], $0x4000  }
0x36: {  	[sflag:s1] =	ssyncset.done $0x0  }
0x37: {  	s9 =	rddreg [dreg:$0x9];
	[sflag:s1] =	ssyncadd.s32 $0xFFFFC000  }
0x38: {  	[spmem:s9] =	stream.linear.scatter [tilespmem:s24], [sflag:$0x3], $0x4000, $0x38;
	[tilespmem:$0x1EA00] =	vst v63  }
0x39: {  	_ =	swait.ge [sflag:s1], $0x4000  }
0x3a: {  	[sflag:s1] =	ssyncset.done $0x0  }
0x3b: {  	s10 =	rddreg [dreg:$0xa];
	[sflag:s1] =	ssyncadd.s32 $0xFFFFC000  }
0x3c: {  	[spmem:s10] =	stream.linear.scatter [tilespmem:s24], [sflag:$0x3], $0x4000, $0x38;
	[tilespmem:$0x1EA00] =	vst v63  }
0x3d: {  	_ =	swait.ge [sflag:s1], $0x4000  }
0x3e: {  	[sflag:s1] =	ssyncset.done $0x0  }
0x3f: {  	[sflag:s1] =	ssyncadd.s32 $0xFFFFC000  }
0x40: {  	[bflag:$0x0] =	sbarrier.arrive $0xFFFF  }
0x41: {  	v0 =	vld [tilespmem:$0x0];
	_ =	sdelay $0x1  }
0x42: {  	v1 =	vld [tilespmem:$0x10];
	_ =	sdelay $0x1  }
0x43: {  	v2 =	vld [tilespmem:$0x20]  }
0x44: {  	v3 =	vand.u32 $0x3FFF, v0  }
0x45: {  	v22 =	vld [tilespmem:$0x30];
	v0 =	vshrl.u32 v0, $0xE;
	[tilespmem:$0x2800] =	vst v3  }
0x46: {  	v23 =	vand.u32 $0x3FFF, v1;
	[tilespmem:$0x2900] =	vst v0  }
0x47: {  	v25 =	vld [tilespmem:$0x40];
	v24 =	vshrl.u32 v1, $0xE;
	[tilespmem:$0x2810] =	vst v23  }
0x48: {  	v26 =	vand.u32 $0x3FFF, v2;
	[tilespmem:$0x2910] =	vst v24  }
0x49: {  	v28 =	vld [tilespmem:$0x50];
	v27 =	vshrl.u32 v2, $0xE;
	[tilespmem:$0x2820] =	vst v26  }
0x4a: {  	v29 =	vand.u32 $0x3FFF, v22;
	[tilespmem:$0x2920] =	vst v27  }
0x4b: {  	v31 =	vld [tilespmem:$0x60];
	v30 =	vshrl.u32 v22, $0xE;
	[tilespmem:$0x2830] =	vst v29  }
0x4c: {  	v32 =	vand.u32 $0x3FFF, v25;
	[tilespmem:$0x2930] =	vst v30  }
0x4d: {  	v34 =	vld [tilespmem:$0x70];
	v33 =	vshrl.u32 v25, $0xE;
	[tilespmem:$0x2840] =	vst v32  }
0x4e: {  	v35 =	vand.u32 $0x3FFF, v28;
	[tilespmem:$0x2940] =	vst v33  }
0x4f: {  	v36 =	vshrl.u32 v28, $0xE;
	[tilespmem:$0x2850] =	vst v35  }
0x50: {  	v37 =	vand.u32 $0x3FFF, v31;
	[tilespmem:$0x2950] =	vst v36  }
0x51: {  	v38 =	vshrl.u32 v31, $0xE;
	[tilespmem:$0x2860] =	vst v37  }
0x52: {  	v39 =	vand.u32 $0x3FFF, v34;
	[tilespmem:$0x2960] =	vst v38  }
0x53: {  	v40 =	vshrl.u32 v34, $0xE;
	[tilespmem:$0x2870] =	vst v39  }
0x54: {  	s11 =	simm.s32 $0x2800;
	[tilespmem:$0x2970] =	vst v40  }
0x55: {  	[tilespmem:s24], [sflag:$0x1] =	stream.indirect.gather [hbm4b:s0+s25], $0x80, s11, s25, $0xb8;
	[tilespmem:$0x1EA00] =	vst v63  }
0x56: {  	v41 =	vld [tilespmem:$0x80];
	_ =	sdelay $0x1  }
0x57: {  	v42 =	vld [tilespmem:$0x90];
	_ =	sdelay $0x1  }
0x58: {  	v43 =	vld [tilespmem:$0xA0]  }
0x59: {  	v44 =	vand.u32 $0x3FFF, v41  }
0x5a: {  	v45 =	vld [tilespmem:$0xB0];
	v0 =	vshrl.u32 v41, $0xE;
	[tilespmem:$0x2880] =	vst v44  }
0x5b: {  	v46 =	vand.u32 $0x3FFF, v42;
	[tilespmem:$0x2980] =	vst v0  }
0x5c: {  	v48 =	vld [tilespmem:$0xC0];
	v47 =	vshrl.u32 v42, $0xE;
	[tilespmem:$0x2890] =	vst v46  }
0x5d: {  	v49 =	vand.u32 $0x3FFF, v43;
	[tilespmem:$0x2990] =	vst v47  }
0x5e: {  	v51 =	vld [tilespmem:$0xD0];
	v50 =	vshrl.u32 v43, $0xE;
	[tilespmem:$0x28A0] =	vst v49  }
0x5f: {  	v52 =	vand.u32 $0x3FFF, v45;
	[tilespmem:$0x29A0] =	vst v50  }
0x60: {  	v54 =	vld [tilespmem:$0xE0];
	v53 =	vshrl.u32 v45, $0xE;
	[tilespmem:$0x28B0] =	vst v52  }
0x61: {  	v55 =	vand.u32 $0x3FFF, v48;
	[tilespmem:$0x29B0] =	vst v53  }
0x62: {  	v57 =	vld [tilespmem:$0xF0];
	v56 =	vshrl.u32 v48, $0xE;
	[tilespmem:$0x28C0] =	vst v55  }
0x63: {  	v58 =	vand.u32 $0x3FFF, v51;
	[tilespmem:$0x29C0] =	vst v56  }
0x64: {  	v59 =	vshrl.u32 v51, $0xE;
	[tilespmem:$0x28D0] =	vst v58  }
0x65: {  	v60 =	vand.u32 $0x3FFF, v54;
	[tilespmem:$0x29D0] =	vst v59  }
0x66: {  	v61 =	vshrl.u32 v54, $0xE;
	[tilespmem:$0x28E0] =	vst v60  }
0x67: {  	v62 =	vand.u32 $0x3FFF, v57;
	[tilespmem:$0x29E0] =	vst v61  }
0x68: {  	v63 =	vshrl.u32 v57, $0xE;
	[tilespmem:$0x28F0] =	vst v62  }
0x69: {  	s12 =	simm.s32 $0x2880;
	[tilespmem:$0x29F0] =	vst v63  }
0x6a: {  	[tilespmem:s29], [sflag:$0x2] =	stream.indirect.gather [hbm4b:s0+s25], $0x80, s12, s25, $0xb8;
	[tilespmem:$0x1EA00] =	vst v63  }
0x6b: {  	_ =	swait.ge [sflag:s30], $0x4000  }
0x6c: {  	[sflag:s30] =	ssyncset.done $0x0  }
0x6d: {  	[sflag:s30] =	ssyncadd.s32 $0xFFFFC000  }
0x6e: {  	[spmem:s3] =	stream.indirect.scatter.add.f32 [tilespmem:s24], [sflag:$0x3], $0x80, s31, s25, $0xb8;
	[tilespmem:$0x1EA00] =	vst v63  }
0x6f: {  	s6 =	simm.s32 @!p0 $0x50;
	_ =	swait.ge [sflag:s1], $0x4000  }
0x70: {  	s6 =	simm.s32 @p0 $0x14;
	[sflag:s1] =	ssyncset.done $0x0  }
0x71: {  	s5 =	simm.s32 $0x1F0;
	p1 =	sle.u32 s6, $0x2;
	[sflag:s1] =	ssyncadd.s32 $0xFFFFC000  }
0x72: {  	v0 =	vld @!p1 [tilespmem:s5+$0xFFFFFF10];
	_ =	sdelay $0x4  }
0x73: {  	v1 =	vand.u32 @!p1 $0x3FFF, v0  }
0x74: {  	v0 =	vshrl.u32 @!p1 v0, $0xE;
	[tilespmem:$0x2800] =	vst @!p1 v1  }
0x75: {  	[tilespmem:$0x2900] =	vst @!p1 v0  }
0x76: {  	v0 =	vld @!p1 [tilespmem:s5+$0xFFFFFF20];
	_ =	sdelay $0x4  }
0x77: {  	v1 =	vand.u32 @!p1 $0x3FFF, v0  }
0x78: {  	v0 =	vshrl.u32 @!p1 v0, $0xE;
	[tilespmem:$0x2810] =	vst @!p1 v1  }
0x79: {  	[tilespmem:$0x2910] =	vst @!p1 v0  }
0x7a: {  	v0 =	vld @!p1 [tilespmem:s5+$0xFFFFFF30];
	_ =	sdelay $0x4  }
0x7b: {  	v1 =	vand.u32 @!p1 $0x3FFF, v0  }
0x7c: {  	v0 =	vshrl.u32 @!p1 v0, $0xE;
	[tilespmem:$0x2820] =	vst @!p1 v1  }
0x7d: {  	[tilespmem:$0x2920] =	vst @!p1 v0  }
0x7e: {  	v0 =	vld @!p1 [tilespmem:s5+$0xFFFFFF40];
	_ =	sdelay $0x4  }
0x7f: {  	v1 =	vand.u32 @!p1 $0x3FFF, v0  }
0x80: {  	v0 =	vshrl.u32 @!p1 v0, $0xE;
	[tilespmem:$0x2830] =	vst @!p1 v1  }
0x81: {  	[tilespmem:$0x2930] =	vst @!p1 v0  }
0x82: {  	v0 =	vld @!p1 [tilespmem:s5+$0xFFFFFF50];
	_ =	sdelay $0x4  }
0x83: {  	v1 =	vand.u32 @!p1 $0x3FFF, v0  }
0x84: {  	v0 =	vshrl.u32 @!p1 v0, $0xE;
	[tilespmem:$0x2840] =	vst @!p1 v1  }
0x85: {  	[tilespmem:$0x2940] =	vst @!p1 v0  }
0x86: {  	v0 =	vld @!p1 [tilespmem:s5+$0xFFFFFF60];
	_ =	sdelay $0x4  }
0x87: {  	v1 =	vand.u32 @!p1 $0x3FFF, v0  }
0x88: {  	v0 =	vshrl.u32 @!p1 v0, $0xE;
	[tilespmem:$0x2850] =	vst @!p1 v1  }
0x89: {  	[tilespmem:$0x2950] =	vst @!p1 v0  }
0x8a: {  	v0 =	vld @!p1 [tilespmem:s5+$0xFFFFFF70];
	_ =	sdelay $0x4  }
0x8b: {  	v1 =	vand.u32 @!p1 $0x3FFF, v0  }
0x8c: {  	v0 =	vshrl.u32 @!p1 v0, $0xE;
	[tilespmem:$0x2860] =	vst @!p1 v1  }
0x8d: {  	[tilespmem:$0x2960] =	vst @!p1 v0  }
0x8e: {  	v0 =	vld @!p1 [tilespmem:s5+$0xFFFFFF80];
	_ =	sdelay $0x4  }
0x8f: {  	v1 =	vand.u32 @!p1 $0x3FFF, v0  }
0x90: {  	v0 =	vshrl.u32 @!p1 v0, $0xE;
	[tilespmem:$0x2870] =	vst @!p1 v1  }
0x91: {  	s8 =	simm.s32 @!p1 $0x80;
	s9 =	simm.s32 @!p1 $0x2800;
	s10 =	simm.s32 @!p1 $0x2A00;
	[tilespmem:$0x2970] =	vst @!p1 v0  }
0x92: {  	[tilespmem:s10], [sflag:$0x1] =	stream.indirect.gather @!p1 [hbm4b:s0+s8], $0x80, s9, s8, $0xb8;
	[tilespmem:$0x1EA00] =	vst v63  }
0x93: {  	_ =	swait.ge [sflag:s2], $0x4000  }
0x94: {  	[sflag:s2] =	ssyncset.done $0x0  }
0x95: {  	[sflag:s2] =	ssyncadd.s32 $0xFFFFC000  }
0x96: {  	[spmem:s3] =	stream.indirect.scatter.add.f32 [tilespmem:s29], [sflag:$0x3], $0x80, s26, s25, $0xb8;
	[tilespmem:$0x1EA00] =	vst v63  }
0x97: {  	_ =	swait.ge [sflag:s1], $0x4000  }
0x98: {  	[sflag:s1] =	ssyncset.done $0x0  }
0x99: {  	p2 =	sle.u32 s6, $0x3;
	[sflag:s1] =	ssyncadd.s32 $0xFFFFC000  }
0x9a: {  	v0 =	vld @!p2 [tilespmem:s5+$0xFFFFFF90];
	_ =	sdelay $0x4  }
0x9b: {  	v1 =	vand.u32 @!p2 $0x3FFF, v0  }
0x9c: {  	v0 =	vshrl.u32 @!p2 v0, $0xE;
	[tilespmem:$0x2880] =	vst @!p2 v1  }
0x9d: {  	[tilespmem:$0x2980] =	vst @!p2 v0  }
0x9e: {  	v0 =	vld @!p2 [tilespmem:s5+$0xFFFFFFA0];
	_ =	sdelay $0x4  }
0x9f: {  	v1 =	vand.u32 @!p2 $0x3FFF, v0  }
0xa0: {  	v0 =	vshrl.u32 @!p2 v0, $0xE;
	[tilespmem:$0x2890] =	vst @!p2 v1  }
0xa1: {  	[tilespmem:$0x2990] =	vst @!p2 v0  }
0xa2: {  	v0 =	vld @!p2 [tilespmem:s5+$0xFFFFFFB0];
	_ =	sdelay $0x4  }
0xa3: {  	v1 =	vand.u32 @!p2 $0x3FFF, v0  }
0xa4: {  	v0 =	vshrl.u32 @!p2 v0, $0xE;
	[tilespmem:$0x28A0] =	vst @!p2 v1  }
0xa5: {  	[tilespmem:$0x29A0] =	vst @!p2 v0  }
0xa6: {  	v0 =	vld @!p2 [tilespmem:s5+$0xFFFFFFC0];
	_ =	sdelay $0x4  }
0xa7: {  	v1 =	vand.u32 @!p2 $0x3FFF, v0  }
0xa8: {  	v0 =	vshrl.u32 @!p2 v0, $0xE;
	[tilespmem:$0x28B0] =	vst @!p2 v1  }
0xa9: {  	[tilespmem:$0x29B0] =	vst @!p2 v0  }
0xaa: {  	v0 =	vld @!p2 [tilespmem:s5+$0xFFFFFFD0];
	_ =	sdelay $0x4  }
0xab: {  	v1 =	vand.u32 @!p2 $0x3FFF, v0  }
0xac: {  	v0 =	vshrl.u32 @!p2 v0, $0xE;
	[tilespmem:$0x28C0] =	vst @!p2 v1  }
0xad: {  	[tilespmem:$0x29C0] =	vst @!p2 v0  }
0xae: {  	s13 =	sshrl.u32 s6, $0x1;
	v0 =	vld @!p2 [tilespmem:s5+$0xFFFFFFE0]  }
0xaf: {  	s8 =	sadd.s32 $0xFFFFFFFF, s13  }
0xb0: {  	p1 =	sne.s32 s8, $0x0  }
.Ltmp0:
0xb1: {  	_ = 	snop;
	(pc) =	sbr.rel @!p1 .LBB2_3-.Ltmp0, $4  }
0xb2: {  	_ = 	snop  }
0xb3: {  	v1 =	vand.u32 @!p2 $0x3FFF, v0  }
0xb4: {  	s11 =	simm.s32 @!p2 $0x80;
	s12 =	simm.s32 @!p2 $0x2880;
	v0 =	vshrl.u32 @!p2 v0, $0xE;
	[tilespmem:$0x28D0] =	vst @!p2 v1  }
0xb5: {  	s13 =	simm.s32 @!p2 $0x6A00;
	s9 =	simm.s32 $0x3;
	s10 =	simm.s32 $0x1F0;
	[tilespmem:$0x29D0] =	vst @!p2 v0  }
.LBB2_2:
0xb6: {  	s8 =	sadd.s32 $0xFFFFFFFF, s8;
	v0 =	vld @!p2 [tilespmem:s5+$0xFFFFFFF0];
	s9 =	sadd.s32 $0x2, s9;
	s10 =	sadd.s32 $0x100, s10  }
0xb7: {  	p1 =	sne.s32 s8, $0x0;
	_ =	sdelay $0x3  }
0xb8: {  	v1 =	vand.u32 @!p2 $0x3FFF, v0;
	v0 =	vshrl.u32 @!p2 v0, $0xE  }
0xb9: {  	[tilespmem:$0x28E0] =	vst @!p2 v1  }
0xba: {  	[tilespmem:$0x29E0] =	vst @!p2 v0  }
0xbb: {  	v0 =	vld @!p2 [tilespmem:s5+$0x0];
	s5 =	smov.u32 s10;
	_ =	sdelay $0x4  }
0xbc: {  	v1 =	vand.u32 @!p2 $0x3FFF, v0;
	v0 =	vshrl.u32 @!p2 v0, $0xE  }
0xbd: {  	[tilespmem:$0x28F0] =	vst @!p2 v1  }
0xbe: {  	[tilespmem:$0x29F0] =	vst @!p2 v0  }
0xbf: {  	[tilespmem:s13], [sflag:$0x2] =	stream.indirect.gather @!p2 [hbm4b:s0+s11], $0x80, s12, s11, $0xb8;
	[tilespmem:$0x1EA00] =	vst v63  }
0xc0: {  	_ =	swait.ge [sflag:s30], $0x4000  }
0xc1: {  	[sflag:s30] =	ssyncset.done $0x0  }
0xc2: {  	[sflag:s30] =	ssyncadd.s32 $0xFFFFC000  }
0xc3: {  	[spmem:s3] =	stream.indirect.scatter.add.f32 [tilespmem:s24], [sflag:$0x3], $0x80, s31, s25, $0xb8;
	[tilespmem:$0x1EA00] =	vst v63  }
0xc4: {  	_ =	swait.ge [sflag:s1], $0x4000  }
0xc5: {  	s11 =	sadd.s32 $0xFFFFFFFF, s9;
	[sflag:s1] =	ssyncset.done $0x0  }
0xc6: {  	p2 =	sge.u32 s11, s6;
	[sflag:s1] =	ssyncadd.s32 $0xFFFFC000  }
0xc7: {  	v0 =	vld @!p2 [tilespmem:s10+$0xFFFFFF10];
	_ =	sdelay $0x4  }
0xc8: {  	v1 =	vand.u32 @!p2 $0x3FFF, v0;
	v0 =	vshrl.u32 @!p2 v0, $0xE  }
0xc9: {  	[tilespmem:$0x2800] =	vst @!p2 v1  }
0xca: {  	[tilespmem:$0x2900] =	vst @!p2 v0  }
0xcb: {  	v0 =	vld @!p2 [tilespmem:s10+$0xFFFFFF20];
	_ =	sdelay $0x4  }
0xcc: {  	v1 =	vand.u32 @!p2 $0x3FFF, v0;
	v0 =	vshrl.u32 @!p2 v0, $0xE  }
0xcd: {  	[tilespmem:$0x2810] =	vst @!p2 v1  }
0xce: {  	[tilespmem:$0x2910] =	vst @!p2 v0  }
0xcf: {  	v0 =	vld @!p2 [tilespmem:s10+$0xFFFFFF30];
	_ =	sdelay $0x4  }
0xd0: {  	v1 =	vand.u32 @!p2 $0x3FFF, v0;
	v0 =	vshrl.u32 @!p2 v0, $0xE  }
0xd1: {  	[tilespmem:$0x2820] =	vst @!p2 v1  }
0xd2: {  	[tilespmem:$0x2920] =	vst @!p2 v0  }
0xd3: {  	v0 =	vld @!p2 [tilespmem:s10+$0xFFFFFF40];
	_ =	sdelay $0x4  }
0xd4: {  	v1 =	vand.u32 @!p2 $0x3FFF, v0;
	v0 =	vshrl.u32 @!p2 v0, $0xE  }
0xd5: {  	[tilespmem:$0x2830] =	vst @!p2 v1  }
0xd6: {  	[tilespmem:$0x2930] =	vst @!p2 v0  }
0xd7: {  	v0 =	vld @!p2 [tilespmem:s10+$0xFFFFFF50];
	_ =	sdelay $0x4  }
0xd8: {  	v1 =	vand.u32 @!p2 $0x3FFF, v0;
	v0 =	vshrl.u32 @!p2 v0, $0xE  }
0xd9: {  	[tilespmem:$0x2840] =	vst @!p2 v1  }
0xda: {  	[tilespmem:$0x2940] =	vst @!p2 v0  }
0xdb: {  	v0 =	vld @!p2 [tilespmem:s10+$0xFFFFFF60];
	_ =	sdelay $0x4  }
0xdc: {  	v1 =	vand.u32 @!p2 $0x3FFF, v0;
	v0 =	vshrl.u32 @!p2 v0, $0xE  }
0xdd: {  	[tilespmem:$0x2850] =	vst @!p2 v1  }
0xde: {  	[tilespmem:$0x2950] =	vst @!p2 v0  }
0xdf: {  	v0 =	vld @!p2 [tilespmem:s10+$0xFFFFFF70];
	_ =	sdelay $0x4  }
0xe0: {  	v1 =	vand.u32 @!p2 $0x3FFF, v0;
	v0 =	vshrl.u32 @!p2 v0, $0xE  }
0xe1: {  	[tilespmem:$0x2860] =	vst @!p2 v1  }
0xe2: {  	s11 =	simm.s32 @!p2 $0x80;
	s12 =	simm.s32 @!p2 $0x2800;
	s13 =	simm.s32 @!p2 $0x2A00;
	[tilespmem:$0x2960] =	vst @!p2 v0  }
0xe3: {  	v0 =	vld @!p2 [tilespmem:s10+$0xFFFFFF80];
	_ =	sdelay $0x4  }
0xe4: {  	v1 =	vand.u32 @!p2 $0x3FFF, v0;
	v0 =	vshrl.u32 @!p2 v0, $0xE  }
0xe5: {  	[tilespmem:$0x2870] =	vst @!p2 v1  }
0xe6: {  	[tilespmem:$0x2970] =	vst @!p2 v0  }
0xe7: {  	[tilespmem:s13], [sflag:$0x1] =	stream.indirect.gather @!p2 [hbm4b:s0+s11], $0x80, s12, s11, $0xb8;
	[tilespmem:$0x1EA00] =	vst v63  }
0xe8: {  	_ =	swait.ge [sflag:s2], $0x4000  }
0xe9: {  	[sflag:s2] =	ssyncset.done $0x0  }
0xea: {  	[sflag:s2] =	ssyncadd.s32 $0xFFFFC000  }
0xeb: {  	[spmem:s3] =	stream.indirect.scatter.add.f32 [tilespmem:s29], [sflag:$0x3], $0x80, s26, s25, $0xb8;
	[tilespmem:$0x1EA00] =	vst v63  }
0xec: {  	_ =	swait.ge [sflag:s1], $0x4000  }
0xed: {  	[sflag:s1] =	ssyncset.done $0x0  }
0xee: {  	p2 =	sge.u32 s9, s6;
	[sflag:s1] =	ssyncadd.s32 $0xFFFFC000  }
0xef: {  	v0 =	vld @!p2 [tilespmem:s10+$0xFFFFFF90];
	_ =	sdelay $0x4  }
0xf0: {  	v1 =	vand.u32 @!p2 $0x3FFF, v0;
	v0 =	vshrl.u32 @!p2 v0, $0xE  }
0xf1: {  	[tilespmem:$0x2880] =	vst @!p2 v1  }
0xf2: {  	[tilespmem:$0x2980] =	vst @!p2 v0  }
0xf3: {  	v0 =	vld @!p2 [tilespmem:s10+$0xFFFFFFA0];
	_ =	sdelay $0x4  }
0xf4: {  	v1 =	vand.u32 @!p2 $0x3FFF, v0;
	v0 =	vshrl.u32 @!p2 v0, $0xE  }
0xf5: {  	[tilespmem:$0x2890] =	vst @!p2 v1  }
0xf6: {  	[tilespmem:$0x2990] =	vst @!p2 v0  }
0xf7: {  	v0 =	vld @!p2 [tilespmem:s10+$0xFFFFFFB0];
	_ =	sdelay $0x4  }
0xf8: {  	v1 =	vand.u32 @!p2 $0x3FFF, v0;
	v0 =	vshrl.u32 @!p2 v0, $0xE  }
0xf9: {  	[tilespmem:$0x28A0] =	vst @!p2 v1  }
0xfa: {  	[tilespmem:$0x29A0] =	vst @!p2 v0  }
0xfb: {  	v0 =	vld @!p2 [tilespmem:s10+$0xFFFFFFC0];
	_ =	sdelay $0x4  }
0xfc: {  	v1 =	vand.u32 @!p2 $0x3FFF, v0;
	v0 =	vshrl.u32 @!p2 v0, $0xE  }
0xfd: {  	[tilespmem:$0x28B0] =	vst @!p2 v1  }
0xfe: {  	[tilespmem:$0x29B0] =	vst @!p2 v0  }
0xff: {  	v0 =	vld @!p2 [tilespmem:s10+$0xFFFFFFD0];
	_ =	sdelay $0x4  }
0x100: {  	v1 =	vand.u32 @!p2 $0x3FFF, v0;
	v0 =	vshrl.u32 @!p2 v0, $0xE  }
0x101: {  	[tilespmem:$0x28C0] =	vst @!p2 v1  }
0x102: {  	[tilespmem:$0x29C0] =	vst @!p2 v0  }
0x103: {  	v0 =	vld @!p2 [tilespmem:s10+$0xFFFFFFE0];
	_ =	sdelay $0x2  }
.Ltmp1:
0x104: {  	(pc) =	sbr.rel @p1 .LBB2_2-.Ltmp1, $4  }
0x105: {  	_ = 	snop  }
0x106: {  	v1 =	vand.u32 @!p2 $0x3FFF, v0;
	v0 =	vshrl.u32 @!p2 v0, $0xE  }
0x107: {  	[tilespmem:$0x28D0] =	vst @!p2 v1  }
0x108: {  	s11 =	simm.s32 @!p2 $0x80;
	s12 =	simm.s32 @!p2 $0x2880;
	s13 =	simm.s32 @!p2 $0x6A00;
	[tilespmem:$0x29D0] =	vst @!p2 v0  }
.LBB2_3:
0x109: {  	v0 =	vld @!p2 [tilespmem:s5+$0xFFFFFFF0];
	_ =	sdelay $0x4  }
0x10a: {  	v1 =	vand.u32 @!p2 $0x3FFF, v0  }
0x10b: {  	v0 =	vshrl.u32 @!p2 v0, $0xE;
	[tilespmem:$0x28E0] =	vst @!p2 v1  }
0x10c: {  	[tilespmem:$0x29E0] =	vst @!p2 v0  }
0x10d: {  	v0 =	vld @!p2 [tilespmem:s5+$0x0];
	_ =	sdelay $0x4  }
0x10e: {  	v1 =	vand.u32 @!p2 $0x3FFF, v0  }
0x10f: {  	v0 =	vshrl.u32 @!p2 v0, $0xE;
	[tilespmem:$0x28F0] =	vst @!p2 v1  }
0x110: {  	[tilespmem:$0x29F0] =	vst @!p2 v0  }
0x111: {  	[tilespmem:s13], [sflag:$0x2] =	stream.indirect.gather @!p2 [hbm4b:s0+s11], $0x80, s12, s11, $0xb8;
	[tilespmem:$0x1EA00] =	vst v63  }
0x112: {  	[bflag:$0x0] =	sbarrier.arrive $0xFFFF  }
0x113: {  	s13 =	rddreg [dreg:$0xb]  }
0x114: {  	[tilespmem:s24], [sflag:$0x3] =	stream.linear.gather [spmem:s13], $0x4000, $0x38;
	[tilespmem:$0x1EA00] =	vst v63  }
0x115: {  	_ =	swait.ge [sflag:s1], $0x4000  }
0x116: {  	[sflag:s1] =	ssyncset.done $0x0  }
0x117: {  	[sflag:s1] =	ssyncadd.s32 $0xFFFFC000  }
0x118: {  	[hbm4b:s14+s4] =	stream.linear.scatter [tilespmem:s24], [sflag:$0x3], $0x4000, $0x38;
	[tilespmem:$0x1EA00] =	vst v63  }
0x119: {  	_ =	swait.ge [sflag:s1], $0x4000  }
0x11a: {  	[sflag:s1] =	ssyncset.done $0x0  }
0x11b: {  	[sflag:s1] =	ssyncadd.s32 $0xFFFFC000  }
0x11c: {  	[tilespmem:s29], [sflag:$0x3] =	stream.linear.gather [spmem:s15], $0x4000, $0x38;
	[tilespmem:$0x1EA00] =	vst v63  }
0x11d: {  	_ =	swait.ge [sflag:s1], $0x4000  }
0x11e: {  	[sflag:s1] =	ssyncset.done $0x0  }
0x11f: {  	[sflag:s1] =	ssyncadd.s32 $0xFFFFC000  }
0x120: {  	[hbm4b:s16+s4] =	stream.linear.scatter [tilespmem:s29], [sflag:$0x3], $0x4000, $0x38;
	[tilespmem:$0x1EA00] =	vst v63  }
0x121: {  	_ =	swait.ge [sflag:s1], $0x4000  }
0x122: {  	[sflag:s1] =	ssyncset.done $0x0  }
0x123: {  	[sflag:s1] =	ssyncadd.s32 $0xFFFFC000  }
0x124: {  	[tilespmem:s24], [sflag:$0x3] =	stream.linear.gather [spmem:s17], $0x4000, $0x38;
	[tilespmem:$0x1EA00] =	vst v63  }
0x125: {  	_ =	swait.ge [sflag:s1], $0x4000  }
0x126: {  	[sflag:s1] =	ssyncset.done $0x0  }
0x127: {  	[sflag:s1] =	ssyncadd.s32 $0xFFFFC000  }
0x128: {  	[hbm4b:s18+s4] =	stream.linear.scatter [tilespmem:s24], [sflag:$0x3], $0x4000, $0x38;
	[tilespmem:$0x1EA00] =	vst v63  }
0x129: {  	_ =	swait.ge [sflag:s1], $0x4000  }
0x12a: {  	[sflag:s1] =	ssyncset.done $0x0  }
0x12b: {  	[sflag:s1] =	ssyncadd.s32 $0xFFFFC000  }
0x12c: {  	[tilespmem:s29], [sflag:$0x3] =	stream.linear.gather [spmem:s19], $0x4000, $0x38;
	[tilespmem:$0x1EA00] =	vst v63  }
0x12d: {  	_ =	swait.ge [sflag:s1], $0x4000  }
0x12e: {  	[sflag:s1] =	ssyncset.done $0x0  }
0x12f: {  	[sflag:s1] =	ssyncadd.s32 $0xFFFFC000  }
0x130: {  	[hbm4b:s20+s4] =	stream.linear.scatter [tilespmem:s29], [sflag:$0x3], $0x4000, $0x38;
	[tilespmem:$0x1EA00] =	vst v63  }
0x131: {  	_ =	swait.ge [sflag:s1], $0x4000  }
0x132: {  	[sflag:s1] =	ssyncset.done $0x0  }
0x133: {  	[sflag:s1] =	ssyncadd.s32 $0xFFFFC000  }
0x134: {  	[tilespmem:s24], [sflag:$0x3] =	stream.linear.gather [spmem:s21], $0x4000, $0x38;
	[tilespmem:$0x1EA00] =	vst v63  }
0x135: {  	s28 =	sadd.s32 $0x1, s28;
	_ =	swait.ge [sflag:s1], $0x4000  }
0x136: {  	p1 =	sne.s32 s28, s23;
	[sflag:s1] =	ssyncset.done $0x0  }
.Ltmp2:
0x137: {  	[sflag:s1] =	ssyncadd.s32 $0xFFFFC000;
	(pc) =	sbr.rel @p1 .LBB2_1-.Ltmp2, $4  }
0x138: {  	[hbm4b:s22+s4] =	stream.linear.scatter [tilespmem:s24], [sflag:$0x3], $0x4000, $0x38;
	[tilespmem:$0x1EA00] =	vst v63  }
0x139: {  	_ =	swait.ge [sflag:s1], $0x4000  }
0x13a: {  	[sflag:s1] =	ssyncset.done $0x0  }
0x13b: {  	[sflag:s1] =	ssyncadd.s32 $0xFFFFC000  }
0x13c: {  	_ =	sfence.sel $0x180000  }
0x13d: {  	[bflag:$0x0] =	sbarrier.arrive $0xFFFF  }
0x13e: {  	_ =	strace $0x9000004D  }
0x13f: {  	s0 =	stileid.u32;
	[bflag:$0x2] =	sbarrier.arrive $0xFFFF  }
0x140: {  	p0 =	sne.s32 s0, $0x0;
	s0 =	rddreg [dreg:$0x3]  }
0x141: {  	s0 =	sadd.s32 @!p0 $0x100000, s0  }
0x142: {  	[sflag:s0] =	ssyncadd.tile.s32 @!p0 $0x1;
	_ =	shalt  }
.Lfunc_end2:
_tile_overlayer_lowered:
.L_overlay_start_2:
0x143: {  	(tag) =	ssettag $0x2  }
0x144: {  	s0 =	rddreg [dreg:$0x0];
	s2 =	stileid.u32  }
0x145: {  	s1 =	rddreg [dreg:$0x1];
	p0 =	sne.s32 s2, $0x0  }
0x146: {  	s3 =	rddreg [dreg:$0x2];
	[bflag:$0x3] =	sbarrier.arrive $0xFFFF;
	s2 =	simm.s32 @!p0 $0x1C03  }
0x147: {  	[timem:s3], [sflag:s2] =	dma.local @!p0 [hbm:s0], s1  }
0x148: {  	s0 =	simm.s32 @!p0 $0x3  }
0x149: {  	_ =	swait.ge @!p0 [sflag:s0], s1  }
0x14a: {  	s1 =	ssub.s32 @!p0 $0x0, s1;
	[sflag:s0] =	ssyncset.done @!p0 $0x0  }
0x14b: {  	[sflag:s0] =	ssyncadd.s32 @!p0 s1  }
0x14c: {  	[bflag:$0x3] =	sbarrier.arrive $0xFFFF  }
0x14d: {  	_ =	shalt  }

// kernel: kernel.9.cloned.1.call-start
scs
__scs_entry_jumppad:
0x0: {  	(pc) =	sbr.rel $0x88, $3  }
0x1: {  	(tag) =	ssettag $0x0;
	lr =	simm.s32 $0x1  }
0x2: {  	[smem:$0x3F9B] =	sst lr;
	_ =	strace $0xD0000000  }
0x3: {  	_ = 	snop  }
0x4: {  	_ = 	snop  }
0x5: {  	_ = 	snop  }
0x6: {  	_ = 	snop  }
0x7: {  	_ = 	snop  }
__scs_overlays_trampoline_lowered:
0x8: {  	[smem:$0x3FAA] =	sst s0  }
0x9: {  	[smem:$0x3FAB] =	sst s1  }
0xa: {  	[smem:$0x3FAC] =	sst s2  }
0xb: {  	[smem:$0x3FAD] =	sst s3  }
0xc: {  	[smem:$0x3FAE] =	sst s4  }
0xd: {  	[smem:$0x3FAF] =	sst s5  }
0xe: {  	[smem:$0x3FB0] =	sst s6  }
0xf: {  	[smem:$0x3FB1] =	sst s7  }
0x10: {  	[smem:$0x3FB2] =	sst s8  }
0x11: {  	[smem:$0x3FB3] =	sst s9;
	s0 =	simm.s32 @!p0 $0x0  }
0x12: {  	s1 =	sld [smem:$0x3F99];
	s0 =	simm.s32 @p0 $0x1  }
0x13: {  	[smem:$0x3FB4] =	sst s0;
	s0 =	simm.s32 @!p1 $0x0  }
0x14: {  	s2 =	sld [smem:$0x3F98];
	s0 =	simm.s32 @p1 $0x1  }
0x15: {  	[smem:$0x3FB5] =	sst s0;
	s0 =	simm.s32 @!p2 $0x0  }
0x16: {  	s3 =	sld [smem:$0x3FDB];
	s0 =	simm.s32 @p2 $0x1  }
0x17: {  	s4 =	simm.s32 $0x1BF5;
	[smem:$0x3FB7] =	sst s0  }
0x18: {  	s0 =	sld [smem:$0x3F9A];
	_ =	swait.ge [sflag:s4], $0x0  }
0x19: {  	s7 =	sld [smem:$0x3F9B]  }
0x1a: {  	s8 =	sadd.s32 $0xFFFFE003, lr  }
0x1b: {  	s9 =	sadd.s32 $0xFFFFFEF7, lr;
	s5 =	simm.s32 $0xFFFFFFFF;
	p2 =	slt.u32 s8, $0xFFFFF086  }
0x1c: {  	p1 =	slt.u32 s9, $0xF7A;
	s5 =	simm.s32 @!p2 $0x0  }
0x1d: {  	s5 =	simm.s32 @p1 $0x1;
	p0 =	seq.s32 s7, s2  }
0x1e: {  	s7 =	smul.u32 @!p0 $0xF7A, s2;
	p2 =	seq.s32 @!p0 s5, $0x0  }
0x1f: {  	s9 =	smul.u32 $0xF7A, s1;
	s8 =	simm.s32 @!p0 $0x1BF5;
	p2 =	por !p2, p0  }
0x20: {  	[sflag:s8] =	ssyncset.s32 @!p0 $0xFFFFF086;
	s6 =	sadd.s32 @!p0 s3, s7;
	s7 =	simm.s32 @!p0 $0x108  }
0x21: {  	s3 =	sadd.s32 s3, s9;
	s6 =	sadd.s32 @!p0 $0x88, s6;
	s7 =	simm.s32 @p2 $0x1082  }
0x22: {  	[simem:s7], [sflag:s8] =	dma.local @!p0 [hbm:s6], $0xF7A  }
0x23: {  	s9 =	sor.u32 $0xD0000000, s2;
	s6 =	simm.s32 $0x108;
	_ =	swait.ge @!p0 [sflag:s8], $0x0  }
0x24: {  	s3 =	sadd.s32 $0x88, s3;
	s6 =	simm.s32 @!p1 $0x1082;
	[sflag:s4] =	ssyncset.s32 $0xFFFFF086  }
0x25: {  	[simem:s6], [sflag:s4] =	dma.local [hbm:s3], $0xF7A  }
0x26: {  	[smem:$0x3F9B] =	sst s1;
	(tag) =	ssettag s2;
	_ =	strace s9  }
0x27: {  	s1 =	sld [smem:$0x3FAB]  }
0x28: {  	s2 =	sld [smem:$0x3FAC]  }
0x29: {  	s4 =	sld [smem:$0x3FAE]  }
0x2a: {  	p0 =	seq.s32 s5, $0x0;
	s5 =	sld [smem:$0x3FAF]  }
0x2b: {  	s6 =	sld [smem:$0x3FB0]  }
0x2c: {  	s7 =	sld [smem:$0x3FB1]  }
0x2d: {  	s3 =	simm.s32 $0x108;
	s8 =	sld [smem:$0x3FB2]  }
0x2e: {  	s3 =	simm.s32 @!p0 $0x1082;
	s9 =	sld [smem:$0x3FB3]  }
0x2f: {  	lr =	sadd.s32 s0, s3;
	s0 =	sld [smem:$0x3FAA]  }
0x30: {  	s3 =	sld [smem:$0x3FAD]  }
0x31: {  	[smem:$0x3FB6] =	sst s10  }
0x32: {  	s10 =	sld [smem:$0x3FB4];
	_ =	sdelay $0x3  }
0x33: {  	p0 =	seq.s32 s10, $0x1;
	s10 =	sld [smem:$0x3FB6];
	_ =	sdelay $0x3  }
0x34: {  	[smem:$0x3FB6] =	sst s10  }
0x35: {  	s10 =	sld [smem:$0x3FB5];
	_ =	sdelay $0x3  }
0x36: {  	p1 =	seq.s32 s10, $0x1;
	s10 =	sld [smem:$0x3FB6];
	_ =	sdelay $0x3  }
0x37: {  	[smem:$0x3FB6] =	sst s10  }
0x38: {  	s10 =	sld [smem:$0x3FB7]  }
0x39: {  	_ = 	snop;
	(pc) =	sbr.ind lr, $3  }
0x3a: {  	_ = 	snop  }
0x3b: {  	_ = 	snop  }
0x3c: {  	p2 =	seq.s32 s10, $0x1;
	s10 =	sld [smem:$0x3FB6]  }
0x3d: {  	_ =	shalt  }
0x3e: {  	_ =	shalt  }
0x3f: {  	_ =	shalt  }
0x40: {  	_ =	shalt  }
0x41: {  	_ =	shalt  }
0x42: {  	_ =	shalt  }
0x43: {  	_ =	shalt  }
0x44: {  	_ =	shalt  }
0x45: {  	_ =	shalt  }
0x46: {  	_ =	shalt  }
0x47: {  	_ =	shalt  }
0x48: {  	_ =	shalt  }
0x49: {  	_ =	shalt  }
0x4a: {  	_ =	shalt  }
0x4b: {  	_ =	shalt  }
0x4c: {  	_ =	shalt  }
0x4d: {  	_ =	shalt  }
0x4e: {  	_ =	shalt  }
0x4f: {  	_ =	shalt  }
0x50: {  	_ =	shalt  }
0x51: {  	_ =	shalt  }
0x52: {  	_ =	shalt  }
0x53: {  	_ =	shalt  }
0x54: {  	_ =	shalt  }
0x55: {  	_ =	shalt  }
0x56: {  	_ =	shalt  }
0x57: {  	_ =	shalt  }
0x58: {  	_ =	shalt  }
0x59: {  	_ =	shalt  }
0x5a: {  	_ =	shalt  }
0x5b: {  	_ =	shalt  }
0x5c: {  	_ =	shalt  }
0x5d: {  	_ =	shalt  }
0x5e: {  	_ =	shalt  }
0x5f: {  	_ =	shalt  }
0x60: {  	_ =	shalt  }
0x61: {  	_ =	shalt  }
0x62: {  	_ =	shalt  }
0x63: {  	_ =	shalt  }
0x64: {  	_ =	shalt  }
0x65: {  	_ =	shalt  }
0x66: {  	_ =	shalt  }
0x67: {  	_ =	shalt  }
0x68: {  	_ =	shalt  }
0x69: {  	_ =	shalt  }
0x6a: {  	_ =	shalt  }
0x6b: {  	_ =	shalt  }
0x6c: {  	_ =	shalt  }
0x6d: {  	_ =	shalt  }
0x6e: {  	_ =	shalt  }
0x6f: {  	_ =	shalt  }
0x70: {  	_ =	shalt  }
0x71: {  	_ =	shalt  }
0x72: {  	_ =	shalt  }
0x73: {  	_ =	shalt  }
0x74: {  	_ =	shalt  }
0x75: {  	_ =	shalt  }
0x76: {  	_ =	shalt  }
0x77: {  	_ =	shalt  }
0x78: {  	_ =	shalt  }
0x79: {  	_ =	shalt  }
0x7a: {  	_ =	shalt  }
0x7b: {  	_ =	shalt  }
0x7c: {  	_ =	shalt  }
0x7d: {  	_ =	shalt  }
0x7e: {  	_ =	shalt  }
0x7f: {  	_ =	shalt  }
0x80: {  	_ =	shalt  }
0x81: {  	_ =	shalt  }
0x82: {  	_ =	shalt  }
0x83: {  	_ =	shalt  }
0x84: {  	_ =	shalt  }
0x85: {  	_ =	shalt  }
0x86: {  	_ =	shalt  }
0x87: {  	_ =	shalt  }
.Lfunc_end0:
.L_simem_size_0:
called_computation_lowered:
.L_overlay_start_0:
0x88: {  	s2 =	sld [smem:$0x3FD9]  }
0x89: {  	s3 =	sld [smem:$0x3FFE];
	_ =	sdelay $0x1  }
0x8a: {  	s1 =	srdreg.scid  }
0x8b: {  	s0 =	sand.u32 $0x1, s1  }
0x8c: {  	s17 =	sshll.u32 s0, $0xA;
	s2 =	sadd.s32 s3, s2  }
0x8d: {  	s2 =	sadd.s32 s2, s17  }
0x8e: {  	[smem:$0x3FC2] =	sst s2  }
0x8f: {  	_ = 	snop  }
0x90: {  	s2 =	sld [smem:$0x3FC8]  }
0x91: {  	s18 =	sld [smem:$0x3FD0];
	(tm) =	ssettm $0x1  }
0x92: {  	s4 =	sld [smem:$0x3FFB];
	_ =	sdelay $0x3  }
0x93: {  	_ =	strace s4  }
0x94: {  	s4 =	sld [smem:$0x3FFC];
	_ =	sdelay $0x3  }
0x95: {  	_ =	strace s4  }
0x96: {  	s4 =	sld [smem:$0x3FFD];
	_ =	sdelay $0x3  }
0x97: {  	_ =	strace s4  }
0x98: {  	_ =	strace $0x8FFFFFFF  }
0x99: {  	s19 =	sld [smem:$0x3FDB];
	_ =	sdelay $0x1  }
0x9a: {  	s5 =	simm.s32 $_scs_section_size  }
0x9b: {  	s6 =	simm.s32 $_size__tile_overlayer_lowered;
	s7 =	simm.s32 $_tile_overlayer_lowered  }
0x9c: {  	s22 =	simm.s32 $0x1BFF;
	s21 =	sshll.u32 s7, $0x1;
	s4 =	sadd.s32 s5, s19  }
0x9d: {  	s8 =	simm.s32 $0x0;
	s20 =	sshll.u32 s6, $0x1;
	s6 =	sadd.s32 s21, s4  }
0x9e: {  	[timem:s8], [sflag:s22] =	dma.local [hbm:s6], s20  }
0x9f: {  	_ =	swait.ge [sflag:s22], s20  }
0xa0: {  	s5 =	ssub.s32 $0x0, s20;
	[sflag:s22] =	ssyncset.done $0x0  }
0xa1: {  	[sflag:s22] =	ssyncadd.s32 s5;
	_ =	sdelay $0x1  }
0xa2: {  	s23 =	simm.s32 $0x1B8B  }
0xa3: {  	_ =	swait.ge [sflag:s23], $0x1  }
0xa4: {  	[sflag:s23] =	ssyncset.done $0x0  }
0xa5: {  	s25 =	simm.s32 $0x1B8E;
	s24 =	sld [smem:$0x3FFE];
	[sflag:s23] =	ssyncadd.s32 $0xFFFFFFFF  }
0xa6: {  	s26 =	simm.s32 $execute0_lowered;
	[smem:$0x3FD2] =	sst s25  }
0xa7: {  	s6 =	sshll.u32 s26, $0x1;
	_ =	strace $0x80000046;
	[dreg:$0x1] =	wrdreg $0xFFFFFFFF  }
0xa8: {  	s28 =	simm.s32 $_size_execute0_lowered;
	s4 =	sadd.s32 s4, s6;
	[dreg:$0x0] =	wrdreg $0x0  }
0xa9: {  	s6 =	sshll.u32 s28, $0x1;
	[dreg:$0x2] =	wrdreg s4  }
0xaa: {  	[dreg:$0x3] =	wrdreg s6  }
0xab: {  	[dreg:$0x4] =	wrdreg $0xC0  }
0xac: {  	_ =	task [dreg:s8], $0x5FFFF  }
0xad: {  	[dreg:$0x1] =	wrdreg $0xFFFFFFFF  }
0xae: {  	[dreg:$0x0] =	wrdreg $0x60  }
0xaf: {  	[dreg:$0x2] =	wrdreg s2  }
0xb0: {  	[dreg:$0x3] =	wrdreg s24  }
0xb1: {  	[dreg:$0x4] =	wrdreg s18  }
0xb2: {  	[dreg:$0x5] =	wrdreg $0xA1000  }
0xb3: {  	[dreg:$0x6] =	wrdreg $0x9  }
0xb4: {  	_ =	task.clear_ibuf [dreg:s8], $0x7FFFF;
	_ =	strace $0x90000046  }
0xb5: {  	s29 =	simm.s32 $0x9;
	_ =	strace $0x80000048  }
0xb6: {  	_ =	swait.ge [sflag:s29], $0x1  }
0xb7: {  	[sflag:s29] =	ssyncadd.s32 $0xFFFFFFFF  }
0xb8: {  	_ =	strace $0x90000048  }
0xb9: {  	_ =	sfence  }
0xba: {  	s30 =	sld [smem:$0x0];
	_ =	sdelay $0x2  }
0xbb: {  	s31 =	sshll.u32 s1, $0xD;
	s1 =	sshrl.u32 s1, $0x2  }
0xbc: {  	s3 =	sand.u32 $0x4000, s31;
	s1 =	sadd.s32 s1, s30  }
0xbd: {  	s0 =	sor.u32 s3, s0;
	s1 =	sshll.u32 s1, $0x11  }
0xbe: {  	s0 =	sor.u32 s1, s0  }
0xbf: {  	s0 =	sadd.s32 $0x8F2B, s0  }
0xc0: {  	[sflag:s0] =	ssyncadd.remote.s32 $0x1  }
0xc1: {  	_ =	sfence.sel $0xFFFF  }
0xc2: {  	[dreg:$0x0] =	wrdreg $0xFFFFFFFF;
	(pc) =	sbr.abs _section_cstart, $3  }
0xc3: {  	[dreg:$0x1] =	wrdreg $0xFFFFFFFF  }
0xc4: {  	_ =	task.clear_ibuf [dreg:s8], $0x2FFFF;
	_ =	strace $0x9FFFFFFF  }
0xc5: {  	(tm) =	ssettm $0x7FFFFFFF  }
tec
execute0_lowered:
.L_overlay_start_1:
0x0: {  	(tag) =	ssettag $0x1  }
0x1: {  	s8 =	rddreg [dreg:$0x0]  }
0x2: {  	s10 =	rddreg [dreg:$0x1]  }
0x3: {  	s0 =	srdreg.scid;
	s11 =	rddreg [dreg:$0x2]  }
0x4: {  	s1 =	rddreg [dreg:$0x3];
	s13 =	stileid.u32  }
0x5: {  	s2 =	simm.s32 $0x0;
	s5 =	sand.u32 $0x1, s0;
	s0 =	rddreg [dreg:$0x4]  }
0x6: {  	s17 =	simm.s32 $0x0;
	[smem:$0x7FF] =	sst s2;
	s3 =	sadd.s32 $0x2C00, s10  }
0x7: {  	s4 =	sadd.s32 $0x2600, s10;
	p0 =	sne.s32 s13, $0x0;
	s12 =	sshll.u32 s5, $0x4  }
0x8: {  	_ =	strace $0x80000047;
	s9 =	ssub.s32 $0x2, s5;
	s14 =	sor.u32 s13, s12  }
0x9: {  	s31 =	sshrl.u32 s9, $0x1;
	s11 =	sadd.s32 s11, s12;
	s6 =	smul.u32 $0x500, s14  }
0xa: {  	s13 =	simm.s32 $0x7880;
	s7 =	smul.u32 $0xA00, s14;
	s16 =	ssub.s32 s9, s31  }
0xb: {  	p1 =	seq.s32 s14, $0x1F;
	s14 =	simm.s32 $0x1;
	s12 =	smax.u32 s16, $0x1  }
0xc: {  	s16 =	simm.s32 $0x7800;
	s15 =	sadd.s32 s6, s10;
	s5 =	sadd.s32 s8, s7  }
0xd: {  	s7 =	sadd.s32 $0x13600, s8;
	s8 =	sadd.s32 $0x13610, s8;
	s10 =	sadd.s32 $0xC900, s10  }
0xe: {  	s6 =	sadd.s32 $0x10, s5;
	s9 =	sadd.s32 $0x2E00, s15;
	s15 =	simm.s32 $0x80  }
.LBB2_1:
0xf: {  	s18 =	simm.s32 @!p0 $0x0;
	s19 =	simm.s32 @!p0 $0x7900  }
0x10: {  	[tilespmem:s19], [sflag:$0x1] =	stream.linear.gather @!p0 [hbm4b:s4+s18], $0x2800, $0x38;
	[tilespmem:$0xA380] =	vst v63  }
0x11: {  	s18 =	simm.s32 @!p0 $0x1  }
0x12: {  	_ =	swait.ge @!p0 [sflag:s18], $0x2800  }
0x13: {  	[sflag:s18] =	ssyncset.done @!p0 $0x0  }
0x14: {  	[sflag:s18] =	ssyncadd.s32 @!p0 $0xFFFFD800  }
0x15: {  	[spmem:s1] =	stream.linear.scatter @!p0 [tilespmem:s19], [sflag:$0x1], $0x2800, $0x38;
	[tilespmem:$0xA380] =	vst v63  }
0x16: {  	_ =	swait.ge @!p0 [sflag:s18], $0x2800  }
0x17: {  	s22 =	simm.s32 @p1 $0x80;
	s23 =	simm.s32 @p1 $0x100;
	[sflag:s18] =	ssyncset.done @!p0 $0x0  }
0x18: {  	s21 =	simm.s32 @p1 $0x0;
	s20 =	simm.s32 @p1 $0x1;
	[sflag:s18] =	ssyncadd.s32 @!p0 $0xFFFFD800  }
0x19: {  	[tilespmem:s21], [sflag:$0x1] =	stream.strided.gather @p1 [hbm4b:s7+s22], $0xA00, s23, s22, $0x38;
	[tilespmem:$0xA380] =	vst v63  }
0x1a: {  	_ =	swait.ge @p1 [sflag:s20], $0xA00  }
0x1b: {  	[sflag:s20] =	ssyncset.done @p1 $0x0  }
0x1c: {  	s24 =	simm.s32 @p1 $0x2800;
	[sflag:s20] =	ssyncadd.s32 @p1 $0xFFFFF600  }
0x1d: {  	[tilespmem:s24], [sflag:$0x1] =	stream.strided.gather @p1 [hbm4b:s8+s22], $0xA00, s23, s22, $0x38;
	[tilespmem:$0xA380] =	vst v63  }
0x1e: {  	_ =	swait.ge @p1 [sflag:s20], $0xA00  }
0x1f: {  	s25 =	simm.s32 @!p1 $0x100;
	s24 =	simm.s32 @!p1 $0x80;
	[sflag:s20] =	ssyncset.done @p1 $0x0  }
0x20: {  	s23 =	simm.s32 @!p1 $0x0;
	s22 =	simm.s32 @!p1 $0x1;
	[sflag:s20] =	ssyncadd.s32 @p1 $0xFFFFF600  }
0x21: {  	[tilespmem:s23], [sflag:$0x1] =	stream.strided.gather @!p1 [hbm4b:s5+s24], $0x2800, s25, s24, $0x38;
	[tilespmem:$0xA380] =	vst v63  }
0x22: {  	_ =	swait.ge @!p1 [sflag:s22], $0x2800  }
0x23: {  	[sflag:s22] =	ssyncset.done @!p1 $0x0  }
0x24: {  	s26 =	simm.s32 @!p1 $0x2800;
	[sflag:s22] =	ssyncadd.s32 @!p1 $0xFFFFD800  }
0x25: {  	[tilespmem:s26], [sflag:$0x1] =	stream.strided.gather @!p1 [hbm4b:s6+s24], $0x2800, s25, s24, $0x38;
	[tilespmem:$0xA380] =	vst v63  }
0x26: {  	_ =	swait.ge @!p1 [sflag:s22], $0x2800  }
0x27: {  	[sflag:s22] =	ssyncset.done @!p1 $0x0  }
0x28: {  	[sflag:s22] =	ssyncadd.s32 @!p1 $0xFFFFD800  }
0x29: {  	[tilespmem:s13], [sflag:$0x1] =	stream.linear.gather [hbm4b:s3+s2], $0x80, $0x38;
	[tilespmem:$0xA380] =	vst v63  }
0x2a: {  	_ =	swait.ge [sflag:s14], $0x80  }
0x2b: {  	[sflag:s14] =	ssyncset.done $0x0  }
0x2c: {  	[sflag:s14] =	ssyncadd.s32 $0xFFFFFF80  }
0x2d: {  	s24 =	simm.s32 $0x2840;
	[bflag:$0x0] =	sbarrier.arrive $0xFFFF  }
0x2e: {  	v0 =	vld [tilespmem:s24+$0xFFFFFFC0];
	_ =	sdelay $0x4  }
0x2f: {  	s25 =	simm.s32 $0x40;
	[tilespmem:$0x7800] =	vst v0  }
0x30: {  	v1 =	vld [tilespmem:s25+$0xFFFFFFC0];
	_ =	sdelay $0x3  }
0x31: {  	v0 =	vshll.u32 v0, $0xE  }
0x32: {  	s31 =	simm.s32 $0x5040;
	v0 =	vor.u32 v0, v1  }
0x33: {  	[tilespmem:s31+$0xFFFFFFC0] =	vst v0  }
0x34: {  	v0 =	vld [tilespmem:s24+$0xFFFFFFD0];
	_ =	sdelay $0x4  }
0x35: {  	[tilespmem:$0x7810] =	vst v0  }
0x36: {  	v57 =	vld [tilespmem:s25+$0xFFFFFFD0];
	_ =	sdelay $0x3  }
0x37: {  	v0 =	vshll.u32 v0, $0xE  }
0x38: {  	v0 =	vor.u32 v0, v57  }
0x39: {  	[tilespmem:s31+$0xFFFFFFD0] =	vst v0  }
0x3a: {  	v0 =	vld [tilespmem:s24+$0xFFFFFFE0];
	_ =	sdelay $0x4  }
0x3b: {  	[tilespmem:$0x7820] =	vst v0  }
0x3c: {  	v58 =	vld [tilespmem:s25+$0xFFFFFFE0];
	_ =	sdelay $0x3  }
0x3d: {  	v0 =	vshll.u32 v0, $0xE  }
0x3e: {  	v0 =	vor.u32 v0, v58  }
0x3f: {  	[tilespmem:s31+$0xFFFFFFE0] =	vst v0  }
0x40: {  	v0 =	vld [tilespmem:s24+$0xFFFFFFF0];
	_ =	sdelay $0x4  }
0x41: {  	[tilespmem:$0x7830] =	vst v0  }
0x42: {  	v59 =	vld [tilespmem:s25+$0xFFFFFFF0];
	_ =	sdelay $0x3  }
0x43: {  	v0 =	vshll.u32 v0, $0xE  }
0x44: {  	v0 =	vor.u32 v0, v59  }
0x45: {  	[tilespmem:s31+$0xFFFFFFF0] =	vst v0  }
0x46: {  	v0 =	vld [tilespmem:s24+$0x0];
	_ =	sdelay $0x4  }
0x47: {  	[tilespmem:$0x7840] =	vst v0  }
0x48: {  	v60 =	vld [tilespmem:s25+$0x0];
	_ =	sdelay $0x3  }
0x49: {  	v0 =	vshll.u32 v0, $0xE  }
0x4a: {  	v0 =	vor.u32 v0, v60  }
0x4b: {  	[tilespmem:s31+$0x0] =	vst v0  }
0x4c: {  	v0 =	vld [tilespmem:s24+$0x10];
	_ =	sdelay $0x4  }
0x4d: {  	[tilespmem:$0x7850] =	vst v0  }
0x4e: {  	v61 =	vld [tilespmem:s25+$0x10];
	_ =	sdelay $0x3  }
0x4f: {  	v0 =	vshll.u32 v0, $0xE  }
0x50: {  	v0 =	vor.u32 v0, v61  }
0x51: {  	[tilespmem:s31+$0x10] =	vst v0  }
0x52: {  	v0 =	vld [tilespmem:s24+$0x20];
	_ =	sdelay $0x4  }
0x53: {  	[tilespmem:$0x7860] =	vst v0  }
0x54: {  	v62 =	vld [tilespmem:s25+$0x20];
	_ =	sdelay $0x3  }
0x55: {  	v0 =	vshll.u32 v0, $0xE  }
0x56: {  	v0 =	vor.u32 v0, v62  }
0x57: {  	[tilespmem:s31+$0x20] =	vst v0  }
0x58: {  	v0 =	vld [tilespmem:s24+$0x30];
	_ =	sdelay $0x4  }
0x59: {  	[tilespmem:$0x7870] =	vst v0  }
0x5a: {  	v63 =	vld [tilespmem:s25+$0x30];
	_ =	sdelay $0x1  }
0x5b: {  	s28 =	simm.s32 @!p1 $0x50  }
0x5c: {  	s28 =	simm.s32 @p1 $0x14  }
0x5d: {  	p2 =	sne.s32 s28, $0x1;
	v0 =	vshll.u32 v0, $0xE  }
.Ltmp0:
0x5e: {  	v0 =	vor.u32 v0, v63;
	(pc) =	sbr.rel @!p2 .LBB2_3-.Ltmp0, $4  }
0x5f: {  	[tilespmem:s31+$0x30] =	vst v0  }
0x60: {  	[spmem:s1] =	stream.indirect.scatter.add.f32 [tilespmem:s13], [sflag:$0x1], $0x1, s16, s15, $0xb8;
	[tilespmem:$0xA380] =	vst v63  }
0x61: {  	_ =	swait.ge [sflag:s14], $0x80  }
0x62: {  	s26 =	sadd.s32 $0xFFFFFFFF, s28;
	s28 =	simm.s32 $0x50C0;
	[sflag:s14] =	ssyncset.done $0x0  }
.LBB2_2:
0x63: {  	[sflag:s14] =	ssyncadd.s32 $0xFFFFFF80;
	s24 =	sadd.s32 $0x80, s24;
	s25 =	sadd.s32 $0x80, s25  }
0x64: {  	p2 =	sne.s32 s26, $0x1;
	s26 =	sadd.s32 $0xFFFFFFFF, s26;
	v0 =	vld [tilespmem:s24+$0xFFFFFFC0];
	_ =	sdelay $0x4  }
0x65: {  	[tilespmem:$0x7800] =	vst v0  }
0x66: {  	v1 =	vld [tilespmem:s25+$0xFFFFFFC0];
	_ =	sdelay $0x3  }
0x67: {  	v0 =	vshll.u32 v0, $0xE  }
0x68: {  	v0 =	vor.u32 v0, v1  }
0x69: {  	[tilespmem:s28+$0xFFFFFFC0] =	vst v0  }
0x6a: {  	v0 =	vld [tilespmem:s24+$0xFFFFFFD0];
	_ =	sdelay $0x4  }
0x6b: {  	[tilespmem:$0x7810] =	vst v0  }
0x6c: {  	v1 =	vld [tilespmem:s25+$0xFFFFFFD0];
	_ =	sdelay $0x3  }
0x6d: {  	v0 =	vshll.u32 v0, $0xE  }
0x6e: {  	v0 =	vor.u32 v0, v1  }
0x6f: {  	[tilespmem:s28+$0xFFFFFFD0] =	vst v0  }
0x70: {  	v0 =	vld [tilespmem:s24+$0xFFFFFFE0];
	_ =	sdelay $0x4  }
0x71: {  	[tilespmem:$0x7820] =	vst v0  }
0x72: {  	v1 =	vld [tilespmem:s25+$0xFFFFFFE0];
	_ =	sdelay $0x3  }
0x73: {  	v0 =	vshll.u32 v0, $0xE  }
0x74: {  	v0 =	vor.u32 v0, v1  }
0x75: {  	[tilespmem:s28+$0xFFFFFFE0] =	vst v0  }
0x76: {  	v0 =	vld [tilespmem:s24+$0xFFFFFFF0];
	_ =	sdelay $0x4  }
0x77: {  	[tilespmem:$0x7830] =	vst v0  }
0x78: {  	v1 =	vld [tilespmem:s25+$0xFFFFFFF0];
	_ =	sdelay $0x3  }
0x79: {  	v0 =	vshll.u32 v0, $0xE  }
0x7a: {  	v0 =	vor.u32 v0, v1  }
0x7b: {  	[tilespmem:s28+$0xFFFFFFF0] =	vst v0  }
0x7c: {  	v0 =	vld [tilespmem:s24+$0x0];
	_ =	sdelay $0x4  }
0x7d: {  	[tilespmem:$0x7840] =	vst v0  }
0x7e: {  	v1 =	vld [tilespmem:s25+$0x0];
	_ =	sdelay $0x3  }
0x7f: {  	v0 =	vshll.u32 v0, $0xE  }
0x80: {  	v0 =	vor.u32 v0, v1  }
0x81: {  	[tilespmem:s28+$0x0] =	vst v0  }
0x82: {  	v0 =	vld [tilespmem:s24+$0x10];
	_ =	sdelay $0x4  }
0x83: {  	[tilespmem:$0x7850] =	vst v0  }
0x84: {  	v1 =	vld [tilespmem:s25+$0x10];
	_ =	sdelay $0x3  }
0x85: {  	v0 =	vshll.u32 v0, $0xE  }
0x86: {  	v0 =	vor.u32 v0, v1  }
0x87: {  	[tilespmem:s28+$0x10] =	vst v0  }
0x88: {  	v0 =	vld [tilespmem:s24+$0x20];
	_ =	sdelay $0x4  }
0x89: {  	[tilespmem:$0x7860] =	vst v0  }
0x8a: {  	v1 =	vld [tilespmem:s25+$0x20];
	_ =	sdelay $0x3  }
0x8b: {  	v0 =	vshll.u32 v0, $0xE  }
0x8c: {  	v0 =	vor.u32 v0, v1  }
0x8d: {  	[tilespmem:s28+$0x20] =	vst v0  }
0x8e: {  	v0 =	vld [tilespmem:s24+$0x30];
	_ =	sdelay $0x4  }
0x8f: {  	[tilespmem:$0x7870] =	vst v0  }
0x90: {  	v1 =	vld [tilespmem:s25+$0x30];
	_ =	sdelay $0x3  }
0x91: {  	v0 =	vshll.u32 v0, $0xE  }
.Ltmp1:
0x92: {  	v0 =	vor.u32 v0, v1;
	(pc) =	sbr.rel @p2 .LBB2_2-.Ltmp1, $4  }
0x93: {  	[tilespmem:s28+$0x30] =	vst v0  }
0x94: {  	[spmem:s1] =	stream.indirect.scatter.add.f32 [tilespmem:s13], [sflag:$0x1], $0x1, s16, s15, $0xb8;
	[tilespmem:$0xA380] =	vst v63  }
0x95: {  	_ =	swait.ge [sflag:s14], $0x80  }
0x96: {  	s28 =	sadd.s32 $0x80, s28;
	[sflag:s14] =	ssyncset.done $0x0  }
.LBB2_3:
0x97: {  	[sflag:s14] =	ssyncadd.s32 $0xFFFFFF80;
	s24 =	simm.s32 @p1 $0x5000  }
0x98: {  	[hbm4b:s10+s21] =	stream.linear.scatter @p1 [tilespmem:s24], [sflag:$0x1], $0xA00, $0x38;
	[tilespmem:$0xA380] =	vst v63  }
0x99: {  	_ =	swait.ge @p1 [sflag:s20], $0xA00  }
0x9a: {  	[sflag:s20] =	ssyncset.done @p1 $0x0  }
0x9b: {  	[sflag:s20] =	ssyncadd.s32 @p1 $0xFFFFF600;
	s20 =	simm.s32 @!p1 $0x5000  }
0x9c: {  	[hbm4b:s9+s23] =	stream.linear.scatter @!p1 [tilespmem:s20], [sflag:$0x1], $0x2800, $0x38;
	[tilespmem:$0xA380] =	vst v63  }
0x9d: {  	_ =	swait.ge @!p1 [sflag:s22], $0x2800  }
0x9e: {  	[sflag:s22] =	ssyncset.done @!p1 $0x0  }
0x9f: {  	[sflag:s22] =	ssyncadd.s32 @!p1 $0xFFFFD800  }
0xa0: {  	[bflag:$0x0] =	sbarrier.arrive $0xFFFF  }
0xa1: {  	[tilespmem:s19], [sflag:$0x1] =	stream.linear.gather @!p0 [spmem:s1], $0x2800, $0x38;
	[tilespmem:$0xA380] =	vst v63  }
0xa2: {  	s17 =	sadd.s32 $0x1, s17;
	_ =	swait.ge @!p0 [sflag:s18], $0x2800  }
0xa3: {  	s21 =	simm.s32 @!p0 $0x100;
	p2 =	sne.s32 s17, s12;
	[sflag:s18] =	ssyncset.done @!p0 $0x0  }
.Ltmp2:
0xa4: {  	s20 =	simm.s32 @!p0 $0x80;
	[sflag:s18] =	ssyncadd.s32 @!p0 $0xFFFFD800;
	(pc) =	sbr.rel @p2 .LBB2_1-.Ltmp2, $4  }
0xa5: {  	[hbm4b:s11+s20] =	stream.strided.scatter @!p0 [tilespmem:s19], [sflag:$0x1], $0x2800, s21, s20, $0x38;
	[tilespmem:$0xA380] =	vst v63  }
0xa6: {  	_ =	swait.ge @!p0 [sflag:s18], $0x2800  }
0xa7: {  	[sflag:s18] =	ssyncset.done @!p0 $0x0  }
0xa8: {  	[sflag:s18] =	ssyncadd.s32 @!p0 $0xFFFFD800  }
0xa9: {  	_ =	sfence.sel $0x180000  }
0xaa: {  	[bflag:$0x0] =	sbarrier.arrive $0xFFFF  }
0xab: {  	_ =	strace $0x90000047  }
0xac: {  	s0 =	sadd.s32 @!p0 $0x100000, s0;
	[bflag:$0x2] =	sbarrier.arrive $0xFFFF  }
0xad: {  	[sflag:s0] =	ssyncadd.tile.s32 @!p0 $0x1;
	_ =	shalt  }
.Lfunc_end2:
_tile_overlayer_lowered:
.L_overlay_start_2:
0xae: {  	(tag) =	ssettag $0x2  }
0xaf: {  	s0 =	rddreg [dreg:$0x0];
	s2 =	stileid.u32  }
0xb0: {  	s1 =	rddreg [dreg:$0x1];
	p0 =	sne.s32 s2, $0x0  }
0xb1: {  	s3 =	rddreg [dreg:$0x2];
	[bflag:$0x3] =	sbarrier.arrive $0xFFFF;
	s2 =	simm.s32 @!p0 $0x1C01  }
0xb2: {  	[timem:s3], [sflag:s2] =	dma.local @!p0 [hbm:s0], s1  }
0xb3: {  	s0 =	simm.s32 @!p0 $0x1  }
0xb4: {  	_ =	swait.ge @!p0 [sflag:s0], s1  }
0xb5: {  	s1 =	ssub.s32 @!p0 $0x0, s1;
	[sflag:s0] =	ssyncset.done @!p0 $0x0  }
0xb6: {  	[sflag:s0] =	ssyncadd.s32 @!p0 s1  }
0xb7: {  	[bflag:$0x3] =	sbarrier.arrive $0xFFFF  }
0xb8: {  	_ =	shalt  }

</sc_bundles>
